<compile_context>
chip_gen: v7x
topology: tpu7x:2x2x1
jax: 0.10.2.dev20260603
libtpu: 0.0.44.dev20260713+nightly
codegen_flags: <defaults>
</compile_context>

<pallas_src>
import functools

import jax
import jax.numpy as jnp
from jax import lax
from jax.experimental import pallas as pl
from jax.experimental.pallas import tpu as pltpu
from jax.experimental.pallas import tpu_sc as plsc

_NC = 2
_NS = 16
_NW = _NC * _NS
_L = 16

_CH = 80
_CB = 2000



def _sc_degree(dst, ew, n):
    e = dst.shape[0]
    epw = e // _NW
    ncb = epw // _CB
    mesh = plsc.VectorSubcoreMesh(core_axis_name="c", subcore_axis_name="s", num_cores=_NC, num_subcores=_NS)

    @functools.partial(
        pl.kernel,
        out_type=jax.ShapeDtypeStruct((_NW, n), jnp.float32),
        mesh=mesh,
        compiler_params=pltpu.CompilerParams(needs_layout_passes=False),
        scratch_types=[
            pltpu.VMEM((_CB,), jnp.int32),
            pltpu.VMEM((_CB,), jnp.float32),
            pltpu.VMEM((n,), jnp.float32),
        ],
    )
    def deg_kernel(dst_hbm, ew_hbm, out_hbm, dbuf, wbuf, acc):
        wid = lax.axis_index("s") * _NC + lax.axis_index("c")
        zero16 = jnp.zeros((_L,), jnp.float32)

        @functools.partial(plsc.parallel_loop, 0, n // _L)
        def _zero(i):
            acc[pl.ds(i * _L, _L)] = zero16

        def chunk(c, carry):
            base = wid * epw + c * _CB
            pltpu.sync_copy(dst_hbm.at[pl.ds(base, _CB)], dbuf)
            pltpu.sync_copy(ew_hbm.at[pl.ds(base, _CB)], wbuf)

            def group(g, carry2):
                d16 = dbuf[pl.ds(g * _L, _L)]
                w16 = wbuf[pl.ds(g * _L, _L)]
                plsc.addupdate_scatter(acc, [d16], w16)
                return carry2

            return lax.fori_loop(0, _CB // _L, group, carry)

        lax.fori_loop(0, ncb, chunk, 0)
        pltpu.sync_copy(acc, out_hbm.at[wid])

    return deg_kernel(dst, ew)


def _sc_norm(src, dst, ew, dinv):
    e = src.shape[0]
    n = dinv.shape[0]
    epw = e // _NW
    ncb = epw // _CB
    mesh = plsc.VectorSubcoreMesh(core_axis_name="c", subcore_axis_name="s", num_cores=_NC, num_subcores=_NS)

    @functools.partial(
        pl.kernel,
        out_type=jax.ShapeDtypeStruct((e,), jnp.float32),
        mesh=mesh,
        compiler_params=pltpu.CompilerParams(needs_layout_passes=False),
        scratch_types=[
            pltpu.VMEM((n,), jnp.float32),
            pltpu.VMEM((_CB,), jnp.int32),
            pltpu.VMEM((_CB,), jnp.int32),
            pltpu.VMEM((_CB,), jnp.float32),
            pltpu.VMEM((_CB,), jnp.float32),
        ],
    )
    def norm_kernel(src_hbm, dst_hbm, ew_hbm, dinv_hbm, out_hbm,
                    dinv_v, sbuf, dbuf, wbuf, obuf):
        wid = lax.axis_index("s") * _NC + lax.axis_index("c")
        pltpu.sync_copy(dinv_hbm, dinv_v)

        def chunk(c, carry):
            base = wid * epw + c * _CB
            pltpu.sync_copy(src_hbm.at[pl.ds(base, _CB)], sbuf)
            pltpu.sync_copy(dst_hbm.at[pl.ds(base, _CB)], dbuf)
            pltpu.sync_copy(ew_hbm.at[pl.ds(base, _CB)], wbuf)

            @functools.partial(plsc.parallel_loop, 0, _CB // _L)
            def _group(g):
                s16 = sbuf[pl.ds(g * _L, _L)]
                d16 = dbuf[pl.ds(g * _L, _L)]
                w16 = wbuf[pl.ds(g * _L, _L)]
                a = plsc.load_gather(dinv_v, [s16])
                b = plsc.load_gather(dinv_v, [d16])
                obuf[pl.ds(g * _L, _L)] = a * w16 * b

            pltpu.sync_copy(obuf, out_hbm.at[pl.ds(base, _CB)])
            return carry

        lax.fori_loop(0, ncb, chunk, 0)

    return norm_kernel(src, dst, ew, dinv)


def _sc_hop(h, src, dst, norm):
    n, f = h.shape
    e = src.shape[0]
    epw = e // _NW
    nch = epw // _CH
    zr = 200
    ncz = n // zr
    npt = -(-ncz // _NS)
    nsl = f // _L
    mesh = plsc.VectorSubcoreMesh(core_axis_name="c", subcore_axis_name="s", num_cores=_NC, num_subcores=_NS)

    @functools.partial(
        pl.kernel,
        out_type=jax.ShapeDtypeStruct((_NC, n, f), jnp.float32),
        mesh=mesh,
        compiler_params=pltpu.CompilerParams(needs_layout_passes=False),
        scratch_types=[
            pltpu.VMEM((_CH,), jnp.int32),
            pltpu.VMEM((_CH,), jnp.int32),
            pltpu.VMEM((_CH,), jnp.float32),
            pltpu.VMEM((_CH, f), jnp.float32),
            pltpu.VMEM((zr, f), jnp.float32),
            pltpu.VMEM_SHARED((n, f), jnp.float32),
            pltpu.SemaphoreType.DMA,
        ],
    )
    def hop_kernel(h_hbm, src_hbm, dst_hbm, norm_hbm, out_hbm,
                   sidx, didx, nbuf, rows, zbuf, acc, sem):
        cid = lax.axis_index("c")
        tid = lax.axis_index("s")
        wid = tid * _NC + cid
        zero16 = jnp.zeros((_L,), jnp.float32)

        @functools.partial(plsc.parallel_loop, 0, zr)
        def _zb(r):
            for k in range(nsl):
                zbuf[r, pl.ds(k * _L, _L)] = zero16

        for j in range(npt):
            ci = tid + j * _NS

            @pl.when(ci < ncz)
            def _():
                pltpu.sync_copy(zbuf, acc.at[pl.ds(ci * zr, zr)])
        plsc.subcore_barrier()

        def chunk(c, carry):
            base = wid * epw + c * _CH
            pltpu.sync_copy(src_hbm.at[pl.ds(base, _CH)], sidx)
            pltpu.sync_copy(dst_hbm.at[pl.ds(base, _CH)], didx)
            pltpu.sync_copy(norm_hbm.at[pl.ds(base, _CH)], nbuf)
            pltpu.async_copy(h_hbm.at[sidx], rows, sem).wait()

            @functools.partial(plsc.parallel_loop, 0, _CH)
            def _scale(i):
                nb = plsc.load_gather(nbuf, [jnp.full((_L,), i, jnp.int32)])
                for k in range(nsl):
                    rows[i, pl.ds(k * _L, _L)] = rows[i, pl.ds(k * _L, _L)] * nb

            pltpu.sync_copy(rows, acc.at[didx], add=True)
            return carry

        lax.fori_loop(0, nch, chunk, 0)
        plsc.subcore_barrier()
        for j in range(npt):
            ci = tid + j * _NS

            @pl.when(ci < ncz)
            def _():
                pltpu.sync_copy(acc.at[pl.ds(ci * zr, zr)],
                                out_hbm.at[cid, pl.ds(ci * zr, zr)])

    return hop_kernel(h, src, dst, norm)



_BN = 2000


def _tc_dinv(degp):
    nw, n = degp.shape

    def body(p_ref, o_ref):
        deg = jnp.sum(p_ref[...], axis=0)
        o_ref[...] = jnp.where(deg > 0, lax.rsqrt(deg), 0.0)

    return pl.pallas_call(
        body,
        out_shape=jax.ShapeDtypeStruct((n,), jnp.float32),
    )(degp)


def _tc_pairsum(p):
    _, n, f = p.shape
    grid = (n // _BN,)

    def body(p_ref, o_ref):
        o_ref[...] = p_ref[0] + p_ref[1]

    return pl.pallas_call(
        body,
        grid=grid,
        in_specs=[pl.BlockSpec((_NC, _BN, f), lambda i: (0, i, 0))],
        out_specs=pl.BlockSpec((_BN, f), lambda i: (i, 0)),
        out_shape=jax.ShapeDtypeStruct((n, f), jnp.float32),
    )(p)


def _tc_mm4(h0, h1, h2, p3, w, b):
    n, f = h0.shape
    hh = w.shape[1]
    grid = (n // _BN,)

    def body(h0_ref, h1_ref, h2_ref, p_ref, w_ref, b_ref, y_ref, s_ref, acc):
        i = pl.program_id(0)
        h3 = p_ref[0] + p_ref[1]
        z = jnp.dot(h0_ref[...], w_ref[0:f, :], preferred_element_type=jnp.float32)
        z += jnp.dot(h1_ref[...], w_ref[f:2 * f, :], preferred_element_type=jnp.float32)
        z += jnp.dot(h2_ref[...], w_ref[2 * f:3 * f, :], preferred_element_type=jnp.float32)
        z += jnp.dot(h3, w_ref[3 * f:4 * f, :], preferred_element_type=jnp.float32)
        y = jnp.maximum(z + b_ref[...], 0.0)
        y_ref[...] = y

        @pl.when(i == 0)
        def _():
            acc[...] = jnp.zeros_like(acc)

        acc[0:1, :] += jnp.sum(y, axis=0, keepdims=True)
        acc[1:2, :] += jnp.sum(y * y, axis=0, keepdims=True)
        s_ref[...] = acc[0:2, :]

    return pl.pallas_call(
        body,
        grid=grid,
        in_specs=[
            pl.BlockSpec((_BN, f), lambda i: (i, 0)),
            pl.BlockSpec((_BN, f), lambda i: (i, 0)),
            pl.BlockSpec((_BN, f), lambda i: (i, 0)),
            pl.BlockSpec((_NC, _BN, f), lambda i: (0, i, 0)),
            pl.BlockSpec((4 * f, hh), lambda i: (0, 0)),
            pl.BlockSpec((1, hh), lambda i: (0, 0)),
        ],
        out_specs=[
            pl.BlockSpec((_BN, hh), lambda i: (i, 0)),
            pl.BlockSpec((2, hh), lambda i: (0, 0)),
        ],
        out_shape=[
            jax.ShapeDtypeStruct((n, hh), jnp.float32),
            jax.ShapeDtypeStruct((2, hh), jnp.float32),
        ],
        scratch_shapes=[pltpu.VMEM((8, hh), jnp.float32)],
    )(h0, h1, h2, p3, w, b.reshape(1, hh))


def _tc_mm2(x1, x2, w, b):
    n, f = x1.shape
    hh = w.shape[1]
    grid = (n // _BN,)

    def body(x1_ref, x2_ref, w_ref, b_ref, y_ref, s_ref, acc):
        i = pl.program_id(0)
        z = jnp.dot(x1_ref[...], w_ref[0:f, :], preferred_element_type=jnp.float32)
        z += jnp.dot(x2_ref[...], w_ref[f:2 * f, :], preferred_element_type=jnp.float32)
        y = jnp.maximum(z + b_ref[...], 0.0)
        y_ref[...] = y

        @pl.when(i == 0)
        def _():
            acc[...] = jnp.zeros_like(acc)

        acc[0:1, :] += jnp.sum(y, axis=0, keepdims=True)
        acc[1:2, :] += jnp.sum(y * y, axis=0, keepdims=True)
        s_ref[...] = acc[0:2, :]

    return pl.pallas_call(
        body,
        grid=grid,
        in_specs=[
            pl.BlockSpec((_BN, f), lambda i: (i, 0)),
            pl.BlockSpec((_BN, f), lambda i: (i, 0)),
            pl.BlockSpec((2 * f, hh), lambda i: (0, 0)),
            pl.BlockSpec((1, hh), lambda i: (0, 0)),
        ],
        out_specs=[
            pl.BlockSpec((_BN, hh), lambda i: (i, 0)),
            pl.BlockSpec((2, hh), lambda i: (0, 0)),
        ],
        out_shape=[
            jax.ShapeDtypeStruct((n, hh), jnp.float32),
            jax.ShapeDtypeStruct((2, hh), jnp.float32),
        ],
        scratch_shapes=[pltpu.VMEM((8, hh), jnp.float32)],
    )(x1, x2, w, b.reshape(1, hh))


def _tc_bnorm(y, s, g, be):
    n, hh = y.shape
    grid = (n // _BN,)

    def body(y_ref, s_ref, g_ref, be_ref, o_ref):
        mu = s_ref[0:1, :] / n
        var = s_ref[1:2, :] / n - mu * mu
        inv = lax.rsqrt(var + 1e-5)
        o_ref[...] = (y_ref[...] - mu) * inv * g_ref[...] + be_ref[...]

    return pl.pallas_call(
        body,
        grid=grid,
        in_specs=[
            pl.BlockSpec((_BN, hh), lambda i: (i, 0)),
            pl.BlockSpec((2, hh), lambda i: (0, 0)),
            pl.BlockSpec((1, hh), lambda i: (0, 0)),
            pl.BlockSpec((1, hh), lambda i: (0, 0)),
        ],
        out_specs=pl.BlockSpec((_BN, hh), lambda i: (i, 0)),
        out_shape=jax.ShapeDtypeStruct((n, hh), jnp.float32),
    )(y, s, g.reshape(1, hh), be.reshape(1, hh))


def _tc_pool(ym, s, g, be, batch3d, nseg):
    n, hh = ym.shape
    grid = (n // _BN,)
    neg = float("-inf")

    def body(y_ref, s_ref, g_ref, be_ref, b_ref, o_ref, acc):
        i = pl.program_id(0)
        mu = s_ref[0:1, :] / n
        var = s_ref[1:2, :] / n - mu * mu
        inv = lax.rsqrt(var + 1e-5)
        u = (y_ref[...] - mu) * inv * g_ref[...] + be_ref[...]
        b = b_ref[0]

        @pl.when(i == 0)
        def _():
            acc[...] = jnp.full_like(acc, neg)

        for seg in range(nseg):
            m = jnp.max(jnp.where(b == seg, u, neg), axis=0)
            acc[seg:seg + 1, :] = jnp.maximum(acc[seg:seg + 1, :], m[None, :])
        o_ref[...] = acc[...]

    return pl.pallas_call(
        body,
        grid=grid,
        in_specs=[
            pl.BlockSpec((_BN, hh), lambda i: (i, 0)),
            pl.BlockSpec((2, hh), lambda i: (0, 0)),
            pl.BlockSpec((1, hh), lambda i: (0, 0)),
            pl.BlockSpec((1, hh), lambda i: (0, 0)),
            pl.BlockSpec((1, _BN, 1), lambda i: (i, 0, 0)),
        ],
        out_specs=pl.BlockSpec((nseg, hh), lambda i: (0, 0)),
        out_shape=jax.ShapeDtypeStruct((nseg, hh), jnp.float32),
        scratch_shapes=[pltpu.VMEM((nseg, hh), jnp.float32)],
    )(ym, s, g.reshape(1, hh), be.reshape(1, hh), batch3d)


def _tc_head(pooled, wf1, bf1, gf1, bef1, wf2, bf2, gf2, bef2, wf3, bf3):
    g, hh = pooled.shape
    h2 = wf2.shape[1]
    c = wf3.shape[1]

    def bn(t, gg, bb):
        mu = jnp.mean(t, axis=0, keepdims=True)
        var = jnp.mean((t - mu) * (t - mu), axis=0, keepdims=True)
        return (t - mu) * lax.rsqrt(var + 1e-5) * gg + bb

    def body(p_ref, w1_ref, b1_ref, g1_ref, e1_ref, w2_ref, b2_ref, g2_ref,
             e2_ref, w3_ref, b3_ref, o_ref):
        t = jnp.maximum(jnp.dot(p_ref[...], w1_ref[...],
                                preferred_element_type=jnp.float32)
                        + b1_ref[...], 0.0)
        t = bn(t, g1_ref[...], e1_ref[...])
        t = jnp.maximum(jnp.dot(t, w2_ref[...],
                                preferred_element_type=jnp.float32)
                        + b2_ref[...], 0.0)
        t = bn(t, g2_ref[...], e2_ref[...])
        o = jnp.dot(t, w3_ref[...], preferred_element_type=jnp.float32) + b3_ref[...]
        m = jnp.max(o, axis=1, keepdims=True)
        lse = m + jnp.log(jnp.sum(jnp.exp(o - m), axis=1, keepdims=True))
        o_ref[...] = o - lse

    return pl.pallas_call(
        body,
        out_shape=jax.ShapeDtypeStruct((g, c), jnp.float32),
    )(pooled, wf1, bf1.reshape(1, hh), gf1.reshape(1, hh), bef1.reshape(1, hh),
      wf2, bf2.reshape(1, h2), gf2.reshape(1, h2), bef2.reshape(1, h2),
      wf3, bf3.reshape(1, c))



def kernel(x, edge_index, batch, edge_attr, W1, b1, g1, be1, W2, b2, g2, be2,
           Wm, bm, gm, bem, Wf1, bf1, gf1, bef1, Wf2, bf2, gf2, bef2, Wf3, bf3):
    n, f = x.shape
    src = edge_index[0]
    dst = edge_index[1]

    degp = _sc_degree(dst, edge_attr, n)
    dinv = _tc_dinv(degp)
    norm = _sc_norm(src, dst, edge_attr, dinv)

    p1 = _sc_hop(x, src, dst, norm)
    h1 = _tc_pairsum(p1)
    p2 = _sc_hop(h1, src, dst, norm)
    h2 = _tc_pairsum(p2)
    p3 = _sc_hop(h2, src, dst, norm)
    y1, s1 = _tc_mm4(x, h1, h2, p3, W1, b1)
    x1 = _tc_bnorm(y1, s1, g1, be1)

    q1 = _sc_hop(x1, src, dst, norm)
    k1 = _tc_pairsum(q1)
    q2 = _sc_hop(k1, src, dst, norm)
    k2 = _tc_pairsum(q2)
    q3 = _sc_hop(k2, src, dst, norm)
    y2, s2 = _tc_mm4(x1, k1, k2, q3, W2, b2)
    x2 = _tc_bnorm(y2, s2, g2, be2)

    ym, sm = _tc_mm2(x1, x2, Wm, bm)
    nseg = 64
    batch3d = batch.reshape(n // _BN, _BN, 1)
    pooled = _tc_pool(ym, sm, gm, bem, batch3d, nseg)

    return _tc_head(pooled, Wf1, bf1, gf1, bef1, Wf2, bf2, gf2, bef2, Wf3, bf3)

# --- scband reference (transcript-rebuilt; emitter-appended) ---
"""Pipeline reference for scband-tagconv-net-11940009083384 (READ-ONLY COPY).

The authoritative reference and input builder live on the scoring server;
editing this copy changes nothing except your own understanding.
"""

import jax, jax.numpy as jnp
import numpy as np

N = 10000
E = 320000
F_IN = 128
K = 3
G = 64
C = 40
H = 128


def _bn(h, gamma, beta, eps=1e-5):
    mu = h.mean(axis=0)
    var = h.var(axis=0)
    return (h - mu) / jnp.sqrt(var + eps) * gamma + beta


def _tag_conv(x, src, dst, edge_weight, W, b):
    # gcn_norm (sym, no self loops): deg from dst, norm = d_i^-1/2 * w * d_j^-1/2
    deg = jax.ops.segment_sum(edge_weight, dst, num_segments=N)
    dinv = jnp.where(deg > 0, deg ** -0.5, 0.0)
    norm = dinv[src] * edge_weight * dinv[dst]
    hs = [x]
    h = x
    for _ in range(K):
        h = jax.ops.segment_sum(norm[:, None] * h[src], dst, num_segments=N)
        hs.append(h)
    hcat = jnp.concatenate(hs, axis=1)
    return hcat @ W + b


def setup_inputs(seed: int = 0) -> dict:
    key = jax.random.key(seed)
    ks = jax.random.split(key, 32)
    s = 0.05
    inp = {}
    inp['x'] = jax.random.normal(ks[0], (N, F_IN), jnp.float32)
    inp['edge_index'] = jax.random.randint(ks[1], (2, E), 0, N, dtype=jnp.int32)
    inp['batch'] = jnp.sort(jax.random.randint(ks[2], (N,), 0, G, dtype=jnp.int32))
    inp['edge_attr'] = jax.random.uniform(ks[3], (E,), jnp.float32)
    # conv1 / conv2 (TAGConv equivalent: concat of K+1 hops -> linear)
    inp['W1'] = jax.random.normal(ks[4], ((K + 1) * F_IN, H), jnp.float32) * s
    inp['b1'] = jnp.zeros((H,), jnp.float32)
    inp['g1'] = jnp.ones((H,), jnp.float32)
    inp['be1'] = jnp.zeros((H,), jnp.float32)
    inp['W2'] = jax.random.normal(ks[5], ((K + 1) * H, H), jnp.float32) * s
    inp['b2'] = jnp.zeros((H,), jnp.float32)
    inp['g2'] = jnp.ones((H,), jnp.float32)
    inp['be2'] = jnp.zeros((H,), jnp.float32)
    # lin1 = MLP([256,256]): Linear+ReLU+BN
    inp['Wm'] = jax.random.normal(ks[6], (256, 256), jnp.float32) * s
    inp['bm'] = jnp.zeros((256,), jnp.float32)
    inp['gm'] = jnp.ones((256,), jnp.float32)
    inp['bem'] = jnp.zeros((256,), jnp.float32)
    # final head
    inp['Wf1'] = jax.random.normal(ks[7], (256, 256), jnp.float32) * s
    inp['bf1'] = jnp.zeros((256,), jnp.float32)
    inp['gf1'] = jnp.ones((256,), jnp.float32)
    inp['bef1'] = jnp.zeros((256,), jnp.float32)
    inp['Wf2'] = jax.random.normal(ks[8], (256, 128), jnp.float32) * s
    inp['bf2'] = jnp.zeros((128,), jnp.float32)
    inp['gf2'] = jnp.ones((128,), jnp.float32)
    inp['bef2'] = jnp.zeros((128,), jnp.float32)
    inp['Wf3'] = jax.random.normal(ks[9], (128, C), jnp.float32) * s
    inp['bf3'] = jnp.zeros((C,), jnp.float32)
    return inp


def reference(x, edge_index, batch, edge_attr, W1, b1, g1, be1, W2, b2, g2, be2,
              Wm, bm, gm, bem, Wf1, bf1, gf1, bef1, Wf2, bf2, gf2, bef2, Wf3, bf3):
    src, dst = edge_index[0], edge_index[1]
    x1 = jax.nn.relu(_tag_conv(x, src, dst, edge_attr, W1, b1))
    x1 = _bn(x1, g1, be1)
    x2 = jax.nn.relu(_tag_conv(x1, src, dst, edge_attr, W2, b2))
    x2 = _bn(x2, g2, be2)
    out = jnp.concatenate([x1, x2], axis=1)
    out = _bn(jax.nn.relu(out @ Wm + bm), gm, bem)
    out = jax.ops.segment_max(out, batch, num_segments=G)  # global max pool
    out = _bn(jax.nn.relu(out @ Wf1 + bf1), gf1, bef1)  # dropout = identity
    out = _bn(jax.nn.relu(out @ Wf2 + bf2), gf2, bef2)  # dropout = identity
    out = out @ Wf3 + bf3
    return jax.nn.log_softmax(out, axis=-1)

if __name__ == "__main__":
    import jax
    _d = setup_inputs()
    print(jax.jit(kernel)(*tuple(_d.values())))

</pallas_src>

<mosaic_0001>
#map = affine_map<(d0, d1) -> (0)>
module attributes {stable_mosaic.version = 14 : i64} {
  func.func @norm_kernel(%arg0: i32, %arg1: i32, %arg2: memref<320000xi32, #tpu.memory_space<hbm>>, %arg3: memref<320000xi32, #tpu.memory_space<hbm>>, %arg4: memref<320000xf32, #tpu.memory_space<hbm>>, %arg5: memref<10000xf32, #tpu.memory_space<hbm>>, %arg6: memref<320000xf32, #tpu.memory_space<hbm>>, %arg7: memref<10000xf32, #tpu.memory_space<vmem>>, %arg8: memref<2000xi32, #tpu.memory_space<vmem>>, %arg9: memref<2000xi32, #tpu.memory_space<vmem>>, %arg10: memref<2000xf32, #tpu.memory_space<vmem>>, %arg11: memref<2000xf32, #tpu.memory_space<vmem>>) attributes {dimension_semantics = [#tpu.dimension_semantics<core_parallel>, #tpu.dimension_semantics<subcore_parallel>], iteration_bounds = array<i64: 2, 16>, scalar_prefetch = 0 : i64, scratch_operands = 5 : i64, tpu.core_type = #tpu.core_type<sc_vector_subcore>, window_params = [{transform_indices = #map}, {transform_indices = #map}, {transform_indices = #map}, {transform_indices = #map}, {transform_indices = #map}]} {
    %mul3A = arith.constant 2 : i32
    %mul3A_0 = arith.muli %arg1, %mul3A : i32
    %add3A = arith.addi %mul3A_0, %arg0 : i32
    "tpu.region"() ({
      %run_scoped3A = tpu.sem_alloc : memref<!tpu.dma_semaphore, #tpu.memory_space<semaphore_mem>>
      tpu.enqueue_dma source(%arg5 : memref<10000xf32, #tpu.memory_space<hbm>>) target(%arg7 : memref<10000xf32, #tpu.memory_space<vmem>>) target_semaphore(%run_scoped3A : memref<!tpu.dma_semaphore, #tpu.memory_space<semaphore_mem>>)
      tpu.wait_dma2 semaphore(%run_scoped3A : memref<!tpu.dma_semaphore, #tpu.memory_space<semaphore_mem>>) src(%arg5 : memref<10000xf32, #tpu.memory_space<hbm>>) dst(%arg7 : memref<10000xf32, #tpu.memory_space<vmem>>)
      tpu.yield
    }) : () -> ()
    %scan3A = arith.constant 0 : i32
    %scan3A_1 = arith.constant 0 : i32
    %scan3A_2 = arith.constant 5 : i32
    %scan3A_3 = arith.addi %scan3A_1, %scan3A_2 : i32
    %scan3A_4 = arith.constant 1 : i32
    scf.for %scan3A_6 = %scan3A_1 to %scan3A_3 step %scan3A_4  : i32 {
      %mul3A_7 = arith.constant 10000 : i32
      %mul3A_8 = arith.muli %add3A, %mul3A_7 : i32
      %mul3A_9 = arith.constant 2000 : i32
      %mul3A_10 = arith.muli %scan3A_6, %mul3A_9 : i32
      %add3A_11 = arith.addi %mul3A_8, %mul3A_10 : i32
      "tpu.region"() ({
        %run_scoped3A = tpu.sem_alloc : memref<!tpu.dma_semaphore, #tpu.memory_space<semaphore_mem>>
        %dma_start3A = tpu.memref_slice %arg2[%add3A_11] : memref<320000xi32, #tpu.memory_space<hbm>> -> memref<2000xi32, #tpu.memory_space<hbm>>
        %dma_start3A_12 = tpu.memref_slice %arg2[%add3A_11] : memref<320000xi32, #tpu.memory_space<hbm>> -> memref<2000xi32, #tpu.memory_space<hbm>>
        tpu.enqueue_dma source(%dma_start3A_12 : memref<2000xi32, #tpu.memory_space<hbm>>) target(%arg8 : memref<2000xi32, #tpu.memory_space<vmem>>) target_semaphore(%run_scoped3A : memref<!tpu.dma_semaphore, #tpu.memory_space<semaphore_mem>>)
        %dma_wait3A = tpu.memref_slice %arg2[%add3A_11] : memref<320000xi32, #tpu.memory_space<hbm>> -> memref<2000xi32, #tpu.memory_space<hbm>>
        %dma_wait3A_13 = tpu.memref_slice %arg2[%add3A_11] : memref<320000xi32, #tpu.memory_space<hbm>> -> memref<2000xi32, #tpu.memory_space<hbm>>
        tpu.wait_dma2 semaphore(%run_scoped3A : memref<!tpu.dma_semaphore, #tpu.memory_space<semaphore_mem>>) src(%dma_wait3A_13 : memref<2000xi32, #tpu.memory_space<hbm>>) dst(%arg8 : memref<2000xi32, #tpu.memory_space<vmem>>)
        tpu.yield
      }) : () -> ()
      "tpu.region"() ({
        %run_scoped3A = tpu.sem_alloc : memref<!tpu.dma_semaphore, #tpu.memory_space<semaphore_mem>>
        %dma_start3A = tpu.memref_slice %arg3[%add3A_11] : memref<320000xi32, #tpu.memory_space<hbm>> -> memref<2000xi32, #tpu.memory_space<hbm>>
        %dma_start3A_12 = tpu.memref_slice %arg3[%add3A_11] : memref<320000xi32, #tpu.memory_space<hbm>> -> memref<2000xi32, #tpu.memory_space<hbm>>
        tpu.enqueue_dma source(%dma_start3A_12 : memref<2000xi32, #tpu.memory_space<hbm>>) target(%arg9 : memref<2000xi32, #tpu.memory_space<vmem>>) target_semaphore(%run_scoped3A : memref<!tpu.dma_semaphore, #tpu.memory_space<semaphore_mem>>)
        %dma_wait3A = tpu.memref_slice %arg3[%add3A_11] : memref<320000xi32, #tpu.memory_space<hbm>> -> memref<2000xi32, #tpu.memory_space<hbm>>
        %dma_wait3A_13 = tpu.memref_slice %arg3[%add3A_11] : memref<320000xi32, #tpu.memory_space<hbm>> -> memref<2000xi32, #tpu.memory_space<hbm>>
        tpu.wait_dma2 semaphore(%run_scoped3A : memref<!tpu.dma_semaphore, #tpu.memory_space<semaphore_mem>>) src(%dma_wait3A_13 : memref<2000xi32, #tpu.memory_space<hbm>>) dst(%arg9 : memref<2000xi32, #tpu.memory_space<vmem>>)
        tpu.yield
      }) : () -> ()
      "tpu.region"() ({
        %run_scoped3A = tpu.sem_alloc : memref<!tpu.dma_semaphore, #tpu.memory_space<semaphore_mem>>
        %dma_start3A = tpu.memref_slice %arg4[%add3A_11] : memref<320000xf32, #tpu.memory_space<hbm>> -> memref<2000xf32, #tpu.memory_space<hbm>>
        %dma_start3A_12 = tpu.memref_slice %arg4[%add3A_11] : memref<320000xf32, #tpu.memory_space<hbm>> -> memref<2000xf32, #tpu.memory_space<hbm>>
        tpu.enqueue_dma source(%dma_start3A_12 : memref<2000xf32, #tpu.memory_space<hbm>>) target(%arg10 : memref<2000xf32, #tpu.memory_space<vmem>>) target_semaphore(%run_scoped3A : memref<!tpu.dma_semaphore, #tpu.memory_space<semaphore_mem>>)
        %dma_wait3A = tpu.memref_slice %arg4[%add3A_11] : memref<320000xf32, #tpu.memory_space<hbm>> -> memref<2000xf32, #tpu.memory_space<hbm>>
        %dma_wait3A_13 = tpu.memref_slice %arg4[%add3A_11] : memref<320000xf32, #tpu.memory_space<hbm>> -> memref<2000xf32, #tpu.memory_space<hbm>>
        tpu.wait_dma2 semaphore(%run_scoped3A : memref<!tpu.dma_semaphore, #tpu.memory_space<semaphore_mem>>) src(%dma_wait3A_13 : memref<2000xf32, #tpu.memory_space<hbm>>) dst(%arg10 : memref<2000xf32, #tpu.memory_space<vmem>>)
        tpu.yield
      }) : () -> ()
      "tpu.region"() ({
        %run_scoped3A = tpu.sem_alloc : memref<!tpu.dma_semaphore, #tpu.memory_space<semaphore_mem>>
        %dma_start3A = tpu.memref_slice %arg6[%add3A_11] : memref<320000xf32, #tpu.memory_space<hbm>> -> memref<2000xf32, #tpu.memory_space<hbm>>
        %dma_start3A_12 = tpu.memref_slice %arg6[%add3A_11] : memref<320000xf32, #tpu.memory_space<hbm>> -> memref<2000xf32, #tpu.memory_space<hbm>>
        tpu.enqueue_dma source(%arg11 : memref<2000xf32, #tpu.memory_space<vmem>>) target(%dma_start3A_12 : memref<2000xf32, #tpu.memory_space<hbm>>) target_semaphore(%run_scoped3A : memref<!tpu.dma_semaphore, #tpu.memory_space<semaphore_mem>>)
        %dma_wait3A = tpu.memref_slice %arg6[%add3A_11] : memref<320000xf32, #tpu.memory_space<hbm>> -> memref<2000xf32, #tpu.memory_space<hbm>>
        %dma_wait3A_13 = tpu.memref_slice %arg6[%add3A_11] : memref<320000xf32, #tpu.memory_space<hbm>> -> memref<2000xf32, #tpu.memory_space<hbm>>
        tpu.wait_dma2 semaphore(%run_scoped3A : memref<!tpu.dma_semaphore, #tpu.memory_space<semaphore_mem>>) src(%arg11 : memref<2000xf32, #tpu.memory_space<vmem>>) dst(%dma_wait3A_13 : memref<2000xf32, #tpu.memory_space<hbm>>)
        tpu.yield
      }) : () -> ()
    }
    %scan3A_5 = arith.constant 5 : i32
    return
  }
}

#map = affine_map<(d0, d1) -> (0)>
#map1 = affine_map<(d0, d1) -> (0, 0)>
module attributes {stable_mosaic.version = 14 : i64} {
  func.func @deg_kernel(%arg0: i32, %arg1: i32, %arg2: memref<320000xi32, #tpu.memory_space<hbm>>, %arg3: memref<320000xf32, #tpu.memory_space<hbm>>, %arg4: memref<32x10000xf32, #tpu.memory_space<hbm>>, %arg5: memref<2000xi32, #tpu.memory_space<vmem>>, %arg6: memref<2000xf32, #tpu.memory_space<vmem>>, %arg7: memref<10000xf32, #tpu.memory_space<vmem>>) attributes {dimension_semantics = [#tpu.dimension_semantics<core_parallel>, #tpu.dimension_semantics<subcore_parallel>], iteration_bounds = array<i64: 2, 16>, scalar_prefetch = 0 : i64, scratch_operands = 3 : i64, tpu.core_type = #tpu.core_type<sc_vector_subcore>, window_params = [{transform_indices = #map}, {transform_indices = #map}, {transform_indices = #map1}]} {
    %mul3A = arith.constant 2 : i32
    %mul3A_0 = arith.muli %arg1, %mul3A : i32
    %add3A = arith.addi %mul3A_0, %arg0 : i32
    %broadcast_in_dim3A = arith.constant 0.000000e+00 : f32
    %broadcast_in_dim3A_1 = vector.broadcast %broadcast_in_dim3A : f32 to vector<16xf32>
    %scan3A = arith.constant 0 : i32
    %scan3A_2 = arith.constant 0 : i32
    %scan3A_3 = arith.constant 5 : i32
    %scan3A_4 = arith.addi %scan3A_2, %scan3A_3 : i32
    %scan3A_5 = arith.constant 1 : i32
    scf.for %scan3A_7 = %scan3A_2 to %scan3A_4 step %scan3A_5  : i32 {
      %mul3A_8 = arith.constant 10000 : i32
      %mul3A_9 = arith.muli %add3A, %mul3A_8 : i32
      %mul3A_10 = arith.constant 2000 : i32
      %mul3A_11 = arith.muli %scan3A_7, %mul3A_10 : i32
      %add3A_12 = arith.addi %mul3A_9, %mul3A_11 : i32
      "tpu.region"() ({
        %run_scoped3A = tpu.sem_alloc : memref<!tpu.dma_semaphore, #tpu.memory_space<semaphore_mem>>
        %dma_start3A = tpu.memref_slice %arg2[%add3A_12] : memref<320000xi32, #tpu.memory_space<hbm>> -> memref<2000xi32, #tpu.memory_space<hbm>>
        %dma_start3A_18 = tpu.memref_slice %arg2[%add3A_12] : memref<320000xi32, #tpu.memory_space<hbm>> -> memref<2000xi32, #tpu.memory_space<hbm>>
        tpu.enqueue_dma source(%dma_start3A_18 : memref<2000xi32, #tpu.memory_space<hbm>>) target(%arg5 : memref<2000xi32, #tpu.memory_space<vmem>>) target_semaphore(%run_scoped3A : memref<!tpu.dma_semaphore, #tpu.memory_space<semaphore_mem>>)
        %dma_wait3A = tpu.memref_slice %arg2[%add3A_12] : memref<320000xi32, #tpu.memory_space<hbm>> -> memref<2000xi32, #tpu.memory_space<hbm>>
        %dma_wait3A_19 = tpu.memref_slice %arg2[%add3A_12] : memref<320000xi32, #tpu.memory_space<hbm>> -> memref<2000xi32, #tpu.memory_space<hbm>>
        tpu.wait_dma2 semaphore(%run_scoped3A : memref<!tpu.dma_semaphore, #tpu.memory_space<semaphore_mem>>) src(%dma_wait3A_19 : memref<2000xi32, #tpu.memory_space<hbm>>) dst(%arg5 : memref<2000xi32, #tpu.memory_space<vmem>>)
        tpu.yield
      }) : () -> ()
      "tpu.region"() ({
        %run_scoped3A = tpu.sem_alloc : memref<!tpu.dma_semaphore, #tpu.memory_space<semaphore_mem>>
        %dma_start3A = tpu.memref_slice %arg3[%add3A_12] : memref<320000xf32, #tpu.memory_space<hbm>> -> memref<2000xf32, #tpu.memory_space<hbm>>
        %dma_start3A_18 = tpu.memref_slice %arg3[%add3A_12] : memref<320000xf32, #tpu.memory_space<hbm>> -> memref<2000xf32, #tpu.memory_space<hbm>>
        tpu.enqueue_dma source(%dma_start3A_18 : memref<2000xf32, #tpu.memory_space<hbm>>) target(%arg6 : memref<2000xf32, #tpu.memory_space<vmem>>) target_semaphore(%run_scoped3A : memref<!tpu.dma_semaphore, #tpu.memory_space<semaphore_mem>>)
        %dma_wait3A = tpu.memref_slice %arg3[%add3A_12] : memref<320000xf32, #tpu.memory_space<hbm>> -> memref<2000xf32, #tpu.memory_space<hbm>>
        %dma_wait3A_19 = tpu.memref_slice %arg3[%add3A_12] : memref<320000xf32, #tpu.memory_space<hbm>> -> memref<2000xf32, #tpu.memory_space<hbm>>
        tpu.wait_dma2 semaphore(%run_scoped3A : memref<!tpu.dma_semaphore, #tpu.memory_space<semaphore_mem>>) src(%dma_wait3A_19 : memref<2000xf32, #tpu.memory_space<hbm>>) dst(%arg6 : memref<2000xf32, #tpu.memory_space<vmem>>)
        tpu.yield
      }) : () -> ()
      %scan3A_13 = arith.constant 0 : i32
      %scan3A_14 = arith.constant 125 : i32
      %scan3A_15 = arith.addi %scan3A_13, %scan3A_14 : i32
      %scan3A_16 = arith.constant 1 : i32
      scf.for %scan3A_18 = %scan3A_13 to %scan3A_15 step %scan3A_16  : i32 {
        %mul3A_19 = arith.constant 16 : i32
        %mul3A_20 = arith.muli %scan3A_18, %mul3A_19 : i32
        %get3A = arith.index_cast %mul3A_20 : i32 to index
        %get3A_21 = tpu.vector_load %arg5[%get3A] {strides = array<i32>} : memref<2000xi32, #tpu.memory_space<vmem>>, vector<16xi32>,
        %mul3A_22 = arith.constant 16 : i32
        %mul3A_23 = arith.muli %scan3A_18, %mul3A_22 : i32
        %get3A_24 = arith.index_cast %mul3A_23 : i32 to index
        %get3A_25 = tpu.vector_load %arg6[%get3A_24] {strides = array<i32>} : memref<2000xf32, #tpu.memory_space<vmem>>, vector<16xf32>,
        tpu.vector_store_idx %arg7[%get3A_21], %get3A_25 {add = true} : memref<10000xf32, #tpu.memory_space<vmem>>[vector<16xi32>], vector<16xf32>,
      }
      %scan3A_17 = arith.constant 125 : i32
    }
    %scan3A_6 = arith.constant 5 : i32
    "tpu.region"() ({
      %run_scoped3A = tpu.sem_alloc : memref<!tpu.dma_semaphore, #tpu.memory_space<semaphore_mem>>
      %dma_start3A = arith.constant 0 : i32
      %dma_start3A_7 = tpu.memref_slice %arg4[%add3A, %dma_start3A] : memref<32x10000xf32, #tpu.memory_space<hbm>> -> memref<1x10000xf32, #tpu.memory_space<hbm>>
      %dma_start3A_8 = tpu.memref_squeeze %dma_start3A_7 : memref<1x10000xf32, #tpu.memory_space<hbm>> -> memref<10000xf32, #tpu.memory_space<hbm>>
      %dma_start3A_9 = arith.constant 0 : i32
      %dma_start3A_10 = tpu.memref_slice %arg4[%add3A, %dma_start3A_9] : memref<32x10000xf32, #tpu.memory_space<hbm>> -> memref<1x10000xf32, #tpu.memory_space<hbm>>
      %dma_start3A_11 = tpu.memref_squeeze %dma_start3A_10 : memref<1x10000xf32, #tpu.memory_space<hbm>> -> memref<10000xf32, #tpu.memory_space<hbm>>
      tpu.enqueue_dma source(%arg7 : memref<10000xf32, #tpu.memory_space<vmem>>) target(%dma_start3A_11 : memref<10000xf32, #tpu.memory_space<hbm>>) target_semaphore(%run_scoped3A : memref<!tpu.dma_semaphore, #tpu.memory_space<semaphore_mem>>)
      %dma_wait3A = arith.constant 0 : i32
      %dma_wait3A_12 = tpu.memref_slice %arg4[%add3A, %dma_wait3A] : memref<32x10000xf32, #tpu.memory_space<hbm>> -> memref<1x10000xf32, #tpu.memory_space<hbm>>
      %dma_wait3A_13 = tpu.memref_squeeze %dma_wait3A_12 : memref<1x10000xf32, #tpu.memory_space<hbm>> -> memref<10000xf32, #tpu.memory_space<hbm>>
      %dma_wait3A_14 = arith.constant 0 : i32
      %dma_wait3A_15 = tpu.memref_slice %arg4[%add3A, %dma_wait3A_14] : memref<32x10000xf32, #tpu.memory_space<hbm>> -> memref<1x10000xf32, #tpu.memory_space<hbm>>
      %dma_wait3A_16 = tpu.memref_squeeze %dma_wait3A_15 : memref<1x10000xf32, #tpu.memory_space<hbm>> -> memref<10000xf32, #tpu.memory_space<hbm>>
      tpu.wait_dma2 semaphore(%run_scoped3A : memref<!tpu.dma_semaphore, #tpu.memory_space<semaphore_mem>>) src(%arg7 : memref<10000xf32, #tpu.memory_space<vmem>>) dst(%dma_wait3A_16 : memref<10000xf32, #tpu.memory_space<hbm>>)
      tpu.yield
    }) : () -> ()
    return
  }
}

#map = affine_map<(d0, d1) -> (0, 0)>
#map1 = affine_map<(d0, d1) -> (0)>
#map2 = affine_map<(d0, d1) -> (0, 0, 0)>
module attributes {stable_mosaic.version = 14 : i64} {
  func.func @hop_kernel(%arg0: i32, %arg1: i32, %arg2: memref<10000x128xf32, #tpu.memory_space<hbm>>, %arg3: memref<320000xi32, #tpu.memory_space<hbm>>, %arg4: memref<320000xi32, #tpu.memory_space<hbm>>, %arg5: memref<320000xf32, #tpu.memory_space<hbm>>, %arg6: memref<2x10000x128xf32, #tpu.memory_space<hbm>>, %arg7: memref<80xi32, #tpu.memory_space<vmem>>, %arg8: memref<80xi32, #tpu.memory_space<vmem>>, %arg9: memref<80xf32, #tpu.memory_space<vmem>>, %arg10: memref<80x128xf32, #tpu.memory_space<vmem>>, %arg11: memref<200x128xf32, #tpu.memory_space<vmem>>, %arg12: memref<10000x128xf32, #tpu.memory_space<vmem_shared>>, %arg13: memref<!tpu.dma_semaphore, #tpu.memory_space<semaphore_mem>>) attributes {dimension_semantics = [#tpu.dimension_semantics<core_parallel>, #tpu.dimension_semantics<subcore_parallel>], iteration_bounds = array<i64: 2, 16>, scalar_prefetch = 0 : i64, scratch_operands = 7 : i64, tpu.core_type = #tpu.core_type<sc_vector_subcore>, window_params = [{transform_indices = #map}, {transform_indices = #map1}, {transform_indices = #map1}, {transform_indices = #map1}, {transform_indices = #map2}]} {
    %mul3A = arith.constant 2 : i32
    %mul3A_0 = arith.muli %arg1, %mul3A : i32
    %add3A = arith.addi %mul3A_0, %arg0 : i32
    %broadcast_in_dim3A = arith.constant 0.000000e+00 : f32
    %broadcast_in_dim3A_1 = vector.broadcast %broadcast_in_dim3A : f32 to vector<16xf32>
    %add3A_2 = arith.constant 0 : i32
    %add3A_3 = arith.addi %arg1, %add3A_2 : i32
    %lt3A = arith.constant 50 : i32
    %lt3A_4 = arith.cmpi slt, %add3A_3, %lt3A : i32
    %convert_element_type3A = arith.extui %lt3A_4 : i1 to i32
    %cond3A = arith.constant 0 : i32
    %cond3A_5 = arith.cmpi ne, %convert_element_type3A, %cond3A : i32
    scf.if %cond3A_5 {
      %mul3A_61 = arith.constant 200 : i32
      %mul3A_62 = arith.muli %add3A_3, %mul3A_61 : i32
      "tpu.region"() ({
        %run_scoped3A = tpu.sem_alloc : memref<!tpu.dma_semaphore, #tpu.memory_space<semaphore_mem>>
        %dma_start3A = arith.constant 0 : i32
        %dma_start3A_63 = tpu.memref_slice %arg12[%mul3A_62, %dma_start3A] : memref<10000x128xf32, #tpu.memory_space<vmem_shared>> -> memref<200x128xf32, #tpu.memory_space<vmem_shared>>
        %dma_start3A_64 = arith.constant 0 : i32
        %dma_start3A_65 = tpu.memref_slice %arg12[%mul3A_62, %dma_start3A_64] : memref<10000x128xf32, #tpu.memory_space<vmem_shared>> -> memref<200x128xf32, #tpu.memory_space<vmem_shared>>
        tpu.enqueue_dma source(%arg11 : memref<200x128xf32, #tpu.memory_space<vmem>>) target(%dma_start3A_65 : memref<200x128xf32, #tpu.memory_space<vmem_shared>>) target_semaphore(%run_scoped3A : memref<!tpu.dma_semaphore, #tpu.memory_space<semaphore_mem>>)
        %dma_wait3A = arith.constant 0 : i32
        %dma_wait3A_66 = tpu.memref_slice %arg12[%mul3A_62, %dma_wait3A] : memref<10000x128xf32, #tpu.memory_space<vmem_shared>> -> memref<200x128xf32, #tpu.memory_space<vmem_shared>>
        %dma_wait3A_67 = arith.constant 0 : i32
        %dma_wait3A_68 = tpu.memref_slice %arg12[%mul3A_62, %dma_wait3A_67] : memref<10000x128xf32, #tpu.memory_space<vmem_shared>> -> memref<200x128xf32, #tpu.memory_space<vmem_shared>>
        tpu.wait_dma2 semaphore(%run_scoped3A : memref<!tpu.dma_semaphore, #tpu.memory_space<semaphore_mem>>) src(%arg11 : memref<200x128xf32, #tpu.memory_space<vmem>>) dst(%dma_wait3A_68 : memref<200x128xf32, #tpu.memory_space<vmem_shared>>)
        tpu.yield
      }) : () -> ()
    } else {
    }
    %add3A_6 = arith.constant 16 : i32
    %add3A_7 = arith.addi %arg1, %add3A_6 : i32
    %lt3A_8 = arith.constant 50 : i32
    %lt3A_9 = arith.cmpi slt, %add3A_7, %lt3A_8 : i32
    %convert_element_type3A_10 = arith.extui %lt3A_9 : i1 to i32
    %cond3A_11 = arith.constant 0 : i32
    %cond3A_12 = arith.cmpi ne, %convert_element_type3A_10, %cond3A_11 : i32
    scf.if %cond3A_12 {
      %mul3A_61 = arith.constant 200 : i32
      %mul3A_62 = arith.muli %add3A_7, %mul3A_61 : i32
      "tpu.region"() ({
        %run_scoped3A = tpu.sem_alloc : memref<!tpu.dma_semaphore, #tpu.memory_space<semaphore_mem>>
        %dma_start3A = arith.constant 0 : i32
        %dma_start3A_63 = tpu.memref_slice %arg12[%mul3A_62, %dma_start3A] : memref<10000x128xf32, #tpu.memory_space<vmem_shared>> -> memref<200x128xf32, #tpu.memory_space<vmem_shared>>
        %dma_start3A_64 = arith.constant 0 : i32
        %dma_start3A_65 = tpu.memref_slice %arg12[%mul3A_62, %dma_start3A_64] : memref<10000x128xf32, #tpu.memory_space<vmem_shared>> -> memref<200x128xf32, #tpu.memory_space<vmem_shared>>
        tpu.enqueue_dma source(%arg11 : memref<200x128xf32, #tpu.memory_space<vmem>>) target(%dma_start3A_65 : memref<200x128xf32, #tpu.memory_space<vmem_shared>>) target_semaphore(%run_scoped3A : memref<!tpu.dma_semaphore, #tpu.memory_space<semaphore_mem>>)
        %dma_wait3A = arith.constant 0 : i32
        %dma_wait3A_66 = tpu.memref_slice %arg12[%mul3A_62, %dma_wait3A] : memref<10000x128xf32, #tpu.memory_space<vmem_shared>> -> memref<200x128xf32, #tpu.memory_space<vmem_shared>>
        %dma_wait3A_67 = arith.constant 0 : i32
        %dma_wait3A_68 = tpu.memref_slice %arg12[%mul3A_62, %dma_wait3A_67] : memref<10000x128xf32, #tpu.memory_space<vmem_shared>> -> memref<200x128xf32, #tpu.memory_space<vmem_shared>>
        tpu.wait_dma2 semaphore(%run_scoped3A : memref<!tpu.dma_semaphore, #tpu.memory_space<semaphore_mem>>) src(%arg11 : memref<200x128xf32, #tpu.memory_space<vmem>>) dst(%dma_wait3A_68 : memref<200x128xf32, #tpu.memory_space<vmem_shared>>)
        tpu.yield
      }) : () -> ()
    } else {
    }
    %add3A_13 = arith.constant 32 : i32
    %add3A_14 = arith.addi %arg1, %add3A_13 : i32
    %lt3A_15 = arith.constant 50 : i32
    %lt3A_16 = arith.cmpi slt, %add3A_14, %lt3A_15 : i32
    %convert_element_type3A_17 = arith.extui %lt3A_16 : i1 to i32
    %cond3A_18 = arith.constant 0 : i32
    %cond3A_19 = arith.cmpi ne, %convert_element_type3A_17, %cond3A_18 : i32
    scf.if %cond3A_19 {
      %mul3A_61 = arith.constant 200 : i32
      %mul3A_62 = arith.muli %add3A_14, %mul3A_61 : i32
      "tpu.region"() ({
        %run_scoped3A = tpu.sem_alloc : memref<!tpu.dma_semaphore, #tpu.memory_space<semaphore_mem>>
        %dma_start3A = arith.constant 0 : i32
        %dma_start3A_63 = tpu.memref_slice %arg12[%mul3A_62, %dma_start3A] : memref<10000x128xf32, #tpu.memory_space<vmem_shared>> -> memref<200x128xf32, #tpu.memory_space<vmem_shared>>
        %dma_start3A_64 = arith.constant 0 : i32
        %dma_start3A_65 = tpu.memref_slice %arg12[%mul3A_62, %dma_start3A_64] : memref<10000x128xf32, #tpu.memory_space<vmem_shared>> -> memref<200x128xf32, #tpu.memory_space<vmem_shared>>
        tpu.enqueue_dma source(%arg11 : memref<200x128xf32, #tpu.memory_space<vmem>>) target(%dma_start3A_65 : memref<200x128xf32, #tpu.memory_space<vmem_shared>>) target_semaphore(%run_scoped3A : memref<!tpu.dma_semaphore, #tpu.memory_space<semaphore_mem>>)
        %dma_wait3A = arith.constant 0 : i32
        %dma_wait3A_66 = tpu.memref_slice %arg12[%mul3A_62, %dma_wait3A] : memref<10000x128xf32, #tpu.memory_space<vmem_shared>> -> memref<200x128xf32, #tpu.memory_space<vmem_shared>>
        %dma_wait3A_67 = arith.constant 0 : i32
        %dma_wait3A_68 = tpu.memref_slice %arg12[%mul3A_62, %dma_wait3A_67] : memref<10000x128xf32, #tpu.memory_space<vmem_shared>> -> memref<200x128xf32, #tpu.memory_space<vmem_shared>>
        tpu.wait_dma2 semaphore(%run_scoped3A : memref<!tpu.dma_semaphore, #tpu.memory_space<semaphore_mem>>) src(%arg11 : memref<200x128xf32, #tpu.memory_space<vmem>>) dst(%dma_wait3A_68 : memref<200x128xf32, #tpu.memory_space<vmem_shared>>)
        tpu.yield
      }) : () -> ()
    } else {
    }
    %add3A_20 = arith.constant 48 : i32
    %add3A_21 = arith.addi %arg1, %add3A_20 : i32
    %lt3A_22 = arith.constant 50 : i32
    %lt3A_23 = arith.cmpi slt, %add3A_21, %lt3A_22 : i32
    %convert_element_type3A_24 = arith.extui %lt3A_23 : i1 to i32
    %cond3A_25 = arith.constant 0 : i32
    %cond3A_26 = arith.cmpi ne, %convert_element_type3A_24, %cond3A_25 : i32
    scf.if %cond3A_26 {
      %mul3A_61 = arith.constant 200 : i32
      %mul3A_62 = arith.muli %add3A_21, %mul3A_61 : i32
      "tpu.region"() ({
        %run_scoped3A = tpu.sem_alloc : memref<!tpu.dma_semaphore, #tpu.memory_space<semaphore_mem>>
        %dma_start3A = arith.constant 0 : i32
        %dma_start3A_63 = tpu.memref_slice %arg12[%mul3A_62, %dma_start3A] : memref<10000x128xf32, #tpu.memory_space<vmem_shared>> -> memref<200x128xf32, #tpu.memory_space<vmem_shared>>
        %dma_start3A_64 = arith.constant 0 : i32
        %dma_start3A_65 = tpu.memref_slice %arg12[%mul3A_62, %dma_start3A_64] : memref<10000x128xf32, #tpu.memory_space<vmem_shared>> -> memref<200x128xf32, #tpu.memory_space<vmem_shared>>
        tpu.enqueue_dma source(%arg11 : memref<200x128xf32, #tpu.memory_space<vmem>>) target(%dma_start3A_65 : memref<200x128xf32, #tpu.memory_space<vmem_shared>>) target_semaphore(%run_scoped3A : memref<!tpu.dma_semaphore, #tpu.memory_space<semaphore_mem>>)
        %dma_wait3A = arith.constant 0 : i32
        %dma_wait3A_66 = tpu.memref_slice %arg12[%mul3A_62, %dma_wait3A] : memref<10000x128xf32, #tpu.memory_space<vmem_shared>> -> memref<200x128xf32, #tpu.memory_space<vmem_shared>>
        %dma_wait3A_67 = arith.constant 0 : i32
        %dma_wait3A_68 = tpu.memref_slice %arg12[%mul3A_62, %dma_wait3A_67] : memref<10000x128xf32, #tpu.memory_space<vmem_shared>> -> memref<200x128xf32, #tpu.memory_space<vmem_shared>>
        tpu.wait_dma2 semaphore(%run_scoped3A : memref<!tpu.dma_semaphore, #tpu.memory_space<semaphore_mem>>) src(%arg11 : memref<200x128xf32, #tpu.memory_space<vmem>>) dst(%dma_wait3A_68 : memref<200x128xf32, #tpu.memory_space<vmem_shared>>)
        tpu.yield
      }) : () -> ()
    } else {
    }
    %barrier3A = arith.constant 0 : index
    tpu.barrier barrier_id(%barrier3A)
    %scan3A = arith.constant 0 : i32
    %scan3A_27 = arith.constant 0 : i32
    %scan3A_28 = arith.constant 125 : i32
    %scan3A_29 = arith.addi %scan3A_27, %scan3A_28 : i32
    %scan3A_30 = arith.constant 1 : i32
    scf.for %scan3A_61 = %scan3A_27 to %scan3A_29 step %scan3A_30  : i32 {
      %mul3A_62 = arith.constant 10000 : i32
      %mul3A_63 = arith.muli %add3A, %mul3A_62 : i32
      %mul3A_64 = arith.constant 80 : i32
      %mul3A_65 = arith.muli %scan3A_61, %mul3A_64 : i32
      %add3A_66 = arith.addi %mul3A_63, %mul3A_65 : i32
      "tpu.region"() ({
        %run_scoped3A = tpu.sem_alloc : memref<!tpu.dma_semaphore, #tpu.memory_space<semaphore_mem>>
        %dma_start3A_71 = tpu.memref_slice %arg3[%add3A_66] : memref<320000xi32, #tpu.memory_space<hbm>> -> memref<80xi32, #tpu.memory_space<hbm>>
        %dma_start3A_72 = tpu.memref_slice %arg3[%add3A_66] : memref<320000xi32, #tpu.memory_space<hbm>> -> memref<80xi32, #tpu.memory_space<hbm>>
        tpu.enqueue_dma source(%dma_start3A_72 : memref<80xi32, #tpu.memory_space<hbm>>) target(%arg7 : memref<80xi32, #tpu.memory_space<vmem>>) target_semaphore(%run_scoped3A : memref<!tpu.dma_semaphore, #tpu.memory_space<semaphore_mem>>)
        %dma_wait3A_73 = tpu.memref_slice %arg3[%add3A_66] : memref<320000xi32, #tpu.memory_space<hbm>> -> memref<80xi32, #tpu.memory_space<hbm>>
        %dma_wait3A_74 = tpu.memref_slice %arg3[%add3A_66] : memref<320000xi32, #tpu.memory_space<hbm>> -> memref<80xi32, #tpu.memory_space<hbm>>
        tpu.wait_dma2 semaphore(%run_scoped3A : memref<!tpu.dma_semaphore, #tpu.memory_space<semaphore_mem>>) src(%dma_wait3A_74 : memref<80xi32, #tpu.memory_space<hbm>>) dst(%arg7 : memref<80xi32, #tpu.memory_space<vmem>>)
        tpu.yield
      }) : () -> ()
      "tpu.region"() ({
        %run_scoped3A = tpu.sem_alloc : memref<!tpu.dma_semaphore, #tpu.memory_space<semaphore_mem>>
        %dma_start3A_71 = tpu.memref_slice %arg4[%add3A_66] : memref<320000xi32, #tpu.memory_space<hbm>> -> memref<80xi32, #tpu.memory_space<hbm>>
        %dma_start3A_72 = tpu.memref_slice %arg4[%add3A_66] : memref<320000xi32, #tpu.memory_space<hbm>> -> memref<80xi32, #tpu.memory_space<hbm>>
        tpu.enqueue_dma source(%dma_start3A_72 : memref<80xi32, #tpu.memory_space<hbm>>) target(%arg8 : memref<80xi32, #tpu.memory_space<vmem>>) target_semaphore(%run_scoped3A : memref<!tpu.dma_semaphore, #tpu.memory_space<semaphore_mem>>)
        %dma_wait3A_73 = tpu.memref_slice %arg4[%add3A_66] : memref<320000xi32, #tpu.memory_space<hbm>> -> memref<80xi32, #tpu.memory_space<hbm>>
        %dma_wait3A_74 = tpu.memref_slice %arg4[%add3A_66] : memref<320000xi32, #tpu.memory_space<hbm>> -> memref<80xi32, #tpu.memory_space<hbm>>
        tpu.wait_dma2 semaphore(%run_scoped3A : memref<!tpu.dma_semaphore, #tpu.memory_space<semaphore_mem>>) src(%dma_wait3A_74 : memref<80xi32, #tpu.memory_space<hbm>>) dst(%arg8 : memref<80xi32, #tpu.memory_space<vmem>>)
        tpu.yield
      }) : () -> ()
      "tpu.region"() ({
        %run_scoped3A = tpu.sem_alloc : memref<!tpu.dma_semaphore, #tpu.memory_space<semaphore_mem>>
        %dma_start3A_71 = tpu.memref_slice %arg5[%add3A_66] : memref<320000xf32, #tpu.memory_space<hbm>> -> memref<80xf32, #tpu.memory_space<hbm>>
        %dma_start3A_72 = tpu.memref_slice %arg5[%add3A_66] : memref<320000xf32, #tpu.memory_space<hbm>> -> memref<80xf32, #tpu.memory_space<hbm>>
        tpu.enqueue_dma source(%dma_start3A_72 : memref<80xf32, #tpu.memory_space<hbm>>) target(%arg9 : memref<80xf32, #tpu.memory_space<vmem>>) target_semaphore(%run_scoped3A : memref<!tpu.dma_semaphore, #tpu.memory_space<semaphore_mem>>)
        %dma_wait3A_73 = tpu.memref_slice %arg5[%add3A_66] : memref<320000xf32, #tpu.memory_space<hbm>> -> memref<80xf32, #tpu.memory_space<hbm>>
        %dma_wait3A_74 = tpu.memref_slice %arg5[%add3A_66] : memref<320000xf32, #tpu.memory_space<hbm>> -> memref<80xf32, #tpu.memory_space<hbm>>
        tpu.wait_dma2 semaphore(%run_scoped3A : memref<!tpu.dma_semaphore, #tpu.memory_space<semaphore_mem>>) src(%dma_wait3A_74 : memref<80xf32, #tpu.memory_space<hbm>>) dst(%arg9 : memref<80xf32, #tpu.memory_space<vmem>>)
        tpu.yield
      }) : () -> ()
      %dma_start3A = arith.constant 0 : i32
      %dma_start3A_67 = arith.constant 0 : i32
      %dma_start3A_68 = tpu.memref_slice %arg2[%dma_start3A, %dma_start3A_67] : memref<10000x128xf32, #tpu.memory_space<hbm>> -> memref<10000x128xf32, #tpu.memory_space<hbm>>
      tpu.enqueue_indirect_dma source(%dma_start3A_68 : memref<10000x128xf32, #tpu.memory_space<hbm>>) target(%arg10 : memref<80x128xf32, #tpu.memory_space<vmem>>) offsets(%arg7 : memref<80xi32, #tpu.memory_space<vmem>>) semaphore(%arg13 : memref<!tpu.dma_semaphore, #tpu.memory_space<semaphore_mem>>)
      %dma_wait3A = arith.constant 0 : i32
      %dma_wait3A_69 = arith.constant 0 : i32
      %dma_wait3A_70 = tpu.memref_slice %arg2[%dma_wait3A, %dma_wait3A_69] : memref<10000x128xf32, #tpu.memory_space<hbm>> -> memref<10000x128xf32, #tpu.memory_space<hbm>>
      tpu.wait_indirect_dma semaphore(%arg13 : memref<!tpu.dma_semaphore, #tpu.memory_space<semaphore_mem>>) src(%dma_wait3A_70 : memref<10000x128xf32, #tpu.memory_space<hbm>>) dst(%arg10 : memref<80x128xf32, #tpu.memory_space<vmem>>)
      "tpu.region"() ({
        %run_scoped3A = tpu.sem_alloc : memref<!tpu.dma_semaphore, #tpu.memory_space<semaphore_mem>>
        %dma_start3A_71 = arith.constant 0 : i32
        %dma_start3A_72 = arith.constant 0 : i32
        %dma_start3A_73 = tpu.memref_slice %arg12[%dma_start3A_71, %dma_start3A_72] : memref<10000x128xf32, #tpu.memory_space<vmem_shared>> -> memref<10000x128xf32, #tpu.memory_space<vmem_shared>>
        tpu.enqueue_indirect_dma source(%arg10 : memref<80x128xf32, #tpu.memory_space<vmem>>) target(%dma_start3A_73 : memref<10000x128xf32, #tpu.memory_space<vmem_shared>>) offsets(%arg8 : memref<80xi32, #tpu.memory_space<vmem>>) semaphore(%run_scoped3A : memref<!tpu.dma_semaphore, #tpu.memory_space<semaphore_mem>>) {add = true}
        %dma_wait3A_74 = arith.constant 0 : i32
        %dma_wait3A_75 = arith.constant 0 : i32
        %dma_wait3A_76 = tpu.memref_slice %arg12[%dma_wait3A_74, %dma_wait3A_75] : memref<10000x128xf32, #tpu.memory_space<vmem_shared>> -> memref<10000x128xf32, #tpu.memory_space<vmem_shared>>
        tpu.wait_indirect_dma semaphore(%run_scoped3A : memref<!tpu.dma_semaphore, #tpu.memory_space<semaphore_mem>>) src(%arg10 : memref<80x128xf32, #tpu.memory_space<vmem>>) dst(%dma_wait3A_76 : memref<10000x128xf32, #tpu.memory_space<vmem_shared>>)
        tpu.yield
      }) : () -> ()
    }
    %scan3A_31 = arith.constant 125 : i32
    %barrier3A_32 = arith.constant 0 : index
    tpu.barrier barrier_id(%barrier3A_32)
    %add3A_33 = arith.constant 0 : i32
    %add3A_34 = arith.addi %arg1, %add3A_33 : i32
    %lt3A_35 = arith.constant 50 : i32
    %lt3A_36 = arith.cmpi slt, %add3A_34, %lt3A_35 : i32
    %convert_element_type3A_37 = arith.extui %lt3A_36 : i1 to i32
    %cond3A_38 = arith.constant 0 : i32
    %cond3A_39 = arith.cmpi ne, %convert_element_type3A_37, %cond3A_38 : i32
    scf.if %cond3A_39 {
      %mul3A_61 = arith.constant 200 : i32
      %mul3A_62 = arith.muli %add3A_34, %mul3A_61 : i32
      %mul3A_63 = arith.constant 200 : i32
      %mul3A_64 = arith.muli %add3A_34, %mul3A_63 : i32
      "tpu.region"() ({
        %run_scoped3A = tpu.sem_alloc : memref<!tpu.dma_semaphore, #tpu.memory_space<semaphore_mem>>
        %dma_start3A = arith.constant 0 : i32
        %dma_start3A_65 = tpu.memref_slice %arg6[%arg0, %mul3A_64, %dma_start3A] : memref<2x10000x128xf32, #tpu.memory_space<hbm>> -> memref<1x200x128xf32, #tpu.memory_space<hbm>>
        %dma_start3A_66 = tpu.memref_squeeze %dma_start3A_65 : memref<1x200x128xf32, #tpu.memory_space<hbm>> -> memref<200x128xf32, #tpu.memory_space<hbm>>
        %dma_start3A_67 = arith.constant 0 : i32
        %dma_start3A_68 = tpu.memref_slice %arg12[%mul3A_62, %dma_start3A_67] : memref<10000x128xf32, #tpu.memory_space<vmem_shared>> -> memref<200x128xf32, #tpu.memory_space<vmem_shared>>
        tpu.enqueue_dma source(%dma_start3A_68 : memref<200x128xf32, #tpu.memory_space<vmem_shared>>) target(%dma_start3A_66 : memref<200x128xf32, #tpu.memory_space<hbm>>) target_semaphore(%run_scoped3A : memref<!tpu.dma_semaphore, #tpu.memory_space<semaphore_mem>>)
        %dma_wait3A = arith.constant 0 : i32
        %dma_wait3A_69 = tpu.memref_slice %arg6[%arg0, %mul3A_64, %dma_wait3A] : memref<2x10000x128xf32, #tpu.memory_space<hbm>> -> memref<1x200x128xf32, #tpu.memory_space<hbm>>
        %dma_wait3A_70 = tpu.memref_squeeze %dma_wait3A_69 : memref<1x200x128xf32, #tpu.memory_space<hbm>> -> memref<200x128xf32, #tpu.memory_space<hbm>>
        %dma_wait3A_71 = arith.constant 0 : i32
        %dma_wait3A_72 = tpu.memref_slice %arg12[%mul3A_62, %dma_wait3A_71] : memref<10000x128xf32, #tpu.memory_space<vmem_shared>> -> memref<200x128xf32, #tpu.memory_space<vmem_shared>>
        tpu.wait_dma2 semaphore(%run_scoped3A : memref<!tpu.dma_semaphore, #tpu.memory_space<semaphore_mem>>) src(%dma_wait3A_72 : memref<200x128xf32, #tpu.memory_space<vmem_shared>>) dst(%dma_wait3A_70 : memref<200x128xf32, #tpu.memory_space<hbm>>)
        tpu.yield
      }) : () -> ()
    } else {
    }
    %add3A_40 = arith.constant 16 : i32
    %add3A_41 = arith.addi %arg1, %add3A_40 : i32
    %lt3A_42 = arith.constant 50 : i32
    %lt3A_43 = arith.cmpi slt, %add3A_41, %lt3A_42 : i32
    %convert_element_type3A_44 = arith.extui %lt3A_43 : i1 to i32
    %cond3A_45 = arith.constant 0 : i32
    %cond3A_46 = arith.cmpi ne, %convert_element_type3A_44, %cond3A_45 : i32
    scf.if %cond3A_46 {
      %mul3A_61 = arith.constant 200 : i32
      %mul3A_62 = arith.muli %add3A_41, %mul3A_61 : i32
      %mul3A_63 = arith.constant 200 : i32
      %mul3A_64 = arith.muli %add3A_41, %mul3A_63 : i32
      "tpu.region"() ({
        %run_scoped3A = tpu.sem_alloc : memref<!tpu.dma_semaphore, #tpu.memory_space<semaphore_mem>>
        %dma_start3A = arith.constant 0 : i32
        %dma_start3A_65 = tpu.memref_slice %arg6[%arg0, %mul3A_64, %dma_start3A] : memref<2x10000x128xf32, #tpu.memory_space<hbm>> -> memref<1x200x128xf32, #tpu.memory_space<hbm>>
        %dma_start3A_66 = tpu.memref_squeeze %dma_start3A_65 : memref<1x200x128xf32, #tpu.memory_space<hbm>> -> memref<200x128xf32, #tpu.memory_space<hbm>>
        %dma_start3A_67 = arith.constant 0 : i32
        %dma_start3A_68 = tpu.memref_slice %arg12[%mul3A_62, %dma_start3A_67] : memref<10000x128xf32, #tpu.memory_space<vmem_shared>> -> memref<200x128xf32, #tpu.memory_space<vmem_shared>>
        tpu.enqueue_dma source(%dma_start3A_68 : memref<200x128xf32, #tpu.memory_space<vmem_shared>>) target(%dma_start3A_66 : memref<200x128xf32, #tpu.memory_space<hbm>>) target_semaphore(%run_scoped3A : memref<!tpu.dma_semaphore, #tpu.memory_space<semaphore_mem>>)
        %dma_wait3A = arith.constant 0 : i32
        %dma_wait3A_69 = tpu.memref_slice %arg6[%arg0, %mul3A_64, %dma_wait3A] : memref<2x10000x128xf32, #tpu.memory_space<hbm>> -> memref<1x200x128xf32, #tpu.memory_space<hbm>>
        %dma_wait3A_70 = tpu.memref_squeeze %dma_wait3A_69 : memref<1x200x128xf32, #tpu.memory_space<hbm>> -> memref<200x128xf32, #tpu.memory_space<hbm>>
        %dma_wait3A_71 = arith.constant 0 : i32
        %dma_wait3A_72 = tpu.memref_slice %arg12[%mul3A_62, %dma_wait3A_71] : memref<10000x128xf32, #tpu.memory_space<vmem_shared>> -> memref<200x128xf32, #tpu.memory_space<vmem_shared>>
        tpu.wait_dma2 semaphore(%run_scoped3A : memref<!tpu.dma_semaphore, #tpu.memory_space<semaphore_mem>>) src(%dma_wait3A_72 : memref<200x128xf32, #tpu.memory_space<vmem_shared>>) dst(%dma_wait3A_70 : memref<200x128xf32, #tpu.memory_space<hbm>>)
        tpu.yield
      }) : () -> ()
    } else {
    }
    %add3A_47 = arith.constant 32 : i32
    %add3A_48 = arith.addi %arg1, %add3A_47 : i32
    %lt3A_49 = arith.constant 50 : i32
    %lt3A_50 = arith.cmpi slt, %add3A_48, %lt3A_49 : i32
    %convert_element_type3A_51 = arith.extui %lt3A_50 : i1 to i32
    %cond3A_52 = arith.constant 0 : i32
    %cond3A_53 = arith.cmpi ne, %convert_element_type3A_51, %cond3A_52 : i32
    scf.if %cond3A_53 {
      %mul3A_61 = arith.constant 200 : i32
      %mul3A_62 = arith.muli %add3A_48, %mul3A_61 : i32
      %mul3A_63 = arith.constant 200 : i32
      %mul3A_64 = arith.muli %add3A_48, %mul3A_63 : i32
      "tpu.region"() ({
        %run_scoped3A = tpu.sem_alloc : memref<!tpu.dma_semaphore, #tpu.memory_space<semaphore_mem>>
        %dma_start3A = arith.constant 0 : i32
        %dma_start3A_65 = tpu.memref_slice %arg6[%arg0, %mul3A_64, %dma_start3A] : memref<2x10000x128xf32, #tpu.memory_space<hbm>> -> memref<1x200x128xf32, #tpu.memory_space<hbm>>
        %dma_start3A_66 = tpu.memref_squeeze %dma_start3A_65 : memref<1x200x128xf32, #tpu.memory_space<hbm>> -> memref<200x128xf32, #tpu.memory_space<hbm>>
        %dma_start3A_67 = arith.constant 0 : i32
        %dma_start3A_68 = tpu.memref_slice %arg12[%mul3A_62, %dma_start3A_67] : memref<10000x128xf32, #tpu.memory_space<vmem_shared>> -> memref<200x128xf32, #tpu.memory_space<vmem_shared>>
        tpu.enqueue_dma source(%dma_start3A_68 : memref<200x128xf32, #tpu.memory_space<vmem_shared>>) target(%dma_start3A_66 : memref<200x128xf32, #tpu.memory_space<hbm>>) target_semaphore(%run_scoped3A : memref<!tpu.dma_semaphore, #tpu.memory_space<semaphore_mem>>)
        %dma_wait3A = arith.constant 0 : i32
        %dma_wait3A_69 = tpu.memref_slice %arg6[%arg0, %mul3A_64, %dma_wait3A] : memref<2x10000x128xf32, #tpu.memory_space<hbm>> -> memref<1x200x128xf32, #tpu.memory_space<hbm>>
        %dma_wait3A_70 = tpu.memref_squeeze %dma_wait3A_69 : memref<1x200x128xf32, #tpu.memory_space<hbm>> -> memref<200x128xf32, #tpu.memory_space<hbm>>
        %dma_wait3A_71 = arith.constant 0 : i32
        %dma_wait3A_72 = tpu.memref_slice %arg12[%mul3A_62, %dma_wait3A_71] : memref<10000x128xf32, #tpu.memory_space<vmem_shared>> -> memref<200x128xf32, #tpu.memory_space<vmem_shared>>
        tpu.wait_dma2 semaphore(%run_scoped3A : memref<!tpu.dma_semaphore, #tpu.memory_space<semaphore_mem>>) src(%dma_wait3A_72 : memref<200x128xf32, #tpu.memory_space<vmem_shared>>) dst(%dma_wait3A_70 : memref<200x128xf32, #tpu.memory_space<hbm>>)
        tpu.yield
      }) : () -> ()
    } else {
    }
    %add3A_54 = arith.constant 48 : i32
    %add3A_55 = arith.addi %arg1, %add3A_54 : i32
    %lt3A_56 = arith.constant 50 : i32
    %lt3A_57 = arith.cmpi slt, %add3A_55, %lt3A_56 : i32
    %convert_element_type3A_58 = arith.extui %lt3A_57 : i1 to i32
    %cond3A_59 = arith.constant 0 : i32
    %cond3A_60 = arith.cmpi ne, %convert_element_type3A_58, %cond3A_59 : i32
    scf.if %cond3A_60 {
      %mul3A_61 = arith.constant 200 : i32
      %mul3A_62 = arith.muli %add3A_55, %mul3A_61 : i32
      %mul3A_63 = arith.constant 200 : i32
      %mul3A_64 = arith.muli %add3A_55, %mul3A_63 : i32
      "tpu.region"() ({
        %run_scoped3A = tpu.sem_alloc : memref<!tpu.dma_semaphore, #tpu.memory_space<semaphore_mem>>
        %dma_start3A = arith.constant 0 : i32
        %dma_start3A_65 = tpu.memref_slice %arg6[%arg0, %mul3A_64, %dma_start3A] : memref<2x10000x128xf32, #tpu.memory_space<hbm>> -> memref<1x200x128xf32, #tpu.memory_space<hbm>>
        %dma_start3A_66 = tpu.memref_squeeze %dma_start3A_65 : memref<1x200x128xf32, #tpu.memory_space<hbm>> -> memref<200x128xf32, #tpu.memory_space<hbm>>
        %dma_start3A_67 = arith.constant 0 : i32
        %dma_start3A_68 = tpu.memref_slice %arg12[%mul3A_62, %dma_start3A_67] : memref<10000x128xf32, #tpu.memory_space<vmem_shared>> -> memref<200x128xf32, #tpu.memory_space<vmem_shared>>
        tpu.enqueue_dma source(%dma_start3A_68 : memref<200x128xf32, #tpu.memory_space<vmem_shared>>) target(%dma_start3A_66 : memref<200x128xf32, #tpu.memory_space<hbm>>) target_semaphore(%run_scoped3A : memref<!tpu.dma_semaphore, #tpu.memory_space<semaphore_mem>>)
        %dma_wait3A = arith.constant 0 : i32
        %dma_wait3A_69 = tpu.memref_slice %arg6[%arg0, %mul3A_64, %dma_wait3A] : memref<2x10000x128xf32, #tpu.memory_space<hbm>> -> memref<1x200x128xf32, #tpu.memory_space<hbm>>
        %dma_wait3A_70 = tpu.memref_squeeze %dma_wait3A_69 : memref<1x200x128xf32, #tpu.memory_space<hbm>> -> memref<200x128xf32, #tpu.memory_space<hbm>>
        %dma_wait3A_71 = arith.constant 0 : i32
        %dma_wait3A_72 = tpu.memref_slice %arg12[%mul3A_62, %dma_wait3A_71] : memref<10000x128xf32, #tpu.memory_space<vmem_shared>> -> memref<200x128xf32, #tpu.memory_space<vmem_shared>>
        tpu.wait_dma2 semaphore(%run_scoped3A : memref<!tpu.dma_semaphore, #tpu.memory_space<semaphore_mem>>) src(%dma_wait3A_72 : memref<200x128xf32, #tpu.memory_space<vmem_shared>>) dst(%dma_wait3A_70 : memref<200x128xf32, #tpu.memory_space<hbm>>)
        tpu.yield
      }) : () -> ()
    } else {
    }
    return
  }
}

#map = affine_map<(d0, d1) -> (0, 0)>
#map1 = affine_map<(d0, d1) -> (0)>
#map2 = affine_map<(d0, d1) -> (0, 0, 0)>
module attributes {stable_mosaic.version = 14 : i64} {
  func.func @hop_kernel(%arg0: i32, %arg1: i32, %arg2: memref<10000x128xf32, #tpu.memory_space<hbm>>, %arg3: memref<320000xi32, #tpu.memory_space<hbm>>, %arg4: memref<320000xi32, #tpu.memory_space<hbm>>, %arg5: memref<320000xf32, #tpu.memory_space<hbm>>, %arg6: memref<2x10000x128xf32, #tpu.memory_space<hbm>>, %arg7: memref<80xi32, #tpu.memory_space<vmem>>, %arg8: memref<80xi32, #tpu.memory_space<vmem>>, %arg9: memref<80xf32, #tpu.memory_space<vmem>>, %arg10: memref<80x128xf32, #tpu.memory_space<vmem>>, %arg11: memref<200x128xf32, #tpu.memory_space<vmem>>, %arg12: memref<10000x128xf32, #tpu.memory_space<vmem_shared>>, %arg13: memref<!tpu.dma_semaphore, #tpu.memory_space<semaphore_mem>>) attributes {dimension_semantics = [#tpu.dimension_semantics<core_parallel>, #tpu.dimension_semantics<subcore_parallel>], iteration_bounds = array<i64: 2, 16>, scalar_prefetch = 0 : i64, scratch_operands = 7 : i64, tpu.core_type = #tpu.core_type<sc_vector_subcore>, window_params = [{transform_indices = #map}, {transform_indices = #map1}, {transform_indices = #map1}, {transform_indices = #map1}, {transform_indices = #map2}]} {
    %mul3A = arith.constant 2 : i32
    %mul3A_0 = arith.muli %arg1, %mul3A : i32
    %add3A = arith.addi %mul3A_0, %arg0 : i32
    %broadcast_in_dim3A = arith.constant 0.000000e+00 : f32
    %broadcast_in_dim3A_1 = vector.broadcast %broadcast_in_dim3A : f32 to vector<16xf32>
    %add3A_2 = arith.constant 0 : i32
    %add3A_3 = arith.addi %arg1, %add3A_2 : i32
    %lt3A = arith.constant 50 : i32
    %lt3A_4 = arith.cmpi slt, %add3A_3, %lt3A : i32
    %convert_element_type3A = arith.extui %lt3A_4 : i1 to i32
    %cond3A = arith.constant 0 : i32
    %cond3A_5 = arith.cmpi ne, %convert_element_type3A, %cond3A : i32
    scf.if %cond3A_5 {
      %mul3A_61 = arith.constant 200 : i32
      %mul3A_62 = arith.muli %add3A_3, %mul3A_61 : i32
      "tpu.region"() ({
        %run_scoped3A = tpu.sem_alloc : memref<!tpu.dma_semaphore, #tpu.memory_space<semaphore_mem>>
        %dma_start3A = arith.constant 0 : i32
        %dma_start3A_63 = tpu.memref_slice %arg12[%mul3A_62, %dma_start3A] : memref<10000x128xf32, #tpu.memory_space<vmem_shared>> -> memref<200x128xf32, #tpu.memory_space<vmem_shared>>
        %dma_start3A_64 = arith.constant 0 : i32
        %dma_start3A_65 = tpu.memref_slice %arg12[%mul3A_62, %dma_start3A_64] : memref<10000x128xf32, #tpu.memory_space<vmem_shared>> -> memref<200x128xf32, #tpu.memory_space<vmem_shared>>
        tpu.enqueue_dma source(%arg11 : memref<200x128xf32, #tpu.memory_space<vmem>>) target(%dma_start3A_65 : memref<200x128xf32, #tpu.memory_space<vmem_shared>>) target_semaphore(%run_scoped3A : memref<!tpu.dma_semaphore, #tpu.memory_space<semaphore_mem>>)
        %dma_wait3A = arith.constant 0 : i32
        %dma_wait3A_66 = tpu.memref_slice %arg12[%mul3A_62, %dma_wait3A] : memref<10000x128xf32, #tpu.memory_space<vmem_shared>> -> memref<200x128xf32, #tpu.memory_space<vmem_shared>>
        %dma_wait3A_67 = arith.constant 0 : i32
        %dma_wait3A_68 = tpu.memref_slice %arg12[%mul3A_62, %dma_wait3A_67] : memref<10000x128xf32, #tpu.memory_space<vmem_shared>> -> memref<200x128xf32, #tpu.memory_space<vmem_shared>>
        tpu.wait_dma2 semaphore(%run_scoped3A : memref<!tpu.dma_semaphore, #tpu.memory_space<semaphore_mem>>) src(%arg11 : memref<200x128xf32, #tpu.memory_space<vmem>>) dst(%dma_wait3A_68 : memref<200x128xf32, #tpu.memory_space<vmem_shared>>)
        tpu.yield
      }) : () -> ()
    } else {
    }
    %add3A_6 = arith.constant 16 : i32
    %add3A_7 = arith.addi %arg1, %add3A_6 : i32
    %lt3A_8 = arith.constant 50 : i32
    %lt3A_9 = arith.cmpi slt, %add3A_7, %lt3A_8 : i32
    %convert_element_type3A_10 = arith.extui %lt3A_9 : i1 to i32
    %cond3A_11 = arith.constant 0 : i32
    %cond3A_12 = arith.cmpi ne, %convert_element_type3A_10, %cond3A_11 : i32
    scf.if %cond3A_12 {
      %mul3A_61 = arith.constant 200 : i32
      %mul3A_62 = arith.muli %add3A_7, %mul3A_61 : i32
      "tpu.region"() ({
        %run_scoped3A = tpu.sem_alloc : memref<!tpu.dma_semaphore, #tpu.memory_space<semaphore_mem>>
        %dma_start3A = arith.constant 0 : i32
        %dma_start3A_63 = tpu.memref_slice %arg12[%mul3A_62, %dma_start3A] : memref<10000x128xf32, #tpu.memory_space<vmem_shared>> -> memref<200x128xf32, #tpu.memory_space<vmem_shared>>
        %dma_start3A_64 = arith.constant 0 : i32
        %dma_start3A_65 = tpu.memref_slice %arg12[%mul3A_62, %dma_start3A_64] : memref<10000x128xf32, #tpu.memory_space<vmem_shared>> -> memref<200x128xf32, #tpu.memory_space<vmem_shared>>
        tpu.enqueue_dma source(%arg11 : memref<200x128xf32, #tpu.memory_space<vmem>>) target(%dma_start3A_65 : memref<200x128xf32, #tpu.memory_space<vmem_shared>>) target_semaphore(%run_scoped3A : memref<!tpu.dma_semaphore, #tpu.memory_space<semaphore_mem>>)
        %dma_wait3A = arith.constant 0 : i32
        %dma_wait3A_66 = tpu.memref_slice %arg12[%mul3A_62, %dma_wait3A] : memref<10000x128xf32, #tpu.memory_space<vmem_shared>> -> memref<200x128xf32, #tpu.memory_space<vmem_shared>>
        %dma_wait3A_67 = arith.constant 0 : i32
        %dma_wait3A_68 = tpu.memref_slice %arg12[%mul3A_62, %dma_wait3A_67] : memref<10000x128xf32, #tpu.memory_space<vmem_shared>> -> memref<200x128xf32, #tpu.memory_space<vmem_shared>>
        tpu.wait_dma2 semaphore(%run_scoped3A : memref<!tpu.dma_semaphore, #tpu.memory_space<semaphore_mem>>) src(%arg11 : memref<200x128xf32, #tpu.memory_space<vmem>>) dst(%dma_wait3A_68 : memref<200x128xf32, #tpu.memory_space<vmem_shared>>)
        tpu.yield
      }) : () -> ()
    } else {
    }
    %add3A_13 = arith.constant 32 : i32
    %add3A_14 = arith.addi %arg1, %add3A_13 : i32
    %lt3A_15 = arith.constant 50 : i32
    %lt3A_16 = arith.cmpi slt, %add3A_14, %lt3A_15 : i32
    %convert_element_type3A_17 = arith.extui %lt3A_16 : i1 to i32
    %cond3A_18 = arith.constant 0 : i32
    %cond3A_19 = arith.cmpi ne, %convert_element_type3A_17, %cond3A_18 : i32
    scf.if %cond3A_19 {
      %mul3A_61 = arith.constant 200 : i32
      %mul3A_62 = arith.muli %add3A_14, %mul3A_61 : i32
      "tpu.region"() ({
        %run_scoped3A = tpu.sem_alloc : memref<!tpu.dma_semaphore, #tpu.memory_space<semaphore_mem>>
        %dma_start3A = arith.constant 0 : i32
        %dma_start3A_63 = tpu.memref_slice %arg12[%mul3A_62, %dma_start3A] : memref<10000x128xf32, #tpu.memory_space<vmem_shared>> -> memref<200x128xf32, #tpu.memory_space<vmem_shared>>
        %dma_start3A_64 = arith.constant 0 : i32
        %dma_start3A_65 = tpu.memref_slice %arg12[%mul3A_62, %dma_start3A_64] : memref<10000x128xf32, #tpu.memory_space<vmem_shared>> -> memref<200x128xf32, #tpu.memory_space<vmem_shared>>
        tpu.enqueue_dma source(%arg11 : memref<200x128xf32, #tpu.memory_space<vmem>>) target(%dma_start3A_65 : memref<200x128xf32, #tpu.memory_space<vmem_shared>>) target_semaphore(%run_scoped3A : memref<!tpu.dma_semaphore, #tpu.memory_space<semaphore_mem>>)
        %dma_wait3A = arith.constant 0 : i32
        %dma_wait3A_66 = tpu.memref_slice %arg12[%mul3A_62, %dma_wait3A] : memref<10000x128xf32, #tpu.memory_space<vmem_shared>> -> memref<200x128xf32, #tpu.memory_space<vmem_shared>>
        %dma_wait3A_67 = arith.constant 0 : i32
        %dma_wait3A_68 = tpu.memref_slice %arg12[%mul3A_62, %dma_wait3A_67] : memref<10000x128xf32, #tpu.memory_space<vmem_shared>> -> memref<200x128xf32, #tpu.memory_space<vmem_shared>>
        tpu.wait_dma2 semaphore(%run_scoped3A : memref<!tpu.dma_semaphore, #tpu.memory_space<semaphore_mem>>) src(%arg11 : memref<200x128xf32, #tpu.memory_space<vmem>>) dst(%dma_wait3A_68 : memref<200x128xf32, #tpu.memory_space<vmem_shared>>)
        tpu.yield
      }) : () -> ()
    } else {
    }
    %add3A_20 = arith.constant 48 : i32
    %add3A_21 = arith.addi %arg1, %add3A_20 : i32
    %lt3A_22 = arith.constant 50 : i32
    %lt3A_23 = arith.cmpi slt, %add3A_21, %lt3A_22 : i32
    %convert_element_type3A_24 = arith.extui %lt3A_23 : i1 to i32
    %cond3A_25 = arith.constant 0 : i32
    %cond3A_26 = arith.cmpi ne, %convert_element_type3A_24, %cond3A_25 : i32
    scf.if %cond3A_26 {
      %mul3A_61 = arith.constant 200 : i32
      %mul3A_62 = arith.muli %add3A_21, %mul3A_61 : i32
      "tpu.region"() ({
        %run_scoped3A = tpu.sem_alloc : memref<!tpu.dma_semaphore, #tpu.memory_space<semaphore_mem>>
        %dma_start3A = arith.constant 0 : i32
        %dma_start3A_63 = tpu.memref_slice %arg12[%mul3A_62, %dma_start3A] : memref<10000x128xf32, #tpu.memory_space<vmem_shared>> -> memref<200x128xf32, #tpu.memory_space<vmem_shared>>
        %dma_start3A_64 = arith.constant 0 : i32
        %dma_start3A_65 = tpu.memref_slice %arg12[%mul3A_62, %dma_start3A_64] : memref<10000x128xf32, #tpu.memory_space<vmem_shared>> -> memref<200x128xf32, #tpu.memory_space<vmem_shared>>
        tpu.enqueue_dma source(%arg11 : memref<200x128xf32, #tpu.memory_space<vmem>>) target(%dma_start3A_65 : memref<200x128xf32, #tpu.memory_space<vmem_shared>>) target_semaphore(%run_scoped3A : memref<!tpu.dma_semaphore, #tpu.memory_space<semaphore_mem>>)
        %dma_wait3A = arith.constant 0 : i32
        %dma_wait3A_66 = tpu.memref_slice %arg12[%mul3A_62, %dma_wait3A] : memref<10000x128xf32, #tpu.memory_space<vmem_shared>> -> memref<200x128xf32, #tpu.memory_space<vmem_shared>>
        %dma_wait3A_67 = arith.constant 0 : i32
        %dma_wait3A_68 = tpu.memref_slice %arg12[%mul3A_62, %dma_wait3A_67] : memref<10000x128xf32, #tpu.memory_space<vmem_shared>> -> memref<200x128xf32, #tpu.memory_space<vmem_shared>>
        tpu.wait_dma2 semaphore(%run_scoped3A : memref<!tpu.dma_semaphore, #tpu.memory_space<semaphore_mem>>) src(%arg11 : memref<200x128xf32, #tpu.memory_space<vmem>>) dst(%dma_wait3A_68 : memref<200x128xf32, #tpu.memory_space<vmem_shared>>)
        tpu.yield
      }) : () -> ()
    } else {
    }
    %barrier3A = arith.constant 0 : index
    tpu.barrier barrier_id(%barrier3A)
    %scan3A = arith.constant 0 : i32
    %scan3A_27 = arith.constant 0 : i32
    %scan3A_28 = arith.constant 125 : i32
    %scan3A_29 = arith.addi %scan3A_27, %scan3A_28 : i32
    %scan3A_30 = arith.constant 1 : i32
    scf.for %scan3A_61 = %scan3A_27 to %scan3A_29 step %scan3A_30  : i32 {
      %mul3A_62 = arith.constant 10000 : i32
      %mul3A_63 = arith.muli %add3A, %mul3A_62 : i32
      %mul3A_64 = arith.constant 80 : i32
      %mul3A_65 = arith.muli %scan3A_61, %mul3A_64 : i32
      %add3A_66 = arith.addi %mul3A_63, %mul3A_65 : i32
      "tpu.region"() ({
        %run_scoped3A = tpu.sem_alloc : memref<!tpu.dma_semaphore, #tpu.memory_space<semaphore_mem>>
        %dma_start3A_71 = tpu.memref_slice %arg3[%add3A_66] : memref<320000xi32, #tpu.memory_space<hbm>> -> memref<80xi32, #tpu.memory_space<hbm>>
        %dma_start3A_72 = tpu.memref_slice %arg3[%add3A_66] : memref<320000xi32, #tpu.memory_space<hbm>> -> memref<80xi32, #tpu.memory_space<hbm>>
        tpu.enqueue_dma source(%dma_start3A_72 : memref<80xi32, #tpu.memory_space<hbm>>) target(%arg7 : memref<80xi32, #tpu.memory_space<vmem>>) target_semaphore(%run_scoped3A : memref<!tpu.dma_semaphore, #tpu.memory_space<semaphore_mem>>)
        %dma_wait3A_73 = tpu.memref_slice %arg3[%add3A_66] : memref<320000xi32, #tpu.memory_space<hbm>> -> memref<80xi32, #tpu.memory_space<hbm>>
        %dma_wait3A_74 = tpu.memref_slice %arg3[%add3A_66] : memref<320000xi32, #tpu.memory_space<hbm>> -> memref<80xi32, #tpu.memory_space<hbm>>
        tpu.wait_dma2 semaphore(%run_scoped3A : memref<!tpu.dma_semaphore, #tpu.memory_space<semaphore_mem>>) src(%dma_wait3A_74 : memref<80xi32, #tpu.memory_space<hbm>>) dst(%arg7 : memref<80xi32, #tpu.memory_space<vmem>>)
        tpu.yield
      }) : () -> ()
      "tpu.region"() ({
        %run_scoped3A = tpu.sem_alloc : memref<!tpu.dma_semaphore, #tpu.memory_space<semaphore_mem>>
        %dma_start3A_71 = tpu.memref_slice %arg4[%add3A_66] : memref<320000xi32, #tpu.memory_space<hbm>> -> memref<80xi32, #tpu.memory_space<hbm>>
        %dma_start3A_72 = tpu.memref_slice %arg4[%add3A_66] : memref<320000xi32, #tpu.memory_space<hbm>> -> memref<80xi32, #tpu.memory_space<hbm>>
        tpu.enqueue_dma source(%dma_start3A_72 : memref<80xi32, #tpu.memory_space<hbm>>) target(%arg8 : memref<80xi32, #tpu.memory_space<vmem>>) target_semaphore(%run_scoped3A : memref<!tpu.dma_semaphore, #tpu.memory_space<semaphore_mem>>)
        %dma_wait3A_73 = tpu.memref_slice %arg4[%add3A_66] : memref<320000xi32, #tpu.memory_space<hbm>> -> memref<80xi32, #tpu.memory_space<hbm>>
        %dma_wait3A_74 = tpu.memref_slice %arg4[%add3A_66] : memref<320000xi32, #tpu.memory_space<hbm>> -> memref<80xi32, #tpu.memory_space<hbm>>
        tpu.wait_dma2 semaphore(%run_scoped3A : memref<!tpu.dma_semaphore, #tpu.memory_space<semaphore_mem>>) src(%dma_wait3A_74 : memref<80xi32, #tpu.memory_space<hbm>>) dst(%arg8 : memref<80xi32, #tpu.memory_space<vmem>>)
        tpu.yield
      }) : () -> ()
      "tpu.region"() ({
        %run_scoped3A = tpu.sem_alloc : memref<!tpu.dma_semaphore, #tpu.memory_space<semaphore_mem>>
        %dma_start3A_71 = tpu.memref_slice %arg5[%add3A_66] : memref<320000xf32, #tpu.memory_space<hbm>> -> memref<80xf32, #tpu.memory_space<hbm>>
        %dma_start3A_72 = tpu.memref_slice %arg5[%add3A_66] : memref<320000xf32, #tpu.memory_space<hbm>> -> memref<80xf32, #tpu.memory_space<hbm>>
        tpu.enqueue_dma source(%dma_start3A_72 : memref<80xf32, #tpu.memory_space<hbm>>) target(%arg9 : memref<80xf32, #tpu.memory_space<vmem>>) target_semaphore(%run_scoped3A : memref<!tpu.dma_semaphore, #tpu.memory_space<semaphore_mem>>)
        %dma_wait3A_73 = tpu.memref_slice %arg5[%add3A_66] : memref<320000xf32, #tpu.memory_space<hbm>> -> memref<80xf32, #tpu.memory_space<hbm>>
        %dma_wait3A_74 = tpu.memref_slice %arg5[%add3A_66] : memref<320000xf32, #tpu.memory_space<hbm>> -> memref<80xf32, #tpu.memory_space<hbm>>
        tpu.wait_dma2 semaphore(%run_scoped3A : memref<!tpu.dma_semaphore, #tpu.memory_space<semaphore_mem>>) src(%dma_wait3A_74 : memref<80xf32, #tpu.memory_space<hbm>>) dst(%arg9 : memref<80xf32, #tpu.memory_space<vmem>>)
        tpu.yield
      }) : () -> ()
      %dma_start3A = arith.constant 0 : i32
      %dma_start3A_67 = arith.constant 0 : i32
      %dma_start3A_68 = tpu.memref_slice %arg2[%dma_start3A, %dma_start3A_67] : memref<10000x128xf32, #tpu.memory_space<hbm>> -> memref<10000x128xf32, #tpu.memory_space<hbm>>
      tpu.enqueue_indirect_dma source(%dma_start3A_68 : memref<10000x128xf32, #tpu.memory_space<hbm>>) target(%arg10 : memref<80x128xf32, #tpu.memory_space<vmem>>) offsets(%arg7 : memref<80xi32, #tpu.memory_space<vmem>>) semaphore(%arg13 : memref<!tpu.dma_semaphore, #tpu.memory_space<semaphore_mem>>)
      %dma_wait3A = arith.constant 0 : i32
      %dma_wait3A_69 = arith.constant 0 : i32
      %dma_wait3A_70 = tpu.memref_slice %arg2[%dma_wait3A, %dma_wait3A_69] : memref<10000x128xf32, #tpu.memory_space<hbm>> -> memref<10000x128xf32, #tpu.memory_space<hbm>>
      tpu.wait_indirect_dma semaphore(%arg13 : memref<!tpu.dma_semaphore, #tpu.memory_space<semaphore_mem>>) src(%dma_wait3A_70 : memref<10000x128xf32, #tpu.memory_space<hbm>>) dst(%arg10 : memref<80x128xf32, #tpu.memory_space<vmem>>)
      "tpu.region"() ({
        %run_scoped3A = tpu.sem_alloc : memref<!tpu.dma_semaphore, #tpu.memory_space<semaphore_mem>>
        %dma_start3A_71 = arith.constant 0 : i32
        %dma_start3A_72 = arith.constant 0 : i32
        %dma_start3A_73 = tpu.memref_slice %arg12[%dma_start3A_71, %dma_start3A_72] : memref<10000x128xf32, #tpu.memory_space<vmem_shared>> -> memref<10000x128xf32, #tpu.memory_space<vmem_shared>>
        tpu.enqueue_indirect_dma source(%arg10 : memref<80x128xf32, #tpu.memory_space<vmem>>) target(%dma_start3A_73 : memref<10000x128xf32, #tpu.memory_space<vmem_shared>>) offsets(%arg8 : memref<80xi32, #tpu.memory_space<vmem>>) semaphore(%run_scoped3A : memref<!tpu.dma_semaphore, #tpu.memory_space<semaphore_mem>>) {add = true}
        %dma_wait3A_74 = arith.constant 0 : i32
        %dma_wait3A_75 = arith.constant 0 : i32
        %dma_wait3A_76 = tpu.memref_slice %arg12[%dma_wait3A_74, %dma_wait3A_75] : memref<10000x128xf32, #tpu.memory_space<vmem_shared>> -> memref<10000x128xf32, #tpu.memory_space<vmem_shared>>
        tpu.wait_indirect_dma semaphore(%run_scoped3A : memref<!tpu.dma_semaphore, #tpu.memory_space<semaphore_mem>>) src(%arg10 : memref<80x128xf32, #tpu.memory_space<vmem>>) dst(%dma_wait3A_76 : memref<10000x128xf32, #tpu.memory_space<vmem_shared>>)
        tpu.yield
      }) : () -> ()
    }
    %scan3A_31 = arith.constant 125 : i32
    %barrier3A_32 = arith.constant 0 : index
    tpu.barrier barrier_id(%barrier3A_32)
    %add3A_33 = arith.constant 0 : i32
    %add3A_34 = arith.addi %arg1, %add3A_33 : i32
    %lt3A_35 = arith.constant 50 : i32
    %lt3A_36 = arith.cmpi slt, %add3A_34, %lt3A_35 : i32
    %convert_element_type3A_37 = arith.extui %lt3A_36 : i1 to i32
    %cond3A_38 = arith.constant 0 : i32
    %cond3A_39 = arith.cmpi ne, %convert_element_type3A_37, %cond3A_38 : i32
    scf.if %cond3A_39 {
      %mul3A_61 = arith.constant 200 : i32
      %mul3A_62 = arith.muli %add3A_34, %mul3A_61 : i32
      %mul3A_63 = arith.constant 200 : i32
      %mul3A_64 = arith.muli %add3A_34, %mul3A_63 : i32
      "tpu.region"() ({
        %run_scoped3A = tpu.sem_alloc : memref<!tpu.dma_semaphore, #tpu.memory_space<semaphore_mem>>
        %dma_start3A = arith.constant 0 : i32
        %dma_start3A_65 = tpu.memref_slice %arg6[%arg0, %mul3A_64, %dma_start3A] : memref<2x10000x128xf32, #tpu.memory_space<hbm>> -> memref<1x200x128xf32, #tpu.memory_space<hbm>>
        %dma_start3A_66 = tpu.memref_squeeze %dma_start3A_65 : memref<1x200x128xf32, #tpu.memory_space<hbm>> -> memref<200x128xf32, #tpu.memory_space<hbm>>
        %dma_start3A_67 = arith.constant 0 : i32
        %dma_start3A_68 = tpu.memref_slice %arg12[%mul3A_62, %dma_start3A_67] : memref<10000x128xf32, #tpu.memory_space<vmem_shared>> -> memref<200x128xf32, #tpu.memory_space<vmem_shared>>
        tpu.enqueue_dma source(%dma_start3A_68 : memref<200x128xf32, #tpu.memory_space<vmem_shared>>) target(%dma_start3A_66 : memref<200x128xf32, #tpu.memory_space<hbm>>) target_semaphore(%run_scoped3A : memref<!tpu.dma_semaphore, #tpu.memory_space<semaphore_mem>>)
        %dma_wait3A = arith.constant 0 : i32
        %dma_wait3A_69 = tpu.memref_slice %arg6[%arg0, %mul3A_64, %dma_wait3A] : memref<2x10000x128xf32, #tpu.memory_space<hbm>> -> memref<1x200x128xf32, #tpu.memory_space<hbm>>
        %dma_wait3A_70 = tpu.memref_squeeze %dma_wait3A_69 : memref<1x200x128xf32, #tpu.memory_space<hbm>> -> memref<200x128xf32, #tpu.memory_space<hbm>>
        %dma_wait3A_71 = arith.constant 0 : i32
        %dma_wait3A_72 = tpu.memref_slice %arg12[%mul3A_62, %dma_wait3A_71] : memref<10000x128xf32, #tpu.memory_space<vmem_shared>> -> memref<200x128xf32, #tpu.memory_space<vmem_shared>>
        tpu.wait_dma2 semaphore(%run_scoped3A : memref<!tpu.dma_semaphore, #tpu.memory_space<semaphore_mem>>) src(%dma_wait3A_72 : memref<200x128xf32, #tpu.memory_space<vmem_shared>>) dst(%dma_wait3A_70 : memref<200x128xf32, #tpu.memory_space<hbm>>)
        tpu.yield
      }) : () -> ()
    } else {
    }
    %add3A_40 = arith.constant 16 : i32
    %add3A_41 = arith.addi %arg1, %add3A_40 : i32
    %lt3A_42 = arith.constant 50 : i32
    %lt3A_43 = arith.cmpi slt, %add3A_41, %lt3A_42 : i32
    %convert_element_type3A_44 = arith.extui %lt3A_43 : i1 to i32
    %cond3A_45 = arith.constant 0 : i32
    %cond3A_46 = arith.cmpi ne, %convert_element_type3A_44, %cond3A_45 : i32
    scf.if %cond3A_46 {
      %mul3A_61 = arith.constant 200 : i32
      %mul3A_62 = arith.muli %add3A_41, %mul3A_61 : i32
      %mul3A_63 = arith.constant 200 : i32
      %mul3A_64 = arith.muli %add3A_41, %mul3A_63 : i32
      "tpu.region"() ({
        %run_scoped3A = tpu.sem_alloc : memref<!tpu.dma_semaphore, #tpu.memory_space<semaphore_mem>>
        %dma_start3A = arith.constant 0 : i32
        %dma_start3A_65 = tpu.memref_slice %arg6[%arg0, %mul3A_64, %dma_start3A] : memref<2x10000x128xf32, #tpu.memory_space<hbm>> -> memref<1x200x128xf32, #tpu.memory_space<hbm>>
        %dma_start3A_66 = tpu.memref_squeeze %dma_start3A_65 : memref<1x200x128xf32, #tpu.memory_space<hbm>> -> memref<200x128xf32, #tpu.memory_space<hbm>>
        %dma_start3A_67 = arith.constant 0 : i32
        %dma_start3A_68 = tpu.memref_slice %arg12[%mul3A_62, %dma_start3A_67] : memref<10000x128xf32, #tpu.memory_space<vmem_shared>> -> memref<200x128xf32, #tpu.memory_space<vmem_shared>>
        tpu.enqueue_dma source(%dma_start3A_68 : memref<200x128xf32, #tpu.memory_space<vmem_shared>>) target(%dma_start3A_66 : memref<200x128xf32, #tpu.memory_space<hbm>>) target_semaphore(%run_scoped3A : memref<!tpu.dma_semaphore, #tpu.memory_space<semaphore_mem>>)
        %dma_wait3A = arith.constant 0 : i32
        %dma_wait3A_69 = tpu.memref_slice %arg6[%arg0, %mul3A_64, %dma_wait3A] : memref<2x10000x128xf32, #tpu.memory_space<hbm>> -> memref<1x200x128xf32, #tpu.memory_space<hbm>>
        %dma_wait3A_70 = tpu.memref_squeeze %dma_wait3A_69 : memref<1x200x128xf32, #tpu.memory_space<hbm>> -> memref<200x128xf32, #tpu.memory_space<hbm>>
        %dma_wait3A_71 = arith.constant 0 : i32
        %dma_wait3A_72 = tpu.memref_slice %arg12[%mul3A_62, %dma_wait3A_71] : memref<10000x128xf32, #tpu.memory_space<vmem_shared>> -> memref<200x128xf32, #tpu.memory_space<vmem_shared>>
        tpu.wait_dma2 semaphore(%run_scoped3A : memref<!tpu.dma_semaphore, #tpu.memory_space<semaphore_mem>>) src(%dma_wait3A_72 : memref<200x128xf32, #tpu.memory_space<vmem_shared>>) dst(%dma_wait3A_70 : memref<200x128xf32, #tpu.memory_space<hbm>>)
        tpu.yield
      }) : () -> ()
    } else {
    }
    %add3A_47 = arith.constant 32 : i32
    %add3A_48 = arith.addi %arg1, %add3A_47 : i32
    %lt3A_49 = arith.constant 50 : i32
    %lt3A_50 = arith.cmpi slt, %add3A_48, %lt3A_49 : i32
    %convert_element_type3A_51 = arith.extui %lt3A_50 : i1 to i32
    %cond3A_52 = arith.constant 0 : i32
    %cond3A_53 = arith.cmpi ne, %convert_element_type3A_51, %cond3A_52 : i32
    scf.if %cond3A_53 {
      %mul3A_61 = arith.constant 200 : i32
      %mul3A_62 = arith.muli %add3A_48, %mul3A_61 : i32
      %mul3A_63 = arith.constant 200 : i32
      %mul3A_64 = arith.muli %add3A_48, %mul3A_63 : i32
      "tpu.region"() ({
        %run_scoped3A = tpu.sem_alloc : memref<!tpu.dma_semaphore, #tpu.memory_space<semaphore_mem>>
        %dma_start3A = arith.constant 0 : i32
        %dma_start3A_65 = tpu.memref_slice %arg6[%arg0, %mul3A_64, %dma_start3A] : memref<2x10000x128xf32, #tpu.memory_space<hbm>> -> memref<1x200x128xf32, #tpu.memory_space<hbm>>
        %dma_start3A_66 = tpu.memref_squeeze %dma_start3A_65 : memref<1x200x128xf32, #tpu.memory_space<hbm>> -> memref<200x128xf32, #tpu.memory_space<hbm>>
        %dma_start3A_67 = arith.constant 0 : i32
        %dma_start3A_68 = tpu.memref_slice %arg12[%mul3A_62, %dma_start3A_67] : memref<10000x128xf32, #tpu.memory_space<vmem_shared>> -> memref<200x128xf32, #tpu.memory_space<vmem_shared>>
        tpu.enqueue_dma source(%dma_start3A_68 : memref<200x128xf32, #tpu.memory_space<vmem_shared>>) target(%dma_start3A_66 : memref<200x128xf32, #tpu.memory_space<hbm>>) target_semaphore(%run_scoped3A : memref<!tpu.dma_semaphore, #tpu.memory_space<semaphore_mem>>)
        %dma_wait3A = arith.constant 0 : i32
        %dma_wait3A_69 = tpu.memref_slice %arg6[%arg0, %mul3A_64, %dma_wait3A] : memref<2x10000x128xf32, #tpu.memory_space<hbm>> -> memref<1x200x128xf32, #tpu.memory_space<hbm>>
        %dma_wait3A_70 = tpu.memref_squeeze %dma_wait3A_69 : memref<1x200x128xf32, #tpu.memory_space<hbm>> -> memref<200x128xf32, #tpu.memory_space<hbm>>
        %dma_wait3A_71 = arith.constant 0 : i32
        %dma_wait3A_72 = tpu.memref_slice %arg12[%mul3A_62, %dma_wait3A_71] : memref<10000x128xf32, #tpu.memory_space<vmem_shared>> -> memref<200x128xf32, #tpu.memory_space<vmem_shared>>
        tpu.wait_dma2 semaphore(%run_scoped3A : memref<!tpu.dma_semaphore, #tpu.memory_space<semaphore_mem>>) src(%dma_wait3A_72 : memref<200x128xf32, #tpu.memory_space<vmem_shared>>) dst(%dma_wait3A_70 : memref<200x128xf32, #tpu.memory_space<hbm>>)
        tpu.yield
      }) : () -> ()
    } else {
    }
    %add3A_54 = arith.constant 48 : i32
    %add3A_55 = arith.addi %arg1, %add3A_54 : i32
    %lt3A_56 = arith.constant 50 : i32
    %lt3A_57 = arith.cmpi slt, %add3A_55, %lt3A_56 : i32
    %convert_element_type3A_58 = arith.extui %lt3A_57 : i1 to i32
    %cond3A_59 = arith.constant 0 : i32
    %cond3A_60 = arith.cmpi ne, %convert_element_type3A_58, %cond3A_59 : i32
    scf.if %cond3A_60 {
      %mul3A_61 = arith.constant 200 : i32
      %mul3A_62 = arith.muli %add3A_55, %mul3A_61 : i32
      %mul3A_63 = arith.constant 200 : i32
      %mul3A_64 = arith.muli %add3A_55, %mul3A_63 : i32
      "tpu.region"() ({
        %run_scoped3A = tpu.sem_alloc : memref<!tpu.dma_semaphore, #tpu.memory_space<semaphore_mem>>
        %dma_start3A = arith.constant 0 : i32
        %dma_start3A_65 = tpu.memref_slice %arg6[%arg0, %mul3A_64, %dma_start3A] : memref<2x10000x128xf32, #tpu.memory_space<hbm>> -> memref<1x200x128xf32, #tpu.memory_space<hbm>>
        %dma_start3A_66 = tpu.memref_squeeze %dma_start3A_65 : memref<1x200x128xf32, #tpu.memory_space<hbm>> -> memref<200x128xf32, #tpu.memory_space<hbm>>
        %dma_start3A_67 = arith.constant 0 : i32
        %dma_start3A_68 = tpu.memref_slice %arg12[%mul3A_62, %dma_start3A_67] : memref<10000x128xf32, #tpu.memory_space<vmem_shared>> -> memref<200x128xf32, #tpu.memory_space<vmem_shared>>
        tpu.enqueue_dma source(%dma_start3A_68 : memref<200x128xf32, #tpu.memory_space<vmem_shared>>) target(%dma_start3A_66 : memref<200x128xf32, #tpu.memory_space<hbm>>) target_semaphore(%run_scoped3A : memref<!tpu.dma_semaphore, #tpu.memory_space<semaphore_mem>>)
        %dma_wait3A = arith.constant 0 : i32
        %dma_wait3A_69 = tpu.memref_slice %arg6[%arg0, %mul3A_64, %dma_wait3A] : memref<2x10000x128xf32, #tpu.memory_space<hbm>> -> memref<1x200x128xf32, #tpu.memory_space<hbm>>
        %dma_wait3A_70 = tpu.memref_squeeze %dma_wait3A_69 : memref<1x200x128xf32, #tpu.memory_space<hbm>> -> memref<200x128xf32, #tpu.memory_space<hbm>>
        %dma_wait3A_71 = arith.constant 0 : i32
        %dma_wait3A_72 = tpu.memref_slice %arg12[%mul3A_62, %dma_wait3A_71] : memref<10000x128xf32, #tpu.memory_space<vmem_shared>> -> memref<200x128xf32, #tpu.memory_space<vmem_shared>>
        tpu.wait_dma2 semaphore(%run_scoped3A : memref<!tpu.dma_semaphore, #tpu.memory_space<semaphore_mem>>) src(%dma_wait3A_72 : memref<200x128xf32, #tpu.memory_space<vmem_shared>>) dst(%dma_wait3A_70 : memref<200x128xf32, #tpu.memory_space<hbm>>)
        tpu.yield
      }) : () -> ()
    } else {
    }
    return
  }
}

#map = affine_map<(d0, d1) -> (0, 0)>
#map1 = affine_map<(d0, d1) -> (0)>
#map2 = affine_map<(d0, d1) -> (0, 0, 0)>
module attributes {stable_mosaic.version = 14 : i64} {
  func.func @hop_kernel(%arg0: i32, %arg1: i32, %arg2: memref<10000x128xf32, #tpu.memory_space<hbm>>, %arg3: memref<320000xi32, #tpu.memory_space<hbm>>, %arg4: memref<320000xi32, #tpu.memory_space<hbm>>, %arg5: memref<320000xf32, #tpu.memory_space<hbm>>, %arg6: memref<2x10000x128xf32, #tpu.memory_space<hbm>>, %arg7: memref<80xi32, #tpu.memory_space<vmem>>, %arg8: memref<80xi32, #tpu.memory_space<vmem>>, %arg9: memref<80xf32, #tpu.memory_space<vmem>>, %arg10: memref<80x128xf32, #tpu.memory_space<vmem>>, %arg11: memref<200x128xf32, #tpu.memory_space<vmem>>, %arg12: memref<10000x128xf32, #tpu.memory_space<vmem_shared>>, %arg13: memref<!tpu.dma_semaphore, #tpu.memory_space<semaphore_mem>>) attributes {dimension_semantics = [#tpu.dimension_semantics<core_parallel>, #tpu.dimension_semantics<subcore_parallel>], iteration_bounds = array<i64: 2, 16>, scalar_prefetch = 0 : i64, scratch_operands = 7 : i64, tpu.core_type = #tpu.core_type<sc_vector_subcore>, window_params = [{transform_indices = #map}, {transform_indices = #map1}, {transform_indices = #map1}, {transform_indices = #map1}, {transform_indices = #map2}]} {
    %mul3A = arith.constant 2 : i32
    %mul3A_0 = arith.muli %arg1, %mul3A : i32
    %add3A = arith.addi %mul3A_0, %arg0 : i32
    %broadcast_in_dim3A = arith.constant 0.000000e+00 : f32
    %broadcast_in_dim3A_1 = vector.broadcast %broadcast_in_dim3A : f32 to vector<16xf32>
    %add3A_2 = arith.constant 0 : i32
    %add3A_3 = arith.addi %arg1, %add3A_2 : i32
    %lt3A = arith.constant 50 : i32
    %lt3A_4 = arith.cmpi slt, %add3A_3, %lt3A : i32
    %convert_element_type3A = arith.extui %lt3A_4 : i1 to i32
    %cond3A = arith.constant 0 : i32
    %cond3A_5 = arith.cmpi ne, %convert_element_type3A, %cond3A : i32
    scf.if %cond3A_5 {
      %mul3A_61 = arith.constant 200 : i32
      %mul3A_62 = arith.muli %add3A_3, %mul3A_61 : i32
      "tpu.region"() ({
        %run_scoped3A = tpu.sem_alloc : memref<!tpu.dma_semaphore, #tpu.memory_space<semaphore_mem>>
        %dma_start3A = arith.constant 0 : i32
        %dma_start3A_63 = tpu.memref_slice %arg12[%mul3A_62, %dma_start3A] : memref<10000x128xf32, #tpu.memory_space<vmem_shared>> -> memref<200x128xf32, #tpu.memory_space<vmem_shared>>
        %dma_start3A_64 = arith.constant 0 : i32
        %dma_start3A_65 = tpu.memref_slice %arg12[%mul3A_62, %dma_start3A_64] : memref<10000x128xf32, #tpu.memory_space<vmem_shared>> -> memref<200x128xf32, #tpu.memory_space<vmem_shared>>
        tpu.enqueue_dma source(%arg11 : memref<200x128xf32, #tpu.memory_space<vmem>>) target(%dma_start3A_65 : memref<200x128xf32, #tpu.memory_space<vmem_shared>>) target_semaphore(%run_scoped3A : memref<!tpu.dma_semaphore, #tpu.memory_space<semaphore_mem>>)
        %dma_wait3A = arith.constant 0 : i32
        %dma_wait3A_66 = tpu.memref_slice %arg12[%mul3A_62, %dma_wait3A] : memref<10000x128xf32, #tpu.memory_space<vmem_shared>> -> memref<200x128xf32, #tpu.memory_space<vmem_shared>>
        %dma_wait3A_67 = arith.constant 0 : i32
        %dma_wait3A_68 = tpu.memref_slice %arg12[%mul3A_62, %dma_wait3A_67] : memref<10000x128xf32, #tpu.memory_space<vmem_shared>> -> memref<200x128xf32, #tpu.memory_space<vmem_shared>>
        tpu.wait_dma2 semaphore(%run_scoped3A : memref<!tpu.dma_semaphore, #tpu.memory_space<semaphore_mem>>) src(%arg11 : memref<200x128xf32, #tpu.memory_space<vmem>>) dst(%dma_wait3A_68 : memref<200x128xf32, #tpu.memory_space<vmem_shared>>)
        tpu.yield
      }) : () -> ()
    } else {
    }
    %add3A_6 = arith.constant 16 : i32
    %add3A_7 = arith.addi %arg1, %add3A_6 : i32
    %lt3A_8 = arith.constant 50 : i32
    %lt3A_9 = arith.cmpi slt, %add3A_7, %lt3A_8 : i32
    %convert_element_type3A_10 = arith.extui %lt3A_9 : i1 to i32
    %cond3A_11 = arith.constant 0 : i32
    %cond3A_12 = arith.cmpi ne, %convert_element_type3A_10, %cond3A_11 : i32
    scf.if %cond3A_12 {
      %mul3A_61 = arith.constant 200 : i32
      %mul3A_62 = arith.muli %add3A_7, %mul3A_61 : i32
      "tpu.region"() ({
        %run_scoped3A = tpu.sem_alloc : memref<!tpu.dma_semaphore, #tpu.memory_space<semaphore_mem>>
        %dma_start3A = arith.constant 0 : i32
        %dma_start3A_63 = tpu.memref_slice %arg12[%mul3A_62, %dma_start3A] : memref<10000x128xf32, #tpu.memory_space<vmem_shared>> -> memref<200x128xf32, #tpu.memory_space<vmem_shared>>
        %dma_start3A_64 = arith.constant 0 : i32
        %dma_start3A_65 = tpu.memref_slice %arg12[%mul3A_62, %dma_start3A_64] : memref<10000x128xf32, #tpu.memory_space<vmem_shared>> -> memref<200x128xf32, #tpu.memory_space<vmem_shared>>
        tpu.enqueue_dma source(%arg11 : memref<200x128xf32, #tpu.memory_space<vmem>>) target(%dma_start3A_65 : memref<200x128xf32, #tpu.memory_space<vmem_shared>>) target_semaphore(%run_scoped3A : memref<!tpu.dma_semaphore, #tpu.memory_space<semaphore_mem>>)
        %dma_wait3A = arith.constant 0 : i32
        %dma_wait3A_66 = tpu.memref_slice %arg12[%mul3A_62, %dma_wait3A] : memref<10000x128xf32, #tpu.memory_space<vmem_shared>> -> memref<200x128xf32, #tpu.memory_space<vmem_shared>>
        %dma_wait3A_67 = arith.constant 0 : i32
        %dma_wait3A_68 = tpu.memref_slice %arg12[%mul3A_62, %dma_wait3A_67] : memref<10000x128xf32, #tpu.memory_space<vmem_shared>> -> memref<200x128xf32, #tpu.memory_space<vmem_shared>>
        tpu.wait_dma2 semaphore(%run_scoped3A : memref<!tpu.dma_semaphore, #tpu.memory_space<semaphore_mem>>) src(%arg11 : memref<200x128xf32, #tpu.memory_space<vmem>>) dst(%dma_wait3A_68 : memref<200x128xf32, #tpu.memory_space<vmem_shared>>)
        tpu.yield
      }) : () -> ()
    } else {
    }
    %add3A_13 = arith.constant 32 : i32
    %add3A_14 = arith.addi %arg1, %add3A_13 : i32
    %lt3A_15 = arith.constant 50 : i32
    %lt3A_16 = arith.cmpi slt, %add3A_14, %lt3A_15 : i32
    %convert_element_type3A_17 = arith.extui %lt3A_16 : i1 to i32
    %cond3A_18 = arith.constant 0 : i32
    %cond3A_19 = arith.cmpi ne, %convert_element_type3A_17, %cond3A_18 : i32
    scf.if %cond3A_19 {
      %mul3A_61 = arith.constant 200 : i32
      %mul3A_62 = arith.muli %add3A_14, %mul3A_61 : i32
      "tpu.region"() ({
        %run_scoped3A = tpu.sem_alloc : memref<!tpu.dma_semaphore, #tpu.memory_space<semaphore_mem>>
        %dma_start3A = arith.constant 0 : i32
        %dma_start3A_63 = tpu.memref_slice %arg12[%mul3A_62, %dma_start3A] : memref<10000x128xf32, #tpu.memory_space<vmem_shared>> -> memref<200x128xf32, #tpu.memory_space<vmem_shared>>
        %dma_start3A_64 = arith.constant 0 : i32
        %dma_start3A_65 = tpu.memref_slice %arg12[%mul3A_62, %dma_start3A_64] : memref<10000x128xf32, #tpu.memory_space<vmem_shared>> -> memref<200x128xf32, #tpu.memory_space<vmem_shared>>
        tpu.enqueue_dma source(%arg11 : memref<200x128xf32, #tpu.memory_space<vmem>>) target(%dma_start3A_65 : memref<200x128xf32, #tpu.memory_space<vmem_shared>>) target_semaphore(%run_scoped3A : memref<!tpu.dma_semaphore, #tpu.memory_space<semaphore_mem>>)
        %dma_wait3A = arith.constant 0 : i32
        %dma_wait3A_66 = tpu.memref_slice %arg12[%mul3A_62, %dma_wait3A] : memref<10000x128xf32, #tpu.memory_space<vmem_shared>> -> memref<200x128xf32, #tpu.memory_space<vmem_shared>>
        %dma_wait3A_67 = arith.constant 0 : i32
        %dma_wait3A_68 = tpu.memref_slice %arg12[%mul3A_62, %dma_wait3A_67] : memref<10000x128xf32, #tpu.memory_space<vmem_shared>> -> memref<200x128xf32, #tpu.memory_space<vmem_shared>>
        tpu.wait_dma2 semaphore(%run_scoped3A : memref<!tpu.dma_semaphore, #tpu.memory_space<semaphore_mem>>) src(%arg11 : memref<200x128xf32, #tpu.memory_space<vmem>>) dst(%dma_wait3A_68 : memref<200x128xf32, #tpu.memory_space<vmem_shared>>)
        tpu.yield
      }) : () -> ()
    } else {
    }
    %add3A_20 = arith.constant 48 : i32
    %add3A_21 = arith.addi %arg1, %add3A_20 : i32
    %lt3A_22 = arith.constant 50 : i32
    %lt3A_23 = arith.cmpi slt, %add3A_21, %lt3A_22 : i32
    %convert_element_type3A_24 = arith.extui %lt3A_23 : i1 to i32
    %cond3A_25 = arith.constant 0 : i32
    %cond3A_26 = arith.cmpi ne, %convert_element_type3A_24, %cond3A_25 : i32
    scf.if %cond3A_26 {
      %mul3A_61 = arith.constant 200 : i32
      %mul3A_62 = arith.muli %add3A_21, %mul3A_61 : i32
      "tpu.region"() ({
        %run_scoped3A = tpu.sem_alloc : memref<!tpu.dma_semaphore, #tpu.memory_space<semaphore_mem>>
        %dma_start3A = arith.constant 0 : i32
        %dma_start3A_63 = tpu.memref_slice %arg12[%mul3A_62, %dma_start3A] : memref<10000x128xf32, #tpu.memory_space<vmem_shared>> -> memref<200x128xf32, #tpu.memory_space<vmem_shared>>
        %dma_start3A_64 = arith.constant 0 : i32
        %dma_start3A_65 = tpu.memref_slice %arg12[%mul3A_62, %dma_start3A_64] : memref<10000x128xf32, #tpu.memory_space<vmem_shared>> -> memref<200x128xf32, #tpu.memory_space<vmem_shared>>
        tpu.enqueue_dma source(%arg11 : memref<200x128xf32, #tpu.memory_space<vmem>>) target(%dma_start3A_65 : memref<200x128xf32, #tpu.memory_space<vmem_shared>>) target_semaphore(%run_scoped3A : memref<!tpu.dma_semaphore, #tpu.memory_space<semaphore_mem>>)
        %dma_wait3A = arith.constant 0 : i32
        %dma_wait3A_66 = tpu.memref_slice %arg12[%mul3A_62, %dma_wait3A] : memref<10000x128xf32, #tpu.memory_space<vmem_shared>> -> memref<200x128xf32, #tpu.memory_space<vmem_shared>>
        %dma_wait3A_67 = arith.constant 0 : i32
        %dma_wait3A_68 = tpu.memref_slice %arg12[%mul3A_62, %dma_wait3A_67] : memref<10000x128xf32, #tpu.memory_space<vmem_shared>> -> memref<200x128xf32, #tpu.memory_space<vmem_shared>>
        tpu.wait_dma2 semaphore(%run_scoped3A : memref<!tpu.dma_semaphore, #tpu.memory_space<semaphore_mem>>) src(%arg11 : memref<200x128xf32, #tpu.memory_space<vmem>>) dst(%dma_wait3A_68 : memref<200x128xf32, #tpu.memory_space<vmem_shared>>)
        tpu.yield
      }) : () -> ()
    } else {
    }
    %barrier3A = arith.constant 0 : index
    tpu.barrier barrier_id(%barrier3A)
    %scan3A = arith.constant 0 : i32
    %scan3A_27 = arith.constant 0 : i32
    %scan3A_28 = arith.constant 125 : i32
    %scan3A_29 = arith.addi %scan3A_27, %scan3A_28 : i32
    %scan3A_30 = arith.constant 1 : i32
    scf.for %scan3A_61 = %scan3A_27 to %scan3A_29 step %scan3A_30  : i32 {
      %mul3A_62 = arith.constant 10000 : i32
      %mul3A_63 = arith.muli %add3A, %mul3A_62 : i32
      %mul3A_64 = arith.constant 80 : i32
      %mul3A_65 = arith.muli %scan3A_61, %mul3A_64 : i32
      %add3A_66 = arith.addi %mul3A_63, %mul3A_65 : i32
      "tpu.region"() ({
        %run_scoped3A = tpu.sem_alloc : memref<!tpu.dma_semaphore, #tpu.memory_space<semaphore_mem>>
        %dma_start3A_71 = tpu.memref_slice %arg3[%add3A_66] : memref<320000xi32, #tpu.memory_space<hbm>> -> memref<80xi32, #tpu.memory_space<hbm>>
        %dma_start3A_72 = tpu.memref_slice %arg3[%add3A_66] : memref<320000xi32, #tpu.memory_space<hbm>> -> memref<80xi32, #tpu.memory_space<hbm>>
        tpu.enqueue_dma source(%dma_start3A_72 : memref<80xi32, #tpu.memory_space<hbm>>) target(%arg7 : memref<80xi32, #tpu.memory_space<vmem>>) target_semaphore(%run_scoped3A : memref<!tpu.dma_semaphore, #tpu.memory_space<semaphore_mem>>)
        %dma_wait3A_73 = tpu.memref_slice %arg3[%add3A_66] : memref<320000xi32, #tpu.memory_space<hbm>> -> memref<80xi32, #tpu.memory_space<hbm>>
        %dma_wait3A_74 = tpu.memref_slice %arg3[%add3A_66] : memref<320000xi32, #tpu.memory_space<hbm>> -> memref<80xi32, #tpu.memory_space<hbm>>
        tpu.wait_dma2 semaphore(%run_scoped3A : memref<!tpu.dma_semaphore, #tpu.memory_space<semaphore_mem>>) src(%dma_wait3A_74 : memref<80xi32, #tpu.memory_space<hbm>>) dst(%arg7 : memref<80xi32, #tpu.memory_space<vmem>>)
        tpu.yield
      }) : () -> ()
      "tpu.region"() ({
        %run_scoped3A = tpu.sem_alloc : memref<!tpu.dma_semaphore, #tpu.memory_space<semaphore_mem>>
        %dma_start3A_71 = tpu.memref_slice %arg4[%add3A_66] : memref<320000xi32, #tpu.memory_space<hbm>> -> memref<80xi32, #tpu.memory_space<hbm>>
        %dma_start3A_72 = tpu.memref_slice %arg4[%add3A_66] : memref<320000xi32, #tpu.memory_space<hbm>> -> memref<80xi32, #tpu.memory_space<hbm>>
        tpu.enqueue_dma source(%dma_start3A_72 : memref<80xi32, #tpu.memory_space<hbm>>) target(%arg8 : memref<80xi32, #tpu.memory_space<vmem>>) target_semaphore(%run_scoped3A : memref<!tpu.dma_semaphore, #tpu.memory_space<semaphore_mem>>)
        %dma_wait3A_73 = tpu.memref_slice %arg4[%add3A_66] : memref<320000xi32, #tpu.memory_space<hbm>> -> memref<80xi32, #tpu.memory_space<hbm>>
        %dma_wait3A_74 = tpu.memref_slice %arg4[%add3A_66] : memref<320000xi32, #tpu.memory_space<hbm>> -> memref<80xi32, #tpu.memory_space<hbm>>
        tpu.wait_dma2 semaphore(%run_scoped3A : memref<!tpu.dma_semaphore, #tpu.memory_space<semaphore_mem>>) src(%dma_wait3A_74 : memref<80xi32, #tpu.memory_space<hbm>>) dst(%arg8 : memref<80xi32, #tpu.memory_space<vmem>>)
        tpu.yield
      }) : () -> ()
      "tpu.region"() ({
        %run_scoped3A = tpu.sem_alloc : memref<!tpu.dma_semaphore, #tpu.memory_space<semaphore_mem>>
        %dma_start3A_71 = tpu.memref_slice %arg5[%add3A_66] : memref<320000xf32, #tpu.memory_space<hbm>> -> memref<80xf32, #tpu.memory_space<hbm>>
        %dma_start3A_72 = tpu.memref_slice %arg5[%add3A_66] : memref<320000xf32, #tpu.memory_space<hbm>> -> memref<80xf32, #tpu.memory_space<hbm>>
        tpu.enqueue_dma source(%dma_start3A_72 : memref<80xf32, #tpu.memory_space<hbm>>) target(%arg9 : memref<80xf32, #tpu.memory_space<vmem>>) target_semaphore(%run_scoped3A : memref<!tpu.dma_semaphore, #tpu.memory_space<semaphore_mem>>)
        %dma_wait3A_73 = tpu.memref_slice %arg5[%add3A_66] : memref<320000xf32, #tpu.memory_space<hbm>> -> memref<80xf32, #tpu.memory_space<hbm>>
        %dma_wait3A_74 = tpu.memref_slice %arg5[%add3A_66] : memref<320000xf32, #tpu.memory_space<hbm>> -> memref<80xf32, #tpu.memory_space<hbm>>
        tpu.wait_dma2 semaphore(%run_scoped3A : memref<!tpu.dma_semaphore, #tpu.memory_space<semaphore_mem>>) src(%dma_wait3A_74 : memref<80xf32, #tpu.memory_space<hbm>>) dst(%arg9 : memref<80xf32, #tpu.memory_space<vmem>>)
        tpu.yield
      }) : () -> ()
      %dma_start3A = arith.constant 0 : i32
      %dma_start3A_67 = arith.constant 0 : i32
      %dma_start3A_68 = tpu.memref_slice %arg2[%dma_start3A, %dma_start3A_67] : memref<10000x128xf32, #tpu.memory_space<hbm>> -> memref<10000x128xf32, #tpu.memory_space<hbm>>
      tpu.enqueue_indirect_dma source(%dma_start3A_68 : memref<10000x128xf32, #tpu.memory_space<hbm>>) target(%arg10 : memref<80x128xf32, #tpu.memory_space<vmem>>) offsets(%arg7 : memref<80xi32, #tpu.memory_space<vmem>>) semaphore(%arg13 : memref<!tpu.dma_semaphore, #tpu.memory_space<semaphore_mem>>)
      %dma_wait3A = arith.constant 0 : i32
      %dma_wait3A_69 = arith.constant 0 : i32
      %dma_wait3A_70 = tpu.memref_slice %arg2[%dma_wait3A, %dma_wait3A_69] : memref<10000x128xf32, #tpu.memory_space<hbm>> -> memref<10000x128xf32, #tpu.memory_space<hbm>>
      tpu.wait_indirect_dma semaphore(%arg13 : memref<!tpu.dma_semaphore, #tpu.memory_space<semaphore_mem>>) src(%dma_wait3A_70 : memref<10000x128xf32, #tpu.memory_space<hbm>>) dst(%arg10 : memref<80x128xf32, #tpu.memory_space<vmem>>)
      "tpu.region"() ({
        %run_scoped3A = tpu.sem_alloc : memref<!tpu.dma_semaphore, #tpu.memory_space<semaphore_mem>>
        %dma_start3A_71 = arith.constant 0 : i32
        %dma_start3A_72 = arith.constant 0 : i32
        %dma_start3A_73 = tpu.memref_slice %arg12[%dma_start3A_71, %dma_start3A_72] : memref<10000x128xf32, #tpu.memory_space<vmem_shared>> -> memref<10000x128xf32, #tpu.memory_space<vmem_shared>>
        tpu.enqueue_indirect_dma source(%arg10 : memref<80x128xf32, #tpu.memory_space<vmem>>) target(%dma_start3A_73 : memref<10000x128xf32, #tpu.memory_space<vmem_shared>>) offsets(%arg8 : memref<80xi32, #tpu.memory_space<vmem>>) semaphore(%run_scoped3A : memref<!tpu.dma_semaphore, #tpu.memory_space<semaphore_mem>>) {add = true}
        %dma_wait3A_74 = arith.constant 0 : i32
        %dma_wait3A_75 = arith.constant 0 : i32
        %dma_wait3A_76 = tpu.memref_slice %arg12[%dma_wait3A_74, %dma_wait3A_75] : memref<10000x128xf32, #tpu.memory_space<vmem_shared>> -> memref<10000x128xf32, #tpu.memory_space<vmem_shared>>
        tpu.wait_indirect_dma semaphore(%run_scoped3A : memref<!tpu.dma_semaphore, #tpu.memory_space<semaphore_mem>>) src(%arg10 : memref<80x128xf32, #tpu.memory_space<vmem>>) dst(%dma_wait3A_76 : memref<10000x128xf32, #tpu.memory_space<vmem_shared>>)
        tpu.yield
      }) : () -> ()
    }
    %scan3A_31 = arith.constant 125 : i32
    %barrier3A_32 = arith.constant 0 : index
    tpu.barrier barrier_id(%barrier3A_32)
    %add3A_33 = arith.constant 0 : i32
    %add3A_34 = arith.addi %arg1, %add3A_33 : i32
    %lt3A_35 = arith.constant 50 : i32
    %lt3A_36 = arith.cmpi slt, %add3A_34, %lt3A_35 : i32
    %convert_element_type3A_37 = arith.extui %lt3A_36 : i1 to i32
    %cond3A_38 = arith.constant 0 : i32
    %cond3A_39 = arith.cmpi ne, %convert_element_type3A_37, %cond3A_38 : i32
    scf.if %cond3A_39 {
      %mul3A_61 = arith.constant 200 : i32
      %mul3A_62 = arith.muli %add3A_34, %mul3A_61 : i32
      %mul3A_63 = arith.constant 200 : i32
      %mul3A_64 = arith.muli %add3A_34, %mul3A_63 : i32
      "tpu.region"() ({
        %run_scoped3A = tpu.sem_alloc : memref<!tpu.dma_semaphore, #tpu.memory_space<semaphore_mem>>
        %dma_start3A = arith.constant 0 : i32
        %dma_start3A_65 = tpu.memref_slice %arg6[%arg0, %mul3A_64, %dma_start3A] : memref<2x10000x128xf32, #tpu.memory_space<hbm>> -> memref<1x200x128xf32, #tpu.memory_space<hbm>>
        %dma_start3A_66 = tpu.memref_squeeze %dma_start3A_65 : memref<1x200x128xf32, #tpu.memory_space<hbm>> -> memref<200x128xf32, #tpu.memory_space<hbm>>
        %dma_start3A_67 = arith.constant 0 : i32
        %dma_start3A_68 = tpu.memref_slice %arg12[%mul3A_62, %dma_start3A_67] : memref<10000x128xf32, #tpu.memory_space<vmem_shared>> -> memref<200x128xf32, #tpu.memory_space<vmem_shared>>
        tpu.enqueue_dma source(%dma_start3A_68 : memref<200x128xf32, #tpu.memory_space<vmem_shared>>) target(%dma_start3A_66 : memref<200x128xf32, #tpu.memory_space<hbm>>) target_semaphore(%run_scoped3A : memref<!tpu.dma_semaphore, #tpu.memory_space<semaphore_mem>>)
        %dma_wait3A = arith.constant 0 : i32
        %dma_wait3A_69 = tpu.memref_slice %arg6[%arg0, %mul3A_64, %dma_wait3A] : memref<2x10000x128xf32, #tpu.memory_space<hbm>> -> memref<1x200x128xf32, #tpu.memory_space<hbm>>
        %dma_wait3A_70 = tpu.memref_squeeze %dma_wait3A_69 : memref<1x200x128xf32, #tpu.memory_space<hbm>> -> memref<200x128xf32, #tpu.memory_space<hbm>>
        %dma_wait3A_71 = arith.constant 0 : i32
        %dma_wait3A_72 = tpu.memref_slice %arg12[%mul3A_62, %dma_wait3A_71] : memref<10000x128xf32, #tpu.memory_space<vmem_shared>> -> memref<200x128xf32, #tpu.memory_space<vmem_shared>>
        tpu.wait_dma2 semaphore(%run_scoped3A : memref<!tpu.dma_semaphore, #tpu.memory_space<semaphore_mem>>) src(%dma_wait3A_72 : memref<200x128xf32, #tpu.memory_space<vmem_shared>>) dst(%dma_wait3A_70 : memref<200x128xf32, #tpu.memory_space<hbm>>)
        tpu.yield
      }) : () -> ()
    } else {
    }
    %add3A_40 = arith.constant 16 : i32
    %add3A_41 = arith.addi %arg1, %add3A_40 : i32
    %lt3A_42 = arith.constant 50 : i32
    %lt3A_43 = arith.cmpi slt, %add3A_41, %lt3A_42 : i32
    %convert_element_type3A_44 = arith.extui %lt3A_43 : i1 to i32
    %cond3A_45 = arith.constant 0 : i32
    %cond3A_46 = arith.cmpi ne, %convert_element_type3A_44, %cond3A_45 : i32
    scf.if %cond3A_46 {
      %mul3A_61 = arith.constant 200 : i32
      %mul3A_62 = arith.muli %add3A_41, %mul3A_61 : i32
      %mul3A_63 = arith.constant 200 : i32
      %mul3A_64 = arith.muli %add3A_41, %mul3A_63 : i32
      "tpu.region"() ({
        %run_scoped3A = tpu.sem_alloc : memref<!tpu.dma_semaphore, #tpu.memory_space<semaphore_mem>>
        %dma_start3A = arith.constant 0 : i32
        %dma_start3A_65 = tpu.memref_slice %arg6[%arg0, %mul3A_64, %dma_start3A] : memref<2x10000x128xf32, #tpu.memory_space<hbm>> -> memref<1x200x128xf32, #tpu.memory_space<hbm>>
        %dma_start3A_66 = tpu.memref_squeeze %dma_start3A_65 : memref<1x200x128xf32, #tpu.memory_space<hbm>> -> memref<200x128xf32, #tpu.memory_space<hbm>>
        %dma_start3A_67 = arith.constant 0 : i32
        %dma_start3A_68 = tpu.memref_slice %arg12[%mul3A_62, %dma_start3A_67] : memref<10000x128xf32, #tpu.memory_space<vmem_shared>> -> memref<200x128xf32, #tpu.memory_space<vmem_shared>>
        tpu.enqueue_dma source(%dma_start3A_68 : memref<200x128xf32, #tpu.memory_space<vmem_shared>>) target(%dma_start3A_66 : memref<200x128xf32, #tpu.memory_space<hbm>>) target_semaphore(%run_scoped3A : memref<!tpu.dma_semaphore, #tpu.memory_space<semaphore_mem>>)
        %dma_wait3A = arith.constant 0 : i32
        %dma_wait3A_69 = tpu.memref_slice %arg6[%arg0, %mul3A_64, %dma_wait3A] : memref<2x10000x128xf32, #tpu.memory_space<hbm>> -> memref<1x200x128xf32, #tpu.memory_space<hbm>>
        %dma_wait3A_70 = tpu.memref_squeeze %dma_wait3A_69 : memref<1x200x128xf32, #tpu.memory_space<hbm>> -> memref<200x128xf32, #tpu.memory_space<hbm>>
        %dma_wait3A_71 = arith.constant 0 : i32
        %dma_wait3A_72 = tpu.memref_slice %arg12[%mul3A_62, %dma_wait3A_71] : memref<10000x128xf32, #tpu.memory_space<vmem_shared>> -> memref<200x128xf32, #tpu.memory_space<vmem_shared>>
        tpu.wait_dma2 semaphore(%run_scoped3A : memref<!tpu.dma_semaphore, #tpu.memory_space<semaphore_mem>>) src(%dma_wait3A_72 : memref<200x128xf32, #tpu.memory_space<vmem_shared>>) dst(%dma_wait3A_70 : memref<200x128xf32, #tpu.memory_space<hbm>>)
        tpu.yield
      }) : () -> ()
    } else {
    }
    %add3A_47 = arith.constant 32 : i32
    %add3A_48 = arith.addi %arg1, %add3A_47 : i32
    %lt3A_49 = arith.constant 50 : i32
    %lt3A_50 = arith.cmpi slt, %add3A_48, %lt3A_49 : i32
    %convert_element_type3A_51 = arith.extui %lt3A_50 : i1 to i32
    %cond3A_52 = arith.constant 0 : i32
    %cond3A_53 = arith.cmpi ne, %convert_element_type3A_51, %cond3A_52 : i32
    scf.if %cond3A_53 {
      %mul3A_61 = arith.constant 200 : i32
      %mul3A_62 = arith.muli %add3A_48, %mul3A_61 : i32
      %mul3A_63 = arith.constant 200 : i32
      %mul3A_64 = arith.muli %add3A_48, %mul3A_63 : i32
      "tpu.region"() ({
        %run_scoped3A = tpu.sem_alloc : memref<!tpu.dma_semaphore, #tpu.memory_space<semaphore_mem>>
        %dma_start3A = arith.constant 0 : i32
        %dma_start3A_65 = tpu.memref_slice %arg6[%arg0, %mul3A_64, %dma_start3A] : memref<2x10000x128xf32, #tpu.memory_space<hbm>> -> memref<1x200x128xf32, #tpu.memory_space<hbm>>
        %dma_start3A_66 = tpu.memref_squeeze %dma_start3A_65 : memref<1x200x128xf32, #tpu.memory_space<hbm>> -> memref<200x128xf32, #tpu.memory_space<hbm>>
        %dma_start3A_67 = arith.constant 0 : i32
        %dma_start3A_68 = tpu.memref_slice %arg12[%mul3A_62, %dma_start3A_67] : memref<10000x128xf32, #tpu.memory_space<vmem_shared>> -> memref<200x128xf32, #tpu.memory_space<vmem_shared>>
        tpu.enqueue_dma source(%dma_start3A_68 : memref<200x128xf32, #tpu.memory_space<vmem_shared>>) target(%dma_start3A_66 : memref<200x128xf32, #tpu.memory_space<hbm>>) target_semaphore(%run_scoped3A : memref<!tpu.dma_semaphore, #tpu.memory_space<semaphore_mem>>)
        %dma_wait3A = arith.constant 0 : i32
        %dma_wait3A_69 = tpu.memref_slice %arg6[%arg0, %mul3A_64, %dma_wait3A] : memref<2x10000x128xf32, #tpu.memory_space<hbm>> -> memref<1x200x128xf32, #tpu.memory_space<hbm>>
        %dma_wait3A_70 = tpu.memref_squeeze %dma_wait3A_69 : memref<1x200x128xf32, #tpu.memory_space<hbm>> -> memref<200x128xf32, #tpu.memory_space<hbm>>
        %dma_wait3A_71 = arith.constant 0 : i32
        %dma_wait3A_72 = tpu.memref_slice %arg12[%mul3A_62, %dma_wait3A_71] : memref<10000x128xf32, #tpu.memory_space<vmem_shared>> -> memref<200x128xf32, #tpu.memory_space<vmem_shared>>
        tpu.wait_dma2 semaphore(%run_scoped3A : memref<!tpu.dma_semaphore, #tpu.memory_space<semaphore_mem>>) src(%dma_wait3A_72 : memref<200x128xf32, #tpu.memory_space<vmem_shared>>) dst(%dma_wait3A_70 : memref<200x128xf32, #tpu.memory_space<hbm>>)
        tpu.yield
      }) : () -> ()
    } else {
    }
    %add3A_54 = arith.constant 48 : i32
    %add3A_55 = arith.addi %arg1, %add3A_54 : i32
    %lt3A_56 = arith.constant 50 : i32
    %lt3A_57 = arith.cmpi slt, %add3A_55, %lt3A_56 : i32
    %convert_element_type3A_58 = arith.extui %lt3A_57 : i1 to i32
    %cond3A_59 = arith.constant 0 : i32
    %cond3A_60 = arith.cmpi ne, %convert_element_type3A_58, %cond3A_59 : i32
    scf.if %cond3A_60 {
      %mul3A_61 = arith.constant 200 : i32
      %mul3A_62 = arith.muli %add3A_55, %mul3A_61 : i32
      %mul3A_63 = arith.constant 200 : i32
      %mul3A_64 = arith.muli %add3A_55, %mul3A_63 : i32
      "tpu.region"() ({
        %run_scoped3A = tpu.sem_alloc : memref<!tpu.dma_semaphore, #tpu.memory_space<semaphore_mem>>
        %dma_start3A = arith.constant 0 : i32
        %dma_start3A_65 = tpu.memref_slice %arg6[%arg0, %mul3A_64, %dma_start3A] : memref<2x10000x128xf32, #tpu.memory_space<hbm>> -> memref<1x200x128xf32, #tpu.memory_space<hbm>>
        %dma_start3A_66 = tpu.memref_squeeze %dma_start3A_65 : memref<1x200x128xf32, #tpu.memory_space<hbm>> -> memref<200x128xf32, #tpu.memory_space<hbm>>
        %dma_start3A_67 = arith.constant 0 : i32
        %dma_start3A_68 = tpu.memref_slice %arg12[%mul3A_62, %dma_start3A_67] : memref<10000x128xf32, #tpu.memory_space<vmem_shared>> -> memref<200x128xf32, #tpu.memory_space<vmem_shared>>
        tpu.enqueue_dma source(%dma_start3A_68 : memref<200x128xf32, #tpu.memory_space<vmem_shared>>) target(%dma_start3A_66 : memref<200x128xf32, #tpu.memory_space<hbm>>) target_semaphore(%run_scoped3A : memref<!tpu.dma_semaphore, #tpu.memory_space<semaphore_mem>>)
        %dma_wait3A = arith.constant 0 : i32
        %dma_wait3A_69 = tpu.memref_slice %arg6[%arg0, %mul3A_64, %dma_wait3A] : memref<2x10000x128xf32, #tpu.memory_space<hbm>> -> memref<1x200x128xf32, #tpu.memory_space<hbm>>
        %dma_wait3A_70 = tpu.memref_squeeze %dma_wait3A_69 : memref<1x200x128xf32, #tpu.memory_space<hbm>> -> memref<200x128xf32, #tpu.memory_space<hbm>>
        %dma_wait3A_71 = arith.constant 0 : i32
        %dma_wait3A_72 = tpu.memref_slice %arg12[%mul3A_62, %dma_wait3A_71] : memref<10000x128xf32, #tpu.memory_space<vmem_shared>> -> memref<200x128xf32, #tpu.memory_space<vmem_shared>>
        tpu.wait_dma2 semaphore(%run_scoped3A : memref<!tpu.dma_semaphore, #tpu.memory_space<semaphore_mem>>) src(%dma_wait3A_72 : memref<200x128xf32, #tpu.memory_space<vmem_shared>>) dst(%dma_wait3A_70 : memref<200x128xf32, #tpu.memory_space<hbm>>)
        tpu.yield
      }) : () -> ()
    } else {
    }
    return
  }
}

#map = affine_map<(d0, d1) -> (0, 0)>
#map1 = affine_map<(d0, d1) -> (0)>
#map2 = affine_map<(d0, d1) -> (0, 0, 0)>
module attributes {stable_mosaic.version = 14 : i64} {
  func.func @hop_kernel(%arg0: i32, %arg1: i32, %arg2: memref<10000x128xf32, #tpu.memory_space<hbm>>, %arg3: memref<320000xi32, #tpu.memory_space<hbm>>, %arg4: memref<320000xi32, #tpu.memory_space<hbm>>, %arg5: memref<320000xf32, #tpu.memory_space<hbm>>, %arg6: memref<2x10000x128xf32, #tpu.memory_space<hbm>>, %arg7: memref<80xi32, #tpu.memory_space<vmem>>, %arg8: memref<80xi32, #tpu.memory_space<vmem>>, %arg9: memref<80xf32, #tpu.memory_space<vmem>>, %arg10: memref<80x128xf32, #tpu.memory_space<vmem>>, %arg11: memref<200x128xf32, #tpu.memory_space<vmem>>, %arg12: memref<10000x128xf32, #tpu.memory_space<vmem_shared>>, %arg13: memref<!tpu.dma_semaphore, #tpu.memory_space<semaphore_mem>>) attributes {dimension_semantics = [#tpu.dimension_semantics<core_parallel>, #tpu.dimension_semantics<subcore_parallel>], iteration_bounds = array<i64: 2, 16>, scalar_prefetch = 0 : i64, scratch_operands = 7 : i64, tpu.core_type = #tpu.core_type<sc_vector_subcore>, window_params = [{transform_indices = #map}, {transform_indices = #map1}, {transform_indices = #map1}, {transform_indices = #map1}, {transform_indices = #map2}]} {
    %mul3A = arith.constant 2 : i32
    %mul3A_0 = arith.muli %arg1, %mul3A : i32
    %add3A = arith.addi %mul3A_0, %arg0 : i32
    %broadcast_in_dim3A = arith.constant 0.000000e+00 : f32
    %broadcast_in_dim3A_1 = vector.broadcast %broadcast_in_dim3A : f32 to vector<16xf32>
    %add3A_2 = arith.constant 0 : i32
    %add3A_3 = arith.addi %arg1, %add3A_2 : i32
    %lt3A = arith.constant 50 : i32
    %lt3A_4 = arith.cmpi slt, %add3A_3, %lt3A : i32
    %convert_element_type3A = arith.extui %lt3A_4 : i1 to i32
    %cond3A = arith.constant 0 : i32
    %cond3A_5 = arith.cmpi ne, %convert_element_type3A, %cond3A : i32
    scf.if %cond3A_5 {
      %mul3A_61 = arith.constant 200 : i32
      %mul3A_62 = arith.muli %add3A_3, %mul3A_61 : i32
      "tpu.region"() ({
        %run_scoped3A = tpu.sem_alloc : memref<!tpu.dma_semaphore, #tpu.memory_space<semaphore_mem>>
        %dma_start3A = arith.constant 0 : i32
        %dma_start3A_63 = tpu.memref_slice %arg12[%mul3A_62, %dma_start3A] : memref<10000x128xf32, #tpu.memory_space<vmem_shared>> -> memref<200x128xf32, #tpu.memory_space<vmem_shared>>
        %dma_start3A_64 = arith.constant 0 : i32
        %dma_start3A_65 = tpu.memref_slice %arg12[%mul3A_62, %dma_start3A_64] : memref<10000x128xf32, #tpu.memory_space<vmem_shared>> -> memref<200x128xf32, #tpu.memory_space<vmem_shared>>
        tpu.enqueue_dma source(%arg11 : memref<200x128xf32, #tpu.memory_space<vmem>>) target(%dma_start3A_65 : memref<200x128xf32, #tpu.memory_space<vmem_shared>>) target_semaphore(%run_scoped3A : memref<!tpu.dma_semaphore, #tpu.memory_space<semaphore_mem>>)
        %dma_wait3A = arith.constant 0 : i32
        %dma_wait3A_66 = tpu.memref_slice %arg12[%mul3A_62, %dma_wait3A] : memref<10000x128xf32, #tpu.memory_space<vmem_shared>> -> memref<200x128xf32, #tpu.memory_space<vmem_shared>>
        %dma_wait3A_67 = arith.constant 0 : i32
        %dma_wait3A_68 = tpu.memref_slice %arg12[%mul3A_62, %dma_wait3A_67] : memref<10000x128xf32, #tpu.memory_space<vmem_shared>> -> memref<200x128xf32, #tpu.memory_space<vmem_shared>>
        tpu.wait_dma2 semaphore(%run_scoped3A : memref<!tpu.dma_semaphore, #tpu.memory_space<semaphore_mem>>) src(%arg11 : memref<200x128xf32, #tpu.memory_space<vmem>>) dst(%dma_wait3A_68 : memref<200x128xf32, #tpu.memory_space<vmem_shared>>)
        tpu.yield
      }) : () -> ()
    } else {
    }
    %add3A_6 = arith.constant 16 : i32
    %add3A_7 = arith.addi %arg1, %add3A_6 : i32
    %lt3A_8 = arith.constant 50 : i32
    %lt3A_9 = arith.cmpi slt, %add3A_7, %lt3A_8 : i32
    %convert_element_type3A_10 = arith.extui %lt3A_9 : i1 to i32
    %cond3A_11 = arith.constant 0 : i32
    %cond3A_12 = arith.cmpi ne, %convert_element_type3A_10, %cond3A_11 : i32
    scf.if %cond3A_12 {
      %mul3A_61 = arith.constant 200 : i32
      %mul3A_62 = arith.muli %add3A_7, %mul3A_61 : i32
      "tpu.region"() ({
        %run_scoped3A = tpu.sem_alloc : memref<!tpu.dma_semaphore, #tpu.memory_space<semaphore_mem>>
        %dma_start3A = arith.constant 0 : i32
        %dma_start3A_63 = tpu.memref_slice %arg12[%mul3A_62, %dma_start3A] : memref<10000x128xf32, #tpu.memory_space<vmem_shared>> -> memref<200x128xf32, #tpu.memory_space<vmem_shared>>
        %dma_start3A_64 = arith.constant 0 : i32
        %dma_start3A_65 = tpu.memref_slice %arg12[%mul3A_62, %dma_start3A_64] : memref<10000x128xf32, #tpu.memory_space<vmem_shared>> -> memref<200x128xf32, #tpu.memory_space<vmem_shared>>
        tpu.enqueue_dma source(%arg11 : memref<200x128xf32, #tpu.memory_space<vmem>>) target(%dma_start3A_65 : memref<200x128xf32, #tpu.memory_space<vmem_shared>>) target_semaphore(%run_scoped3A : memref<!tpu.dma_semaphore, #tpu.memory_space<semaphore_mem>>)
        %dma_wait3A = arith.constant 0 : i32
        %dma_wait3A_66 = tpu.memref_slice %arg12[%mul3A_62, %dma_wait3A] : memref<10000x128xf32, #tpu.memory_space<vmem_shared>> -> memref<200x128xf32, #tpu.memory_space<vmem_shared>>
        %dma_wait3A_67 = arith.constant 0 : i32
        %dma_wait3A_68 = tpu.memref_slice %arg12[%mul3A_62, %dma_wait3A_67] : memref<10000x128xf32, #tpu.memory_space<vmem_shared>> -> memref<200x128xf32, #tpu.memory_space<vmem_shared>>
        tpu.wait_dma2 semaphore(%run_scoped3A : memref<!tpu.dma_semaphore, #tpu.memory_space<semaphore_mem>>) src(%arg11 : memref<200x128xf32, #tpu.memory_space<vmem>>) dst(%dma_wait3A_68 : memref<200x128xf32, #tpu.memory_space<vmem_shared>>)
        tpu.yield
      }) : () -> ()
    } else {
    }
    %add3A_13 = arith.constant 32 : i32
    %add3A_14 = arith.addi %arg1, %add3A_13 : i32
    %lt3A_15 = arith.constant 50 : i32
    %lt3A_16 = arith.cmpi slt, %add3A_14, %lt3A_15 : i32
    %convert_element_type3A_17 = arith.extui %lt3A_16 : i1 to i32
    %cond3A_18 = arith.constant 0 : i32
    %cond3A_19 = arith.cmpi ne, %convert_element_type3A_17, %cond3A_18 : i32
    scf.if %cond3A_19 {
      %mul3A_61 = arith.constant 200 : i32
      %mul3A_62 = arith.muli %add3A_14, %mul3A_61 : i32
      "tpu.region"() ({
        %run_scoped3A = tpu.sem_alloc : memref<!tpu.dma_semaphore, #tpu.memory_space<semaphore_mem>>
        %dma_start3A = arith.constant 0 : i32
        %dma_start3A_63 = tpu.memref_slice %arg12[%mul3A_62, %dma_start3A] : memref<10000x128xf32, #tpu.memory_space<vmem_shared>> -> memref<200x128xf32, #tpu.memory_space<vmem_shared>>
        %dma_start3A_64 = arith.constant 0 : i32
        %dma_start3A_65 = tpu.memref_slice %arg12[%mul3A_62, %dma_start3A_64] : memref<10000x128xf32, #tpu.memory_space<vmem_shared>> -> memref<200x128xf32, #tpu.memory_space<vmem_shared>>
        tpu.enqueue_dma source(%arg11 : memref<200x128xf32, #tpu.memory_space<vmem>>) target(%dma_start3A_65 : memref<200x128xf32, #tpu.memory_space<vmem_shared>>) target_semaphore(%run_scoped3A : memref<!tpu.dma_semaphore, #tpu.memory_space<semaphore_mem>>)
        %dma_wait3A = arith.constant 0 : i32
        %dma_wait3A_66 = tpu.memref_slice %arg12[%mul3A_62, %dma_wait3A] : memref<10000x128xf32, #tpu.memory_space<vmem_shared>> -> memref<200x128xf32, #tpu.memory_space<vmem_shared>>
        %dma_wait3A_67 = arith.constant 0 : i32
        %dma_wait3A_68 = tpu.memref_slice %arg12[%mul3A_62, %dma_wait3A_67] : memref<10000x128xf32, #tpu.memory_space<vmem_shared>> -> memref<200x128xf32, #tpu.memory_space<vmem_shared>>
        tpu.wait_dma2 semaphore(%run_scoped3A : memref<!tpu.dma_semaphore, #tpu.memory_space<semaphore_mem>>) src(%arg11 : memref<200x128xf32, #tpu.memory_space<vmem>>) dst(%dma_wait3A_68 : memref<200x128xf32, #tpu.memory_space<vmem_shared>>)
        tpu.yield
      }) : () -> ()
    } else {
    }
    %add3A_20 = arith.constant 48 : i32
    %add3A_21 = arith.addi %arg1, %add3A_20 : i32
    %lt3A_22 = arith.constant 50 : i32
    %lt3A_23 = arith.cmpi slt, %add3A_21, %lt3A_22 : i32
    %convert_element_type3A_24 = arith.extui %lt3A_23 : i1 to i32
    %cond3A_25 = arith.constant 0 : i32
    %cond3A_26 = arith.cmpi ne, %convert_element_type3A_24, %cond3A_25 : i32
    scf.if %cond3A_26 {
      %mul3A_61 = arith.constant 200 : i32
      %mul3A_62 = arith.muli %add3A_21, %mul3A_61 : i32
      "tpu.region"() ({
        %run_scoped3A = tpu.sem_alloc : memref<!tpu.dma_semaphore, #tpu.memory_space<semaphore_mem>>
        %dma_start3A = arith.constant 0 : i32
        %dma_start3A_63 = tpu.memref_slice %arg12[%mul3A_62, %dma_start3A] : memref<10000x128xf32, #tpu.memory_space<vmem_shared>> -> memref<200x128xf32, #tpu.memory_space<vmem_shared>>
        %dma_start3A_64 = arith.constant 0 : i32
        %dma_start3A_65 = tpu.memref_slice %arg12[%mul3A_62, %dma_start3A_64] : memref<10000x128xf32, #tpu.memory_space<vmem_shared>> -> memref<200x128xf32, #tpu.memory_space<vmem_shared>>
        tpu.enqueue_dma source(%arg11 : memref<200x128xf32, #tpu.memory_space<vmem>>) target(%dma_start3A_65 : memref<200x128xf32, #tpu.memory_space<vmem_shared>>) target_semaphore(%run_scoped3A : memref<!tpu.dma_semaphore, #tpu.memory_space<semaphore_mem>>)
        %dma_wait3A = arith.constant 0 : i32
        %dma_wait3A_66 = tpu.memref_slice %arg12[%mul3A_62, %dma_wait3A] : memref<10000x128xf32, #tpu.memory_space<vmem_shared>> -> memref<200x128xf32, #tpu.memory_space<vmem_shared>>
        %dma_wait3A_67 = arith.constant 0 : i32
        %dma_wait3A_68 = tpu.memref_slice %arg12[%mul3A_62, %dma_wait3A_67] : memref<10000x128xf32, #tpu.memory_space<vmem_shared>> -> memref<200x128xf32, #tpu.memory_space<vmem_shared>>
        tpu.wait_dma2 semaphore(%run_scoped3A : memref<!tpu.dma_semaphore, #tpu.memory_space<semaphore_mem>>) src(%arg11 : memref<200x128xf32, #tpu.memory_space<vmem>>) dst(%dma_wait3A_68 : memref<200x128xf32, #tpu.memory_space<vmem_shared>>)
        tpu.yield
      }) : () -> ()
    } else {
    }
    %barrier3A = arith.constant 0 : index
    tpu.barrier barrier_id(%barrier3A)
    %scan3A = arith.constant 0 : i32
    %scan3A_27 = arith.constant 0 : i32
    %scan3A_28 = arith.constant 125 : i32
    %scan3A_29 = arith.addi %scan3A_27, %scan3A_28 : i32
    %scan3A_30 = arith.constant 1 : i32
    scf.for %scan3A_61 = %scan3A_27 to %scan3A_29 step %scan3A_30  : i32 {
      %mul3A_62 = arith.constant 10000 : i32
      %mul3A_63 = arith.muli %add3A, %mul3A_62 : i32
      %mul3A_64 = arith.constant 80 : i32
      %mul3A_65 = arith.muli %scan3A_61, %mul3A_64 : i32
      %add3A_66 = arith.addi %mul3A_63, %mul3A_65 : i32
      "tpu.region"() ({
        %run_scoped3A = tpu.sem_alloc : memref<!tpu.dma_semaphore, #tpu.memory_space<semaphore_mem>>
        %dma_start3A_71 = tpu.memref_slice %arg3[%add3A_66] : memref<320000xi32, #tpu.memory_space<hbm>> -> memref<80xi32, #tpu.memory_space<hbm>>
        %dma_start3A_72 = tpu.memref_slice %arg3[%add3A_66] : memref<320000xi32, #tpu.memory_space<hbm>> -> memref<80xi32, #tpu.memory_space<hbm>>
        tpu.enqueue_dma source(%dma_start3A_72 : memref<80xi32, #tpu.memory_space<hbm>>) target(%arg7 : memref<80xi32, #tpu.memory_space<vmem>>) target_semaphore(%run_scoped3A : memref<!tpu.dma_semaphore, #tpu.memory_space<semaphore_mem>>)
        %dma_wait3A_73 = tpu.memref_slice %arg3[%add3A_66] : memref<320000xi32, #tpu.memory_space<hbm>> -> memref<80xi32, #tpu.memory_space<hbm>>
        %dma_wait3A_74 = tpu.memref_slice %arg3[%add3A_66] : memref<320000xi32, #tpu.memory_space<hbm>> -> memref<80xi32, #tpu.memory_space<hbm>>
        tpu.wait_dma2 semaphore(%run_scoped3A : memref<!tpu.dma_semaphore, #tpu.memory_space<semaphore_mem>>) src(%dma_wait3A_74 : memref<80xi32, #tpu.memory_space<hbm>>) dst(%arg7 : memref<80xi32, #tpu.memory_space<vmem>>)
        tpu.yield
      }) : () -> ()
      "tpu.region"() ({
        %run_scoped3A = tpu.sem_alloc : memref<!tpu.dma_semaphore, #tpu.memory_space<semaphore_mem>>
        %dma_start3A_71 = tpu.memref_slice %arg4[%add3A_66] : memref<320000xi32, #tpu.memory_space<hbm>> -> memref<80xi32, #tpu.memory_space<hbm>>
        %dma_start3A_72 = tpu.memref_slice %arg4[%add3A_66] : memref<320000xi32, #tpu.memory_space<hbm>> -> memref<80xi32, #tpu.memory_space<hbm>>
        tpu.enqueue_dma source(%dma_start3A_72 : memref<80xi32, #tpu.memory_space<hbm>>) target(%arg8 : memref<80xi32, #tpu.memory_space<vmem>>) target_semaphore(%run_scoped3A : memref<!tpu.dma_semaphore, #tpu.memory_space<semaphore_mem>>)
        %dma_wait3A_73 = tpu.memref_slice %arg4[%add3A_66] : memref<320000xi32, #tpu.memory_space<hbm>> -> memref<80xi32, #tpu.memory_space<hbm>>
        %dma_wait3A_74 = tpu.memref_slice %arg4[%add3A_66] : memref<320000xi32, #tpu.memory_space<hbm>> -> memref<80xi32, #tpu.memory_space<hbm>>
        tpu.wait_dma2 semaphore(%run_scoped3A : memref<!tpu.dma_semaphore, #tpu.memory_space<semaphore_mem>>) src(%dma_wait3A_74 : memref<80xi32, #tpu.memory_space<hbm>>) dst(%arg8 : memref<80xi32, #tpu.memory_space<vmem>>)
        tpu.yield
      }) : () -> ()
      "tpu.region"() ({
        %run_scoped3A = tpu.sem_alloc : memref<!tpu.dma_semaphore, #tpu.memory_space<semaphore_mem>>
        %dma_start3A_71 = tpu.memref_slice %arg5[%add3A_66] : memref<320000xf32, #tpu.memory_space<hbm>> -> memref<80xf32, #tpu.memory_space<hbm>>
        %dma_start3A_72 = tpu.memref_slice %arg5[%add3A_66] : memref<320000xf32, #tpu.memory_space<hbm>> -> memref<80xf32, #tpu.memory_space<hbm>>
        tpu.enqueue_dma source(%dma_start3A_72 : memref<80xf32, #tpu.memory_space<hbm>>) target(%arg9 : memref<80xf32, #tpu.memory_space<vmem>>) target_semaphore(%run_scoped3A : memref<!tpu.dma_semaphore, #tpu.memory_space<semaphore_mem>>)
        %dma_wait3A_73 = tpu.memref_slice %arg5[%add3A_66] : memref<320000xf32, #tpu.memory_space<hbm>> -> memref<80xf32, #tpu.memory_space<hbm>>
        %dma_wait3A_74 = tpu.memref_slice %arg5[%add3A_66] : memref<320000xf32, #tpu.memory_space<hbm>> -> memref<80xf32, #tpu.memory_space<hbm>>
        tpu.wait_dma2 semaphore(%run_scoped3A : memref<!tpu.dma_semaphore, #tpu.memory_space<semaphore_mem>>) src(%dma_wait3A_74 : memref<80xf32, #tpu.memory_space<hbm>>) dst(%arg9 : memref<80xf32, #tpu.memory_space<vmem>>)
        tpu.yield
      }) : () -> ()
      %dma_start3A = arith.constant 0 : i32
      %dma_start3A_67 = arith.constant 0 : i32
      %dma_start3A_68 = tpu.memref_slice %arg2[%dma_start3A, %dma_start3A_67] : memref<10000x128xf32, #tpu.memory_space<hbm>> -> memref<10000x128xf32, #tpu.memory_space<hbm>>
      tpu.enqueue_indirect_dma source(%dma_start3A_68 : memref<10000x128xf32, #tpu.memory_space<hbm>>) target(%arg10 : memref<80x128xf32, #tpu.memory_space<vmem>>) offsets(%arg7 : memref<80xi32, #tpu.memory_space<vmem>>) semaphore(%arg13 : memref<!tpu.dma_semaphore, #tpu.memory_space<semaphore_mem>>)
      %dma_wait3A = arith.constant 0 : i32
      %dma_wait3A_69 = arith.constant 0 : i32
      %dma_wait3A_70 = tpu.memref_slice %arg2[%dma_wait3A, %dma_wait3A_69] : memref<10000x128xf32, #tpu.memory_space<hbm>> -> memref<10000x128xf32, #tpu.memory_space<hbm>>
      tpu.wait_indirect_dma semaphore(%arg13 : memref<!tpu.dma_semaphore, #tpu.memory_space<semaphore_mem>>) src(%dma_wait3A_70 : memref<10000x128xf32, #tpu.memory_space<hbm>>) dst(%arg10 : memref<80x128xf32, #tpu.memory_space<vmem>>)
      "tpu.region"() ({
        %run_scoped3A = tpu.sem_alloc : memref<!tpu.dma_semaphore, #tpu.memory_space<semaphore_mem>>
        %dma_start3A_71 = arith.constant 0 : i32
        %dma_start3A_72 = arith.constant 0 : i32
        %dma_start3A_73 = tpu.memref_slice %arg12[%dma_start3A_71, %dma_start3A_72] : memref<10000x128xf32, #tpu.memory_space<vmem_shared>> -> memref<10000x128xf32, #tpu.memory_space<vmem_shared>>
        tpu.enqueue_indirect_dma source(%arg10 : memref<80x128xf32, #tpu.memory_space<vmem>>) target(%dma_start3A_73 : memref<10000x128xf32, #tpu.memory_space<vmem_shared>>) offsets(%arg8 : memref<80xi32, #tpu.memory_space<vmem>>) semaphore(%run_scoped3A : memref<!tpu.dma_semaphore, #tpu.memory_space<semaphore_mem>>) {add = true}
        %dma_wait3A_74 = arith.constant 0 : i32
        %dma_wait3A_75 = arith.constant 0 : i32
        %dma_wait3A_76 = tpu.memref_slice %arg12[%dma_wait3A_74, %dma_wait3A_75] : memref<10000x128xf32, #tpu.memory_space<vmem_shared>> -> memref<10000x128xf32, #tpu.memory_space<vmem_shared>>
        tpu.wait_indirect_dma semaphore(%run_scoped3A : memref<!tpu.dma_semaphore, #tpu.memory_space<semaphore_mem>>) src(%arg10 : memref<80x128xf32, #tpu.memory_space<vmem>>) dst(%dma_wait3A_76 : memref<10000x128xf32, #tpu.memory_space<vmem_shared>>)
        tpu.yield
      }) : () -> ()
    }
    %scan3A_31 = arith.constant 125 : i32
    %barrier3A_32 = arith.constant 0 : index
    tpu.barrier barrier_id(%barrier3A_32)
    %add3A_33 = arith.constant 0 : i32
    %add3A_34 = arith.addi %arg1, %add3A_33 : i32
    %lt3A_35 = arith.constant 50 : i32
    %lt3A_36 = arith.cmpi slt, %add3A_34, %lt3A_35 : i32
    %convert_element_type3A_37 = arith.extui %lt3A_36 : i1 to i32
    %cond3A_38 = arith.constant 0 : i32
    %cond3A_39 = arith.cmpi ne, %convert_element_type3A_37, %cond3A_38 : i32
    scf.if %cond3A_39 {
      %mul3A_61 = arith.constant 200 : i32
      %mul3A_62 = arith.muli %add3A_34, %mul3A_61 : i32
      %mul3A_63 = arith.constant 200 : i32
      %mul3A_64 = arith.muli %add3A_34, %mul3A_63 : i32
      "tpu.region"() ({
        %run_scoped3A = tpu.sem_alloc : memref<!tpu.dma_semaphore, #tpu.memory_space<semaphore_mem>>
        %dma_start3A = arith.constant 0 : i32
        %dma_start3A_65 = tpu.memref_slice %arg6[%arg0, %mul3A_64, %dma_start3A] : memref<2x10000x128xf32, #tpu.memory_space<hbm>> -> memref<1x200x128xf32, #tpu.memory_space<hbm>>
        %dma_start3A_66 = tpu.memref_squeeze %dma_start3A_65 : memref<1x200x128xf32, #tpu.memory_space<hbm>> -> memref<200x128xf32, #tpu.memory_space<hbm>>
        %dma_start3A_67 = arith.constant 0 : i32
        %dma_start3A_68 = tpu.memref_slice %arg12[%mul3A_62, %dma_start3A_67] : memref<10000x128xf32, #tpu.memory_space<vmem_shared>> -> memref<200x128xf32, #tpu.memory_space<vmem_shared>>
        tpu.enqueue_dma source(%dma_start3A_68 : memref<200x128xf32, #tpu.memory_space<vmem_shared>>) target(%dma_start3A_66 : memref<200x128xf32, #tpu.memory_space<hbm>>) target_semaphore(%run_scoped3A : memref<!tpu.dma_semaphore, #tpu.memory_space<semaphore_mem>>)
        %dma_wait3A = arith.constant 0 : i32
        %dma_wait3A_69 = tpu.memref_slice %arg6[%arg0, %mul3A_64, %dma_wait3A] : memref<2x10000x128xf32, #tpu.memory_space<hbm>> -> memref<1x200x128xf32, #tpu.memory_space<hbm>>
        %dma_wait3A_70 = tpu.memref_squeeze %dma_wait3A_69 : memref<1x200x128xf32, #tpu.memory_space<hbm>> -> memref<200x128xf32, #tpu.memory_space<hbm>>
        %dma_wait3A_71 = arith.constant 0 : i32
        %dma_wait3A_72 = tpu.memref_slice %arg12[%mul3A_62, %dma_wait3A_71] : memref<10000x128xf32, #tpu.memory_space<vmem_shared>> -> memref<200x128xf32, #tpu.memory_space<vmem_shared>>
        tpu.wait_dma2 semaphore(%run_scoped3A : memref<!tpu.dma_semaphore, #tpu.memory_space<semaphore_mem>>) src(%dma_wait3A_72 : memref<200x128xf32, #tpu.memory_space<vmem_shared>>) dst(%dma_wait3A_70 : memref<200x128xf32, #tpu.memory_space<hbm>>)
        tpu.yield
      }) : () -> ()
    } else {
    }
    %add3A_40 = arith.constant 16 : i32
    %add3A_41 = arith.addi %arg1, %add3A_40 : i32
    %lt3A_42 = arith.constant 50 : i32
    %lt3A_43 = arith.cmpi slt, %add3A_41, %lt3A_42 : i32
    %convert_element_type3A_44 = arith.extui %lt3A_43 : i1 to i32
    %cond3A_45 = arith.constant 0 : i32
    %cond3A_46 = arith.cmpi ne, %convert_element_type3A_44, %cond3A_45 : i32
    scf.if %cond3A_46 {
      %mul3A_61 = arith.constant 200 : i32
      %mul3A_62 = arith.muli %add3A_41, %mul3A_61 : i32
      %mul3A_63 = arith.constant 200 : i32
      %mul3A_64 = arith.muli %add3A_41, %mul3A_63 : i32
      "tpu.region"() ({
        %run_scoped3A = tpu.sem_alloc : memref<!tpu.dma_semaphore, #tpu.memory_space<semaphore_mem>>
        %dma_start3A = arith.constant 0 : i32
        %dma_start3A_65 = tpu.memref_slice %arg6[%arg0, %mul3A_64, %dma_start3A] : memref<2x10000x128xf32, #tpu.memory_space<hbm>> -> memref<1x200x128xf32, #tpu.memory_space<hbm>>
        %dma_start3A_66 = tpu.memref_squeeze %dma_start3A_65 : memref<1x200x128xf32, #tpu.memory_space<hbm>> -> memref<200x128xf32, #tpu.memory_space<hbm>>
        %dma_start3A_67 = arith.constant 0 : i32
        %dma_start3A_68 = tpu.memref_slice %arg12[%mul3A_62, %dma_start3A_67] : memref<10000x128xf32, #tpu.memory_space<vmem_shared>> -> memref<200x128xf32, #tpu.memory_space<vmem_shared>>
        tpu.enqueue_dma source(%dma_start3A_68 : memref<200x128xf32, #tpu.memory_space<vmem_shared>>) target(%dma_start3A_66 : memref<200x128xf32, #tpu.memory_space<hbm>>) target_semaphore(%run_scoped3A : memref<!tpu.dma_semaphore, #tpu.memory_space<semaphore_mem>>)
        %dma_wait3A = arith.constant 0 : i32
        %dma_wait3A_69 = tpu.memref_slice %arg6[%arg0, %mul3A_64, %dma_wait3A] : memref<2x10000x128xf32, #tpu.memory_space<hbm>> -> memref<1x200x128xf32, #tpu.memory_space<hbm>>
        %dma_wait3A_70 = tpu.memref_squeeze %dma_wait3A_69 : memref<1x200x128xf32, #tpu.memory_space<hbm>> -> memref<200x128xf32, #tpu.memory_space<hbm>>
        %dma_wait3A_71 = arith.constant 0 : i32
        %dma_wait3A_72 = tpu.memref_slice %arg12[%mul3A_62, %dma_wait3A_71] : memref<10000x128xf32, #tpu.memory_space<vmem_shared>> -> memref<200x128xf32, #tpu.memory_space<vmem_shared>>
        tpu.wait_dma2 semaphore(%run_scoped3A : memref<!tpu.dma_semaphore, #tpu.memory_space<semaphore_mem>>) src(%dma_wait3A_72 : memref<200x128xf32, #tpu.memory_space<vmem_shared>>) dst(%dma_wait3A_70 : memref<200x128xf32, #tpu.memory_space<hbm>>)
        tpu.yield
      }) : () -> ()
    } else {
    }
    %add3A_47 = arith.constant 32 : i32
    %add3A_48 = arith.addi %arg1, %add3A_47 : i32
    %lt3A_49 = arith.constant 50 : i32
    %lt3A_50 = arith.cmpi slt, %add3A_48, %lt3A_49 : i32
    %convert_element_type3A_51 = arith.extui %lt3A_50 : i1 to i32
    %cond3A_52 = arith.constant 0 : i32
    %cond3A_53 = arith.cmpi ne, %convert_element_type3A_51, %cond3A_52 : i32
    scf.if %cond3A_53 {
      %mul3A_61 = arith.constant 200 : i32
      %mul3A_62 = arith.muli %add3A_48, %mul3A_61 : i32
      %mul3A_63 = arith.constant 200 : i32
      %mul3A_64 = arith.muli %add3A_48, %mul3A_63 : i32
      "tpu.region"() ({
        %run_scoped3A = tpu.sem_alloc : memref<!tpu.dma_semaphore, #tpu.memory_space<semaphore_mem>>
        %dma_start3A = arith.constant 0 : i32
        %dma_start3A_65 = tpu.memref_slice %arg6[%arg0, %mul3A_64, %dma_start3A] : memref<2x10000x128xf32, #tpu.memory_space<hbm>> -> memref<1x200x128xf32, #tpu.memory_space<hbm>>
        %dma_start3A_66 = tpu.memref_squeeze %dma_start3A_65 : memref<1x200x128xf32, #tpu.memory_space<hbm>> -> memref<200x128xf32, #tpu.memory_space<hbm>>
        %dma_start3A_67 = arith.constant 0 : i32
        %dma_start3A_68 = tpu.memref_slice %arg12[%mul3A_62, %dma_start3A_67] : memref<10000x128xf32, #tpu.memory_space<vmem_shared>> -> memref<200x128xf32, #tpu.memory_space<vmem_shared>>
        tpu.enqueue_dma source(%dma_start3A_68 : memref<200x128xf32, #tpu.memory_space<vmem_shared>>) target(%dma_start3A_66 : memref<200x128xf32, #tpu.memory_space<hbm>>) target_semaphore(%run_scoped3A : memref<!tpu.dma_semaphore, #tpu.memory_space<semaphore_mem>>)
        %dma_wait3A = arith.constant 0 : i32
        %dma_wait3A_69 = tpu.memref_slice %arg6[%arg0, %mul3A_64, %dma_wait3A] : memref<2x10000x128xf32, #tpu.memory_space<hbm>> -> memref<1x200x128xf32, #tpu.memory_space<hbm>>
        %dma_wait3A_70 = tpu.memref_squeeze %dma_wait3A_69 : memref<1x200x128xf32, #tpu.memory_space<hbm>> -> memref<200x128xf32, #tpu.memory_space<hbm>>
        %dma_wait3A_71 = arith.constant 0 : i32
        %dma_wait3A_72 = tpu.memref_slice %arg12[%mul3A_62, %dma_wait3A_71] : memref<10000x128xf32, #tpu.memory_space<vmem_shared>> -> memref<200x128xf32, #tpu.memory_space<vmem_shared>>
        tpu.wait_dma2 semaphore(%run_scoped3A : memref<!tpu.dma_semaphore, #tpu.memory_space<semaphore_mem>>) src(%dma_wait3A_72 : memref<200x128xf32, #tpu.memory_space<vmem_shared>>) dst(%dma_wait3A_70 : memref<200x128xf32, #tpu.memory_space<hbm>>)
        tpu.yield
      }) : () -> ()
    } else {
    }
    %add3A_54 = arith.constant 48 : i32
    %add3A_55 = arith.addi %arg1, %add3A_54 : i32
    %lt3A_56 = arith.constant 50 : i32
    %lt3A_57 = arith.cmpi slt, %add3A_55, %lt3A_56 : i32
    %convert_element_type3A_58 = arith.extui %lt3A_57 : i1 to i32
    %cond3A_59 = arith.constant 0 : i32
    %cond3A_60 = arith.cmpi ne, %convert_element_type3A_58, %cond3A_59 : i32
    scf.if %cond3A_60 {
      %mul3A_61 = arith.constant 200 : i32
      %mul3A_62 = arith.muli %add3A_55, %mul3A_61 : i32
      %mul3A_63 = arith.constant 200 : i32
      %mul3A_64 = arith.muli %add3A_55, %mul3A_63 : i32
      "tpu.region"() ({
        %run_scoped3A = tpu.sem_alloc : memref<!tpu.dma_semaphore, #tpu.memory_space<semaphore_mem>>
        %dma_start3A = arith.constant 0 : i32
        %dma_start3A_65 = tpu.memref_slice %arg6[%arg0, %mul3A_64, %dma_start3A] : memref<2x10000x128xf32, #tpu.memory_space<hbm>> -> memref<1x200x128xf32, #tpu.memory_space<hbm>>
        %dma_start3A_66 = tpu.memref_squeeze %dma_start3A_65 : memref<1x200x128xf32, #tpu.memory_space<hbm>> -> memref<200x128xf32, #tpu.memory_space<hbm>>
        %dma_start3A_67 = arith.constant 0 : i32
        %dma_start3A_68 = tpu.memref_slice %arg12[%mul3A_62, %dma_start3A_67] : memref<10000x128xf32, #tpu.memory_space<vmem_shared>> -> memref<200x128xf32, #tpu.memory_space<vmem_shared>>
        tpu.enqueue_dma source(%dma_start3A_68 : memref<200x128xf32, #tpu.memory_space<vmem_shared>>) target(%dma_start3A_66 : memref<200x128xf32, #tpu.memory_space<hbm>>) target_semaphore(%run_scoped3A : memref<!tpu.dma_semaphore, #tpu.memory_space<semaphore_mem>>)
        %dma_wait3A = arith.constant 0 : i32
        %dma_wait3A_69 = tpu.memref_slice %arg6[%arg0, %mul3A_64, %dma_wait3A] : memref<2x10000x128xf32, #tpu.memory_space<hbm>> -> memref<1x200x128xf32, #tpu.memory_space<hbm>>
        %dma_wait3A_70 = tpu.memref_squeeze %dma_wait3A_69 : memref<1x200x128xf32, #tpu.memory_space<hbm>> -> memref<200x128xf32, #tpu.memory_space<hbm>>
        %dma_wait3A_71 = arith.constant 0 : i32
        %dma_wait3A_72 = tpu.memref_slice %arg12[%mul3A_62, %dma_wait3A_71] : memref<10000x128xf32, #tpu.memory_space<vmem_shared>> -> memref<200x128xf32, #tpu.memory_space<vmem_shared>>
        tpu.wait_dma2 semaphore(%run_scoped3A : memref<!tpu.dma_semaphore, #tpu.memory_space<semaphore_mem>>) src(%dma_wait3A_72 : memref<200x128xf32, #tpu.memory_space<vmem_shared>>) dst(%dma_wait3A_70 : memref<200x128xf32, #tpu.memory_space<hbm>>)
        tpu.yield
      }) : () -> ()
    } else {
    }
    return
  }
}

#map = affine_map<(d0, d1) -> (0, 0)>
#map1 = affine_map<(d0, d1) -> (0)>
#map2 = affine_map<(d0, d1) -> (0, 0, 0)>
module attributes {stable_mosaic.version = 14 : i64} {
  func.func @hop_kernel(%arg0: i32, %arg1: i32, %arg2: memref<10000x128xf32, #tpu.memory_space<hbm>>, %arg3: memref<320000xi32, #tpu.memory_space<hbm>>, %arg4: memref<320000xi32, #tpu.memory_space<hbm>>, %arg5: memref<320000xf32, #tpu.memory_space<hbm>>, %arg6: memref<2x10000x128xf32, #tpu.memory_space<hbm>>, %arg7: memref<80xi32, #tpu.memory_space<vmem>>, %arg8: memref<80xi32, #tpu.memory_space<vmem>>, %arg9: memref<80xf32, #tpu.memory_space<vmem>>, %arg10: memref<80x128xf32, #tpu.memory_space<vmem>>, %arg11: memref<200x128xf32, #tpu.memory_space<vmem>>, %arg12: memref<10000x128xf32, #tpu.memory_space<vmem_shared>>, %arg13: memref<!tpu.dma_semaphore, #tpu.memory_space<semaphore_mem>>) attributes {dimension_semantics = [#tpu.dimension_semantics<core_parallel>, #tpu.dimension_semantics<subcore_parallel>], iteration_bounds = array<i64: 2, 16>, scalar_prefetch = 0 : i64, scratch_operands = 7 : i64, tpu.core_type = #tpu.core_type<sc_vector_subcore>, window_params = [{transform_indices = #map}, {transform_indices = #map1}, {transform_indices = #map1}, {transform_indices = #map1}, {transform_indices = #map2}]} {
    %mul3A = arith.constant 2 : i32
    %mul3A_0 = arith.muli %arg1, %mul3A : i32
    %add3A = arith.addi %mul3A_0, %arg0 : i32
    %broadcast_in_dim3A = arith.constant 0.000000e+00 : f32
    %broadcast_in_dim3A_1 = vector.broadcast %broadcast_in_dim3A : f32 to vector<16xf32>
    %add3A_2 = arith.constant 0 : i32
    %add3A_3 = arith.addi %arg1, %add3A_2 : i32
    %lt3A = arith.constant 50 : i32
    %lt3A_4 = arith.cmpi slt, %add3A_3, %lt3A : i32
    %convert_element_type3A = arith.extui %lt3A_4 : i1 to i32
    %cond3A = arith.constant 0 : i32
    %cond3A_5 = arith.cmpi ne, %convert_element_type3A, %cond3A : i32
    scf.if %cond3A_5 {
      %mul3A_61 = arith.constant 200 : i32
      %mul3A_62 = arith.muli %add3A_3, %mul3A_61 : i32
      "tpu.region"() ({
        %run_scoped3A = tpu.sem_alloc : memref<!tpu.dma_semaphore, #tpu.memory_space<semaphore_mem>>
        %dma_start3A = arith.constant 0 : i32
        %dma_start3A_63 = tpu.memref_slice %arg12[%mul3A_62, %dma_start3A] : memref<10000x128xf32, #tpu.memory_space<vmem_shared>> -> memref<200x128xf32, #tpu.memory_space<vmem_shared>>
        %dma_start3A_64 = arith.constant 0 : i32
        %dma_start3A_65 = tpu.memref_slice %arg12[%mul3A_62, %dma_start3A_64] : memref<10000x128xf32, #tpu.memory_space<vmem_shared>> -> memref<200x128xf32, #tpu.memory_space<vmem_shared>>
        tpu.enqueue_dma source(%arg11 : memref<200x128xf32, #tpu.memory_space<vmem>>) target(%dma_start3A_65 : memref<200x128xf32, #tpu.memory_space<vmem_shared>>) target_semaphore(%run_scoped3A : memref<!tpu.dma_semaphore, #tpu.memory_space<semaphore_mem>>)
        %dma_wait3A = arith.constant 0 : i32
        %dma_wait3A_66 = tpu.memref_slice %arg12[%mul3A_62, %dma_wait3A] : memref<10000x128xf32, #tpu.memory_space<vmem_shared>> -> memref<200x128xf32, #tpu.memory_space<vmem_shared>>
        %dma_wait3A_67 = arith.constant 0 : i32
        %dma_wait3A_68 = tpu.memref_slice %arg12[%mul3A_62, %dma_wait3A_67] : memref<10000x128xf32, #tpu.memory_space<vmem_shared>> -> memref<200x128xf32, #tpu.memory_space<vmem_shared>>
        tpu.wait_dma2 semaphore(%run_scoped3A : memref<!tpu.dma_semaphore, #tpu.memory_space<semaphore_mem>>) src(%arg11 : memref<200x128xf32, #tpu.memory_space<vmem>>) dst(%dma_wait3A_68 : memref<200x128xf32, #tpu.memory_space<vmem_shared>>)
        tpu.yield
      }) : () -> ()
    } else {
    }
    %add3A_6 = arith.constant 16 : i32
    %add3A_7 = arith.addi %arg1, %add3A_6 : i32
    %lt3A_8 = arith.constant 50 : i32
    %lt3A_9 = arith.cmpi slt, %add3A_7, %lt3A_8 : i32
    %convert_element_type3A_10 = arith.extui %lt3A_9 : i1 to i32
    %cond3A_11 = arith.constant 0 : i32
    %cond3A_12 = arith.cmpi ne, %convert_element_type3A_10, %cond3A_11 : i32
    scf.if %cond3A_12 {
      %mul3A_61 = arith.constant 200 : i32
      %mul3A_62 = arith.muli %add3A_7, %mul3A_61 : i32
      "tpu.region"() ({
        %run_scoped3A = tpu.sem_alloc : memref<!tpu.dma_semaphore, #tpu.memory_space<semaphore_mem>>
        %dma_start3A = arith.constant 0 : i32
        %dma_start3A_63 = tpu.memref_slice %arg12[%mul3A_62, %dma_start3A] : memref<10000x128xf32, #tpu.memory_space<vmem_shared>> -> memref<200x128xf32, #tpu.memory_space<vmem_shared>>
        %dma_start3A_64 = arith.constant 0 : i32
        %dma_start3A_65 = tpu.memref_slice %arg12[%mul3A_62, %dma_start3A_64] : memref<10000x128xf32, #tpu.memory_space<vmem_shared>> -> memref<200x128xf32, #tpu.memory_space<vmem_shared>>
        tpu.enqueue_dma source(%arg11 : memref<200x128xf32, #tpu.memory_space<vmem>>) target(%dma_start3A_65 : memref<200x128xf32, #tpu.memory_space<vmem_shared>>) target_semaphore(%run_scoped3A : memref<!tpu.dma_semaphore, #tpu.memory_space<semaphore_mem>>)
        %dma_wait3A = arith.constant 0 : i32
        %dma_wait3A_66 = tpu.memref_slice %arg12[%mul3A_62, %dma_wait3A] : memref<10000x128xf32, #tpu.memory_space<vmem_shared>> -> memref<200x128xf32, #tpu.memory_space<vmem_shared>>
        %dma_wait3A_67 = arith.constant 0 : i32
        %dma_wait3A_68 = tpu.memref_slice %arg12[%mul3A_62, %dma_wait3A_67] : memref<10000x128xf32, #tpu.memory_space<vmem_shared>> -> memref<200x128xf32, #tpu.memory_space<vmem_shared>>
        tpu.wait_dma2 semaphore(%run_scoped3A : memref<!tpu.dma_semaphore, #tpu.memory_space<semaphore_mem>>) src(%arg11 : memref<200x128xf32, #tpu.memory_space<vmem>>) dst(%dma_wait3A_68 : memref<200x128xf32, #tpu.memory_space<vmem_shared>>)
        tpu.yield
      }) : () -> ()
    } else {
    }
    %add3A_13 = arith.constant 32 : i32
    %add3A_14 = arith.addi %arg1, %add3A_13 : i32
    %lt3A_15 = arith.constant 50 : i32
    %lt3A_16 = arith.cmpi slt, %add3A_14, %lt3A_15 : i32
    %convert_element_type3A_17 = arith.extui %lt3A_16 : i1 to i32
    %cond3A_18 = arith.constant 0 : i32
    %cond3A_19 = arith.cmpi ne, %convert_element_type3A_17, %cond3A_18 : i32
    scf.if %cond3A_19 {
      %mul3A_61 = arith.constant 200 : i32
      %mul3A_62 = arith.muli %add3A_14, %mul3A_61 : i32
      "tpu.region"() ({
        %run_scoped3A = tpu.sem_alloc : memref<!tpu.dma_semaphore, #tpu.memory_space<semaphore_mem>>
        %dma_start3A = arith.constant 0 : i32
        %dma_start3A_63 = tpu.memref_slice %arg12[%mul3A_62, %dma_start3A] : memref<10000x128xf32, #tpu.memory_space<vmem_shared>> -> memref<200x128xf32, #tpu.memory_space<vmem_shared>>
        %dma_start3A_64 = arith.constant 0 : i32
        %dma_start3A_65 = tpu.memref_slice %arg12[%mul3A_62, %dma_start3A_64] : memref<10000x128xf32, #tpu.memory_space<vmem_shared>> -> memref<200x128xf32, #tpu.memory_space<vmem_shared>>
        tpu.enqueue_dma source(%arg11 : memref<200x128xf32, #tpu.memory_space<vmem>>) target(%dma_start3A_65 : memref<200x128xf32, #tpu.memory_space<vmem_shared>>) target_semaphore(%run_scoped3A : memref<!tpu.dma_semaphore, #tpu.memory_space<semaphore_mem>>)
        %dma_wait3A = arith.constant 0 : i32
        %dma_wait3A_66 = tpu.memref_slice %arg12[%mul3A_62, %dma_wait3A] : memref<10000x128xf32, #tpu.memory_space<vmem_shared>> -> memref<200x128xf32, #tpu.memory_space<vmem_shared>>
        %dma_wait3A_67 = arith.constant 0 : i32
        %dma_wait3A_68 = tpu.memref_slice %arg12[%mul3A_62, %dma_wait3A_67] : memref<10000x128xf32, #tpu.memory_space<vmem_shared>> -> memref<200x128xf32, #tpu.memory_space<vmem_shared>>
        tpu.wait_dma2 semaphore(%run_scoped3A : memref<!tpu.dma_semaphore, #tpu.memory_space<semaphore_mem>>) src(%arg11 : memref<200x128xf32, #tpu.memory_space<vmem>>) dst(%dma_wait3A_68 : memref<200x128xf32, #tpu.memory_space<vmem_shared>>)
        tpu.yield
      }) : () -> ()
    } else {
    }
    %add3A_20 = arith.constant 48 : i32
    %add3A_21 = arith.addi %arg1, %add3A_20 : i32
    %lt3A_22 = arith.constant 50 : i32
    %lt3A_23 = arith.cmpi slt, %add3A_21, %lt3A_22 : i32
    %convert_element_type3A_24 = arith.extui %lt3A_23 : i1 to i32
    %cond3A_25 = arith.constant 0 : i32
    %cond3A_26 = arith.cmpi ne, %convert_element_type3A_24, %cond3A_25 : i32
    scf.if %cond3A_26 {
      %mul3A_61 = arith.constant 200 : i32
      %mul3A_62 = arith.muli %add3A_21, %mul3A_61 : i32
      "tpu.region"() ({
        %run_scoped3A = tpu.sem_alloc : memref<!tpu.dma_semaphore, #tpu.memory_space<semaphore_mem>>
        %dma_start3A = arith.constant 0 : i32
        %dma_start3A_63 = tpu.memref_slice %arg12[%mul3A_62, %dma_start3A] : memref<10000x128xf32, #tpu.memory_space<vmem_shared>> -> memref<200x128xf32, #tpu.memory_space<vmem_shared>>
        %dma_start3A_64 = arith.constant 0 : i32
        %dma_start3A_65 = tpu.memref_slice %arg12[%mul3A_62, %dma_start3A_64] : memref<10000x128xf32, #tpu.memory_space<vmem_shared>> -> memref<200x128xf32, #tpu.memory_space<vmem_shared>>
        tpu.enqueue_dma source(%arg11 : memref<200x128xf32, #tpu.memory_space<vmem>>) target(%dma_start3A_65 : memref<200x128xf32, #tpu.memory_space<vmem_shared>>) target_semaphore(%run_scoped3A : memref<!tpu.dma_semaphore, #tpu.memory_space<semaphore_mem>>)
        %dma_wait3A = arith.constant 0 : i32
        %dma_wait3A_66 = tpu.memref_slice %arg12[%mul3A_62, %dma_wait3A] : memref<10000x128xf32, #tpu.memory_space<vmem_shared>> -> memref<200x128xf32, #tpu.memory_space<vmem_shared>>
        %dma_wait3A_67 = arith.constant 0 : i32
        %dma_wait3A_68 = tpu.memref_slice %arg12[%mul3A_62, %dma_wait3A_67] : memref<10000x128xf32, #tpu.memory_space<vmem_shared>> -> memref<200x128xf32, #tpu.memory_space<vmem_shared>>
        tpu.wait_dma2 semaphore(%run_scoped3A : memref<!tpu.dma_semaphore, #tpu.memory_space<semaphore_mem>>) src(%arg11 : memref<200x128xf32, #tpu.memory_space<vmem>>) dst(%dma_wait3A_68 : memref<200x128xf32, #tpu.memory_space<vmem_shared>>)
        tpu.yield
      }) : () -> ()
    } else {
    }
    %barrier3A = arith.constant 0 : index
    tpu.barrier barrier_id(%barrier3A)
    %scan3A = arith.constant 0 : i32
    %scan3A_27 = arith.constant 0 : i32
    %scan3A_28 = arith.constant 125 : i32
    %scan3A_29 = arith.addi %scan3A_27, %scan3A_28 : i32
    %scan3A_30 = arith.constant 1 : i32
    scf.for %scan3A_61 = %scan3A_27 to %scan3A_29 step %scan3A_30  : i32 {
      %mul3A_62 = arith.constant 10000 : i32
      %mul3A_63 = arith.muli %add3A, %mul3A_62 : i32
      %mul3A_64 = arith.constant 80 : i32
      %mul3A_65 = arith.muli %scan3A_61, %mul3A_64 : i32
      %add3A_66 = arith.addi %mul3A_63, %mul3A_65 : i32
      "tpu.region"() ({
        %run_scoped3A = tpu.sem_alloc : memref<!tpu.dma_semaphore, #tpu.memory_space<semaphore_mem>>
        %dma_start3A_71 = tpu.memref_slice %arg3[%add3A_66] : memref<320000xi32, #tpu.memory_space<hbm>> -> memref<80xi32, #tpu.memory_space<hbm>>
        %dma_start3A_72 = tpu.memref_slice %arg3[%add3A_66] : memref<320000xi32, #tpu.memory_space<hbm>> -> memref<80xi32, #tpu.memory_space<hbm>>
        tpu.enqueue_dma source(%dma_start3A_72 : memref<80xi32, #tpu.memory_space<hbm>>) target(%arg7 : memref<80xi32, #tpu.memory_space<vmem>>) target_semaphore(%run_scoped3A : memref<!tpu.dma_semaphore, #tpu.memory_space<semaphore_mem>>)
        %dma_wait3A_73 = tpu.memref_slice %arg3[%add3A_66] : memref<320000xi32, #tpu.memory_space<hbm>> -> memref<80xi32, #tpu.memory_space<hbm>>
        %dma_wait3A_74 = tpu.memref_slice %arg3[%add3A_66] : memref<320000xi32, #tpu.memory_space<hbm>> -> memref<80xi32, #tpu.memory_space<hbm>>
        tpu.wait_dma2 semaphore(%run_scoped3A : memref<!tpu.dma_semaphore, #tpu.memory_space<semaphore_mem>>) src(%dma_wait3A_74 : memref<80xi32, #tpu.memory_space<hbm>>) dst(%arg7 : memref<80xi32, #tpu.memory_space<vmem>>)
        tpu.yield
      }) : () -> ()
      "tpu.region"() ({
        %run_scoped3A = tpu.sem_alloc : memref<!tpu.dma_semaphore, #tpu.memory_space<semaphore_mem>>
        %dma_start3A_71 = tpu.memref_slice %arg4[%add3A_66] : memref<320000xi32, #tpu.memory_space<hbm>> -> memref<80xi32, #tpu.memory_space<hbm>>
        %dma_start3A_72 = tpu.memref_slice %arg4[%add3A_66] : memref<320000xi32, #tpu.memory_space<hbm>> -> memref<80xi32, #tpu.memory_space<hbm>>
        tpu.enqueue_dma source(%dma_start3A_72 : memref<80xi32, #tpu.memory_space<hbm>>) target(%arg8 : memref<80xi32, #tpu.memory_space<vmem>>) target_semaphore(%run_scoped3A : memref<!tpu.dma_semaphore, #tpu.memory_space<semaphore_mem>>)
        %dma_wait3A_73 = tpu.memref_slice %arg4[%add3A_66] : memref<320000xi32, #tpu.memory_space<hbm>> -> memref<80xi32, #tpu.memory_space<hbm>>
        %dma_wait3A_74 = tpu.memref_slice %arg4[%add3A_66] : memref<320000xi32, #tpu.memory_space<hbm>> -> memref<80xi32, #tpu.memory_space<hbm>>
        tpu.wait_dma2 semaphore(%run_scoped3A : memref<!tpu.dma_semaphore, #tpu.memory_space<semaphore_mem>>) src(%dma_wait3A_74 : memref<80xi32, #tpu.memory_space<hbm>>) dst(%arg8 : memref<80xi32, #tpu.memory_space<vmem>>)
        tpu.yield
      }) : () -> ()
      "tpu.region"() ({
        %run_scoped3A = tpu.sem_alloc : memref<!tpu.dma_semaphore, #tpu.memory_space<semaphore_mem>>
        %dma_start3A_71 = tpu.memref_slice %arg5[%add3A_66] : memref<320000xf32, #tpu.memory_space<hbm>> -> memref<80xf32, #tpu.memory_space<hbm>>
        %dma_start3A_72 = tpu.memref_slice %arg5[%add3A_66] : memref<320000xf32, #tpu.memory_space<hbm>> -> memref<80xf32, #tpu.memory_space<hbm>>
        tpu.enqueue_dma source(%dma_start3A_72 : memref<80xf32, #tpu.memory_space<hbm>>) target(%arg9 : memref<80xf32, #tpu.memory_space<vmem>>) target_semaphore(%run_scoped3A : memref<!tpu.dma_semaphore, #tpu.memory_space<semaphore_mem>>)
        %dma_wait3A_73 = tpu.memref_slice %arg5[%add3A_66] : memref<320000xf32, #tpu.memory_space<hbm>> -> memref<80xf32, #tpu.memory_space<hbm>>
        %dma_wait3A_74 = tpu.memref_slice %arg5[%add3A_66] : memref<320000xf32, #tpu.memory_space<hbm>> -> memref<80xf32, #tpu.memory_space<hbm>>
        tpu.wait_dma2 semaphore(%run_scoped3A : memref<!tpu.dma_semaphore, #tpu.memory_space<semaphore_mem>>) src(%dma_wait3A_74 : memref<80xf32, #tpu.memory_space<hbm>>) dst(%arg9 : memref<80xf32, #tpu.memory_space<vmem>>)
        tpu.yield
      }) : () -> ()
      %dma_start3A = arith.constant 0 : i32
      %dma_start3A_67 = arith.constant 0 : i32
      %dma_start3A_68 = tpu.memref_slice %arg2[%dma_start3A, %dma_start3A_67] : memref<10000x128xf32, #tpu.memory_space<hbm>> -> memref<10000x128xf32, #tpu.memory_space<hbm>>
      tpu.enqueue_indirect_dma source(%dma_start3A_68 : memref<10000x128xf32, #tpu.memory_space<hbm>>) target(%arg10 : memref<80x128xf32, #tpu.memory_space<vmem>>) offsets(%arg7 : memref<80xi32, #tpu.memory_space<vmem>>) semaphore(%arg13 : memref<!tpu.dma_semaphore, #tpu.memory_space<semaphore_mem>>)
      %dma_wait3A = arith.constant 0 : i32
      %dma_wait3A_69 = arith.constant 0 : i32
      %dma_wait3A_70 = tpu.memref_slice %arg2[%dma_wait3A, %dma_wait3A_69] : memref<10000x128xf32, #tpu.memory_space<hbm>> -> memref<10000x128xf32, #tpu.memory_space<hbm>>
      tpu.wait_indirect_dma semaphore(%arg13 : memref<!tpu.dma_semaphore, #tpu.memory_space<semaphore_mem>>) src(%dma_wait3A_70 : memref<10000x128xf32, #tpu.memory_space<hbm>>) dst(%arg10 : memref<80x128xf32, #tpu.memory_space<vmem>>)
      "tpu.region"() ({
        %run_scoped3A = tpu.sem_alloc : memref<!tpu.dma_semaphore, #tpu.memory_space<semaphore_mem>>
        %dma_start3A_71 = arith.constant 0 : i32
        %dma_start3A_72 = arith.constant 0 : i32
        %dma_start3A_73 = tpu.memref_slice %arg12[%dma_start3A_71, %dma_start3A_72] : memref<10000x128xf32, #tpu.memory_space<vmem_shared>> -> memref<10000x128xf32, #tpu.memory_space<vmem_shared>>
        tpu.enqueue_indirect_dma source(%arg10 : memref<80x128xf32, #tpu.memory_space<vmem>>) target(%dma_start3A_73 : memref<10000x128xf32, #tpu.memory_space<vmem_shared>>) offsets(%arg8 : memref<80xi32, #tpu.memory_space<vmem>>) semaphore(%run_scoped3A : memref<!tpu.dma_semaphore, #tpu.memory_space<semaphore_mem>>) {add = true}
        %dma_wait3A_74 = arith.constant 0 : i32
        %dma_wait3A_75 = arith.constant 0 : i32
        %dma_wait3A_76 = tpu.memref_slice %arg12[%dma_wait3A_74, %dma_wait3A_75] : memref<10000x128xf32, #tpu.memory_space<vmem_shared>> -> memref<10000x128xf32, #tpu.memory_space<vmem_shared>>
        tpu.wait_indirect_dma semaphore(%run_scoped3A : memref<!tpu.dma_semaphore, #tpu.memory_space<semaphore_mem>>) src(%arg10 : memref<80x128xf32, #tpu.memory_space<vmem>>) dst(%dma_wait3A_76 : memref<10000x128xf32, #tpu.memory_space<vmem_shared>>)
        tpu.yield
      }) : () -> ()
    }
    %scan3A_31 = arith.constant 125 : i32
    %barrier3A_32 = arith.constant 0 : index
    tpu.barrier barrier_id(%barrier3A_32)
    %add3A_33 = arith.constant 0 : i32
    %add3A_34 = arith.addi %arg1, %add3A_33 : i32
    %lt3A_35 = arith.constant 50 : i32
    %lt3A_36 = arith.cmpi slt, %add3A_34, %lt3A_35 : i32
    %convert_element_type3A_37 = arith.extui %lt3A_36 : i1 to i32
    %cond3A_38 = arith.constant 0 : i32
    %cond3A_39 = arith.cmpi ne, %convert_element_type3A_37, %cond3A_38 : i32
    scf.if %cond3A_39 {
      %mul3A_61 = arith.constant 200 : i32
      %mul3A_62 = arith.muli %add3A_34, %mul3A_61 : i32
      %mul3A_63 = arith.constant 200 : i32
      %mul3A_64 = arith.muli %add3A_34, %mul3A_63 : i32
      "tpu.region"() ({
        %run_scoped3A = tpu.sem_alloc : memref<!tpu.dma_semaphore, #tpu.memory_space<semaphore_mem>>
        %dma_start3A = arith.constant 0 : i32
        %dma_start3A_65 = tpu.memref_slice %arg6[%arg0, %mul3A_64, %dma_start3A] : memref<2x10000x128xf32, #tpu.memory_space<hbm>> -> memref<1x200x128xf32, #tpu.memory_space<hbm>>
        %dma_start3A_66 = tpu.memref_squeeze %dma_start3A_65 : memref<1x200x128xf32, #tpu.memory_space<hbm>> -> memref<200x128xf32, #tpu.memory_space<hbm>>
        %dma_start3A_67 = arith.constant 0 : i32
        %dma_start3A_68 = tpu.memref_slice %arg12[%mul3A_62, %dma_start3A_67] : memref<10000x128xf32, #tpu.memory_space<vmem_shared>> -> memref<200x128xf32, #tpu.memory_space<vmem_shared>>
        tpu.enqueue_dma source(%dma_start3A_68 : memref<200x128xf32, #tpu.memory_space<vmem_shared>>) target(%dma_start3A_66 : memref<200x128xf32, #tpu.memory_space<hbm>>) target_semaphore(%run_scoped3A : memref<!tpu.dma_semaphore, #tpu.memory_space<semaphore_mem>>)
        %dma_wait3A = arith.constant 0 : i32
        %dma_wait3A_69 = tpu.memref_slice %arg6[%arg0, %mul3A_64, %dma_wait3A] : memref<2x10000x128xf32, #tpu.memory_space<hbm>> -> memref<1x200x128xf32, #tpu.memory_space<hbm>>
        %dma_wait3A_70 = tpu.memref_squeeze %dma_wait3A_69 : memref<1x200x128xf32, #tpu.memory_space<hbm>> -> memref<200x128xf32, #tpu.memory_space<hbm>>
        %dma_wait3A_71 = arith.constant 0 : i32
        %dma_wait3A_72 = tpu.memref_slice %arg12[%mul3A_62, %dma_wait3A_71] : memref<10000x128xf32, #tpu.memory_space<vmem_shared>> -> memref<200x128xf32, #tpu.memory_space<vmem_shared>>
        tpu.wait_dma2 semaphore(%run_scoped3A : memref<!tpu.dma_semaphore, #tpu.memory_space<semaphore_mem>>) src(%dma_wait3A_72 : memref<200x128xf32, #tpu.memory_space<vmem_shared>>) dst(%dma_wait3A_70 : memref<200x128xf32, #tpu.memory_space<hbm>>)
        tpu.yield
      }) : () -> ()
    } else {
    }
    %add3A_40 = arith.constant 16 : i32
    %add3A_41 = arith.addi %arg1, %add3A_40 : i32
    %lt3A_42 = arith.constant 50 : i32
    %lt3A_43 = arith.cmpi slt, %add3A_41, %lt3A_42 : i32
    %convert_element_type3A_44 = arith.extui %lt3A_43 : i1 to i32
    %cond3A_45 = arith.constant 0 : i32
    %cond3A_46 = arith.cmpi ne, %convert_element_type3A_44, %cond3A_45 : i32
    scf.if %cond3A_46 {
      %mul3A_61 = arith.constant 200 : i32
      %mul3A_62 = arith.muli %add3A_41, %mul3A_61 : i32
      %mul3A_63 = arith.constant 200 : i32
      %mul3A_64 = arith.muli %add3A_41, %mul3A_63 : i32
      "tpu.region"() ({
        %run_scoped3A = tpu.sem_alloc : memref<!tpu.dma_semaphore, #tpu.memory_space<semaphore_mem>>
        %dma_start3A = arith.constant 0 : i32
        %dma_start3A_65 = tpu.memref_slice %arg6[%arg0, %mul3A_64, %dma_start3A] : memref<2x10000x128xf32, #tpu.memory_space<hbm>> -> memref<1x200x128xf32, #tpu.memory_space<hbm>>
        %dma_start3A_66 = tpu.memref_squeeze %dma_start3A_65 : memref<1x200x128xf32, #tpu.memory_space<hbm>> -> memref<200x128xf32, #tpu.memory_space<hbm>>
        %dma_start3A_67 = arith.constant 0 : i32
        %dma_start3A_68 = tpu.memref_slice %arg12[%mul3A_62, %dma_start3A_67] : memref<10000x128xf32, #tpu.memory_space<vmem_shared>> -> memref<200x128xf32, #tpu.memory_space<vmem_shared>>
        tpu.enqueue_dma source(%dma_start3A_68 : memref<200x128xf32, #tpu.memory_space<vmem_shared>>) target(%dma_start3A_66 : memref<200x128xf32, #tpu.memory_space<hbm>>) target_semaphore(%run_scoped3A : memref<!tpu.dma_semaphore, #tpu.memory_space<semaphore_mem>>)
        %dma_wait3A = arith.constant 0 : i32
        %dma_wait3A_69 = tpu.memref_slice %arg6[%arg0, %mul3A_64, %dma_wait3A] : memref<2x10000x128xf32, #tpu.memory_space<hbm>> -> memref<1x200x128xf32, #tpu.memory_space<hbm>>
        %dma_wait3A_70 = tpu.memref_squeeze %dma_wait3A_69 : memref<1x200x128xf32, #tpu.memory_space<hbm>> -> memref<200x128xf32, #tpu.memory_space<hbm>>
        %dma_wait3A_71 = arith.constant 0 : i32
        %dma_wait3A_72 = tpu.memref_slice %arg12[%mul3A_62, %dma_wait3A_71] : memref<10000x128xf32, #tpu.memory_space<vmem_shared>> -> memref<200x128xf32, #tpu.memory_space<vmem_shared>>
        tpu.wait_dma2 semaphore(%run_scoped3A : memref<!tpu.dma_semaphore, #tpu.memory_space<semaphore_mem>>) src(%dma_wait3A_72 : memref<200x128xf32, #tpu.memory_space<vmem_shared>>) dst(%dma_wait3A_70 : memref<200x128xf32, #tpu.memory_space<hbm>>)
        tpu.yield
      }) : () -> ()
    } else {
    }
    %add3A_47 = arith.constant 32 : i32
    %add3A_48 = arith.addi %arg1, %add3A_47 : i32
    %lt3A_49 = arith.constant 50 : i32
    %lt3A_50 = arith.cmpi slt, %add3A_48, %lt3A_49 : i32
    %convert_element_type3A_51 = arith.extui %lt3A_50 : i1 to i32
    %cond3A_52 = arith.constant 0 : i32
    %cond3A_53 = arith.cmpi ne, %convert_element_type3A_51, %cond3A_52 : i32
    scf.if %cond3A_53 {
      %mul3A_61 = arith.constant 200 : i32
      %mul3A_62 = arith.muli %add3A_48, %mul3A_61 : i32
      %mul3A_63 = arith.constant 200 : i32
      %mul3A_64 = arith.muli %add3A_48, %mul3A_63 : i32
      "tpu.region"() ({
        %run_scoped3A = tpu.sem_alloc : memref<!tpu.dma_semaphore, #tpu.memory_space<semaphore_mem>>
        %dma_start3A = arith.constant 0 : i32
        %dma_start3A_65 = tpu.memref_slice %arg6[%arg0, %mul3A_64, %dma_start3A] : memref<2x10000x128xf32, #tpu.memory_space<hbm>> -> memref<1x200x128xf32, #tpu.memory_space<hbm>>
        %dma_start3A_66 = tpu.memref_squeeze %dma_start3A_65 : memref<1x200x128xf32, #tpu.memory_space<hbm>> -> memref<200x128xf32, #tpu.memory_space<hbm>>
        %dma_start3A_67 = arith.constant 0 : i32
        %dma_start3A_68 = tpu.memref_slice %arg12[%mul3A_62, %dma_start3A_67] : memref<10000x128xf32, #tpu.memory_space<vmem_shared>> -> memref<200x128xf32, #tpu.memory_space<vmem_shared>>
        tpu.enqueue_dma source(%dma_start3A_68 : memref<200x128xf32, #tpu.memory_space<vmem_shared>>) target(%dma_start3A_66 : memref<200x128xf32, #tpu.memory_space<hbm>>) target_semaphore(%run_scoped3A : memref<!tpu.dma_semaphore, #tpu.memory_space<semaphore_mem>>)
        %dma_wait3A = arith.constant 0 : i32
        %dma_wait3A_69 = tpu.memref_slice %arg6[%arg0, %mul3A_64, %dma_wait3A] : memref<2x10000x128xf32, #tpu.memory_space<hbm>> -> memref<1x200x128xf32, #tpu.memory_space<hbm>>
        %dma_wait3A_70 = tpu.memref_squeeze %dma_wait3A_69 : memref<1x200x128xf32, #tpu.memory_space<hbm>> -> memref<200x128xf32, #tpu.memory_space<hbm>>
        %dma_wait3A_71 = arith.constant 0 : i32
        %dma_wait3A_72 = tpu.memref_slice %arg12[%mul3A_62, %dma_wait3A_71] : memref<10000x128xf32, #tpu.memory_space<vmem_shared>> -> memref<200x128xf32, #tpu.memory_space<vmem_shared>>
        tpu.wait_dma2 semaphore(%run_scoped3A : memref<!tpu.dma_semaphore, #tpu.memory_space<semaphore_mem>>) src(%dma_wait3A_72 : memref<200x128xf32, #tpu.memory_space<vmem_shared>>) dst(%dma_wait3A_70 : memref<200x128xf32, #tpu.memory_space<hbm>>)
        tpu.yield
      }) : () -> ()
    } else {
    }
    %add3A_54 = arith.constant 48 : i32
    %add3A_55 = arith.addi %arg1, %add3A_54 : i32
    %lt3A_56 = arith.constant 50 : i32
    %lt3A_57 = arith.cmpi slt, %add3A_55, %lt3A_56 : i32
    %convert_element_type3A_58 = arith.extui %lt3A_57 : i1 to i32
    %cond3A_59 = arith.constant 0 : i32
    %cond3A_60 = arith.cmpi ne, %convert_element_type3A_58, %cond3A_59 : i32
    scf.if %cond3A_60 {
      %mul3A_61 = arith.constant 200 : i32
      %mul3A_62 = arith.muli %add3A_55, %mul3A_61 : i32
      %mul3A_63 = arith.constant 200 : i32
      %mul3A_64 = arith.muli %add3A_55, %mul3A_63 : i32
      "tpu.region"() ({
        %run_scoped3A = tpu.sem_alloc : memref<!tpu.dma_semaphore, #tpu.memory_space<semaphore_mem>>
        %dma_start3A = arith.constant 0 : i32
        %dma_start3A_65 = tpu.memref_slice %arg6[%arg0, %mul3A_64, %dma_start3A] : memref<2x10000x128xf32, #tpu.memory_space<hbm>> -> memref<1x200x128xf32, #tpu.memory_space<hbm>>
        %dma_start3A_66 = tpu.memref_squeeze %dma_start3A_65 : memref<1x200x128xf32, #tpu.memory_space<hbm>> -> memref<200x128xf32, #tpu.memory_space<hbm>>
        %dma_start3A_67 = arith.constant 0 : i32
        %dma_start3A_68 = tpu.memref_slice %arg12[%mul3A_62, %dma_start3A_67] : memref<10000x128xf32, #tpu.memory_space<vmem_shared>> -> memref<200x128xf32, #tpu.memory_space<vmem_shared>>
        tpu.enqueue_dma source(%dma_start3A_68 : memref<200x128xf32, #tpu.memory_space<vmem_shared>>) target(%dma_start3A_66 : memref<200x128xf32, #tpu.memory_space<hbm>>) target_semaphore(%run_scoped3A : memref<!tpu.dma_semaphore, #tpu.memory_space<semaphore_mem>>)
        %dma_wait3A = arith.constant 0 : i32
        %dma_wait3A_69 = tpu.memref_slice %arg6[%arg0, %mul3A_64, %dma_wait3A] : memref<2x10000x128xf32, #tpu.memory_space<hbm>> -> memref<1x200x128xf32, #tpu.memory_space<hbm>>
        %dma_wait3A_70 = tpu.memref_squeeze %dma_wait3A_69 : memref<1x200x128xf32, #tpu.memory_space<hbm>> -> memref<200x128xf32, #tpu.memory_space<hbm>>
        %dma_wait3A_71 = arith.constant 0 : i32
        %dma_wait3A_72 = tpu.memref_slice %arg12[%mul3A_62, %dma_wait3A_71] : memref<10000x128xf32, #tpu.memory_space<vmem_shared>> -> memref<200x128xf32, #tpu.memory_space<vmem_shared>>
        tpu.wait_dma2 semaphore(%run_scoped3A : memref<!tpu.dma_semaphore, #tpu.memory_space<semaphore_mem>>) src(%dma_wait3A_72 : memref<200x128xf32, #tpu.memory_space<vmem_shared>>) dst(%dma_wait3A_70 : memref<200x128xf32, #tpu.memory_space<hbm>>)
        tpu.yield
      }) : () -> ()
    } else {
    }
    return
  }
}

#map = affine_map<(d0, d1) -> (0, 0)>
#map1 = affine_map<(d0, d1) -> (0)>
#map2 = affine_map<(d0, d1) -> (0, 0, 0)>
module attributes {stable_mosaic.version = 14 : i64} {
  func.func @hop_kernel(%arg0: i32, %arg1: i32, %arg2: memref<10000x128xf32, #tpu.memory_space<hbm>>, %arg3: memref<320000xi32, #tpu.memory_space<hbm>>, %arg4: memref<320000xi32, #tpu.memory_space<hbm>>, %arg5: memref<320000xf32, #tpu.memory_space<hbm>>, %arg6: memref<2x10000x128xf32, #tpu.memory_space<hbm>>, %arg7: memref<80xi32, #tpu.memory_space<vmem>>, %arg8: memref<80xi32, #tpu.memory_space<vmem>>, %arg9: memref<80xf32, #tpu.memory_space<vmem>>, %arg10: memref<80x128xf32, #tpu.memory_space<vmem>>, %arg11: memref<200x128xf32, #tpu.memory_space<vmem>>, %arg12: memref<10000x128xf32, #tpu.memory_space<vmem_shared>>, %arg13: memref<!tpu.dma_semaphore, #tpu.memory_space<semaphore_mem>>) attributes {dimension_semantics = [#tpu.dimension_semantics<core_parallel>, #tpu.dimension_semantics<subcore_parallel>], iteration_bounds = array<i64: 2, 16>, scalar_prefetch = 0 : i64, scratch_operands = 7 : i64, tpu.core_type = #tpu.core_type<sc_vector_subcore>, window_params = [{transform_indices = #map}, {transform_indices = #map1}, {transform_indices = #map1}, {transform_indices = #map1}, {transform_indices = #map2}]} {
    %mul3A = arith.constant 2 : i32
    %mul3A_0 = arith.muli %arg1, %mul3A : i32
    %add3A = arith.addi %mul3A_0, %arg0 : i32
    %broadcast_in_dim3A = arith.constant 0.000000e+00 : f32
    %broadcast_in_dim3A_1 = vector.broadcast %broadcast_in_dim3A : f32 to vector<16xf32>
    %add3A_2 = arith.constant 0 : i32
    %add3A_3 = arith.addi %arg1, %add3A_2 : i32
    %lt3A = arith.constant 50 : i32
    %lt3A_4 = arith.cmpi slt, %add3A_3, %lt3A : i32
    %convert_element_type3A = arith.extui %lt3A_4 : i1 to i32
    %cond3A = arith.constant 0 : i32
    %cond3A_5 = arith.cmpi ne, %convert_element_type3A, %cond3A : i32
    scf.if %cond3A_5 {
      %mul3A_61 = arith.constant 200 : i32
      %mul3A_62 = arith.muli %add3A_3, %mul3A_61 : i32
      "tpu.region"() ({
        %run_scoped3A = tpu.sem_alloc : memref<!tpu.dma_semaphore, #tpu.memory_space<semaphore_mem>>
        %dma_start3A = arith.constant 0 : i32
        %dma_start3A_63 = tpu.memref_slice %arg12[%mul3A_62, %dma_start3A] : memref<10000x128xf32, #tpu.memory_space<vmem_shared>> -> memref<200x128xf32, #tpu.memory_space<vmem_shared>>
        %dma_start3A_64 = arith.constant 0 : i32
        %dma_start3A_65 = tpu.memref_slice %arg12[%mul3A_62, %dma_start3A_64] : memref<10000x128xf32, #tpu.memory_space<vmem_shared>> -> memref<200x128xf32, #tpu.memory_space<vmem_shared>>
        tpu.enqueue_dma source(%arg11 : memref<200x128xf32, #tpu.memory_space<vmem>>) target(%dma_start3A_65 : memref<200x128xf32, #tpu.memory_space<vmem_shared>>) target_semaphore(%run_scoped3A : memref<!tpu.dma_semaphore, #tpu.memory_space<semaphore_mem>>)
        %dma_wait3A = arith.constant 0 : i32
        %dma_wait3A_66 = tpu.memref_slice %arg12[%mul3A_62, %dma_wait3A] : memref<10000x128xf32, #tpu.memory_space<vmem_shared>> -> memref<200x128xf32, #tpu.memory_space<vmem_shared>>
        %dma_wait3A_67 = arith.constant 0 : i32
        %dma_wait3A_68 = tpu.memref_slice %arg12[%mul3A_62, %dma_wait3A_67] : memref<10000x128xf32, #tpu.memory_space<vmem_shared>> -> memref<200x128xf32, #tpu.memory_space<vmem_shared>>
        tpu.wait_dma2 semaphore(%run_scoped3A : memref<!tpu.dma_semaphore, #tpu.memory_space<semaphore_mem>>) src(%arg11 : memref<200x128xf32, #tpu.memory_space<vmem>>) dst(%dma_wait3A_68 : memref<200x128xf32, #tpu.memory_space<vmem_shared>>)
        tpu.yield
      }) : () -> ()
    } else {
    }
    %add3A_6 = arith.constant 16 : i32
    %add3A_7 = arith.addi %arg1, %add3A_6 : i32
    %lt3A_8 = arith.constant 50 : i32
    %lt3A_9 = arith.cmpi slt, %add3A_7, %lt3A_8 : i32
    %convert_element_type3A_10 = arith.extui %lt3A_9 : i1 to i32
    %cond3A_11 = arith.constant 0 : i32
    %cond3A_12 = arith.cmpi ne, %convert_element_type3A_10, %cond3A_11 : i32
    scf.if %cond3A_12 {
      %mul3A_61 = arith.constant 200 : i32
      %mul3A_62 = arith.muli %add3A_7, %mul3A_61 : i32
      "tpu.region"() ({
        %run_scoped3A = tpu.sem_alloc : memref<!tpu.dma_semaphore, #tpu.memory_space<semaphore_mem>>
        %dma_start3A = arith.constant 0 : i32
        %dma_start3A_63 = tpu.memref_slice %arg12[%mul3A_62, %dma_start3A] : memref<10000x128xf32, #tpu.memory_space<vmem_shared>> -> memref<200x128xf32, #tpu.memory_space<vmem_shared>>
        %dma_start3A_64 = arith.constant 0 : i32
        %dma_start3A_65 = tpu.memref_slice %arg12[%mul3A_62, %dma_start3A_64] : memref<10000x128xf32, #tpu.memory_space<vmem_shared>> -> memref<200x128xf32, #tpu.memory_space<vmem_shared>>
        tpu.enqueue_dma source(%arg11 : memref<200x128xf32, #tpu.memory_space<vmem>>) target(%dma_start3A_65 : memref<200x128xf32, #tpu.memory_space<vmem_shared>>) target_semaphore(%run_scoped3A : memref<!tpu.dma_semaphore, #tpu.memory_space<semaphore_mem>>)
        %dma_wait3A = arith.constant 0 : i32
        %dma_wait3A_66 = tpu.memref_slice %arg12[%mul3A_62, %dma_wait3A] : memref<10000x128xf32, #tpu.memory_space<vmem_shared>> -> memref<200x128xf32, #tpu.memory_space<vmem_shared>>
        %dma_wait3A_67 = arith.constant 0 : i32
        %dma_wait3A_68 = tpu.memref_slice %arg12[%mul3A_62, %dma_wait3A_67] : memref<10000x128xf32, #tpu.memory_space<vmem_shared>> -> memref<200x128xf32, #tpu.memory_space<vmem_shared>>
        tpu.wait_dma2 semaphore(%run_scoped3A : memref<!tpu.dma_semaphore, #tpu.memory_space<semaphore_mem>>) src(%arg11 : memref<200x128xf32, #tpu.memory_space<vmem>>) dst(%dma_wait3A_68 : memref<200x128xf32, #tpu.memory_space<vmem_shared>>)
        tpu.yield
      }) : () -> ()
    } else {
    }
    %add3A_13 = arith.constant 32 : i32
    %add3A_14 = arith.addi %arg1, %add3A_13 : i32
    %lt3A_15 = arith.constant 50 : i32
    %lt3A_16 = arith.cmpi slt, %add3A_14, %lt3A_15 : i32
    %convert_element_type3A_17 = arith.extui %lt3A_16 : i1 to i32
    %cond3A_18 = arith.constant 0 : i32
    %cond3A_19 = arith.cmpi ne, %convert_element_type3A_17, %cond3A_18 : i32
    scf.if %cond3A_19 {
      %mul3A_61 = arith.constant 200 : i32
      %mul3A_62 = arith.muli %add3A_14, %mul3A_61 : i32
      "tpu.region"() ({
        %run_scoped3A = tpu.sem_alloc : memref<!tpu.dma_semaphore, #tpu.memory_space<semaphore_mem>>
        %dma_start3A = arith.constant 0 : i32
        %dma_start3A_63 = tpu.memref_slice %arg12[%mul3A_62, %dma_start3A] : memref<10000x128xf32, #tpu.memory_space<vmem_shared>> -> memref<200x128xf32, #tpu.memory_space<vmem_shared>>
        %dma_start3A_64 = arith.constant 0 : i32
        %dma_start3A_65 = tpu.memref_slice %arg12[%mul3A_62, %dma_start3A_64] : memref<10000x128xf32, #tpu.memory_space<vmem_shared>> -> memref<200x128xf32, #tpu.memory_space<vmem_shared>>
        tpu.enqueue_dma source(%arg11 : memref<200x128xf32, #tpu.memory_space<vmem>>) target(%dma_start3A_65 : memref<200x128xf32, #tpu.memory_space<vmem_shared>>) target_semaphore(%run_scoped3A : memref<!tpu.dma_semaphore, #tpu.memory_space<semaphore_mem>>)
        %dma_wait3A = arith.constant 0 : i32
        %dma_wait3A_66 = tpu.memref_slice %arg12[%mul3A_62, %dma_wait3A] : memref<10000x128xf32, #tpu.memory_space<vmem_shared>> -> memref<200x128xf32, #tpu.memory_space<vmem_shared>>
        %dma_wait3A_67 = arith.constant 0 : i32
        %dma_wait3A_68 = tpu.memref_slice %arg12[%mul3A_62, %dma_wait3A_67] : memref<10000x128xf32, #tpu.memory_space<vmem_shared>> -> memref<200x128xf32, #tpu.memory_space<vmem_shared>>
        tpu.wait_dma2 semaphore(%run_scoped3A : memref<!tpu.dma_semaphore, #tpu.memory_space<semaphore_mem>>) src(%arg11 : memref<200x128xf32, #tpu.memory_space<vmem>>) dst(%dma_wait3A_68 : memref<200x128xf32, #tpu.memory_space<vmem_shared>>)
        tpu.yield
      }) : () -> ()
    } else {
    }
    %add3A_20 = arith.constant 48 : i32
    %add3A_21 = arith.addi %arg1, %add3A_20 : i32
    %lt3A_22 = arith.constant 50 : i32
    %lt3A_23 = arith.cmpi slt, %add3A_21, %lt3A_22 : i32
    %convert_element_type3A_24 = arith.extui %lt3A_23 : i1 to i32
    %cond3A_25 = arith.constant 0 : i32
    %cond3A_26 = arith.cmpi ne, %convert_element_type3A_24, %cond3A_25 : i32
    scf.if %cond3A_26 {
      %mul3A_61 = arith.constant 200 : i32
      %mul3A_62 = arith.muli %add3A_21, %mul3A_61 : i32
      "tpu.region"() ({
        %run_scoped3A = tpu.sem_alloc : memref<!tpu.dma_semaphore, #tpu.memory_space<semaphore_mem>>
        %dma_start3A = arith.constant 0 : i32
        %dma_start3A_63 = tpu.memref_slice %arg12[%mul3A_62, %dma_start3A] : memref<10000x128xf32, #tpu.memory_space<vmem_shared>> -> memref<200x128xf32, #tpu.memory_space<vmem_shared>>
        %dma_start3A_64 = arith.constant 0 : i32
        %dma_start3A_65 = tpu.memref_slice %arg12[%mul3A_62, %dma_start3A_64] : memref<10000x128xf32, #tpu.memory_space<vmem_shared>> -> memref<200x128xf32, #tpu.memory_space<vmem_shared>>
        tpu.enqueue_dma source(%arg11 : memref<200x128xf32, #tpu.memory_space<vmem>>) target(%dma_start3A_65 : memref<200x128xf32, #tpu.memory_space<vmem_shared>>) target_semaphore(%run_scoped3A : memref<!tpu.dma_semaphore, #tpu.memory_space<semaphore_mem>>)
        %dma_wait3A = arith.constant 0 : i32
        %dma_wait3A_66 = tpu.memref_slice %arg12[%mul3A_62, %dma_wait3A] : memref<10000x128xf32, #tpu.memory_space<vmem_shared>> -> memref<200x128xf32, #tpu.memory_space<vmem_shared>>
        %dma_wait3A_67 = arith.constant 0 : i32
        %dma_wait3A_68 = tpu.memref_slice %arg12[%mul3A_62, %dma_wait3A_67] : memref<10000x128xf32, #tpu.memory_space<vmem_shared>> -> memref<200x128xf32, #tpu.memory_space<vmem_shared>>
        tpu.wait_dma2 semaphore(%run_scoped3A : memref<!tpu.dma_semaphore, #tpu.memory_space<semaphore_mem>>) src(%arg11 : memref<200x128xf32, #tpu.memory_space<vmem>>) dst(%dma_wait3A_68 : memref<200x128xf32, #tpu.memory_space<vmem_shared>>)
        tpu.yield
      }) : () -> ()
    } else {
    }
    %barrier3A = arith.constant 0 : index
    tpu.barrier barrier_id(%barrier3A)
    %scan3A = arith.constant 0 : i32
    %scan3A_27 = arith.constant 0 : i32
    %scan3A_28 = arith.constant 125 : i32
    %scan3A_29 = arith.addi %scan3A_27, %scan3A_28 : i32
    %scan3A_30 = arith.constant 1 : i32
    scf.for %scan3A_61 = %scan3A_27 to %scan3A_29 step %scan3A_30  : i32 {
      %mul3A_62 = arith.constant 10000 : i32
      %mul3A_63 = arith.muli %add3A, %mul3A_62 : i32
      %mul3A_64 = arith.constant 80 : i32
      %mul3A_65 = arith.muli %scan3A_61, %mul3A_64 : i32
      %add3A_66 = arith.addi %mul3A_63, %mul3A_65 : i32
      "tpu.region"() ({
        %run_scoped3A = tpu.sem_alloc : memref<!tpu.dma_semaphore, #tpu.memory_space<semaphore_mem>>
        %dma_start3A_71 = tpu.memref_slice %arg3[%add3A_66] : memref<320000xi32, #tpu.memory_space<hbm>> -> memref<80xi32, #tpu.memory_space<hbm>>
        %dma_start3A_72 = tpu.memref_slice %arg3[%add3A_66] : memref<320000xi32, #tpu.memory_space<hbm>> -> memref<80xi32, #tpu.memory_space<hbm>>
        tpu.enqueue_dma source(%dma_start3A_72 : memref<80xi32, #tpu.memory_space<hbm>>) target(%arg7 : memref<80xi32, #tpu.memory_space<vmem>>) target_semaphore(%run_scoped3A : memref<!tpu.dma_semaphore, #tpu.memory_space<semaphore_mem>>)
        %dma_wait3A_73 = tpu.memref_slice %arg3[%add3A_66] : memref<320000xi32, #tpu.memory_space<hbm>> -> memref<80xi32, #tpu.memory_space<hbm>>
        %dma_wait3A_74 = tpu.memref_slice %arg3[%add3A_66] : memref<320000xi32, #tpu.memory_space<hbm>> -> memref<80xi32, #tpu.memory_space<hbm>>
        tpu.wait_dma2 semaphore(%run_scoped3A : memref<!tpu.dma_semaphore, #tpu.memory_space<semaphore_mem>>) src(%dma_wait3A_74 : memref<80xi32, #tpu.memory_space<hbm>>) dst(%arg7 : memref<80xi32, #tpu.memory_space<vmem>>)
        tpu.yield
      }) : () -> ()
      "tpu.region"() ({
        %run_scoped3A = tpu.sem_alloc : memref<!tpu.dma_semaphore, #tpu.memory_space<semaphore_mem>>
        %dma_start3A_71 = tpu.memref_slice %arg4[%add3A_66] : memref<320000xi32, #tpu.memory_space<hbm>> -> memref<80xi32, #tpu.memory_space<hbm>>
        %dma_start3A_72 = tpu.memref_slice %arg4[%add3A_66] : memref<320000xi32, #tpu.memory_space<hbm>> -> memref<80xi32, #tpu.memory_space<hbm>>
        tpu.enqueue_dma source(%dma_start3A_72 : memref<80xi32, #tpu.memory_space<hbm>>) target(%arg8 : memref<80xi32, #tpu.memory_space<vmem>>) target_semaphore(%run_scoped3A : memref<!tpu.dma_semaphore, #tpu.memory_space<semaphore_mem>>)
        %dma_wait3A_73 = tpu.memref_slice %arg4[%add3A_66] : memref<320000xi32, #tpu.memory_space<hbm>> -> memref<80xi32, #tpu.memory_space<hbm>>
        %dma_wait3A_74 = tpu.memref_slice %arg4[%add3A_66] : memref<320000xi32, #tpu.memory_space<hbm>> -> memref<80xi32, #tpu.memory_space<hbm>>
        tpu.wait_dma2 semaphore(%run_scoped3A : memref<!tpu.dma_semaphore, #tpu.memory_space<semaphore_mem>>) src(%dma_wait3A_74 : memref<80xi32, #tpu.memory_space<hbm>>) dst(%arg8 : memref<80xi32, #tpu.memory_space<vmem>>)
        tpu.yield
      }) : () -> ()
      "tpu.region"() ({
        %run_scoped3A = tpu.sem_alloc : memref<!tpu.dma_semaphore, #tpu.memory_space<semaphore_mem>>
        %dma_start3A_71 = tpu.memref_slice %arg5[%add3A_66] : memref<320000xf32, #tpu.memory_space<hbm>> -> memref<80xf32, #tpu.memory_space<hbm>>
        %dma_start3A_72 = tpu.memref_slice %arg5[%add3A_66] : memref<320000xf32, #tpu.memory_space<hbm>> -> memref<80xf32, #tpu.memory_space<hbm>>
        tpu.enqueue_dma source(%dma_start3A_72 : memref<80xf32, #tpu.memory_space<hbm>>) target(%arg9 : memref<80xf32, #tpu.memory_space<vmem>>) target_semaphore(%run_scoped3A : memref<!tpu.dma_semaphore, #tpu.memory_space<semaphore_mem>>)
        %dma_wait3A_73 = tpu.memref_slice %arg5[%add3A_66] : memref<320000xf32, #tpu.memory_space<hbm>> -> memref<80xf32, #tpu.memory_space<hbm>>
        %dma_wait3A_74 = tpu.memref_slice %arg5[%add3A_66] : memref<320000xf32, #tpu.memory_space<hbm>> -> memref<80xf32, #tpu.memory_space<hbm>>
        tpu.wait_dma2 semaphore(%run_scoped3A : memref<!tpu.dma_semaphore, #tpu.memory_space<semaphore_mem>>) src(%dma_wait3A_74 : memref<80xf32, #tpu.memory_space<hbm>>) dst(%arg9 : memref<80xf32, #tpu.memory_space<vmem>>)
        tpu.yield
      }) : () -> ()
      %dma_start3A = arith.constant 0 : i32
      %dma_start3A_67 = arith.constant 0 : i32
      %dma_start3A_68 = tpu.memref_slice %arg2[%dma_start3A, %dma_start3A_67] : memref<10000x128xf32, #tpu.memory_space<hbm>> -> memref<10000x128xf32, #tpu.memory_space<hbm>>
      tpu.enqueue_indirect_dma source(%dma_start3A_68 : memref<10000x128xf32, #tpu.memory_space<hbm>>) target(%arg10 : memref<80x128xf32, #tpu.memory_space<vmem>>) offsets(%arg7 : memref<80xi32, #tpu.memory_space<vmem>>) semaphore(%arg13 : memref<!tpu.dma_semaphore, #tpu.memory_space<semaphore_mem>>)
      %dma_wait3A = arith.constant 0 : i32
      %dma_wait3A_69 = arith.constant 0 : i32
      %dma_wait3A_70 = tpu.memref_slice %arg2[%dma_wait3A, %dma_wait3A_69] : memref<10000x128xf32, #tpu.memory_space<hbm>> -> memref<10000x128xf32, #tpu.memory_space<hbm>>
      tpu.wait_indirect_dma semaphore(%arg13 : memref<!tpu.dma_semaphore, #tpu.memory_space<semaphore_mem>>) src(%dma_wait3A_70 : memref<10000x128xf32, #tpu.memory_space<hbm>>) dst(%arg10 : memref<80x128xf32, #tpu.memory_space<vmem>>)
      "tpu.region"() ({
        %run_scoped3A = tpu.sem_alloc : memref<!tpu.dma_semaphore, #tpu.memory_space<semaphore_mem>>
        %dma_start3A_71 = arith.constant 0 : i32
        %dma_start3A_72 = arith.constant 0 : i32
        %dma_start3A_73 = tpu.memref_slice %arg12[%dma_start3A_71, %dma_start3A_72] : memref<10000x128xf32, #tpu.memory_space<vmem_shared>> -> memref<10000x128xf32, #tpu.memory_space<vmem_shared>>
        tpu.enqueue_indirect_dma source(%arg10 : memref<80x128xf32, #tpu.memory_space<vmem>>) target(%dma_start3A_73 : memref<10000x128xf32, #tpu.memory_space<vmem_shared>>) offsets(%arg8 : memref<80xi32, #tpu.memory_space<vmem>>) semaphore(%run_scoped3A : memref<!tpu.dma_semaphore, #tpu.memory_space<semaphore_mem>>) {add = true}
        %dma_wait3A_74 = arith.constant 0 : i32
        %dma_wait3A_75 = arith.constant 0 : i32
        %dma_wait3A_76 = tpu.memref_slice %arg12[%dma_wait3A_74, %dma_wait3A_75] : memref<10000x128xf32, #tpu.memory_space<vmem_shared>> -> memref<10000x128xf32, #tpu.memory_space<vmem_shared>>
        tpu.wait_indirect_dma semaphore(%run_scoped3A : memref<!tpu.dma_semaphore, #tpu.memory_space<semaphore_mem>>) src(%arg10 : memref<80x128xf32, #tpu.memory_space<vmem>>) dst(%dma_wait3A_76 : memref<10000x128xf32, #tpu.memory_space<vmem_shared>>)
        tpu.yield
      }) : () -> ()
    }
    %scan3A_31 = arith.constant 125 : i32
    %barrier3A_32 = arith.constant 0 : index
    tpu.barrier barrier_id(%barrier3A_32)
    %add3A_33 = arith.constant 0 : i32
    %add3A_34 = arith.addi %arg1, %add3A_33 : i32
    %lt3A_35 = arith.constant 50 : i32
    %lt3A_36 = arith.cmpi slt, %add3A_34, %lt3A_35 : i32
    %convert_element_type3A_37 = arith.extui %lt3A_36 : i1 to i32
    %cond3A_38 = arith.constant 0 : i32
    %cond3A_39 = arith.cmpi ne, %convert_element_type3A_37, %cond3A_38 : i32
    scf.if %cond3A_39 {
      %mul3A_61 = arith.constant 200 : i32
      %mul3A_62 = arith.muli %add3A_34, %mul3A_61 : i32
      %mul3A_63 = arith.constant 200 : i32
      %mul3A_64 = arith.muli %add3A_34, %mul3A_63 : i32
      "tpu.region"() ({
        %run_scoped3A = tpu.sem_alloc : memref<!tpu.dma_semaphore, #tpu.memory_space<semaphore_mem>>
        %dma_start3A = arith.constant 0 : i32
        %dma_start3A_65 = tpu.memref_slice %arg6[%arg0, %mul3A_64, %dma_start3A] : memref<2x10000x128xf32, #tpu.memory_space<hbm>> -> memref<1x200x128xf32, #tpu.memory_space<hbm>>
        %dma_start3A_66 = tpu.memref_squeeze %dma_start3A_65 : memref<1x200x128xf32, #tpu.memory_space<hbm>> -> memref<200x128xf32, #tpu.memory_space<hbm>>
        %dma_start3A_67 = arith.constant 0 : i32
        %dma_start3A_68 = tpu.memref_slice %arg12[%mul3A_62, %dma_start3A_67] : memref<10000x128xf32, #tpu.memory_space<vmem_shared>> -> memref<200x128xf32, #tpu.memory_space<vmem_shared>>
        tpu.enqueue_dma source(%dma_start3A_68 : memref<200x128xf32, #tpu.memory_space<vmem_shared>>) target(%dma_start3A_66 : memref<200x128xf32, #tpu.memory_space<hbm>>) target_semaphore(%run_scoped3A : memref<!tpu.dma_semaphore, #tpu.memory_space<semaphore_mem>>)
        %dma_wait3A = arith.constant 0 : i32
        %dma_wait3A_69 = tpu.memref_slice %arg6[%arg0, %mul3A_64, %dma_wait3A] : memref<2x10000x128xf32, #tpu.memory_space<hbm>> -> memref<1x200x128xf32, #tpu.memory_space<hbm>>
        %dma_wait3A_70 = tpu.memref_squeeze %dma_wait3A_69 : memref<1x200x128xf32, #tpu.memory_space<hbm>> -> memref<200x128xf32, #tpu.memory_space<hbm>>
        %dma_wait3A_71 = arith.constant 0 : i32
        %dma_wait3A_72 = tpu.memref_slice %arg12[%mul3A_62, %dma_wait3A_71] : memref<10000x128xf32, #tpu.memory_space<vmem_shared>> -> memref<200x128xf32, #tpu.memory_space<vmem_shared>>
        tpu.wait_dma2 semaphore(%run_scoped3A : memref<!tpu.dma_semaphore, #tpu.memory_space<semaphore_mem>>) src(%dma_wait3A_72 : memref<200x128xf32, #tpu.memory_space<vmem_shared>>) dst(%dma_wait3A_70 : memref<200x128xf32, #tpu.memory_space<hbm>>)
        tpu.yield
      }) : () -> ()
    } else {
    }
    %add3A_40 = arith.constant 16 : i32
    %add3A_41 = arith.addi %arg1, %add3A_40 : i32
    %lt3A_42 = arith.constant 50 : i32
    %lt3A_43 = arith.cmpi slt, %add3A_41, %lt3A_42 : i32
    %convert_element_type3A_44 = arith.extui %lt3A_43 : i1 to i32
    %cond3A_45 = arith.constant 0 : i32
    %cond3A_46 = arith.cmpi ne, %convert_element_type3A_44, %cond3A_45 : i32
    scf.if %cond3A_46 {
      %mul3A_61 = arith.constant 200 : i32
      %mul3A_62 = arith.muli %add3A_41, %mul3A_61 : i32
      %mul3A_63 = arith.constant 200 : i32
      %mul3A_64 = arith.muli %add3A_41, %mul3A_63 : i32
      "tpu.region"() ({
        %run_scoped3A = tpu.sem_alloc : memref<!tpu.dma_semaphore, #tpu.memory_space<semaphore_mem>>
        %dma_start3A = arith.constant 0 : i32
        %dma_start3A_65 = tpu.memref_slice %arg6[%arg0, %mul3A_64, %dma_start3A] : memref<2x10000x128xf32, #tpu.memory_space<hbm>> -> memref<1x200x128xf32, #tpu.memory_space<hbm>>
        %dma_start3A_66 = tpu.memref_squeeze %dma_start3A_65 : memref<1x200x128xf32, #tpu.memory_space<hbm>> -> memref<200x128xf32, #tpu.memory_space<hbm>>
        %dma_start3A_67 = arith.constant 0 : i32
        %dma_start3A_68 = tpu.memref_slice %arg12[%mul3A_62, %dma_start3A_67] : memref<10000x128xf32, #tpu.memory_space<vmem_shared>> -> memref<200x128xf32, #tpu.memory_space<vmem_shared>>
        tpu.enqueue_dma source(%dma_start3A_68 : memref<200x128xf32, #tpu.memory_space<vmem_shared>>) target(%dma_start3A_66 : memref<200x128xf32, #tpu.memory_space<hbm>>) target_semaphore(%run_scoped3A : memref<!tpu.dma_semaphore, #tpu.memory_space<semaphore_mem>>)
        %dma_wait3A = arith.constant 0 : i32
        %dma_wait3A_69 = tpu.memref_slice %arg6[%arg0, %mul3A_64, %dma_wait3A] : memref<2x10000x128xf32, #tpu.memory_space<hbm>> -> memref<1x200x128xf32, #tpu.memory_space<hbm>>
        %dma_wait3A_70 = tpu.memref_squeeze %dma_wait3A_69 : memref<1x200x128xf32, #tpu.memory_space<hbm>> -> memref<200x128xf32, #tpu.memory_space<hbm>>
        %dma_wait3A_71 = arith.constant 0 : i32
        %dma_wait3A_72 = tpu.memref_slice %arg12[%mul3A_62, %dma_wait3A_71] : memref<10000x128xf32, #tpu.memory_space<vmem_shared>> -> memref<200x128xf32, #tpu.memory_space<vmem_shared>>
        tpu.wait_dma2 semaphore(%run_scoped3A : memref<!tpu.dma_semaphore, #tpu.memory_space<semaphore_mem>>) src(%dma_wait3A_72 : memref<200x128xf32, #tpu.memory_space<vmem_shared>>) dst(%dma_wait3A_70 : memref<200x128xf32, #tpu.memory_space<hbm>>)
        tpu.yield
      }) : () -> ()
    } else {
    }
    %add3A_47 = arith.constant 32 : i32
    %add3A_48 = arith.addi %arg1, %add3A_47 : i32
    %lt3A_49 = arith.constant 50 : i32
    %lt3A_50 = arith.cmpi slt, %add3A_48, %lt3A_49 : i32
    %convert_element_type3A_51 = arith.extui %lt3A_50 : i1 to i32
    %cond3A_52 = arith.constant 0 : i32
    %cond3A_53 = arith.cmpi ne, %convert_element_type3A_51, %cond3A_52 : i32
    scf.if %cond3A_53 {
      %mul3A_61 = arith.constant 200 : i32
      %mul3A_62 = arith.muli %add3A_48, %mul3A_61 : i32
      %mul3A_63 = arith.constant 200 : i32
      %mul3A_64 = arith.muli %add3A_48, %mul3A_63 : i32
      "tpu.region"() ({
        %run_scoped3A = tpu.sem_alloc : memref<!tpu.dma_semaphore, #tpu.memory_space<semaphore_mem>>
        %dma_start3A = arith.constant 0 : i32
        %dma_start3A_65 = tpu.memref_slice %arg6[%arg0, %mul3A_64, %dma_start3A] : memref<2x10000x128xf32, #tpu.memory_space<hbm>> -> memref<1x200x128xf32, #tpu.memory_space<hbm>>
        %dma_start3A_66 = tpu.memref_squeeze %dma_start3A_65 : memref<1x200x128xf32, #tpu.memory_space<hbm>> -> memref<200x128xf32, #tpu.memory_space<hbm>>
        %dma_start3A_67 = arith.constant 0 : i32
        %dma_start3A_68 = tpu.memref_slice %arg12[%mul3A_62, %dma_start3A_67] : memref<10000x128xf32, #tpu.memory_space<vmem_shared>> -> memref<200x128xf32, #tpu.memory_space<vmem_shared>>
        tpu.enqueue_dma source(%dma_start3A_68 : memref<200x128xf32, #tpu.memory_space<vmem_shared>>) target(%dma_start3A_66 : memref<200x128xf32, #tpu.memory_space<hbm>>) target_semaphore(%run_scoped3A : memref<!tpu.dma_semaphore, #tpu.memory_space<semaphore_mem>>)
        %dma_wait3A = arith.constant 0 : i32
        %dma_wait3A_69 = tpu.memref_slice %arg6[%arg0, %mul3A_64, %dma_wait3A] : memref<2x10000x128xf32, #tpu.memory_space<hbm>> -> memref<1x200x128xf32, #tpu.memory_space<hbm>>
        %dma_wait3A_70 = tpu.memref_squeeze %dma_wait3A_69 : memref<1x200x128xf32, #tpu.memory_space<hbm>> -> memref<200x128xf32, #tpu.memory_space<hbm>>
        %dma_wait3A_71 = arith.constant 0 : i32
        %dma_wait3A_72 = tpu.memref_slice %arg12[%mul3A_62, %dma_wait3A_71] : memref<10000x128xf32, #tpu.memory_space<vmem_shared>> -> memref<200x128xf32, #tpu.memory_space<vmem_shared>>
        tpu.wait_dma2 semaphore(%run_scoped3A : memref<!tpu.dma_semaphore, #tpu.memory_space<semaphore_mem>>) src(%dma_wait3A_72 : memref<200x128xf32, #tpu.memory_space<vmem_shared>>) dst(%dma_wait3A_70 : memref<200x128xf32, #tpu.memory_space<hbm>>)
        tpu.yield
      }) : () -> ()
    } else {
    }
    %add3A_54 = arith.constant 48 : i32
    %add3A_55 = arith.addi %arg1, %add3A_54 : i32
    %lt3A_56 = arith.constant 50 : i32
    %lt3A_57 = arith.cmpi slt, %add3A_55, %lt3A_56 : i32
    %convert_element_type3A_58 = arith.extui %lt3A_57 : i1 to i32
    %cond3A_59 = arith.constant 0 : i32
    %cond3A_60 = arith.cmpi ne, %convert_element_type3A_58, %cond3A_59 : i32
    scf.if %cond3A_60 {
      %mul3A_61 = arith.constant 200 : i32
      %mul3A_62 = arith.muli %add3A_55, %mul3A_61 : i32
      %mul3A_63 = arith.constant 200 : i32
      %mul3A_64 = arith.muli %add3A_55, %mul3A_63 : i32
      "tpu.region"() ({
        %run_scoped3A = tpu.sem_alloc : memref<!tpu.dma_semaphore, #tpu.memory_space<semaphore_mem>>
        %dma_start3A = arith.constant 0 : i32
        %dma_start3A_65 = tpu.memref_slice %arg6[%arg0, %mul3A_64, %dma_start3A] : memref<2x10000x128xf32, #tpu.memory_space<hbm>> -> memref<1x200x128xf32, #tpu.memory_space<hbm>>
        %dma_start3A_66 = tpu.memref_squeeze %dma_start3A_65 : memref<1x200x128xf32, #tpu.memory_space<hbm>> -> memref<200x128xf32, #tpu.memory_space<hbm>>
        %dma_start3A_67 = arith.constant 0 : i32
        %dma_start3A_68 = tpu.memref_slice %arg12[%mul3A_62, %dma_start3A_67] : memref<10000x128xf32, #tpu.memory_space<vmem_shared>> -> memref<200x128xf32, #tpu.memory_space<vmem_shared>>
        tpu.enqueue_dma source(%dma_start3A_68 : memref<200x128xf32, #tpu.memory_space<vmem_shared>>) target(%dma_start3A_66 : memref<200x128xf32, #tpu.memory_space<hbm>>) target_semaphore(%run_scoped3A : memref<!tpu.dma_semaphore, #tpu.memory_space<semaphore_mem>>)
        %dma_wait3A = arith.constant 0 : i32
        %dma_wait3A_69 = tpu.memref_slice %arg6[%arg0, %mul3A_64, %dma_wait3A] : memref<2x10000x128xf32, #tpu.memory_space<hbm>> -> memref<1x200x128xf32, #tpu.memory_space<hbm>>
        %dma_wait3A_70 = tpu.memref_squeeze %dma_wait3A_69 : memref<1x200x128xf32, #tpu.memory_space<hbm>> -> memref<200x128xf32, #tpu.memory_space<hbm>>
        %dma_wait3A_71 = arith.constant 0 : i32
        %dma_wait3A_72 = tpu.memref_slice %arg12[%mul3A_62, %dma_wait3A_71] : memref<10000x128xf32, #tpu.memory_space<vmem_shared>> -> memref<200x128xf32, #tpu.memory_space<vmem_shared>>
        tpu.wait_dma2 semaphore(%run_scoped3A : memref<!tpu.dma_semaphore, #tpu.memory_space<semaphore_mem>>) src(%dma_wait3A_72 : memref<200x128xf32, #tpu.memory_space<vmem_shared>>) dst(%dma_wait3A_70 : memref<200x128xf32, #tpu.memory_space<hbm>>)
        tpu.yield
      }) : () -> ()
    } else {
    }
    return
  }
}

module attributes {stable_mosaic.version = 14 : i64} {
  func.func @body(%arg0: memref<32x10000xf32, #tpu.memory_space<vmem>>, %arg1: memref<10000xf32, #tpu.memory_space<vmem>>) attributes {dimension_semantics = [], scalar_prefetch = 0 : i64, scratch_operands = 0 : i64, tpu.core_type = #tpu.core_type<tc>} {
    %get3A = arith.constant 0 : index
    %get3A_0 = arith.constant 0 : index
    %get3A_1 = vector.load %arg0[%get3A, %get3A_0] : memref<32x10000xf32, #tpu.memory_space<vmem>>, vector<32x10000xf32>
    %reduce_sum3A = arith.constant dense<0.000000e+00> : vector<10000xf32>
    %reduce_sum3A_2 = vector.multi_reduction <add>, %get3A_1, %reduce_sum3A [0] : vector<32x10000xf32> to vector<10000xf32>
    %gt3A = arith.constant 0.000000e+00 : f32
    %gt3A_3 = vector.broadcast %gt3A : f32 to vector<10000xf32>
    %gt3A_4 = arith.cmpf ogt, %reduce_sum3A_2, %gt3A_3 : vector<10000xf32>
    %rsqrt3A = math.rsqrt %reduce_sum3A_2 : vector<10000xf32>
    %jit3A = arith.constant 0.000000e+00 : f32
    %broadcast_in_dim3A = vector.broadcast %jit3A : f32 to vector<10000xf32>
    %select_n3A = arith.select %gt3A_4, %rsqrt3A, %broadcast_in_dim3A : vector<10000xi1>, vector<10000xf32>
    %swap3A = arith.constant 0 : index
    %swap3A_5 = vector.load %arg1[%swap3A] : memref<10000xf32, #tpu.memory_space<vmem>>, vector<10000xf32>
    tpu.vector_store %arg1[%swap3A], %select_n3A {strides = array<i32>} : memref<10000xf32, #tpu.memory_space<vmem>>, vector<10000xf32>,
    return
  }
}

module attributes {stable_mosaic.version = 14 : i64} {
  func.func @body(%arg0: i32, %arg1: memref<2000x128xf32, #tpu.memory_space<vmem>>, %arg2: memref<2000x128xf32, #tpu.memory_space<vmem>>, %arg3: memref<2000x128xf32, #tpu.memory_space<vmem>>, %arg4: memref<2x2000x128xf32, #tpu.memory_space<vmem>>, %arg5: memref<512x128xf32, #tpu.memory_space<vmem>>, %arg6: memref<1x128xf32, #tpu.memory_space<vmem>>, %arg7: memref<2000x128xf32, #tpu.memory_space<vmem>>, %arg8: memref<2x128xf32, #tpu.memory_space<vmem>>, %arg9: memref<8x128xf32, #tpu.memory_space<vmem>>) attributes {dimension_semantics = [#tpu.dimension_semantics<arbitrary>], iteration_bounds = array<i64: 5>, scalar_prefetch = 0 : i64, scratch_operands = 1 : i64, tpu.core_type = #tpu.core_type<tc>, window_params = [{transform_indices = @transform_0, window_bounds = array<i64: 2000, 128>}, {transform_indices = @transform_1, window_bounds = array<i64: 2000, 128>}, {transform_indices = @transform_2, window_bounds = array<i64: 2000, 128>}, {transform_indices = @transform_3, window_bounds = array<i64: 2, 2000, 128>}, {pipeline_mode = #tpu.pipeline_mode<synchronous>, transform_indices = @transform_4, window_bounds = array<i64: 512, 128>}, {pipeline_mode = #tpu.pipeline_mode<synchronous>, transform_indices = @transform_5, window_bounds = array<i64: 1, 128>}, {transform_indices = @transform_6, window_bounds = array<i64: 2000, 128>}, {pipeline_mode = #tpu.pipeline_mode<synchronous>, transform_indices = @transform_7, window_bounds = array<i64: 2, 128>}]} {
    %get3A = arith.constant 0 : index
    %get3A_0 = arith.constant 0 : index
    %get3A_1 = arith.constant 0 : index
    %get3A_2 = vector.load %arg4[%get3A, %get3A_0, %get3A_1] : memref<2x2000x128xf32, #tpu.memory_space<vmem>>, vector<1x2000x128xf32>
    %get3A_3 = vector.shape_cast %get3A_2 : vector<1x2000x128xf32> to vector<2000x128xf32>
    %get3A_4 = arith.constant 1 : index
    %get3A_5 = arith.constant 0 : index
    %get3A_6 = arith.constant 0 : index
    %get3A_7 = vector.load %arg4[%get3A_4, %get3A_5, %get3A_6] : memref<2x2000x128xf32, #tpu.memory_space<vmem>>, vector<1x2000x128xf32>
    %get3A_8 = vector.shape_cast %get3A_7 : vector<1x2000x128xf32> to vector<2000x128xf32>
    %add3A = arith.addf %get3A_3, %get3A_8 : vector<2000x128xf32>
    %get3A_9 = arith.constant 0 : index
    %get3A_10 = arith.constant 0 : index
    %get3A_11 = vector.load %arg1[%get3A_9, %get3A_10] : memref<2000x128xf32, #tpu.memory_space<vmem>>, vector<2000x128xf32>
    %get3A_12 = arith.constant 0 : index
    %get3A_13 = arith.constant 0 : index
    %get3A_14 = vector.load %arg5[%get3A_12, %get3A_13] : memref<512x128xf32, #tpu.memory_space<vmem>>, vector<128x128xf32>
    %dot_general3A = arith.constant dense<0.000000e+00> : vector<2000x128xf32>
    %dot_general3A_15 = tpu.matmul %get3A_11, %get3A_14, %dot_general3A {dimension_numbers = #tpu.dot_dimension_numbers<[1], [0], [0], [1], [0, 0, 1, 1], [], []>, transpose_lhs_hint = false} : vector<2000x128xf32>, vector<128x128xf32>, vector<2000x128xf32> -> vector<2000x128xf32>
    %get3A_16 = arith.constant 0 : index
    %get3A_17 = arith.constant 0 : index
    %get3A_18 = vector.load %arg2[%get3A_16, %get3A_17] : memref<2000x128xf32, #tpu.memory_space<vmem>>, vector<2000x128xf32>
    %get3A_19 = arith.constant 128 : index
    %get3A_20 = arith.constant 0 : index
    %get3A_21 = vector.load %arg5[%get3A_19, %get3A_20] : memref<512x128xf32, #tpu.memory_space<vmem>>, vector<128x128xf32>
    %dot_general3A_22 = arith.constant dense<0.000000e+00> : vector<2000x128xf32>
    %dot_general3A_23 = tpu.matmul %get3A_18, %get3A_21, %dot_general3A_22 {dimension_numbers = #tpu.dot_dimension_numbers<[1], [0], [0], [1], [0, 0, 1, 1], [], []>, transpose_lhs_hint = false} : vector<2000x128xf32>, vector<128x128xf32>, vector<2000x128xf32> -> vector<2000x128xf32>
    %add3A_24 = arith.addf %dot_general3A_15, %dot_general3A_23 : vector<2000x128xf32>
    %get3A_25 = arith.constant 0 : index
    %get3A_26 = arith.constant 0 : index
    %get3A_27 = vector.load %arg3[%get3A_25, %get3A_26] : memref<2000x128xf32, #tpu.memory_space<vmem>>, vector<2000x128xf32>
    %get3A_28 = arith.constant 256 : index
    %get3A_29 = arith.constant 0 : index
    %get3A_30 = vector.load %arg5[%get3A_28, %get3A_29] : memref<512x128xf32, #tpu.memory_space<vmem>>, vector<128x128xf32>
    %dot_general3A_31 = arith.constant dense<0.000000e+00> : vector<2000x128xf32>
    %dot_general3A_32 = tpu.matmul %get3A_27, %get3A_30, %dot_general3A_31 {dimension_numbers = #tpu.dot_dimension_numbers<[1], [0], [0], [1], [0, 0, 1, 1], [], []>, transpose_lhs_hint = false} : vector<2000x128xf32>, vector<128x128xf32>, vector<2000x128xf32> -> vector<2000x128xf32>
    %add3A_33 = arith.addf %add3A_24, %dot_general3A_32 : vector<2000x128xf32>
    %get3A_34 = arith.constant 384 : index
    %get3A_35 = arith.constant 0 : index
    %get3A_36 = vector.load %arg5[%get3A_34, %get3A_35] : memref<512x128xf32, #tpu.memory_space<vmem>>, vector<128x128xf32>
    %dot_general3A_37 = arith.constant dense<0.000000e+00> : vector<2000x128xf32>
    %dot_general3A_38 = tpu.matmul %add3A, %get3A_36, %dot_general3A_37 {dimension_numbers = #tpu.dot_dimension_numbers<[1], [0], [0], [1], [0, 0, 1, 1], [], []>, transpose_lhs_hint = false} : vector<2000x128xf32>, vector<128x128xf32>, vector<2000x128xf32> -> vector<2000x128xf32>
    %add3A_39 = arith.addf %add3A_33, %dot_general3A_38 : vector<2000x128xf32>
    %get3A_40 = arith.constant 0 : index
    %get3A_41 = arith.constant 0 : index
    %get3A_42 = vector.load %arg6[%get3A_40, %get3A_41] : memref<1x128xf32, #tpu.memory_space<vmem>>, vector<1x128xf32>
    %add3A_43 = vector.broadcast %get3A_42 : vector<1x128xf32> to vector<2000x128xf32>
    %add3A_44 = arith.addf %add3A_39, %add3A_43 : vector<2000x128xf32>
    %max3A = arith.constant 0.000000e+00 : f32
    %max3A_45 = vector.broadcast %max3A : f32 to vector<2000x128xf32>
    %max3A_46 = arith.maximumf %add3A_44, %max3A_45 : vector<2000x128xf32>
    %swap3A = arith.constant 0 : index
    %swap3A_47 = arith.constant 0 : index
    %swap3A_48 = vector.load %arg7[%swap3A, %swap3A_47] : memref<2000x128xf32, #tpu.memory_space<vmem>>, vector<2000x128xf32>
    tpu.vector_store %arg7[%swap3A, %swap3A_47], %max3A_46 {strides = array<i32>} : memref<2000x128xf32, #tpu.memory_space<vmem>>, vector<2000x128xf32>,
    %eq3A = arith.constant 0 : i32
    %eq3A_49 = arith.cmpi eq, %arg0, %eq3A : i32
    %convert_element_type3A = arith.extui %eq3A_49 : i1 to i32
    %cond3A = arith.constant 0 : i32
    %cond3A_50 = arith.cmpi ne, %convert_element_type3A, %cond3A : i32
    scf.if %cond3A_50 {
      %broadcast_in_dim3A_75 = arith.constant 0.000000e+00 : f32
      %broadcast_in_dim3A_76 = vector.broadcast %broadcast_in_dim3A_75 : f32 to vector<8x128xf32>
      %swap3A_77 = arith.constant 0 : index
      %swap3A_78 = arith.constant 0 : index
      %swap3A_79 = vector.load %arg9[%swap3A_77, %swap3A_78] : memref<8x128xf32, #tpu.memory_space<vmem>>, vector<8x128xf32>
      tpu.vector_store %arg9[%swap3A_77, %swap3A_78], %broadcast_in_dim3A_76 {strides = array<i32>} : memref<8x128xf32, #tpu.memory_space<vmem>>, vector<8x128xf32>,
    } else {
    }
    %get3A_51 = arith.constant 0 : index
    %get3A_52 = arith.constant 0 : index
    %get3A_53 = vector.load %arg9[%get3A_51, %get3A_52] : memref<8x128xf32, #tpu.memory_space<vmem>>, vector<1x128xf32>
    %reduce_sum3A = arith.constant dense<0.000000e+00> : vector<128xf32>
    %reduce_sum3A_54 = vector.multi_reduction <add>, %max3A_46, %reduce_sum3A [0] : vector<2000x128xf32> to vector<128xf32>
    %broadcast_in_dim3A = vector.shape_cast %reduce_sum3A_54 : vector<128xf32> to vector<1x128xf32>
    %add3A_55 = arith.addf %get3A_53, %broadcast_in_dim3A : vector<1x128xf32>
    %swap3A_56 = arith.constant 0 : index
    %swap3A_57 = arith.constant 0 : index
    %swap3A_58 = vector.load %arg9[%swap3A_56, %swap3A_57] : memref<8x128xf32, #tpu.memory_space<vmem>>, vector<1x128xf32>
    tpu.vector_store %arg9[%swap3A_56, %swap3A_57], %add3A_55 {strides = array<i32>} : memref<8x128xf32, #tpu.memory_space<vmem>>, vector<1x128xf32>,
    %get3A_59 = arith.constant 1 : index
    %get3A_60 = arith.constant 0 : index
    %get3A_61 = vector.load %arg9[%get3A_59, %get3A_60] : memref<8x128xf32, #tpu.memory_space<vmem>>, vector<1x128xf32>
    %mul3A = arith.mulf %max3A_46, %max3A_46 : vector<2000x128xf32>
    %reduce_sum3A_62 = arith.constant dense<0.000000e+00> : vector<128xf32>
    %reduce_sum3A_63 = vector.multi_reduction <add>, %mul3A, %reduce_sum3A_62 [0] : vector<2000x128xf32> to vector<128xf32>
    %broadcast_in_dim3A_64 = vector.shape_cast %reduce_sum3A_63 : vector<128xf32> to vector<1x128xf32>
    %add3A_65 = arith.addf %get3A_61, %broadcast_in_dim3A_64 : vector<1x128xf32>
    %swap3A_66 = arith.constant 1 : index
    %swap3A_67 = arith.constant 0 : index
    %swap3A_68 = vector.load %arg9[%swap3A_66, %swap3A_67] : memref<8x128xf32, #tpu.memory_space<vmem>>, vector<1x128xf32>
    tpu.vector_store %arg9[%swap3A_66, %swap3A_67], %add3A_65 {strides = array<i32>} : memref<8x128xf32, #tpu.memory_space<vmem>>, vector<1x128xf32>,
    %get3A_69 = arith.constant 0 : index
    %get3A_70 = arith.constant 0 : index
    %get3A_71 = vector.load %arg9[%get3A_69, %get3A_70] : memref<8x128xf32, #tpu.memory_space<vmem>>, vector<2x128xf32>
    %swap3A_72 = arith.constant 0 : index
    %swap3A_73 = arith.constant 0 : index
    %swap3A_74 = vector.load %arg8[%swap3A_72, %swap3A_73] : memref<2x128xf32, #tpu.memory_space<vmem>>, vector<2x128xf32>
    tpu.vector_store %arg8[%swap3A_72, %swap3A_73], %get3A_71 {strides = array<i32>} : memref<2x128xf32, #tpu.memory_space<vmem>>, vector<2x128xf32>,
    return
  }
  func.func @transform_0(%arg0: i32) -> (i32, i32) {
    %c0_i32 = arith.constant 0 : i32
    %c0_i32_0 = arith.constant 0 : i32
    return %arg0, %c0_i32 : i32, i32
  }
  func.func @transform_1(%arg0: i32) -> (i32, i32) {
    %c0_i32 = arith.constant 0 : i32
    %c0_i32_0 = arith.constant 0 : i32
    return %arg0, %c0_i32 : i32, i32
  }
  func.func @transform_2(%arg0: i32) -> (i32, i32) {
    %c0_i32 = arith.constant 0 : i32
    %c0_i32_0 = arith.constant 0 : i32
    return %arg0, %c0_i32 : i32, i32
  }
  func.func @transform_3(%arg0: i32) -> (i32, i32, i32) {
    %c0_i32 = arith.constant 0 : i32
    %c0_i32_0 = arith.constant 0 : i32
    %c0_i32_1 = arith.constant 0 : i32
    return %c0_i32, %arg0, %c0_i32_0 : i32, i32, i32
  }
  func.func @transform_4(%arg0: i32) -> (i32, i32) {
    %c0_i32 = arith.constant 0 : i32
    %c0_i32_0 = arith.constant 0 : i32
    %c0_i32_1 = arith.constant 0 : i32
    return %c0_i32, %c0_i32_0 : i32, i32
  }
  func.func @transform_5(%arg0: i32) -> (i32, i32) {
    %c0_i32 = arith.constant 0 : i32
    %c0_i32_0 = arith.constant 0 : i32
    %c0_i32_1 = arith.constant 0 : i32
    return %c0_i32, %c0_i32_0 : i32, i32
  }
  func.func @transform_6(%arg0: i32) -> (i32, i32) {
    %c0_i32 = arith.constant 0 : i32
    %c0_i32_0 = arith.constant 0 : i32
    return %arg0, %c0_i32 : i32, i32
  }
  func.func @transform_7(%arg0: i32) -> (i32, i32) {
    %c0_i32 = arith.constant 0 : i32
    %c0_i32_0 = arith.constant 0 : i32
    %c0_i32_1 = arith.constant 0 : i32
    return %c0_i32, %c0_i32_0 : i32, i32
  }
}

module attributes {stable_mosaic.version = 14 : i64} {
  func.func @body(%arg0: i32, %arg1: memref<2x2000x128xf32, #tpu.memory_space<vmem>>, %arg2: memref<2000x128xf32, #tpu.memory_space<vmem>>) attributes {dimension_semantics = [#tpu.dimension_semantics<arbitrary>], iteration_bounds = array<i64: 5>, scalar_prefetch = 0 : i64, scratch_operands = 0 : i64, tpu.core_type = #tpu.core_type<tc>, window_params = [{transform_indices = @transform_0, window_bounds = array<i64: 2, 2000, 128>}, {transform_indices = @transform_1, window_bounds = array<i64: 2000, 128>}]} {
    %get3A = arith.constant 0 : index
    %get3A_0 = arith.constant 0 : index
    %get3A_1 = arith.constant 0 : index
    %get3A_2 = vector.load %arg1[%get3A, %get3A_0, %get3A_1] : memref<2x2000x128xf32, #tpu.memory_space<vmem>>, vector<1x2000x128xf32>
    %get3A_3 = vector.shape_cast %get3A_2 : vector<1x2000x128xf32> to vector<2000x128xf32>
    %get3A_4 = arith.constant 1 : index
    %get3A_5 = arith.constant 0 : index
    %get3A_6 = arith.constant 0 : index
    %get3A_7 = vector.load %arg1[%get3A_4, %get3A_5, %get3A_6] : memref<2x2000x128xf32, #tpu.memory_space<vmem>>, vector<1x2000x128xf32>
    %get3A_8 = vector.shape_cast %get3A_7 : vector<1x2000x128xf32> to vector<2000x128xf32>
    %add3A = arith.addf %get3A_3, %get3A_8 : vector<2000x128xf32>
    %swap3A = arith.constant 0 : index
    %swap3A_9 = arith.constant 0 : index
    %swap3A_10 = vector.load %arg2[%swap3A, %swap3A_9] : memref<2000x128xf32, #tpu.memory_space<vmem>>, vector<2000x128xf32>
    tpu.vector_store %arg2[%swap3A, %swap3A_9], %add3A {strides = array<i32>} : memref<2000x128xf32, #tpu.memory_space<vmem>>, vector<2000x128xf32>,
    return
  }
  func.func @transform_0(%arg0: i32) -> (i32, i32, i32) {
    %c0_i32 = arith.constant 0 : i32
    %c0_i32_0 = arith.constant 0 : i32
    %c0_i32_1 = arith.constant 0 : i32
    return %c0_i32, %arg0, %c0_i32_0 : i32, i32, i32
  }
  func.func @transform_1(%arg0: i32) -> (i32, i32) {
    %c0_i32 = arith.constant 0 : i32
    %c0_i32_0 = arith.constant 0 : i32
    return %arg0, %c0_i32 : i32, i32
  }
}

module attributes {stable_mosaic.version = 14 : i64} {
  func.func @body(%arg0: i32, %arg1: memref<2000x128xf32, #tpu.memory_space<vmem>>, %arg2: memref<2x128xf32, #tpu.memory_space<vmem>>, %arg3: memref<1x128xf32, #tpu.memory_space<vmem>>, %arg4: memref<1x128xf32, #tpu.memory_space<vmem>>, %arg5: memref<2000x128xf32, #tpu.memory_space<vmem>>) attributes {dimension_semantics = [#tpu.dimension_semantics<arbitrary>], iteration_bounds = array<i64: 5>, scalar_prefetch = 0 : i64, scratch_operands = 0 : i64, tpu.core_type = #tpu.core_type<tc>, window_params = [{transform_indices = @transform_0, window_bounds = array<i64: 2000, 128>}, {pipeline_mode = #tpu.pipeline_mode<synchronous>, transform_indices = @transform_1, window_bounds = array<i64: 2, 128>}, {pipeline_mode = #tpu.pipeline_mode<synchronous>, transform_indices = @transform_2, window_bounds = array<i64: 1, 128>}, {pipeline_mode = #tpu.pipeline_mode<synchronous>, transform_indices = @transform_3, window_bounds = array<i64: 1, 128>}, {transform_indices = @transform_4, window_bounds = array<i64: 2000, 128>}]} {
    %get3A = arith.constant 0 : index
    %get3A_0 = arith.constant 0 : index
    %get3A_1 = vector.load %arg2[%get3A, %get3A_0] : memref<2x128xf32, #tpu.memory_space<vmem>>, vector<1x128xf32>
    %div3A = arith.constant 1.000000e+04 : f32
    %div3A_2 = vector.broadcast %div3A : f32 to vector<1x128xf32>
    %div3A_3 = arith.divf %get3A_1, %div3A_2 : vector<1x128xf32>
    %get3A_4 = arith.constant 1 : index
    %get3A_5 = arith.constant 0 : index
    %get3A_6 = vector.load %arg2[%get3A_4, %get3A_5] : memref<2x128xf32, #tpu.memory_space<vmem>>, vector<1x128xf32>
    %div3A_7 = arith.constant 1.000000e+04 : f32
    %div3A_8 = vector.broadcast %div3A_7 : f32 to vector<1x128xf32>
    %div3A_9 = arith.divf %get3A_6, %div3A_8 : vector<1x128xf32>
    %mul3A = arith.mulf %div3A_3, %div3A_3 : vector<1x128xf32>
    %sub3A = arith.subf %div3A_9, %mul3A : vector<1x128xf32>
    %add3A = arith.constant 9.99999974E-6 : f32
    %add3A_10 = vector.broadcast %add3A : f32 to vector<1x128xf32>
    %add3A_11 = arith.addf %sub3A, %add3A_10 : vector<1x128xf32>
    %rsqrt3A = math.rsqrt %add3A_11 : vector<1x128xf32>
    %get3A_12 = arith.constant 0 : index
    %get3A_13 = arith.constant 0 : index
    %get3A_14 = vector.load %arg1[%get3A_12, %get3A_13] : memref<2000x128xf32, #tpu.memory_space<vmem>>, vector<2000x128xf32>
    %sub3A_15 = vector.broadcast %div3A_3 : vector<1x128xf32> to vector<2000x128xf32>
    %sub3A_16 = arith.subf %get3A_14, %sub3A_15 : vector<2000x128xf32>
    %mul3A_17 = vector.broadcast %rsqrt3A : vector<1x128xf32> to vector<2000x128xf32>
    %mul3A_18 = arith.mulf %sub3A_16, %mul3A_17 : vector<2000x128xf32>
    %get3A_19 = arith.constant 0 : index
    %get3A_20 = arith.constant 0 : index
    %get3A_21 = vector.load %arg3[%get3A_19, %get3A_20] : memref<1x128xf32, #tpu.memory_space<vmem>>, vector<1x128xf32>
    %mul3A_22 = vector.broadcast %get3A_21 : vector<1x128xf32> to vector<2000x128xf32>
    %mul3A_23 = arith.mulf %mul3A_18, %mul3A_22 : vector<2000x128xf32>
    %get3A_24 = arith.constant 0 : index
    %get3A_25 = arith.constant 0 : index
    %get3A_26 = vector.load %arg4[%get3A_24, %get3A_25] : memref<1x128xf32, #tpu.memory_space<vmem>>, vector<1x128xf32>
    %add3A_27 = vector.broadcast %get3A_26 : vector<1x128xf32> to vector<2000x128xf32>
    %add3A_28 = arith.addf %mul3A_23, %add3A_27 : vector<2000x128xf32>
    %swap3A = arith.constant 0 : index
    %swap3A_29 = arith.constant 0 : index
    %swap3A_30 = vector.load %arg5[%swap3A, %swap3A_29] : memref<2000x128xf32, #tpu.memory_space<vmem>>, vector<2000x128xf32>
    tpu.vector_store %arg5[%swap3A, %swap3A_29], %add3A_28 {strides = array<i32>} : memref<2000x128xf32, #tpu.memory_space<vmem>>, vector<2000x128xf32>,
    return
  }
  func.func @transform_0(%arg0: i32) -> (i32, i32) {
    %c0_i32 = arith.constant 0 : i32
    %c0_i32_0 = arith.constant 0 : i32
    return %arg0, %c0_i32 : i32, i32
  }
  func.func @transform_1(%arg0: i32) -> (i32, i32) {
    %c0_i32 = arith.constant 0 : i32
    %c0_i32_0 = arith.constant 0 : i32
    %c0_i32_1 = arith.constant 0 : i32
    return %c0_i32, %c0_i32_0 : i32, i32
  }
  func.func @transform_2(%arg0: i32) -> (i32, i32) {
    %c0_i32 = arith.constant 0 : i32
    %c0_i32_0 = arith.constant 0 : i32
    %c0_i32_1 = arith.constant 0 : i32
    return %c0_i32, %c0_i32_0 : i32, i32
  }
  func.func @transform_3(%arg0: i32) -> (i32, i32) {
    %c0_i32 = arith.constant 0 : i32
    %c0_i32_0 = arith.constant 0 : i32
    %c0_i32_1 = arith.constant 0 : i32
    return %c0_i32, %c0_i32_0 : i32, i32
  }
  func.func @transform_4(%arg0: i32) -> (i32, i32) {
    %c0_i32 = arith.constant 0 : i32
    %c0_i32_0 = arith.constant 0 : i32
    return %arg0, %c0_i32 : i32, i32
  }
}

module attributes {stable_mosaic.version = 14 : i64} {
  func.func @body(%arg0: i32, %arg1: memref<2000x128xf32, #tpu.memory_space<vmem>>, %arg2: memref<2000x128xf32, #tpu.memory_space<vmem>>, %arg3: memref<256x256xf32, #tpu.memory_space<vmem>>, %arg4: memref<1x256xf32, #tpu.memory_space<vmem>>, %arg5: memref<2000x256xf32, #tpu.memory_space<vmem>>, %arg6: memref<2x256xf32, #tpu.memory_space<vmem>>, %arg7: memref<8x256xf32, #tpu.memory_space<vmem>>) attributes {dimension_semantics = [#tpu.dimension_semantics<arbitrary>], iteration_bounds = array<i64: 5>, scalar_prefetch = 0 : i64, scratch_operands = 1 : i64, tpu.core_type = #tpu.core_type<tc>, window_params = [{transform_indices = @transform_0, window_bounds = array<i64: 2000, 128>}, {transform_indices = @transform_1, window_bounds = array<i64: 2000, 128>}, {pipeline_mode = #tpu.pipeline_mode<synchronous>, transform_indices = @transform_2, window_bounds = array<i64: 256, 256>}, {pipeline_mode = #tpu.pipeline_mode<synchronous>, transform_indices = @transform_3, window_bounds = array<i64: 1, 256>}, {transform_indices = @transform_4, window_bounds = array<i64: 2000, 256>}, {pipeline_mode = #tpu.pipeline_mode<synchronous>, transform_indices = @transform_5, window_bounds = array<i64: 2, 256>}]} {
    %get3A = arith.constant 0 : index
    %get3A_0 = arith.constant 0 : index
    %get3A_1 = vector.load %arg1[%get3A, %get3A_0] : memref<2000x128xf32, #tpu.memory_space<vmem>>, vector<2000x128xf32>
    %get3A_2 = arith.constant 0 : index
    %get3A_3 = arith.constant 0 : index
    %get3A_4 = vector.load %arg3[%get3A_2, %get3A_3] : memref<256x256xf32, #tpu.memory_space<vmem>>, vector<128x256xf32>
    %dot_general3A = arith.constant dense<0.000000e+00> : vector<2000x256xf32>
    %dot_general3A_5 = tpu.matmul %get3A_1, %get3A_4, %dot_general3A {dimension_numbers = #tpu.dot_dimension_numbers<[1], [0], [0], [1], [0, 0, 1, 1], [], []>, transpose_lhs_hint = false} : vector<2000x128xf32>, vector<128x256xf32>, vector<2000x256xf32> -> vector<2000x256xf32>
    %get3A_6 = arith.constant 0 : index
    %get3A_7 = arith.constant 0 : index
    %get3A_8 = vector.load %arg2[%get3A_6, %get3A_7] : memref<2000x128xf32, #tpu.memory_space<vmem>>, vector<2000x128xf32>
    %get3A_9 = arith.constant 128 : index
    %get3A_10 = arith.constant 0 : index
    %get3A_11 = vector.load %arg3[%get3A_9, %get3A_10] : memref<256x256xf32, #tpu.memory_space<vmem>>, vector<128x256xf32>
    %dot_general3A_12 = arith.constant dense<0.000000e+00> : vector<2000x256xf32>
    %dot_general3A_13 = tpu.matmul %get3A_8, %get3A_11, %dot_general3A_12 {dimension_numbers = #tpu.dot_dimension_numbers<[1], [0], [0], [1], [0, 0, 1, 1], [], []>, transpose_lhs_hint = false} : vector<2000x128xf32>, vector<128x256xf32>, vector<2000x256xf32> -> vector<2000x256xf32>
    %add3A = arith.addf %dot_general3A_5, %dot_general3A_13 : vector<2000x256xf32>
    %get3A_14 = arith.constant 0 : index
    %get3A_15 = arith.constant 0 : index
    %get3A_16 = vector.load %arg4[%get3A_14, %get3A_15] : memref<1x256xf32, #tpu.memory_space<vmem>>, vector<1x256xf32>
    %add3A_17 = vector.broadcast %get3A_16 : vector<1x256xf32> to vector<2000x256xf32>
    %add3A_18 = arith.addf %add3A, %add3A_17 : vector<2000x256xf32>
    %max3A = arith.constant 0.000000e+00 : f32
    %max3A_19 = vector.broadcast %max3A : f32 to vector<2000x256xf32>
    %max3A_20 = arith.maximumf %add3A_18, %max3A_19 : vector<2000x256xf32>
    %swap3A = arith.constant 0 : index
    %swap3A_21 = arith.constant 0 : index
    %swap3A_22 = vector.load %arg5[%swap3A, %swap3A_21] : memref<2000x256xf32, #tpu.memory_space<vmem>>, vector<2000x256xf32>
    tpu.vector_store %arg5[%swap3A, %swap3A_21], %max3A_20 {strides = array<i32>} : memref<2000x256xf32, #tpu.memory_space<vmem>>, vector<2000x256xf32>,
    %eq3A = arith.constant 0 : i32
    %eq3A_23 = arith.cmpi eq, %arg0, %eq3A : i32
    %convert_element_type3A = arith.extui %eq3A_23 : i1 to i32
    %cond3A = arith.constant 0 : i32
    %cond3A_24 = arith.cmpi ne, %convert_element_type3A, %cond3A : i32
    scf.if %cond3A_24 {
      %broadcast_in_dim3A_49 = arith.constant 0.000000e+00 : f32
      %broadcast_in_dim3A_50 = vector.broadcast %broadcast_in_dim3A_49 : f32 to vector<8x256xf32>
      %swap3A_51 = arith.constant 0 : index
      %swap3A_52 = arith.constant 0 : index
      %swap3A_53 = vector.load %arg7[%swap3A_51, %swap3A_52] : memref<8x256xf32, #tpu.memory_space<vmem>>, vector<8x256xf32>
      tpu.vector_store %arg7[%swap3A_51, %swap3A_52], %broadcast_in_dim3A_50 {strides = array<i32>} : memref<8x256xf32, #tpu.memory_space<vmem>>, vector<8x256xf32>,
    } else {
    }
    %get3A_25 = arith.constant 0 : index
    %get3A_26 = arith.constant 0 : index
    %get3A_27 = vector.load %arg7[%get3A_25, %get3A_26] : memref<8x256xf32, #tpu.memory_space<vmem>>, vector<1x256xf32>
    %reduce_sum3A = arith.constant dense<0.000000e+00> : vector<256xf32>
    %reduce_sum3A_28 = vector.multi_reduction <add>, %max3A_20, %reduce_sum3A [0] : vector<2000x256xf32> to vector<256xf32>
    %broadcast_in_dim3A = vector.shape_cast %reduce_sum3A_28 : vector<256xf32> to vector<1x256xf32>
    %add3A_29 = arith.addf %get3A_27, %broadcast_in_dim3A : vector<1x256xf32>
    %swap3A_30 = arith.constant 0 : index
    %swap3A_31 = arith.constant 0 : index
    %swap3A_32 = vector.load %arg7[%swap3A_30, %swap3A_31] : memref<8x256xf32, #tpu.memory_space<vmem>>, vector<1x256xf32>
    tpu.vector_store %arg7[%swap3A_30, %swap3A_31], %add3A_29 {strides = array<i32>} : memref<8x256xf32, #tpu.memory_space<vmem>>, vector<1x256xf32>,
    %get3A_33 = arith.constant 1 : index
    %get3A_34 = arith.constant 0 : index
    %get3A_35 = vector.load %arg7[%get3A_33, %get3A_34] : memref<8x256xf32, #tpu.memory_space<vmem>>, vector<1x256xf32>
    %mul3A = arith.mulf %max3A_20, %max3A_20 : vector<2000x256xf32>
    %reduce_sum3A_36 = arith.constant dense<0.000000e+00> : vector<256xf32>
    %reduce_sum3A_37 = vector.multi_reduction <add>, %mul3A, %reduce_sum3A_36 [0] : vector<2000x256xf32> to vector<256xf32>
    %broadcast_in_dim3A_38 = vector.shape_cast %reduce_sum3A_37 : vector<256xf32> to vector<1x256xf32>
    %add3A_39 = arith.addf %get3A_35, %broadcast_in_dim3A_38 : vector<1x256xf32>
    %swap3A_40 = arith.constant 1 : index
    %swap3A_41 = arith.constant 0 : index
    %swap3A_42 = vector.load %arg7[%swap3A_40, %swap3A_41] : memref<8x256xf32, #tpu.memory_space<vmem>>, vector<1x256xf32>
    tpu.vector_store %arg7[%swap3A_40, %swap3A_41], %add3A_39 {strides = array<i32>} : memref<8x256xf32, #tpu.memory_space<vmem>>, vector<1x256xf32>,
    %get3A_43 = arith.constant 0 : index
    %get3A_44 = arith.constant 0 : index
    %get3A_45 = vector.load %arg7[%get3A_43, %get3A_44] : memref<8x256xf32, #tpu.memory_space<vmem>>, vector<2x256xf32>
    %swap3A_46 = arith.constant 0 : index
    %swap3A_47 = arith.constant 0 : index
    %swap3A_48 = vector.load %arg6[%swap3A_46, %swap3A_47] : memref<2x256xf32, #tpu.memory_space<vmem>>, vector<2x256xf32>
    tpu.vector_store %arg6[%swap3A_46, %swap3A_47], %get3A_45 {strides = array<i32>} : memref<2x256xf32, #tpu.memory_space<vmem>>, vector<2x256xf32>,
    return
  }
  func.func @transform_0(%arg0: i32) -> (i32, i32) {
    %c0_i32 = arith.constant 0 : i32
    %c0_i32_0 = arith.constant 0 : i32
    return %arg0, %c0_i32 : i32, i32
  }
  func.func @transform_1(%arg0: i32) -> (i32, i32) {
    %c0_i32 = arith.constant 0 : i32
    %c0_i32_0 = arith.constant 0 : i32
    return %arg0, %c0_i32 : i32, i32
  }
  func.func @transform_2(%arg0: i32) -> (i32, i32) {
    %c0_i32 = arith.constant 0 : i32
    %c0_i32_0 = arith.constant 0 : i32
    %c0_i32_1 = arith.constant 0 : i32
    return %c0_i32, %c0_i32_0 : i32, i32
  }
  func.func @transform_3(%arg0: i32) -> (i32, i32) {
    %c0_i32 = arith.constant 0 : i32
    %c0_i32_0 = arith.constant 0 : i32
    %c0_i32_1 = arith.constant 0 : i32
    return %c0_i32, %c0_i32_0 : i32, i32
  }
  func.func @transform_4(%arg0: i32) -> (i32, i32) {
    %c0_i32 = arith.constant 0 : i32
    %c0_i32_0 = arith.constant 0 : i32
    return %arg0, %c0_i32 : i32, i32
  }
  func.func @transform_5(%arg0: i32) -> (i32, i32) {
    %c0_i32 = arith.constant 0 : i32
    %c0_i32_0 = arith.constant 0 : i32
    %c0_i32_1 = arith.constant 0 : i32
    return %c0_i32, %c0_i32_0 : i32, i32
  }
}

module attributes {stable_mosaic.version = 14 : i64} {
  func.func @body(%arg0: i32, %arg1: memref<2000x256xf32, #tpu.memory_space<vmem>>, %arg2: memref<2x256xf32, #tpu.memory_space<vmem>>, %arg3: memref<1x256xf32, #tpu.memory_space<vmem>>, %arg4: memref<1x256xf32, #tpu.memory_space<vmem>>, %arg5: memref<1x2000x1xi32, #tpu.memory_space<vmem>>, %arg6: memref<64x256xf32, #tpu.memory_space<vmem>>, %arg7: memref<64x256xf32, #tpu.memory_space<vmem>>) attributes {dimension_semantics = [#tpu.dimension_semantics<arbitrary>], iteration_bounds = array<i64: 5>, scalar_prefetch = 0 : i64, scratch_operands = 1 : i64, tpu.core_type = #tpu.core_type<tc>, window_params = [{transform_indices = @transform_0, window_bounds = array<i64: 2000, 256>}, {pipeline_mode = #tpu.pipeline_mode<synchronous>, transform_indices = @transform_1, window_bounds = array<i64: 2, 256>}, {pipeline_mode = #tpu.pipeline_mode<synchronous>, transform_indices = @transform_2, window_bounds = array<i64: 1, 256>}, {pipeline_mode = #tpu.pipeline_mode<synchronous>, transform_indices = @transform_3, window_bounds = array<i64: 1, 256>}, {transform_indices = @transform_4, window_bounds = array<i64: 1, 2000, 1>}, {pipeline_mode = #tpu.pipeline_mode<synchronous>, transform_indices = @transform_5, window_bounds = array<i64: 64, 256>}]} {
    %get3A = arith.constant 0 : index
    %get3A_0 = arith.constant 0 : index
    %get3A_1 = vector.load %arg2[%get3A, %get3A_0] : memref<2x256xf32, #tpu.memory_space<vmem>>, vector<1x256xf32>
    %div3A = arith.constant 1.000000e+04 : f32
    %div3A_2 = vector.broadcast %div3A : f32 to vector<1x256xf32>
    %div3A_3 = arith.divf %get3A_1, %div3A_2 : vector<1x256xf32>
    %get3A_4 = arith.constant 1 : index
    %get3A_5 = arith.constant 0 : index
    %get3A_6 = vector.load %arg2[%get3A_4, %get3A_5] : memref<2x256xf32, #tpu.memory_space<vmem>>, vector<1x256xf32>
    %div3A_7 = arith.constant 1.000000e+04 : f32
    %div3A_8 = vector.broadcast %div3A_7 : f32 to vector<1x256xf32>
    %div3A_9 = arith.divf %get3A_6, %div3A_8 : vector<1x256xf32>
    %mul3A = arith.mulf %div3A_3, %div3A_3 : vector<1x256xf32>
    %sub3A = arith.subf %div3A_9, %mul3A : vector<1x256xf32>
    %add3A = arith.constant 9.99999974E-6 : f32
    %add3A_10 = vector.broadcast %add3A : f32 to vector<1x256xf32>
    %add3A_11 = arith.addf %sub3A, %add3A_10 : vector<1x256xf32>
    %rsqrt3A = math.rsqrt %add3A_11 : vector<1x256xf32>
    %get3A_12 = arith.constant 0 : index
    %get3A_13 = arith.constant 0 : index
    %get3A_14 = vector.load %arg1[%get3A_12, %get3A_13] : memref<2000x256xf32, #tpu.memory_space<vmem>>, vector<2000x256xf32>
    %sub3A_15 = vector.broadcast %div3A_3 : vector<1x256xf32> to vector<2000x256xf32>
    %sub3A_16 = arith.subf %get3A_14, %sub3A_15 : vector<2000x256xf32>
    %mul3A_17 = vector.broadcast %rsqrt3A : vector<1x256xf32> to vector<2000x256xf32>
    %mul3A_18 = arith.mulf %sub3A_16, %mul3A_17 : vector<2000x256xf32>
    %get3A_19 = arith.constant 0 : index
    %get3A_20 = arith.constant 0 : index
    %get3A_21 = vector.load %arg3[%get3A_19, %get3A_20] : memref<1x256xf32, #tpu.memory_space<vmem>>, vector<1x256xf32>
    %mul3A_22 = vector.broadcast %get3A_21 : vector<1x256xf32> to vector<2000x256xf32>
    %mul3A_23 = arith.mulf %mul3A_18, %mul3A_22 : vector<2000x256xf32>
    %get3A_24 = arith.constant 0 : index
    %get3A_25 = arith.constant 0 : index
    %get3A_26 = vector.load %arg4[%get3A_24, %get3A_25] : memref<1x256xf32, #tpu.memory_space<vmem>>, vector<1x256xf32>
    %add3A_27 = vector.broadcast %get3A_26 : vector<1x256xf32> to vector<2000x256xf32>
    %add3A_28 = arith.addf %mul3A_23, %add3A_27 : vector<2000x256xf32>
    %get3A_29 = arith.constant 0 : index
    %get3A_30 = arith.constant 0 : index
    %get3A_31 = arith.constant 0 : index
    %get3A_32 = vector.load %arg5[%get3A_29, %get3A_30, %get3A_31] : memref<1x2000x1xi32, #tpu.memory_space<vmem>>, vector<1x2000x1xi32>
    %get3A_33 = vector.shape_cast %get3A_32 : vector<1x2000x1xi32> to vector<2000x1xi32>
    %eq3A = arith.constant 0 : i32
    %eq3A_34 = arith.cmpi eq, %arg0, %eq3A : i32
    %convert_element_type3A = arith.extui %eq3A_34 : i1 to i32
    %cond3A = arith.constant 0 : i32
    %cond3A_35 = arith.cmpi ne, %convert_element_type3A, %cond3A : i32
    scf.if %cond3A_35 {
      %broadcast_in_dim3A_1188 = arith.constant 0xFF800000 : f32
      %broadcast_in_dim3A_1189 = vector.broadcast %broadcast_in_dim3A_1188 : f32 to vector<64x256xf32>
      %swap3A_1190 = arith.constant 0 : index
      %swap3A_1191 = arith.constant 0 : index
      %swap3A_1192 = vector.load %arg7[%swap3A_1190, %swap3A_1191] : memref<64x256xf32, #tpu.memory_space<vmem>>, vector<64x256xf32>
      tpu.vector_store %arg7[%swap3A_1190, %swap3A_1191], %broadcast_in_dim3A_1189 {strides = array<i32>} : memref<64x256xf32, #tpu.memory_space<vmem>>, vector<64x256xf32>,
    } else {
    }
    %eq3A_36 = arith.constant 0 : i32
    %eq3A_37 = vector.broadcast %eq3A_36 : i32 to vector<2000x1xi32>
    %eq3A_38 = arith.cmpi eq, %get3A_33, %eq3A_37 : vector<2000x1xi32>
    %jit3A = arith.constant 0xFF800000 : f32
    %broadcast_in_dim3A = vector.shape_cast %eq3A_38 : vector<2000x1xi1> to vector<2000x1xi1>
    %broadcast_in_dim3A_39 = vector.broadcast %broadcast_in_dim3A : vector<2000x1xi1> to vector<2000x256xi1>
    %broadcast_in_dim3A_40 = vector.broadcast %jit3A : f32 to vector<2000x256xf32>
    %select_n3A = arith.select %broadcast_in_dim3A_39, %add3A_28, %broadcast_in_dim3A_40 : vector<2000x256xi1>, vector<2000x256xf32>
    %reduce_max3A = arith.constant dense<0xFF800000> : vector<256xf32>
    %reduce_max3A_41 = vector.multi_reduction <maximumf>, %select_n3A, %reduce_max3A [0] : vector<2000x256xf32> to vector<256xf32>
    %get3A_42 = arith.constant 0 : index
    %get3A_43 = arith.constant 0 : index
    %get3A_44 = vector.load %arg7[%get3A_42, %get3A_43] : memref<64x256xf32, #tpu.memory_space<vmem>>, vector<1x256xf32>
    %broadcast_in_dim3A_45 = vector.shape_cast %reduce_max3A_41 : vector<256xf32> to vector<1x256xf32>
    %max3A = arith.maximumf %get3A_44, %broadcast_in_dim3A_45 : vector<1x256xf32>
    %swap3A = arith.constant 0 : index
    %swap3A_46 = arith.constant 0 : index
    %swap3A_47 = vector.load %arg7[%swap3A, %swap3A_46] : memref<64x256xf32, #tpu.memory_space<vmem>>, vector<1x256xf32>
    tpu.vector_store %arg7[%swap3A, %swap3A_46], %max3A {strides = array<i32>} : memref<64x256xf32, #tpu.memory_space<vmem>>, vector<1x256xf32>,
    %eq3A_48 = arith.constant 1 : i32
    %eq3A_49 = vector.broadcast %eq3A_48 : i32 to vector<2000x1xi32>
    %eq3A_50 = arith.cmpi eq, %get3A_33, %eq3A_49 : vector<2000x1xi32>
    %jit3A_51 = arith.constant 0xFF800000 : f32
    %broadcast_in_dim3A_52 = vector.shape_cast %eq3A_50 : vector<2000x1xi1> to vector<2000x1xi1>
    %broadcast_in_dim3A_53 = vector.broadcast %broadcast_in_dim3A_52 : vector<2000x1xi1> to vector<2000x256xi1>
    %broadcast_in_dim3A_54 = vector.broadcast %jit3A_51 : f32 to vector<2000x256xf32>
    %select_n3A_55 = arith.select %broadcast_in_dim3A_53, %add3A_28, %broadcast_in_dim3A_54 : vector<2000x256xi1>, vector<2000x256xf32>
    %reduce_max3A_56 = arith.constant dense<0xFF800000> : vector<256xf32>
    %reduce_max3A_57 = vector.multi_reduction <maximumf>, %select_n3A_55, %reduce_max3A_56 [0] : vector<2000x256xf32> to vector<256xf32>
    %get3A_58 = arith.constant 1 : index
    %get3A_59 = arith.constant 0 : index
    %get3A_60 = vector.load %arg7[%get3A_58, %get3A_59] : memref<64x256xf32, #tpu.memory_space<vmem>>, vector<1x256xf32>
    %broadcast_in_dim3A_61 = vector.shape_cast %reduce_max3A_57 : vector<256xf32> to vector<1x256xf32>
    %max3A_62 = arith.maximumf %get3A_60, %broadcast_in_dim3A_61 : vector<1x256xf32>
    %swap3A_63 = arith.constant 1 : index
    %swap3A_64 = arith.constant 0 : index
    %swap3A_65 = vector.load %arg7[%swap3A_63, %swap3A_64] : memref<64x256xf32, #tpu.memory_space<vmem>>, vector<1x256xf32>
    tpu.vector_store %arg7[%swap3A_63, %swap3A_64], %max3A_62 {strides = array<i32>} : memref<64x256xf32, #tpu.memory_space<vmem>>, vector<1x256xf32>,
    %eq3A_66 = arith.constant 2 : i32
    %eq3A_67 = vector.broadcast %eq3A_66 : i32 to vector<2000x1xi32>
    %eq3A_68 = arith.cmpi eq, %get3A_33, %eq3A_67 : vector<2000x1xi32>
    %jit3A_69 = arith.constant 0xFF800000 : f32
    %broadcast_in_dim3A_70 = vector.shape_cast %eq3A_68 : vector<2000x1xi1> to vector<2000x1xi1>
    %broadcast_in_dim3A_71 = vector.broadcast %broadcast_in_dim3A_70 : vector<2000x1xi1> to vector<2000x256xi1>
    %broadcast_in_dim3A_72 = vector.broadcast %jit3A_69 : f32 to vector<2000x256xf32>
    %select_n3A_73 = arith.select %broadcast_in_dim3A_71, %add3A_28, %broadcast_in_dim3A_72 : vector<2000x256xi1>, vector<2000x256xf32>
    %reduce_max3A_74 = arith.constant dense<0xFF800000> : vector<256xf32>
    %reduce_max3A_75 = vector.multi_reduction <maximumf>, %select_n3A_73, %reduce_max3A_74 [0] : vector<2000x256xf32> to vector<256xf32>
    %get3A_76 = arith.constant 2 : index
    %get3A_77 = arith.constant 0 : index
    %get3A_78 = vector.load %arg7[%get3A_76, %get3A_77] : memref<64x256xf32, #tpu.memory_space<vmem>>, vector<1x256xf32>
    %broadcast_in_dim3A_79 = vector.shape_cast %reduce_max3A_75 : vector<256xf32> to vector<1x256xf32>
    %max3A_80 = arith.maximumf %get3A_78, %broadcast_in_dim3A_79 : vector<1x256xf32>
    %swap3A_81 = arith.constant 2 : index
    %swap3A_82 = arith.constant 0 : index
    %swap3A_83 = vector.load %arg7[%swap3A_81, %swap3A_82] : memref<64x256xf32, #tpu.memory_space<vmem>>, vector<1x256xf32>
    tpu.vector_store %arg7[%swap3A_81, %swap3A_82], %max3A_80 {strides = array<i32>} : memref<64x256xf32, #tpu.memory_space<vmem>>, vector<1x256xf32>,
    %eq3A_84 = arith.constant 3 : i32
    %eq3A_85 = vector.broadcast %eq3A_84 : i32 to vector<2000x1xi32>
    %eq3A_86 = arith.cmpi eq, %get3A_33, %eq3A_85 : vector<2000x1xi32>
    %jit3A_87 = arith.constant 0xFF800000 : f32
    %broadcast_in_dim3A_88 = vector.shape_cast %eq3A_86 : vector<2000x1xi1> to vector<2000x1xi1>
    %broadcast_in_dim3A_89 = vector.broadcast %broadcast_in_dim3A_88 : vector<2000x1xi1> to vector<2000x256xi1>
    %broadcast_in_dim3A_90 = vector.broadcast %jit3A_87 : f32 to vector<2000x256xf32>
    %select_n3A_91 = arith.select %broadcast_in_dim3A_89, %add3A_28, %broadcast_in_dim3A_90 : vector<2000x256xi1>, vector<2000x256xf32>
    %reduce_max3A_92 = arith.constant dense<0xFF800000> : vector<256xf32>
    %reduce_max3A_93 = vector.multi_reduction <maximumf>, %select_n3A_91, %reduce_max3A_92 [0] : vector<2000x256xf32> to vector<256xf32>
    %get3A_94 = arith.constant 3 : index
    %get3A_95 = arith.constant 0 : index
    %get3A_96 = vector.load %arg7[%get3A_94, %get3A_95] : memref<64x256xf32, #tpu.memory_space<vmem>>, vector<1x256xf32>
    %broadcast_in_dim3A_97 = vector.shape_cast %reduce_max3A_93 : vector<256xf32> to vector<1x256xf32>
    %max3A_98 = arith.maximumf %get3A_96, %broadcast_in_dim3A_97 : vector<1x256xf32>
    %swap3A_99 = arith.constant 3 : index
    %swap3A_100 = arith.constant 0 : index
    %swap3A_101 = vector.load %arg7[%swap3A_99, %swap3A_100] : memref<64x256xf32, #tpu.memory_space<vmem>>, vector<1x256xf32>
    tpu.vector_store %arg7[%swap3A_99, %swap3A_100], %max3A_98 {strides = array<i32>} : memref<64x256xf32, #tpu.memory_space<vmem>>, vector<1x256xf32>,
    %eq3A_102 = arith.constant 4 : i32
    %eq3A_103 = vector.broadcast %eq3A_102 : i32 to vector<2000x1xi32>
    %eq3A_104 = arith.cmpi eq, %get3A_33, %eq3A_103 : vector<2000x1xi32>
    %jit3A_105 = arith.constant 0xFF800000 : f32
    %broadcast_in_dim3A_106 = vector.shape_cast %eq3A_104 : vector<2000x1xi1> to vector<2000x1xi1>
    %broadcast_in_dim3A_107 = vector.broadcast %broadcast_in_dim3A_106 : vector<2000x1xi1> to vector<2000x256xi1>
    %broadcast_in_dim3A_108 = vector.broadcast %jit3A_105 : f32 to vector<2000x256xf32>
    %select_n3A_109 = arith.select %broadcast_in_dim3A_107, %add3A_28, %broadcast_in_dim3A_108 : vector<2000x256xi1>, vector<2000x256xf32>
    %reduce_max3A_110 = arith.constant dense<0xFF800000> : vector<256xf32>
    %reduce_max3A_111 = vector.multi_reduction <maximumf>, %select_n3A_109, %reduce_max3A_110 [0] : vector<2000x256xf32> to vector<256xf32>
    %get3A_112 = arith.constant 4 : index
    %get3A_113 = arith.constant 0 : index
    %get3A_114 = vector.load %arg7[%get3A_112, %get3A_113] : memref<64x256xf32, #tpu.memory_space<vmem>>, vector<1x256xf32>
    %broadcast_in_dim3A_115 = vector.shape_cast %reduce_max3A_111 : vector<256xf32> to vector<1x256xf32>
    %max3A_116 = arith.maximumf %get3A_114, %broadcast_in_dim3A_115 : vector<1x256xf32>
    %swap3A_117 = arith.constant 4 : index
    %swap3A_118 = arith.constant 0 : index
    %swap3A_119 = vector.load %arg7[%swap3A_117, %swap3A_118] : memref<64x256xf32, #tpu.memory_space<vmem>>, vector<1x256xf32>
    tpu.vector_store %arg7[%swap3A_117, %swap3A_118], %max3A_116 {strides = array<i32>} : memref<64x256xf32, #tpu.memory_space<vmem>>, vector<1x256xf32>,
    %eq3A_120 = arith.constant 5 : i32
    %eq3A_121 = vector.broadcast %eq3A_120 : i32 to vector<2000x1xi32>
    %eq3A_122 = arith.cmpi eq, %get3A_33, %eq3A_121 : vector<2000x1xi32>
    %jit3A_123 = arith.constant 0xFF800000 : f32
    %broadcast_in_dim3A_124 = vector.shape_cast %eq3A_122 : vector<2000x1xi1> to vector<2000x1xi1>
    %broadcast_in_dim3A_125 = vector.broadcast %broadcast_in_dim3A_124 : vector<2000x1xi1> to vector<2000x256xi1>
    %broadcast_in_dim3A_126 = vector.broadcast %jit3A_123 : f32 to vector<2000x256xf32>
    %select_n3A_127 = arith.select %broadcast_in_dim3A_125, %add3A_28, %broadcast_in_dim3A_126 : vector<2000x256xi1>, vector<2000x256xf32>
    %reduce_max3A_128 = arith.constant dense<0xFF800000> : vector<256xf32>
    %reduce_max3A_129 = vector.multi_reduction <maximumf>, %select_n3A_127, %reduce_max3A_128 [0] : vector<2000x256xf32> to vector<256xf32>
    %get3A_130 = arith.constant 5 : index
    %get3A_131 = arith.constant 0 : index
    %get3A_132 = vector.load %arg7[%get3A_130, %get3A_131] : memref<64x256xf32, #tpu.memory_space<vmem>>, vector<1x256xf32>
    %broadcast_in_dim3A_133 = vector.shape_cast %reduce_max3A_129 : vector<256xf32> to vector<1x256xf32>
    %max3A_134 = arith.maximumf %get3A_132, %broadcast_in_dim3A_133 : vector<1x256xf32>
    %swap3A_135 = arith.constant 5 : index
    %swap3A_136 = arith.constant 0 : index
    %swap3A_137 = vector.load %arg7[%swap3A_135, %swap3A_136] : memref<64x256xf32, #tpu.memory_space<vmem>>, vector<1x256xf32>
    tpu.vector_store %arg7[%swap3A_135, %swap3A_136], %max3A_134 {strides = array<i32>} : memref<64x256xf32, #tpu.memory_space<vmem>>, vector<1x256xf32>,
    %eq3A_138 = arith.constant 6 : i32
    %eq3A_139 = vector.broadcast %eq3A_138 : i32 to vector<2000x1xi32>
    %eq3A_140 = arith.cmpi eq, %get3A_33, %eq3A_139 : vector<2000x1xi32>
    %jit3A_141 = arith.constant 0xFF800000 : f32
    %broadcast_in_dim3A_142 = vector.shape_cast %eq3A_140 : vector<2000x1xi1> to vector<2000x1xi1>
    %broadcast_in_dim3A_143 = vector.broadcast %broadcast_in_dim3A_142 : vector<2000x1xi1> to vector<2000x256xi1>
    %broadcast_in_dim3A_144 = vector.broadcast %jit3A_141 : f32 to vector<2000x256xf32>
    %select_n3A_145 = arith.select %broadcast_in_dim3A_143, %add3A_28, %broadcast_in_dim3A_144 : vector<2000x256xi1>, vector<2000x256xf32>
    %reduce_max3A_146 = arith.constant dense<0xFF800000> : vector<256xf32>
    %reduce_max3A_147 = vector.multi_reduction <maximumf>, %select_n3A_145, %reduce_max3A_146 [0] : vector<2000x256xf32> to vector<256xf32>
    %get3A_148 = arith.constant 6 : index
    %get3A_149 = arith.constant 0 : index
    %get3A_150 = vector.load %arg7[%get3A_148, %get3A_149] : memref<64x256xf32, #tpu.memory_space<vmem>>, vector<1x256xf32>
    %broadcast_in_dim3A_151 = vector.shape_cast %reduce_max3A_147 : vector<256xf32> to vector<1x256xf32>
    %max3A_152 = arith.maximumf %get3A_150, %broadcast_in_dim3A_151 : vector<1x256xf32>
    %swap3A_153 = arith.constant 6 : index
    %swap3A_154 = arith.constant 0 : index
    %swap3A_155 = vector.load %arg7[%swap3A_153, %swap3A_154] : memref<64x256xf32, #tpu.memory_space<vmem>>, vector<1x256xf32>
    tpu.vector_store %arg7[%swap3A_153, %swap3A_154], %max3A_152 {strides = array<i32>} : memref<64x256xf32, #tpu.memory_space<vmem>>, vector<1x256xf32>,
    %eq3A_156 = arith.constant 7 : i32
    %eq3A_157 = vector.broadcast %eq3A_156 : i32 to vector<2000x1xi32>
    %eq3A_158 = arith.cmpi eq, %get3A_33, %eq3A_157 : vector<2000x1xi32>
    %jit3A_159 = arith.constant 0xFF800000 : f32
    %broadcast_in_dim3A_160 = vector.shape_cast %eq3A_158 : vector<2000x1xi1> to vector<2000x1xi1>
    %broadcast_in_dim3A_161 = vector.broadcast %broadcast_in_dim3A_160 : vector<2000x1xi1> to vector<2000x256xi1>
    %broadcast_in_dim3A_162 = vector.broadcast %jit3A_159 : f32 to vector<2000x256xf32>
    %select_n3A_163 = arith.select %broadcast_in_dim3A_161, %add3A_28, %broadcast_in_dim3A_162 : vector<2000x256xi1>, vector<2000x256xf32>
    %reduce_max3A_164 = arith.constant dense<0xFF800000> : vector<256xf32>
    %reduce_max3A_165 = vector.multi_reduction <maximumf>, %select_n3A_163, %reduce_max3A_164 [0] : vector<2000x256xf32> to vector<256xf32>
    %get3A_166 = arith.constant 7 : index
    %get3A_167 = arith.constant 0 : index
    %get3A_168 = vector.load %arg7[%get3A_166, %get3A_167] : memref<64x256xf32, #tpu.memory_space<vmem>>, vector<1x256xf32>
    %broadcast_in_dim3A_169 = vector.shape_cast %reduce_max3A_165 : vector<256xf32> to vector<1x256xf32>
    %max3A_170 = arith.maximumf %get3A_168, %broadcast_in_dim3A_169 : vector<1x256xf32>
    %swap3A_171 = arith.constant 7 : index
    %swap3A_172 = arith.constant 0 : index
    %swap3A_173 = vector.load %arg7[%swap3A_171, %swap3A_172] : memref<64x256xf32, #tpu.memory_space<vmem>>, vector<1x256xf32>
    tpu.vector_store %arg7[%swap3A_171, %swap3A_172], %max3A_170 {strides = array<i32>} : memref<64x256xf32, #tpu.memory_space<vmem>>, vector<1x256xf32>,
    %eq3A_174 = arith.constant 8 : i32
    %eq3A_175 = vector.broadcast %eq3A_174 : i32 to vector<2000x1xi32>
    %eq3A_176 = arith.cmpi eq, %get3A_33, %eq3A_175 : vector<2000x1xi32>
    %jit3A_177 = arith.constant 0xFF800000 : f32
    %broadcast_in_dim3A_178 = vector.shape_cast %eq3A_176 : vector<2000x1xi1> to vector<2000x1xi1>
    %broadcast_in_dim3A_179 = vector.broadcast %broadcast_in_dim3A_178 : vector<2000x1xi1> to vector<2000x256xi1>
    %broadcast_in_dim3A_180 = vector.broadcast %jit3A_177 : f32 to vector<2000x256xf32>
    %select_n3A_181 = arith.select %broadcast_in_dim3A_179, %add3A_28, %broadcast_in_dim3A_180 : vector<2000x256xi1>, vector<2000x256xf32>
    %reduce_max3A_182 = arith.constant dense<0xFF800000> : vector<256xf32>
    %reduce_max3A_183 = vector.multi_reduction <maximumf>, %select_n3A_181, %reduce_max3A_182 [0] : vector<2000x256xf32> to vector<256xf32>
    %get3A_184 = arith.constant 8 : index
    %get3A_185 = arith.constant 0 : index
    %get3A_186 = vector.load %arg7[%get3A_184, %get3A_185] : memref<64x256xf32, #tpu.memory_space<vmem>>, vector<1x256xf32>
    %broadcast_in_dim3A_187 = vector.shape_cast %reduce_max3A_183 : vector<256xf32> to vector<1x256xf32>
    %max3A_188 = arith.maximumf %get3A_186, %broadcast_in_dim3A_187 : vector<1x256xf32>
    %swap3A_189 = arith.constant 8 : index
    %swap3A_190 = arith.constant 0 : index
    %swap3A_191 = vector.load %arg7[%swap3A_189, %swap3A_190] : memref<64x256xf32, #tpu.memory_space<vmem>>, vector<1x256xf32>
    tpu.vector_store %arg7[%swap3A_189, %swap3A_190], %max3A_188 {strides = array<i32>} : memref<64x256xf32, #tpu.memory_space<vmem>>, vector<1x256xf32>,
    %eq3A_192 = arith.constant 9 : i32
    %eq3A_193 = vector.broadcast %eq3A_192 : i32 to vector<2000x1xi32>
    %eq3A_194 = arith.cmpi eq, %get3A_33, %eq3A_193 : vector<2000x1xi32>
    %jit3A_195 = arith.constant 0xFF800000 : f32
    %broadcast_in_dim3A_196 = vector.shape_cast %eq3A_194 : vector<2000x1xi1> to vector<2000x1xi1>
    %broadcast_in_dim3A_197 = vector.broadcast %broadcast_in_dim3A_196 : vector<2000x1xi1> to vector<2000x256xi1>
    %broadcast_in_dim3A_198 = vector.broadcast %jit3A_195 : f32 to vector<2000x256xf32>
    %select_n3A_199 = arith.select %broadcast_in_dim3A_197, %add3A_28, %broadcast_in_dim3A_198 : vector<2000x256xi1>, vector<2000x256xf32>
    %reduce_max3A_200 = arith.constant dense<0xFF800000> : vector<256xf32>
    %reduce_max3A_201 = vector.multi_reduction <maximumf>, %select_n3A_199, %reduce_max3A_200 [0] : vector<2000x256xf32> to vector<256xf32>
    %get3A_202 = arith.constant 9 : index
    %get3A_203 = arith.constant 0 : index
    %get3A_204 = vector.load %arg7[%get3A_202, %get3A_203] : memref<64x256xf32, #tpu.memory_space<vmem>>, vector<1x256xf32>
    %broadcast_in_dim3A_205 = vector.shape_cast %reduce_max3A_201 : vector<256xf32> to vector<1x256xf32>
    %max3A_206 = arith.maximumf %get3A_204, %broadcast_in_dim3A_205 : vector<1x256xf32>
    %swap3A_207 = arith.constant 9 : index
    %swap3A_208 = arith.constant 0 : index
    %swap3A_209 = vector.load %arg7[%swap3A_207, %swap3A_208] : memref<64x256xf32, #tpu.memory_space<vmem>>, vector<1x256xf32>
    tpu.vector_store %arg7[%swap3A_207, %swap3A_208], %max3A_206 {strides = array<i32>} : memref<64x256xf32, #tpu.memory_space<vmem>>, vector<1x256xf32>,
    %eq3A_210 = arith.constant 10 : i32
    %eq3A_211 = vector.broadcast %eq3A_210 : i32 to vector<2000x1xi32>
    %eq3A_212 = arith.cmpi eq, %get3A_33, %eq3A_211 : vector<2000x1xi32>
    %jit3A_213 = arith.constant 0xFF800000 : f32
    %broadcast_in_dim3A_214 = vector.shape_cast %eq3A_212 : vector<2000x1xi1> to vector<2000x1xi1>
    %broadcast_in_dim3A_215 = vector.broadcast %broadcast_in_dim3A_214 : vector<2000x1xi1> to vector<2000x256xi1>
    %broadcast_in_dim3A_216 = vector.broadcast %jit3A_213 : f32 to vector<2000x256xf32>
    %select_n3A_217 = arith.select %broadcast_in_dim3A_215, %add3A_28, %broadcast_in_dim3A_216 : vector<2000x256xi1>, vector<2000x256xf32>
    %reduce_max3A_218 = arith.constant dense<0xFF800000> : vector<256xf32>
    %reduce_max3A_219 = vector.multi_reduction <maximumf>, %select_n3A_217, %reduce_max3A_218 [0] : vector<2000x256xf32> to vector<256xf32>
    %get3A_220 = arith.constant 10 : index
    %get3A_221 = arith.constant 0 : index
    %get3A_222 = vector.load %arg7[%get3A_220, %get3A_221] : memref<64x256xf32, #tpu.memory_space<vmem>>, vector<1x256xf32>
    %broadcast_in_dim3A_223 = vector.shape_cast %reduce_max3A_219 : vector<256xf32> to vector<1x256xf32>
    %max3A_224 = arith.maximumf %get3A_222, %broadcast_in_dim3A_223 : vector<1x256xf32>
    %swap3A_225 = arith.constant 10 : index
    %swap3A_226 = arith.constant 0 : index
    %swap3A_227 = vector.load %arg7[%swap3A_225, %swap3A_226] : memref<64x256xf32, #tpu.memory_space<vmem>>, vector<1x256xf32>
    tpu.vector_store %arg7[%swap3A_225, %swap3A_226], %max3A_224 {strides = array<i32>} : memref<64x256xf32, #tpu.memory_space<vmem>>, vector<1x256xf32>,
    %eq3A_228 = arith.constant 11 : i32
    %eq3A_229 = vector.broadcast %eq3A_228 : i32 to vector<2000x1xi32>
    %eq3A_230 = arith.cmpi eq, %get3A_33, %eq3A_229 : vector<2000x1xi32>
    %jit3A_231 = arith.constant 0xFF800000 : f32
    %broadcast_in_dim3A_232 = vector.shape_cast %eq3A_230 : vector<2000x1xi1> to vector<2000x1xi1>
    %broadcast_in_dim3A_233 = vector.broadcast %broadcast_in_dim3A_232 : vector<2000x1xi1> to vector<2000x256xi1>
    %broadcast_in_dim3A_234 = vector.broadcast %jit3A_231 : f32 to vector<2000x256xf32>
    %select_n3A_235 = arith.select %broadcast_in_dim3A_233, %add3A_28, %broadcast_in_dim3A_234 : vector<2000x256xi1>, vector<2000x256xf32>
    %reduce_max3A_236 = arith.constant dense<0xFF800000> : vector<256xf32>
    %reduce_max3A_237 = vector.multi_reduction <maximumf>, %select_n3A_235, %reduce_max3A_236 [0] : vector<2000x256xf32> to vector<256xf32>
    %get3A_238 = arith.constant 11 : index
    %get3A_239 = arith.constant 0 : index
    %get3A_240 = vector.load %arg7[%get3A_238, %get3A_239] : memref<64x256xf32, #tpu.memory_space<vmem>>, vector<1x256xf32>
    %broadcast_in_dim3A_241 = vector.shape_cast %reduce_max3A_237 : vector<256xf32> to vector<1x256xf32>
    %max3A_242 = arith.maximumf %get3A_240, %broadcast_in_dim3A_241 : vector<1x256xf32>
    %swap3A_243 = arith.constant 11 : index
    %swap3A_244 = arith.constant 0 : index
    %swap3A_245 = vector.load %arg7[%swap3A_243, %swap3A_244] : memref<64x256xf32, #tpu.memory_space<vmem>>, vector<1x256xf32>
    tpu.vector_store %arg7[%swap3A_243, %swap3A_244], %max3A_242 {strides = array<i32>} : memref<64x256xf32, #tpu.memory_space<vmem>>, vector<1x256xf32>,
    %eq3A_246 = arith.constant 12 : i32
    %eq3A_247 = vector.broadcast %eq3A_246 : i32 to vector<2000x1xi32>
    %eq3A_248 = arith.cmpi eq, %get3A_33, %eq3A_247 : vector<2000x1xi32>
    %jit3A_249 = arith.constant 0xFF800000 : f32
    %broadcast_in_dim3A_250 = vector.shape_cast %eq3A_248 : vector<2000x1xi1> to vector<2000x1xi1>
    %broadcast_in_dim3A_251 = vector.broadcast %broadcast_in_dim3A_250 : vector<2000x1xi1> to vector<2000x256xi1>
    %broadcast_in_dim3A_252 = vector.broadcast %jit3A_249 : f32 to vector<2000x256xf32>
    %select_n3A_253 = arith.select %broadcast_in_dim3A_251, %add3A_28, %broadcast_in_dim3A_252 : vector<2000x256xi1>, vector<2000x256xf32>
    %reduce_max3A_254 = arith.constant dense<0xFF800000> : vector<256xf32>
    %reduce_max3A_255 = vector.multi_reduction <maximumf>, %select_n3A_253, %reduce_max3A_254 [0] : vector<2000x256xf32> to vector<256xf32>
    %get3A_256 = arith.constant 12 : index
    %get3A_257 = arith.constant 0 : index
    %get3A_258 = vector.load %arg7[%get3A_256, %get3A_257] : memref<64x256xf32, #tpu.memory_space<vmem>>, vector<1x256xf32>
    %broadcast_in_dim3A_259 = vector.shape_cast %reduce_max3A_255 : vector<256xf32> to vector<1x256xf32>
    %max3A_260 = arith.maximumf %get3A_258, %broadcast_in_dim3A_259 : vector<1x256xf32>
    %swap3A_261 = arith.constant 12 : index
    %swap3A_262 = arith.constant 0 : index
    %swap3A_263 = vector.load %arg7[%swap3A_261, %swap3A_262] : memref<64x256xf32, #tpu.memory_space<vmem>>, vector<1x256xf32>
    tpu.vector_store %arg7[%swap3A_261, %swap3A_262], %max3A_260 {strides = array<i32>} : memref<64x256xf32, #tpu.memory_space<vmem>>, vector<1x256xf32>,
    %eq3A_264 = arith.constant 13 : i32
    %eq3A_265 = vector.broadcast %eq3A_264 : i32 to vector<2000x1xi32>
    %eq3A_266 = arith.cmpi eq, %get3A_33, %eq3A_265 : vector<2000x1xi32>
    %jit3A_267 = arith.constant 0xFF800000 : f32
    %broadcast_in_dim3A_268 = vector.shape_cast %eq3A_266 : vector<2000x1xi1> to vector<2000x1xi1>
    %broadcast_in_dim3A_269 = vector.broadcast %broadcast_in_dim3A_268 : vector<2000x1xi1> to vector<2000x256xi1>
    %broadcast_in_dim3A_270 = vector.broadcast %jit3A_267 : f32 to vector<2000x256xf32>
    %select_n3A_271 = arith.select %broadcast_in_dim3A_269, %add3A_28, %broadcast_in_dim3A_270 : vector<2000x256xi1>, vector<2000x256xf32>
    %reduce_max3A_272 = arith.constant dense<0xFF800000> : vector<256xf32>
    %reduce_max3A_273 = vector.multi_reduction <maximumf>, %select_n3A_271, %reduce_max3A_272 [0] : vector<2000x256xf32> to vector<256xf32>
    %get3A_274 = arith.constant 13 : index
    %get3A_275 = arith.constant 0 : index
    %get3A_276 = vector.load %arg7[%get3A_274, %get3A_275] : memref<64x256xf32, #tpu.memory_space<vmem>>, vector<1x256xf32>
    %broadcast_in_dim3A_277 = vector.shape_cast %reduce_max3A_273 : vector<256xf32> to vector<1x256xf32>
    %max3A_278 = arith.maximumf %get3A_276, %broadcast_in_dim3A_277 : vector<1x256xf32>
    %swap3A_279 = arith.constant 13 : index
    %swap3A_280 = arith.constant 0 : index
    %swap3A_281 = vector.load %arg7[%swap3A_279, %swap3A_280] : memref<64x256xf32, #tpu.memory_space<vmem>>, vector<1x256xf32>
    tpu.vector_store %arg7[%swap3A_279, %swap3A_280], %max3A_278 {strides = array<i32>} : memref<64x256xf32, #tpu.memory_space<vmem>>, vector<1x256xf32>,
    %eq3A_282 = arith.constant 14 : i32
    %eq3A_283 = vector.broadcast %eq3A_282 : i32 to vector<2000x1xi32>
    %eq3A_284 = arith.cmpi eq, %get3A_33, %eq3A_283 : vector<2000x1xi32>
    %jit3A_285 = arith.constant 0xFF800000 : f32
    %broadcast_in_dim3A_286 = vector.shape_cast %eq3A_284 : vector<2000x1xi1> to vector<2000x1xi1>
    %broadcast_in_dim3A_287 = vector.broadcast %broadcast_in_dim3A_286 : vector<2000x1xi1> to vector<2000x256xi1>
    %broadcast_in_dim3A_288 = vector.broadcast %jit3A_285 : f32 to vector<2000x256xf32>
    %select_n3A_289 = arith.select %broadcast_in_dim3A_287, %add3A_28, %broadcast_in_dim3A_288 : vector<2000x256xi1>, vector<2000x256xf32>
    %reduce_max3A_290 = arith.constant dense<0xFF800000> : vector<256xf32>
    %reduce_max3A_291 = vector.multi_reduction <maximumf>, %select_n3A_289, %reduce_max3A_290 [0] : vector<2000x256xf32> to vector<256xf32>
    %get3A_292 = arith.constant 14 : index
    %get3A_293 = arith.constant 0 : index
    %get3A_294 = vector.load %arg7[%get3A_292, %get3A_293] : memref<64x256xf32, #tpu.memory_space<vmem>>, vector<1x256xf32>
    %broadcast_in_dim3A_295 = vector.shape_cast %reduce_max3A_291 : vector<256xf32> to vector<1x256xf32>
    %max3A_296 = arith.maximumf %get3A_294, %broadcast_in_dim3A_295 : vector<1x256xf32>
    %swap3A_297 = arith.constant 14 : index
    %swap3A_298 = arith.constant 0 : index
    %swap3A_299 = vector.load %arg7[%swap3A_297, %swap3A_298] : memref<64x256xf32, #tpu.memory_space<vmem>>, vector<1x256xf32>
    tpu.vector_store %arg7[%swap3A_297, %swap3A_298], %max3A_296 {strides = array<i32>} : memref<64x256xf32, #tpu.memory_space<vmem>>, vector<1x256xf32>,
    %eq3A_300 = arith.constant 15 : i32
    %eq3A_301 = vector.broadcast %eq3A_300 : i32 to vector<2000x1xi32>
    %eq3A_302 = arith.cmpi eq, %get3A_33, %eq3A_301 : vector<2000x1xi32>
    %jit3A_303 = arith.constant 0xFF800000 : f32
    %broadcast_in_dim3A_304 = vector.shape_cast %eq3A_302 : vector<2000x1xi1> to vector<2000x1xi1>
    %broadcast_in_dim3A_305 = vector.broadcast %broadcast_in_dim3A_304 : vector<2000x1xi1> to vector<2000x256xi1>
    %broadcast_in_dim3A_306 = vector.broadcast %jit3A_303 : f32 to vector<2000x256xf32>
    %select_n3A_307 = arith.select %broadcast_in_dim3A_305, %add3A_28, %broadcast_in_dim3A_306 : vector<2000x256xi1>, vector<2000x256xf32>
    %reduce_max3A_308 = arith.constant dense<0xFF800000> : vector<256xf32>
    %reduce_max3A_309 = vector.multi_reduction <maximumf>, %select_n3A_307, %reduce_max3A_308 [0] : vector<2000x256xf32> to vector<256xf32>
    %get3A_310 = arith.constant 15 : index
    %get3A_311 = arith.constant 0 : index
    %get3A_312 = vector.load %arg7[%get3A_310, %get3A_311] : memref<64x256xf32, #tpu.memory_space<vmem>>, vector<1x256xf32>
    %broadcast_in_dim3A_313 = vector.shape_cast %reduce_max3A_309 : vector<256xf32> to vector<1x256xf32>
    %max3A_314 = arith.maximumf %get3A_312, %broadcast_in_dim3A_313 : vector<1x256xf32>
    %swap3A_315 = arith.constant 15 : index
    %swap3A_316 = arith.constant 0 : index
    %swap3A_317 = vector.load %arg7[%swap3A_315, %swap3A_316] : memref<64x256xf32, #tpu.memory_space<vmem>>, vector<1x256xf32>
    tpu.vector_store %arg7[%swap3A_315, %swap3A_316], %max3A_314 {strides = array<i32>} : memref<64x256xf32, #tpu.memory_space<vmem>>, vector<1x256xf32>,
    %eq3A_318 = arith.constant 16 : i32
    %eq3A_319 = vector.broadcast %eq3A_318 : i32 to vector<2000x1xi32>
    %eq3A_320 = arith.cmpi eq, %get3A_33, %eq3A_319 : vector<2000x1xi32>
    %jit3A_321 = arith.constant 0xFF800000 : f32
    %broadcast_in_dim3A_322 = vector.shape_cast %eq3A_320 : vector<2000x1xi1> to vector<2000x1xi1>
    %broadcast_in_dim3A_323 = vector.broadcast %broadcast_in_dim3A_322 : vector<2000x1xi1> to vector<2000x256xi1>
    %broadcast_in_dim3A_324 = vector.broadcast %jit3A_321 : f32 to vector<2000x256xf32>
    %select_n3A_325 = arith.select %broadcast_in_dim3A_323, %add3A_28, %broadcast_in_dim3A_324 : vector<2000x256xi1>, vector<2000x256xf32>
    %reduce_max3A_326 = arith.constant dense<0xFF800000> : vector<256xf32>
    %reduce_max3A_327 = vector.multi_reduction <maximumf>, %select_n3A_325, %reduce_max3A_326 [0] : vector<2000x256xf32> to vector<256xf32>
    %get3A_328 = arith.constant 16 : index
    %get3A_329 = arith.constant 0 : index
    %get3A_330 = vector.load %arg7[%get3A_328, %get3A_329] : memref<64x256xf32, #tpu.memory_space<vmem>>, vector<1x256xf32>
    %broadcast_in_dim3A_331 = vector.shape_cast %reduce_max3A_327 : vector<256xf32> to vector<1x256xf32>
    %max3A_332 = arith.maximumf %get3A_330, %broadcast_in_dim3A_331 : vector<1x256xf32>
    %swap3A_333 = arith.constant 16 : index
    %swap3A_334 = arith.constant 0 : index
    %swap3A_335 = vector.load %arg7[%swap3A_333, %swap3A_334] : memref<64x256xf32, #tpu.memory_space<vmem>>, vector<1x256xf32>
    tpu.vector_store %arg7[%swap3A_333, %swap3A_334], %max3A_332 {strides = array<i32>} : memref<64x256xf32, #tpu.memory_space<vmem>>, vector<1x256xf32>,
    %eq3A_336 = arith.constant 17 : i32
    %eq3A_337 = vector.broadcast %eq3A_336 : i32 to vector<2000x1xi32>
    %eq3A_338 = arith.cmpi eq, %get3A_33, %eq3A_337 : vector<2000x1xi32>
    %jit3A_339 = arith.constant 0xFF800000 : f32
    %broadcast_in_dim3A_340 = vector.shape_cast %eq3A_338 : vector<2000x1xi1> to vector<2000x1xi1>
    %broadcast_in_dim3A_341 = vector.broadcast %broadcast_in_dim3A_340 : vector<2000x1xi1> to vector<2000x256xi1>
    %broadcast_in_dim3A_342 = vector.broadcast %jit3A_339 : f32 to vector<2000x256xf32>
    %select_n3A_343 = arith.select %broadcast_in_dim3A_341, %add3A_28, %broadcast_in_dim3A_342 : vector<2000x256xi1>, vector<2000x256xf32>
    %reduce_max3A_344 = arith.constant dense<0xFF800000> : vector<256xf32>
    %reduce_max3A_345 = vector.multi_reduction <maximumf>, %select_n3A_343, %reduce_max3A_344 [0] : vector<2000x256xf32> to vector<256xf32>
    %get3A_346 = arith.constant 17 : index
    %get3A_347 = arith.constant 0 : index
    %get3A_348 = vector.load %arg7[%get3A_346, %get3A_347] : memref<64x256xf32, #tpu.memory_space<vmem>>, vector<1x256xf32>
    %broadcast_in_dim3A_349 = vector.shape_cast %reduce_max3A_345 : vector<256xf32> to vector<1x256xf32>
    %max3A_350 = arith.maximumf %get3A_348, %broadcast_in_dim3A_349 : vector<1x256xf32>
    %swap3A_351 = arith.constant 17 : index
    %swap3A_352 = arith.constant 0 : index
    %swap3A_353 = vector.load %arg7[%swap3A_351, %swap3A_352] : memref<64x256xf32, #tpu.memory_space<vmem>>, vector<1x256xf32>
    tpu.vector_store %arg7[%swap3A_351, %swap3A_352], %max3A_350 {strides = array<i32>} : memref<64x256xf32, #tpu.memory_space<vmem>>, vector<1x256xf32>,
    %eq3A_354 = arith.constant 18 : i32
    %eq3A_355 = vector.broadcast %eq3A_354 : i32 to vector<2000x1xi32>
    %eq3A_356 = arith.cmpi eq, %get3A_33, %eq3A_355 : vector<2000x1xi32>
    %jit3A_357 = arith.constant 0xFF800000 : f32
    %broadcast_in_dim3A_358 = vector.shape_cast %eq3A_356 : vector<2000x1xi1> to vector<2000x1xi1>
    %broadcast_in_dim3A_359 = vector.broadcast %broadcast_in_dim3A_358 : vector<2000x1xi1> to vector<2000x256xi1>
    %broadcast_in_dim3A_360 = vector.broadcast %jit3A_357 : f32 to vector<2000x256xf32>
    %select_n3A_361 = arith.select %broadcast_in_dim3A_359, %add3A_28, %broadcast_in_dim3A_360 : vector<2000x256xi1>, vector<2000x256xf32>
    %reduce_max3A_362 = arith.constant dense<0xFF800000> : vector<256xf32>
    %reduce_max3A_363 = vector.multi_reduction <maximumf>, %select_n3A_361, %reduce_max3A_362 [0] : vector<2000x256xf32> to vector<256xf32>
    %get3A_364 = arith.constant 18 : index
    %get3A_365 = arith.constant 0 : index
    %get3A_366 = vector.load %arg7[%get3A_364, %get3A_365] : memref<64x256xf32, #tpu.memory_space<vmem>>, vector<1x256xf32>
    %broadcast_in_dim3A_367 = vector.shape_cast %reduce_max3A_363 : vector<256xf32> to vector<1x256xf32>
    %max3A_368 = arith.maximumf %get3A_366, %broadcast_in_dim3A_367 : vector<1x256xf32>
    %swap3A_369 = arith.constant 18 : index
    %swap3A_370 = arith.constant 0 : index
    %swap3A_371 = vector.load %arg7[%swap3A_369, %swap3A_370] : memref<64x256xf32, #tpu.memory_space<vmem>>, vector<1x256xf32>
    tpu.vector_store %arg7[%swap3A_369, %swap3A_370], %max3A_368 {strides = array<i32>} : memref<64x256xf32, #tpu.memory_space<vmem>>, vector<1x256xf32>,
    %eq3A_372 = arith.constant 19 : i32
    %eq3A_373 = vector.broadcast %eq3A_372 : i32 to vector<2000x1xi32>
    %eq3A_374 = arith.cmpi eq, %get3A_33, %eq3A_373 : vector<2000x1xi32>
    %jit3A_375 = arith.constant 0xFF800000 : f32
    %broadcast_in_dim3A_376 = vector.shape_cast %eq3A_374 : vector<2000x1xi1> to vector<2000x1xi1>
    %broadcast_in_dim3A_377 = vector.broadcast %broadcast_in_dim3A_376 : vector<2000x1xi1> to vector<2000x256xi1>
    %broadcast_in_dim3A_378 = vector.broadcast %jit3A_375 : f32 to vector<2000x256xf32>
    %select_n3A_379 = arith.select %broadcast_in_dim3A_377, %add3A_28, %broadcast_in_dim3A_378 : vector<2000x256xi1>, vector<2000x256xf32>
    %reduce_max3A_380 = arith.constant dense<0xFF800000> : vector<256xf32>
    %reduce_max3A_381 = vector.multi_reduction <maximumf>, %select_n3A_379, %reduce_max3A_380 [0] : vector<2000x256xf32> to vector<256xf32>
    %get3A_382 = arith.constant 19 : index
    %get3A_383 = arith.constant 0 : index
    %get3A_384 = vector.load %arg7[%get3A_382, %get3A_383] : memref<64x256xf32, #tpu.memory_space<vmem>>, vector<1x256xf32>
    %broadcast_in_dim3A_385 = vector.shape_cast %reduce_max3A_381 : vector<256xf32> to vector<1x256xf32>
    %max3A_386 = arith.maximumf %get3A_384, %broadcast_in_dim3A_385 : vector<1x256xf32>
    %swap3A_387 = arith.constant 19 : index
    %swap3A_388 = arith.constant 0 : index
    %swap3A_389 = vector.load %arg7[%swap3A_387, %swap3A_388] : memref<64x256xf32, #tpu.memory_space<vmem>>, vector<1x256xf32>
    tpu.vector_store %arg7[%swap3A_387, %swap3A_388], %max3A_386 {strides = array<i32>} : memref<64x256xf32, #tpu.memory_space<vmem>>, vector<1x256xf32>,
    %eq3A_390 = arith.constant 20 : i32
    %eq3A_391 = vector.broadcast %eq3A_390 : i32 to vector<2000x1xi32>
    %eq3A_392 = arith.cmpi eq, %get3A_33, %eq3A_391 : vector<2000x1xi32>
    %jit3A_393 = arith.constant 0xFF800000 : f32
    %broadcast_in_dim3A_394 = vector.shape_cast %eq3A_392 : vector<2000x1xi1> to vector<2000x1xi1>
    %broadcast_in_dim3A_395 = vector.broadcast %broadcast_in_dim3A_394 : vector<2000x1xi1> to vector<2000x256xi1>
    %broadcast_in_dim3A_396 = vector.broadcast %jit3A_393 : f32 to vector<2000x256xf32>
    %select_n3A_397 = arith.select %broadcast_in_dim3A_395, %add3A_28, %broadcast_in_dim3A_396 : vector<2000x256xi1>, vector<2000x256xf32>
    %reduce_max3A_398 = arith.constant dense<0xFF800000> : vector<256xf32>
    %reduce_max3A_399 = vector.multi_reduction <maximumf>, %select_n3A_397, %reduce_max3A_398 [0] : vector<2000x256xf32> to vector<256xf32>
    %get3A_400 = arith.constant 20 : index
    %get3A_401 = arith.constant 0 : index
    %get3A_402 = vector.load %arg7[%get3A_400, %get3A_401] : memref<64x256xf32, #tpu.memory_space<vmem>>, vector<1x256xf32>
    %broadcast_in_dim3A_403 = vector.shape_cast %reduce_max3A_399 : vector<256xf32> to vector<1x256xf32>
    %max3A_404 = arith.maximumf %get3A_402, %broadcast_in_dim3A_403 : vector<1x256xf32>
    %swap3A_405 = arith.constant 20 : index
    %swap3A_406 = arith.constant 0 : index
    %swap3A_407 = vector.load %arg7[%swap3A_405, %swap3A_406] : memref<64x256xf32, #tpu.memory_space<vmem>>, vector<1x256xf32>
    tpu.vector_store %arg7[%swap3A_405, %swap3A_406], %max3A_404 {strides = array<i32>} : memref<64x256xf32, #tpu.memory_space<vmem>>, vector<1x256xf32>,
    %eq3A_408 = arith.constant 21 : i32
    %eq3A_409 = vector.broadcast %eq3A_408 : i32 to vector<2000x1xi32>
    %eq3A_410 = arith.cmpi eq, %get3A_33, %eq3A_409 : vector<2000x1xi32>
    %jit3A_411 = arith.constant 0xFF800000 : f32
    %broadcast_in_dim3A_412 = vector.shape_cast %eq3A_410 : vector<2000x1xi1> to vector<2000x1xi1>
    %broadcast_in_dim3A_413 = vector.broadcast %broadcast_in_dim3A_412 : vector<2000x1xi1> to vector<2000x256xi1>
    %broadcast_in_dim3A_414 = vector.broadcast %jit3A_411 : f32 to vector<2000x256xf32>
    %select_n3A_415 = arith.select %broadcast_in_dim3A_413, %add3A_28, %broadcast_in_dim3A_414 : vector<2000x256xi1>, vector<2000x256xf32>
    %reduce_max3A_416 = arith.constant dense<0xFF800000> : vector<256xf32>
    %reduce_max3A_417 = vector.multi_reduction <maximumf>, %select_n3A_415, %reduce_max3A_416 [0] : vector<2000x256xf32> to vector<256xf32>
    %get3A_418 = arith.constant 21 : index
    %get3A_419 = arith.constant 0 : index
    %get3A_420 = vector.load %arg7[%get3A_418, %get3A_419] : memref<64x256xf32, #tpu.memory_space<vmem>>, vector<1x256xf32>
    %broadcast_in_dim3A_421 = vector.shape_cast %reduce_max3A_417 : vector<256xf32> to vector<1x256xf32>
    %max3A_422 = arith.maximumf %get3A_420, %broadcast_in_dim3A_421 : vector<1x256xf32>
    %swap3A_423 = arith.constant 21 : index
    %swap3A_424 = arith.constant 0 : index
    %swap3A_425 = vector.load %arg7[%swap3A_423, %swap3A_424] : memref<64x256xf32, #tpu.memory_space<vmem>>, vector<1x256xf32>
    tpu.vector_store %arg7[%swap3A_423, %swap3A_424], %max3A_422 {strides = array<i32>} : memref<64x256xf32, #tpu.memory_space<vmem>>, vector<1x256xf32>,
    %eq3A_426 = arith.constant 22 : i32
    %eq3A_427 = vector.broadcast %eq3A_426 : i32 to vector<2000x1xi32>
    %eq3A_428 = arith.cmpi eq, %get3A_33, %eq3A_427 : vector<2000x1xi32>
    %jit3A_429 = arith.constant 0xFF800000 : f32
    %broadcast_in_dim3A_430 = vector.shape_cast %eq3A_428 : vector<2000x1xi1> to vector<2000x1xi1>
    %broadcast_in_dim3A_431 = vector.broadcast %broadcast_in_dim3A_430 : vector<2000x1xi1> to vector<2000x256xi1>
    %broadcast_in_dim3A_432 = vector.broadcast %jit3A_429 : f32 to vector<2000x256xf32>
    %select_n3A_433 = arith.select %broadcast_in_dim3A_431, %add3A_28, %broadcast_in_dim3A_432 : vector<2000x256xi1>, vector<2000x256xf32>
    %reduce_max3A_434 = arith.constant dense<0xFF800000> : vector<256xf32>
    %reduce_max3A_435 = vector.multi_reduction <maximumf>, %select_n3A_433, %reduce_max3A_434 [0] : vector<2000x256xf32> to vector<256xf32>
    %get3A_436 = arith.constant 22 : index
    %get3A_437 = arith.constant 0 : index
    %get3A_438 = vector.load %arg7[%get3A_436, %get3A_437] : memref<64x256xf32, #tpu.memory_space<vmem>>, vector<1x256xf32>
    %broadcast_in_dim3A_439 = vector.shape_cast %reduce_max3A_435 : vector<256xf32> to vector<1x256xf32>
    %max3A_440 = arith.maximumf %get3A_438, %broadcast_in_dim3A_439 : vector<1x256xf32>
    %swap3A_441 = arith.constant 22 : index
    %swap3A_442 = arith.constant 0 : index
    %swap3A_443 = vector.load %arg7[%swap3A_441, %swap3A_442] : memref<64x256xf32, #tpu.memory_space<vmem>>, vector<1x256xf32>
    tpu.vector_store %arg7[%swap3A_441, %swap3A_442], %max3A_440 {strides = array<i32>} : memref<64x256xf32, #tpu.memory_space<vmem>>, vector<1x256xf32>,
    %eq3A_444 = arith.constant 23 : i32
    %eq3A_445 = vector.broadcast %eq3A_444 : i32 to vector<2000x1xi32>
    %eq3A_446 = arith.cmpi eq, %get3A_33, %eq3A_445 : vector<2000x1xi32>
    %jit3A_447 = arith.constant 0xFF800000 : f32
    %broadcast_in_dim3A_448 = vector.shape_cast %eq3A_446 : vector<2000x1xi1> to vector<2000x1xi1>
    %broadcast_in_dim3A_449 = vector.broadcast %broadcast_in_dim3A_448 : vector<2000x1xi1> to vector<2000x256xi1>
    %broadcast_in_dim3A_450 = vector.broadcast %jit3A_447 : f32 to vector<2000x256xf32>
    %select_n3A_451 = arith.select %broadcast_in_dim3A_449, %add3A_28, %broadcast_in_dim3A_450 : vector<2000x256xi1>, vector<2000x256xf32>
    %reduce_max3A_452 = arith.constant dense<0xFF800000> : vector<256xf32>
    %reduce_max3A_453 = vector.multi_reduction <maximumf>, %select_n3A_451, %reduce_max3A_452 [0] : vector<2000x256xf32> to vector<256xf32>
    %get3A_454 = arith.constant 23 : index
    %get3A_455 = arith.constant 0 : index
    %get3A_456 = vector.load %arg7[%get3A_454, %get3A_455] : memref<64x256xf32, #tpu.memory_space<vmem>>, vector<1x256xf32>
    %broadcast_in_dim3A_457 = vector.shape_cast %reduce_max3A_453 : vector<256xf32> to vector<1x256xf32>
    %max3A_458 = arith.maximumf %get3A_456, %broadcast_in_dim3A_457 : vector<1x256xf32>
    %swap3A_459 = arith.constant 23 : index
    %swap3A_460 = arith.constant 0 : index
    %swap3A_461 = vector.load %arg7[%swap3A_459, %swap3A_460] : memref<64x256xf32, #tpu.memory_space<vmem>>, vector<1x256xf32>
    tpu.vector_store %arg7[%swap3A_459, %swap3A_460], %max3A_458 {strides = array<i32>} : memref<64x256xf32, #tpu.memory_space<vmem>>, vector<1x256xf32>,
    %eq3A_462 = arith.constant 24 : i32
    %eq3A_463 = vector.broadcast %eq3A_462 : i32 to vector<2000x1xi32>
    %eq3A_464 = arith.cmpi eq, %get3A_33, %eq3A_463 : vector<2000x1xi32>
    %jit3A_465 = arith.constant 0xFF800000 : f32
    %broadcast_in_dim3A_466 = vector.shape_cast %eq3A_464 : vector<2000x1xi1> to vector<2000x1xi1>
    %broadcast_in_dim3A_467 = vector.broadcast %broadcast_in_dim3A_466 : vector<2000x1xi1> to vector<2000x256xi1>
    %broadcast_in_dim3A_468 = vector.broadcast %jit3A_465 : f32 to vector<2000x256xf32>
    %select_n3A_469 = arith.select %broadcast_in_dim3A_467, %add3A_28, %broadcast_in_dim3A_468 : vector<2000x256xi1>, vector<2000x256xf32>
    %reduce_max3A_470 = arith.constant dense<0xFF800000> : vector<256xf32>
    %reduce_max3A_471 = vector.multi_reduction <maximumf>, %select_n3A_469, %reduce_max3A_470 [0] : vector<2000x256xf32> to vector<256xf32>
    %get3A_472 = arith.constant 24 : index
    %get3A_473 = arith.constant 0 : index
    %get3A_474 = vector.load %arg7[%get3A_472, %get3A_473] : memref<64x256xf32, #tpu.memory_space<vmem>>, vector<1x256xf32>
    %broadcast_in_dim3A_475 = vector.shape_cast %reduce_max3A_471 : vector<256xf32> to vector<1x256xf32>
    %max3A_476 = arith.maximumf %get3A_474, %broadcast_in_dim3A_475 : vector<1x256xf32>
    %swap3A_477 = arith.constant 24 : index
    %swap3A_478 = arith.constant 0 : index
    %swap3A_479 = vector.load %arg7[%swap3A_477, %swap3A_478] : memref<64x256xf32, #tpu.memory_space<vmem>>, vector<1x256xf32>
    tpu.vector_store %arg7[%swap3A_477, %swap3A_478], %max3A_476 {strides = array<i32>} : memref<64x256xf32, #tpu.memory_space<vmem>>, vector<1x256xf32>,
    %eq3A_480 = arith.constant 25 : i32
    %eq3A_481 = vector.broadcast %eq3A_480 : i32 to vector<2000x1xi32>
    %eq3A_482 = arith.cmpi eq, %get3A_33, %eq3A_481 : vector<2000x1xi32>
    %jit3A_483 = arith.constant 0xFF800000 : f32
    %broadcast_in_dim3A_484 = vector.shape_cast %eq3A_482 : vector<2000x1xi1> to vector<2000x1xi1>
    %broadcast_in_dim3A_485 = vector.broadcast %broadcast_in_dim3A_484 : vector<2000x1xi1> to vector<2000x256xi1>
    %broadcast_in_dim3A_486 = vector.broadcast %jit3A_483 : f32 to vector<2000x256xf32>
    %select_n3A_487 = arith.select %broadcast_in_dim3A_485, %add3A_28, %broadcast_in_dim3A_486 : vector<2000x256xi1>, vector<2000x256xf32>
    %reduce_max3A_488 = arith.constant dense<0xFF800000> : vector<256xf32>
    %reduce_max3A_489 = vector.multi_reduction <maximumf>, %select_n3A_487, %reduce_max3A_488 [0] : vector<2000x256xf32> to vector<256xf32>
    %get3A_490 = arith.constant 25 : index
    %get3A_491 = arith.constant 0 : index
    %get3A_492 = vector.load %arg7[%get3A_490, %get3A_491] : memref<64x256xf32, #tpu.memory_space<vmem>>, vector<1x256xf32>
    %broadcast_in_dim3A_493 = vector.shape_cast %reduce_max3A_489 : vector<256xf32> to vector<1x256xf32>
    %max3A_494 = arith.maximumf %get3A_492, %broadcast_in_dim3A_493 : vector<1x256xf32>
    %swap3A_495 = arith.constant 25 : index
    %swap3A_496 = arith.constant 0 : index
    %swap3A_497 = vector.load %arg7[%swap3A_495, %swap3A_496] : memref<64x256xf32, #tpu.memory_space<vmem>>, vector<1x256xf32>
    tpu.vector_store %arg7[%swap3A_495, %swap3A_496], %max3A_494 {strides = array<i32>} : memref<64x256xf32, #tpu.memory_space<vmem>>, vector<1x256xf32>,
    %eq3A_498 = arith.constant 26 : i32
    %eq3A_499 = vector.broadcast %eq3A_498 : i32 to vector<2000x1xi32>
    %eq3A_500 = arith.cmpi eq, %get3A_33, %eq3A_499 : vector<2000x1xi32>
    %jit3A_501 = arith.constant 0xFF800000 : f32
    %broadcast_in_dim3A_502 = vector.shape_cast %eq3A_500 : vector<2000x1xi1> to vector<2000x1xi1>
    %broadcast_in_dim3A_503 = vector.broadcast %broadcast_in_dim3A_502 : vector<2000x1xi1> to vector<2000x256xi1>
    %broadcast_in_dim3A_504 = vector.broadcast %jit3A_501 : f32 to vector<2000x256xf32>
    %select_n3A_505 = arith.select %broadcast_in_dim3A_503, %add3A_28, %broadcast_in_dim3A_504 : vector<2000x256xi1>, vector<2000x256xf32>
    %reduce_max3A_506 = arith.constant dense<0xFF800000> : vector<256xf32>
    %reduce_max3A_507 = vector.multi_reduction <maximumf>, %select_n3A_505, %reduce_max3A_506 [0] : vector<2000x256xf32> to vector<256xf32>
    %get3A_508 = arith.constant 26 : index
    %get3A_509 = arith.constant 0 : index
    %get3A_510 = vector.load %arg7[%get3A_508, %get3A_509] : memref<64x256xf32, #tpu.memory_space<vmem>>, vector<1x256xf32>
    %broadcast_in_dim3A_511 = vector.shape_cast %reduce_max3A_507 : vector<256xf32> to vector<1x256xf32>
    %max3A_512 = arith.maximumf %get3A_510, %broadcast_in_dim3A_511 : vector<1x256xf32>
    %swap3A_513 = arith.constant 26 : index
    %swap3A_514 = arith.constant 0 : index
    %swap3A_515 = vector.load %arg7[%swap3A_513, %swap3A_514] : memref<64x256xf32, #tpu.memory_space<vmem>>, vector<1x256xf32>
    tpu.vector_store %arg7[%swap3A_513, %swap3A_514], %max3A_512 {strides = array<i32>} : memref<64x256xf32, #tpu.memory_space<vmem>>, vector<1x256xf32>,
    %eq3A_516 = arith.constant 27 : i32
    %eq3A_517 = vector.broadcast %eq3A_516 : i32 to vector<2000x1xi32>
    %eq3A_518 = arith.cmpi eq, %get3A_33, %eq3A_517 : vector<2000x1xi32>
    %jit3A_519 = arith.constant 0xFF800000 : f32
    %broadcast_in_dim3A_520 = vector.shape_cast %eq3A_518 : vector<2000x1xi1> to vector<2000x1xi1>
    %broadcast_in_dim3A_521 = vector.broadcast %broadcast_in_dim3A_520 : vector<2000x1xi1> to vector<2000x256xi1>
    %broadcast_in_dim3A_522 = vector.broadcast %jit3A_519 : f32 to vector<2000x256xf32>
    %select_n3A_523 = arith.select %broadcast_in_dim3A_521, %add3A_28, %broadcast_in_dim3A_522 : vector<2000x256xi1>, vector<2000x256xf32>
    %reduce_max3A_524 = arith.constant dense<0xFF800000> : vector<256xf32>
    %reduce_max3A_525 = vector.multi_reduction <maximumf>, %select_n3A_523, %reduce_max3A_524 [0] : vector<2000x256xf32> to vector<256xf32>
    %get3A_526 = arith.constant 27 : index
    %get3A_527 = arith.constant 0 : index
    %get3A_528 = vector.load %arg7[%get3A_526, %get3A_527] : memref<64x256xf32, #tpu.memory_space<vmem>>, vector<1x256xf32>
    %broadcast_in_dim3A_529 = vector.shape_cast %reduce_max3A_525 : vector<256xf32> to vector<1x256xf32>
    %max3A_530 = arith.maximumf %get3A_528, %broadcast_in_dim3A_529 : vector<1x256xf32>
    %swap3A_531 = arith.constant 27 : index
    %swap3A_532 = arith.constant 0 : index
    %swap3A_533 = vector.load %arg7[%swap3A_531, %swap3A_532] : memref<64x256xf32, #tpu.memory_space<vmem>>, vector<1x256xf32>
    tpu.vector_store %arg7[%swap3A_531, %swap3A_532], %max3A_530 {strides = array<i32>} : memref<64x256xf32, #tpu.memory_space<vmem>>, vector<1x256xf32>,
    %eq3A_534 = arith.constant 28 : i32
    %eq3A_535 = vector.broadcast %eq3A_534 : i32 to vector<2000x1xi32>
    %eq3A_536 = arith.cmpi eq, %get3A_33, %eq3A_535 : vector<2000x1xi32>
    %jit3A_537 = arith.constant 0xFF800000 : f32
    %broadcast_in_dim3A_538 = vector.shape_cast %eq3A_536 : vector<2000x1xi1> to vector<2000x1xi1>
    %broadcast_in_dim3A_539 = vector.broadcast %broadcast_in_dim3A_538 : vector<2000x1xi1> to vector<2000x256xi1>
    %broadcast_in_dim3A_540 = vector.broadcast %jit3A_537 : f32 to vector<2000x256xf32>
    %select_n3A_541 = arith.select %broadcast_in_dim3A_539, %add3A_28, %broadcast_in_dim3A_540 : vector<2000x256xi1>, vector<2000x256xf32>
    %reduce_max3A_542 = arith.constant dense<0xFF800000> : vector<256xf32>
    %reduce_max3A_543 = vector.multi_reduction <maximumf>, %select_n3A_541, %reduce_max3A_542 [0] : vector<2000x256xf32> to vector<256xf32>
    %get3A_544 = arith.constant 28 : index
    %get3A_545 = arith.constant 0 : index
    %get3A_546 = vector.load %arg7[%get3A_544, %get3A_545] : memref<64x256xf32, #tpu.memory_space<vmem>>, vector<1x256xf32>
    %broadcast_in_dim3A_547 = vector.shape_cast %reduce_max3A_543 : vector<256xf32> to vector<1x256xf32>
    %max3A_548 = arith.maximumf %get3A_546, %broadcast_in_dim3A_547 : vector<1x256xf32>
    %swap3A_549 = arith.constant 28 : index
    %swap3A_550 = arith.constant 0 : index
    %swap3A_551 = vector.load %arg7[%swap3A_549, %swap3A_550] : memref<64x256xf32, #tpu.memory_space<vmem>>, vector<1x256xf32>
    tpu.vector_store %arg7[%swap3A_549, %swap3A_550], %max3A_548 {strides = array<i32>} : memref<64x256xf32, #tpu.memory_space<vmem>>, vector<1x256xf32>,
    %eq3A_552 = arith.constant 29 : i32
    %eq3A_553 = vector.broadcast %eq3A_552 : i32 to vector<2000x1xi32>
    %eq3A_554 = arith.cmpi eq, %get3A_33, %eq3A_553 : vector<2000x1xi32>
    %jit3A_555 = arith.constant 0xFF800000 : f32
    %broadcast_in_dim3A_556 = vector.shape_cast %eq3A_554 : vector<2000x1xi1> to vector<2000x1xi1>
    %broadcast_in_dim3A_557 = vector.broadcast %broadcast_in_dim3A_556 : vector<2000x1xi1> to vector<2000x256xi1>
    %broadcast_in_dim3A_558 = vector.broadcast %jit3A_555 : f32 to vector<2000x256xf32>
    %select_n3A_559 = arith.select %broadcast_in_dim3A_557, %add3A_28, %broadcast_in_dim3A_558 : vector<2000x256xi1>, vector<2000x256xf32>
    %reduce_max3A_560 = arith.constant dense<0xFF800000> : vector<256xf32>
    %reduce_max3A_561 = vector.multi_reduction <maximumf>, %select_n3A_559, %reduce_max3A_560 [0] : vector<2000x256xf32> to vector<256xf32>
    %get3A_562 = arith.constant 29 : index
    %get3A_563 = arith.constant 0 : index
    %get3A_564 = vector.load %arg7[%get3A_562, %get3A_563] : memref<64x256xf32, #tpu.memory_space<vmem>>, vector<1x256xf32>
    %broadcast_in_dim3A_565 = vector.shape_cast %reduce_max3A_561 : vector<256xf32> to vector<1x256xf32>
    %max3A_566 = arith.maximumf %get3A_564, %broadcast_in_dim3A_565 : vector<1x256xf32>
    %swap3A_567 = arith.constant 29 : index
    %swap3A_568 = arith.constant 0 : index
    %swap3A_569 = vector.load %arg7[%swap3A_567, %swap3A_568] : memref<64x256xf32, #tpu.memory_space<vmem>>, vector<1x256xf32>
    tpu.vector_store %arg7[%swap3A_567, %swap3A_568], %max3A_566 {strides = array<i32>} : memref<64x256xf32, #tpu.memory_space<vmem>>, vector<1x256xf32>,
    %eq3A_570 = arith.constant 30 : i32
    %eq3A_571 = vector.broadcast %eq3A_570 : i32 to vector<2000x1xi32>
    %eq3A_572 = arith.cmpi eq, %get3A_33, %eq3A_571 : vector<2000x1xi32>
    %jit3A_573 = arith.constant 0xFF800000 : f32
    %broadcast_in_dim3A_574 = vector.shape_cast %eq3A_572 : vector<2000x1xi1> to vector<2000x1xi1>
    %broadcast_in_dim3A_575 = vector.broadcast %broadcast_in_dim3A_574 : vector<2000x1xi1> to vector<2000x256xi1>
    %broadcast_in_dim3A_576 = vector.broadcast %jit3A_573 : f32 to vector<2000x256xf32>
    %select_n3A_577 = arith.select %broadcast_in_dim3A_575, %add3A_28, %broadcast_in_dim3A_576 : vector<2000x256xi1>, vector<2000x256xf32>
    %reduce_max3A_578 = arith.constant dense<0xFF800000> : vector<256xf32>
    %reduce_max3A_579 = vector.multi_reduction <maximumf>, %select_n3A_577, %reduce_max3A_578 [0] : vector<2000x256xf32> to vector<256xf32>
    %get3A_580 = arith.constant 30 : index
    %get3A_581 = arith.constant 0 : index
    %get3A_582 = vector.load %arg7[%get3A_580, %get3A_581] : memref<64x256xf32, #tpu.memory_space<vmem>>, vector<1x256xf32>
    %broadcast_in_dim3A_583 = vector.shape_cast %reduce_max3A_579 : vector<256xf32> to vector<1x256xf32>
    %max3A_584 = arith.maximumf %get3A_582, %broadcast_in_dim3A_583 : vector<1x256xf32>
    %swap3A_585 = arith.constant 30 : index
    %swap3A_586 = arith.constant 0 : index
    %swap3A_587 = vector.load %arg7[%swap3A_585, %swap3A_586] : memref<64x256xf32, #tpu.memory_space<vmem>>, vector<1x256xf32>
    tpu.vector_store %arg7[%swap3A_585, %swap3A_586], %max3A_584 {strides = array<i32>} : memref<64x256xf32, #tpu.memory_space<vmem>>, vector<1x256xf32>,
    %eq3A_588 = arith.constant 31 : i32
    %eq3A_589 = vector.broadcast %eq3A_588 : i32 to vector<2000x1xi32>
    %eq3A_590 = arith.cmpi eq, %get3A_33, %eq3A_589 : vector<2000x1xi32>
    %jit3A_591 = arith.constant 0xFF800000 : f32
    %broadcast_in_dim3A_592 = vector.shape_cast %eq3A_590 : vector<2000x1xi1> to vector<2000x1xi1>
    %broadcast_in_dim3A_593 = vector.broadcast %broadcast_in_dim3A_592 : vector<2000x1xi1> to vector<2000x256xi1>
    %broadcast_in_dim3A_594 = vector.broadcast %jit3A_591 : f32 to vector<2000x256xf32>
    %select_n3A_595 = arith.select %broadcast_in_dim3A_593, %add3A_28, %broadcast_in_dim3A_594 : vector<2000x256xi1>, vector<2000x256xf32>
    %reduce_max3A_596 = arith.constant dense<0xFF800000> : vector<256xf32>
    %reduce_max3A_597 = vector.multi_reduction <maximumf>, %select_n3A_595, %reduce_max3A_596 [0] : vector<2000x256xf32> to vector<256xf32>
    %get3A_598 = arith.constant 31 : index
    %get3A_599 = arith.constant 0 : index
    %get3A_600 = vector.load %arg7[%get3A_598, %get3A_599] : memref<64x256xf32, #tpu.memory_space<vmem>>, vector<1x256xf32>
    %broadcast_in_dim3A_601 = vector.shape_cast %reduce_max3A_597 : vector<256xf32> to vector<1x256xf32>
    %max3A_602 = arith.maximumf %get3A_600, %broadcast_in_dim3A_601 : vector<1x256xf32>
    %swap3A_603 = arith.constant 31 : index
    %swap3A_604 = arith.constant 0 : index
    %swap3A_605 = vector.load %arg7[%swap3A_603, %swap3A_604] : memref<64x256xf32, #tpu.memory_space<vmem>>, vector<1x256xf32>
    tpu.vector_store %arg7[%swap3A_603, %swap3A_604], %max3A_602 {strides = array<i32>} : memref<64x256xf32, #tpu.memory_space<vmem>>, vector<1x256xf32>,
    %eq3A_606 = arith.constant 32 : i32
    %eq3A_607 = vector.broadcast %eq3A_606 : i32 to vector<2000x1xi32>
    %eq3A_608 = arith.cmpi eq, %get3A_33, %eq3A_607 : vector<2000x1xi32>
    %jit3A_609 = arith.constant 0xFF800000 : f32
    %broadcast_in_dim3A_610 = vector.shape_cast %eq3A_608 : vector<2000x1xi1> to vector<2000x1xi1>
    %broadcast_in_dim3A_611 = vector.broadcast %broadcast_in_dim3A_610 : vector<2000x1xi1> to vector<2000x256xi1>
    %broadcast_in_dim3A_612 = vector.broadcast %jit3A_609 : f32 to vector<2000x256xf32>
    %select_n3A_613 = arith.select %broadcast_in_dim3A_611, %add3A_28, %broadcast_in_dim3A_612 : vector<2000x256xi1>, vector<2000x256xf32>
    %reduce_max3A_614 = arith.constant dense<0xFF800000> : vector<256xf32>
    %reduce_max3A_615 = vector.multi_reduction <maximumf>, %select_n3A_613, %reduce_max3A_614 [0] : vector<2000x256xf32> to vector<256xf32>
    %get3A_616 = arith.constant 32 : index
    %get3A_617 = arith.constant 0 : index
    %get3A_618 = vector.load %arg7[%get3A_616, %get3A_617] : memref<64x256xf32, #tpu.memory_space<vmem>>, vector<1x256xf32>
    %broadcast_in_dim3A_619 = vector.shape_cast %reduce_max3A_615 : vector<256xf32> to vector<1x256xf32>
    %max3A_620 = arith.maximumf %get3A_618, %broadcast_in_dim3A_619 : vector<1x256xf32>
    %swap3A_621 = arith.constant 32 : index
    %swap3A_622 = arith.constant 0 : index
    %swap3A_623 = vector.load %arg7[%swap3A_621, %swap3A_622] : memref<64x256xf32, #tpu.memory_space<vmem>>, vector<1x256xf32>
    tpu.vector_store %arg7[%swap3A_621, %swap3A_622], %max3A_620 {strides = array<i32>} : memref<64x256xf32, #tpu.memory_space<vmem>>, vector<1x256xf32>,
    %eq3A_624 = arith.constant 33 : i32
    %eq3A_625 = vector.broadcast %eq3A_624 : i32 to vector<2000x1xi32>
    %eq3A_626 = arith.cmpi eq, %get3A_33, %eq3A_625 : vector<2000x1xi32>
    %jit3A_627 = arith.constant 0xFF800000 : f32
    %broadcast_in_dim3A_628 = vector.shape_cast %eq3A_626 : vector<2000x1xi1> to vector<2000x1xi1>
    %broadcast_in_dim3A_629 = vector.broadcast %broadcast_in_dim3A_628 : vector<2000x1xi1> to vector<2000x256xi1>
    %broadcast_in_dim3A_630 = vector.broadcast %jit3A_627 : f32 to vector<2000x256xf32>
    %select_n3A_631 = arith.select %broadcast_in_dim3A_629, %add3A_28, %broadcast_in_dim3A_630 : vector<2000x256xi1>, vector<2000x256xf32>
    %reduce_max3A_632 = arith.constant dense<0xFF800000> : vector<256xf32>
    %reduce_max3A_633 = vector.multi_reduction <maximumf>, %select_n3A_631, %reduce_max3A_632 [0] : vector<2000x256xf32> to vector<256xf32>
    %get3A_634 = arith.constant 33 : index
    %get3A_635 = arith.constant 0 : index
    %get3A_636 = vector.load %arg7[%get3A_634, %get3A_635] : memref<64x256xf32, #tpu.memory_space<vmem>>, vector<1x256xf32>
    %broadcast_in_dim3A_637 = vector.shape_cast %reduce_max3A_633 : vector<256xf32> to vector<1x256xf32>
    %max3A_638 = arith.maximumf %get3A_636, %broadcast_in_dim3A_637 : vector<1x256xf32>
    %swap3A_639 = arith.constant 33 : index
    %swap3A_640 = arith.constant 0 : index
    %swap3A_641 = vector.load %arg7[%swap3A_639, %swap3A_640] : memref<64x256xf32, #tpu.memory_space<vmem>>, vector<1x256xf32>
    tpu.vector_store %arg7[%swap3A_639, %swap3A_640], %max3A_638 {strides = array<i32>} : memref<64x256xf32, #tpu.memory_space<vmem>>, vector<1x256xf32>,
    %eq3A_642 = arith.constant 34 : i32
    %eq3A_643 = vector.broadcast %eq3A_642 : i32 to vector<2000x1xi32>
    %eq3A_644 = arith.cmpi eq, %get3A_33, %eq3A_643 : vector<2000x1xi32>
    %jit3A_645 = arith.constant 0xFF800000 : f32
    %broadcast_in_dim3A_646 = vector.shape_cast %eq3A_644 : vector<2000x1xi1> to vector<2000x1xi1>
    %broadcast_in_dim3A_647 = vector.broadcast %broadcast_in_dim3A_646 : vector<2000x1xi1> to vector<2000x256xi1>
    %broadcast_in_dim3A_648 = vector.broadcast %jit3A_645 : f32 to vector<2000x256xf32>
    %select_n3A_649 = arith.select %broadcast_in_dim3A_647, %add3A_28, %broadcast_in_dim3A_648 : vector<2000x256xi1>, vector<2000x256xf32>
    %reduce_max3A_650 = arith.constant dense<0xFF800000> : vector<256xf32>
    %reduce_max3A_651 = vector.multi_reduction <maximumf>, %select_n3A_649, %reduce_max3A_650 [0] : vector<2000x256xf32> to vector<256xf32>
    %get3A_652 = arith.constant 34 : index
    %get3A_653 = arith.constant 0 : index
    %get3A_654 = vector.load %arg7[%get3A_652, %get3A_653] : memref<64x256xf32, #tpu.memory_space<vmem>>, vector<1x256xf32>
    %broadcast_in_dim3A_655 = vector.shape_cast %reduce_max3A_651 : vector<256xf32> to vector<1x256xf32>
    %max3A_656 = arith.maximumf %get3A_654, %broadcast_in_dim3A_655 : vector<1x256xf32>
    %swap3A_657 = arith.constant 34 : index
    %swap3A_658 = arith.constant 0 : index
    %swap3A_659 = vector.load %arg7[%swap3A_657, %swap3A_658] : memref<64x256xf32, #tpu.memory_space<vmem>>, vector<1x256xf32>
    tpu.vector_store %arg7[%swap3A_657, %swap3A_658], %max3A_656 {strides = array<i32>} : memref<64x256xf32, #tpu.memory_space<vmem>>, vector<1x256xf32>,
    %eq3A_660 = arith.constant 35 : i32
    %eq3A_661 = vector.broadcast %eq3A_660 : i32 to vector<2000x1xi32>
    %eq3A_662 = arith.cmpi eq, %get3A_33, %eq3A_661 : vector<2000x1xi32>
    %jit3A_663 = arith.constant 0xFF800000 : f32
    %broadcast_in_dim3A_664 = vector.shape_cast %eq3A_662 : vector<2000x1xi1> to vector<2000x1xi1>
    %broadcast_in_dim3A_665 = vector.broadcast %broadcast_in_dim3A_664 : vector<2000x1xi1> to vector<2000x256xi1>
    %broadcast_in_dim3A_666 = vector.broadcast %jit3A_663 : f32 to vector<2000x256xf32>
    %select_n3A_667 = arith.select %broadcast_in_dim3A_665, %add3A_28, %broadcast_in_dim3A_666 : vector<2000x256xi1>, vector<2000x256xf32>
    %reduce_max3A_668 = arith.constant dense<0xFF800000> : vector<256xf32>
    %reduce_max3A_669 = vector.multi_reduction <maximumf>, %select_n3A_667, %reduce_max3A_668 [0] : vector<2000x256xf32> to vector<256xf32>
    %get3A_670 = arith.constant 35 : index
    %get3A_671 = arith.constant 0 : index
    %get3A_672 = vector.load %arg7[%get3A_670, %get3A_671] : memref<64x256xf32, #tpu.memory_space<vmem>>, vector<1x256xf32>
    %broadcast_in_dim3A_673 = vector.shape_cast %reduce_max3A_669 : vector<256xf32> to vector<1x256xf32>
    %max3A_674 = arith.maximumf %get3A_672, %broadcast_in_dim3A_673 : vector<1x256xf32>
    %swap3A_675 = arith.constant 35 : index
    %swap3A_676 = arith.constant 0 : index
    %swap3A_677 = vector.load %arg7[%swap3A_675, %swap3A_676] : memref<64x256xf32, #tpu.memory_space<vmem>>, vector<1x256xf32>
    tpu.vector_store %arg7[%swap3A_675, %swap3A_676], %max3A_674 {strides = array<i32>} : memref<64x256xf32, #tpu.memory_space<vmem>>, vector<1x256xf32>,
    %eq3A_678 = arith.constant 36 : i32
    %eq3A_679 = vector.broadcast %eq3A_678 : i32 to vector<2000x1xi32>
    %eq3A_680 = arith.cmpi eq, %get3A_33, %eq3A_679 : vector<2000x1xi32>
    %jit3A_681 = arith.constant 0xFF800000 : f32
    %broadcast_in_dim3A_682 = vector.shape_cast %eq3A_680 : vector<2000x1xi1> to vector<2000x1xi1>
    %broadcast_in_dim3A_683 = vector.broadcast %broadcast_in_dim3A_682 : vector<2000x1xi1> to vector<2000x256xi1>
    %broadcast_in_dim3A_684 = vector.broadcast %jit3A_681 : f32 to vector<2000x256xf32>
    %select_n3A_685 = arith.select %broadcast_in_dim3A_683, %add3A_28, %broadcast_in_dim3A_684 : vector<2000x256xi1>, vector<2000x256xf32>
    %reduce_max3A_686 = arith.constant dense<0xFF800000> : vector<256xf32>
    %reduce_max3A_687 = vector.multi_reduction <maximumf>, %select_n3A_685, %reduce_max3A_686 [0] : vector<2000x256xf32> to vector<256xf32>
    %get3A_688 = arith.constant 36 : index
    %get3A_689 = arith.constant 0 : index
    %get3A_690 = vector.load %arg7[%get3A_688, %get3A_689] : memref<64x256xf32, #tpu.memory_space<vmem>>, vector<1x256xf32>
    %broadcast_in_dim3A_691 = vector.shape_cast %reduce_max3A_687 : vector<256xf32> to vector<1x256xf32>
    %max3A_692 = arith.maximumf %get3A_690, %broadcast_in_dim3A_691 : vector<1x256xf32>
    %swap3A_693 = arith.constant 36 : index
    %swap3A_694 = arith.constant 0 : index
    %swap3A_695 = vector.load %arg7[%swap3A_693, %swap3A_694] : memref<64x256xf32, #tpu.memory_space<vmem>>, vector<1x256xf32>
    tpu.vector_store %arg7[%swap3A_693, %swap3A_694], %max3A_692 {strides = array<i32>} : memref<64x256xf32, #tpu.memory_space<vmem>>, vector<1x256xf32>,
    %eq3A_696 = arith.constant 37 : i32
    %eq3A_697 = vector.broadcast %eq3A_696 : i32 to vector<2000x1xi32>
    %eq3A_698 = arith.cmpi eq, %get3A_33, %eq3A_697 : vector<2000x1xi32>
    %jit3A_699 = arith.constant 0xFF800000 : f32
    %broadcast_in_dim3A_700 = vector.shape_cast %eq3A_698 : vector<2000x1xi1> to vector<2000x1xi1>
    %broadcast_in_dim3A_701 = vector.broadcast %broadcast_in_dim3A_700 : vector<2000x1xi1> to vector<2000x256xi1>
    %broadcast_in_dim3A_702 = vector.broadcast %jit3A_699 : f32 to vector<2000x256xf32>
    %select_n3A_703 = arith.select %broadcast_in_dim3A_701, %add3A_28, %broadcast_in_dim3A_702 : vector<2000x256xi1>, vector<2000x256xf32>
    %reduce_max3A_704 = arith.constant dense<0xFF800000> : vector<256xf32>
    %reduce_max3A_705 = vector.multi_reduction <maximumf>, %select_n3A_703, %reduce_max3A_704 [0] : vector<2000x256xf32> to vector<256xf32>
    %get3A_706 = arith.constant 37 : index
    %get3A_707 = arith.constant 0 : index
    %get3A_708 = vector.load %arg7[%get3A_706, %get3A_707] : memref<64x256xf32, #tpu.memory_space<vmem>>, vector<1x256xf32>
    %broadcast_in_dim3A_709 = vector.shape_cast %reduce_max3A_705 : vector<256xf32> to vector<1x256xf32>
    %max3A_710 = arith.maximumf %get3A_708, %broadcast_in_dim3A_709 : vector<1x256xf32>
    %swap3A_711 = arith.constant 37 : index
    %swap3A_712 = arith.constant 0 : index
    %swap3A_713 = vector.load %arg7[%swap3A_711, %swap3A_712] : memref<64x256xf32, #tpu.memory_space<vmem>>, vector<1x256xf32>
    tpu.vector_store %arg7[%swap3A_711, %swap3A_712], %max3A_710 {strides = array<i32>} : memref<64x256xf32, #tpu.memory_space<vmem>>, vector<1x256xf32>,
    %eq3A_714 = arith.constant 38 : i32
    %eq3A_715 = vector.broadcast %eq3A_714 : i32 to vector<2000x1xi32>
    %eq3A_716 = arith.cmpi eq, %get3A_33, %eq3A_715 : vector<2000x1xi32>
    %jit3A_717 = arith.constant 0xFF800000 : f32
    %broadcast_in_dim3A_718 = vector.shape_cast %eq3A_716 : vector<2000x1xi1> to vector<2000x1xi1>
    %broadcast_in_dim3A_719 = vector.broadcast %broadcast_in_dim3A_718 : vector<2000x1xi1> to vector<2000x256xi1>
    %broadcast_in_dim3A_720 = vector.broadcast %jit3A_717 : f32 to vector<2000x256xf32>
    %select_n3A_721 = arith.select %broadcast_in_dim3A_719, %add3A_28, %broadcast_in_dim3A_720 : vector<2000x256xi1>, vector<2000x256xf32>
    %reduce_max3A_722 = arith.constant dense<0xFF800000> : vector<256xf32>
    %reduce_max3A_723 = vector.multi_reduction <maximumf>, %select_n3A_721, %reduce_max3A_722 [0] : vector<2000x256xf32> to vector<256xf32>
    %get3A_724 = arith.constant 38 : index
    %get3A_725 = arith.constant 0 : index
    %get3A_726 = vector.load %arg7[%get3A_724, %get3A_725] : memref<64x256xf32, #tpu.memory_space<vmem>>, vector<1x256xf32>
    %broadcast_in_dim3A_727 = vector.shape_cast %reduce_max3A_723 : vector<256xf32> to vector<1x256xf32>
    %max3A_728 = arith.maximumf %get3A_726, %broadcast_in_dim3A_727 : vector<1x256xf32>
    %swap3A_729 = arith.constant 38 : index
    %swap3A_730 = arith.constant 0 : index
    %swap3A_731 = vector.load %arg7[%swap3A_729, %swap3A_730] : memref<64x256xf32, #tpu.memory_space<vmem>>, vector<1x256xf32>
    tpu.vector_store %arg7[%swap3A_729, %swap3A_730], %max3A_728 {strides = array<i32>} : memref<64x256xf32, #tpu.memory_space<vmem>>, vector<1x256xf32>,
    %eq3A_732 = arith.constant 39 : i32
    %eq3A_733 = vector.broadcast %eq3A_732 : i32 to vector<2000x1xi32>
    %eq3A_734 = arith.cmpi eq, %get3A_33, %eq3A_733 : vector<2000x1xi32>
    %jit3A_735 = arith.constant 0xFF800000 : f32
    %broadcast_in_dim3A_736 = vector.shape_cast %eq3A_734 : vector<2000x1xi1> to vector<2000x1xi1>
    %broadcast_in_dim3A_737 = vector.broadcast %broadcast_in_dim3A_736 : vector<2000x1xi1> to vector<2000x256xi1>
    %broadcast_in_dim3A_738 = vector.broadcast %jit3A_735 : f32 to vector<2000x256xf32>
    %select_n3A_739 = arith.select %broadcast_in_dim3A_737, %add3A_28, %broadcast_in_dim3A_738 : vector<2000x256xi1>, vector<2000x256xf32>
    %reduce_max3A_740 = arith.constant dense<0xFF800000> : vector<256xf32>
    %reduce_max3A_741 = vector.multi_reduction <maximumf>, %select_n3A_739, %reduce_max3A_740 [0] : vector<2000x256xf32> to vector<256xf32>
    %get3A_742 = arith.constant 39 : index
    %get3A_743 = arith.constant 0 : index
    %get3A_744 = vector.load %arg7[%get3A_742, %get3A_743] : memref<64x256xf32, #tpu.memory_space<vmem>>, vector<1x256xf32>
    %broadcast_in_dim3A_745 = vector.shape_cast %reduce_max3A_741 : vector<256xf32> to vector<1x256xf32>
    %max3A_746 = arith.maximumf %get3A_744, %broadcast_in_dim3A_745 : vector<1x256xf32>
    %swap3A_747 = arith.constant 39 : index
    %swap3A_748 = arith.constant 0 : index
    %swap3A_749 = vector.load %arg7[%swap3A_747, %swap3A_748] : memref<64x256xf32, #tpu.memory_space<vmem>>, vector<1x256xf32>
    tpu.vector_store %arg7[%swap3A_747, %swap3A_748], %max3A_746 {strides = array<i32>} : memref<64x256xf32, #tpu.memory_space<vmem>>, vector<1x256xf32>,
    %eq3A_750 = arith.constant 40 : i32
    %eq3A_751 = vector.broadcast %eq3A_750 : i32 to vector<2000x1xi32>
    %eq3A_752 = arith.cmpi eq, %get3A_33, %eq3A_751 : vector<2000x1xi32>
    %jit3A_753 = arith.constant 0xFF800000 : f32
    %broadcast_in_dim3A_754 = vector.shape_cast %eq3A_752 : vector<2000x1xi1> to vector<2000x1xi1>
    %broadcast_in_dim3A_755 = vector.broadcast %broadcast_in_dim3A_754 : vector<2000x1xi1> to vector<2000x256xi1>
    %broadcast_in_dim3A_756 = vector.broadcast %jit3A_753 : f32 to vector<2000x256xf32>
    %select_n3A_757 = arith.select %broadcast_in_dim3A_755, %add3A_28, %broadcast_in_dim3A_756 : vector<2000x256xi1>, vector<2000x256xf32>
    %reduce_max3A_758 = arith.constant dense<0xFF800000> : vector<256xf32>
    %reduce_max3A_759 = vector.multi_reduction <maximumf>, %select_n3A_757, %reduce_max3A_758 [0] : vector<2000x256xf32> to vector<256xf32>
    %get3A_760 = arith.constant 40 : index
    %get3A_761 = arith.constant 0 : index
    %get3A_762 = vector.load %arg7[%get3A_760, %get3A_761] : memref<64x256xf32, #tpu.memory_space<vmem>>, vector<1x256xf32>
    %broadcast_in_dim3A_763 = vector.shape_cast %reduce_max3A_759 : vector<256xf32> to vector<1x256xf32>
    %max3A_764 = arith.maximumf %get3A_762, %broadcast_in_dim3A_763 : vector<1x256xf32>
    %swap3A_765 = arith.constant 40 : index
    %swap3A_766 = arith.constant 0 : index
    %swap3A_767 = vector.load %arg7[%swap3A_765, %swap3A_766] : memref<64x256xf32, #tpu.memory_space<vmem>>, vector<1x256xf32>
    tpu.vector_store %arg7[%swap3A_765, %swap3A_766], %max3A_764 {strides = array<i32>} : memref<64x256xf32, #tpu.memory_space<vmem>>, vector<1x256xf32>,
    %eq3A_768 = arith.constant 41 : i32
    %eq3A_769 = vector.broadcast %eq3A_768 : i32 to vector<2000x1xi32>
    %eq3A_770 = arith.cmpi eq, %get3A_33, %eq3A_769 : vector<2000x1xi32>
    %jit3A_771 = arith.constant 0xFF800000 : f32
    %broadcast_in_dim3A_772 = vector.shape_cast %eq3A_770 : vector<2000x1xi1> to vector<2000x1xi1>
    %broadcast_in_dim3A_773 = vector.broadcast %broadcast_in_dim3A_772 : vector<2000x1xi1> to vector<2000x256xi1>
    %broadcast_in_dim3A_774 = vector.broadcast %jit3A_771 : f32 to vector<2000x256xf32>
    %select_n3A_775 = arith.select %broadcast_in_dim3A_773, %add3A_28, %broadcast_in_dim3A_774 : vector<2000x256xi1>, vector<2000x256xf32>
    %reduce_max3A_776 = arith.constant dense<0xFF800000> : vector<256xf32>
    %reduce_max3A_777 = vector.multi_reduction <maximumf>, %select_n3A_775, %reduce_max3A_776 [0] : vector<2000x256xf32> to vector<256xf32>
    %get3A_778 = arith.constant 41 : index
    %get3A_779 = arith.constant 0 : index
    %get3A_780 = vector.load %arg7[%get3A_778, %get3A_779] : memref<64x256xf32, #tpu.memory_space<vmem>>, vector<1x256xf32>
    %broadcast_in_dim3A_781 = vector.shape_cast %reduce_max3A_777 : vector<256xf32> to vector<1x256xf32>
    %max3A_782 = arith.maximumf %get3A_780, %broadcast_in_dim3A_781 : vector<1x256xf32>
    %swap3A_783 = arith.constant 41 : index
    %swap3A_784 = arith.constant 0 : index
    %swap3A_785 = vector.load %arg7[%swap3A_783, %swap3A_784] : memref<64x256xf32, #tpu.memory_space<vmem>>, vector<1x256xf32>
    tpu.vector_store %arg7[%swap3A_783, %swap3A_784], %max3A_782 {strides = array<i32>} : memref<64x256xf32, #tpu.memory_space<vmem>>, vector<1x256xf32>,
    %eq3A_786 = arith.constant 42 : i32
    %eq3A_787 = vector.broadcast %eq3A_786 : i32 to vector<2000x1xi32>
    %eq3A_788 = arith.cmpi eq, %get3A_33, %eq3A_787 : vector<2000x1xi32>
    %jit3A_789 = arith.constant 0xFF800000 : f32
    %broadcast_in_dim3A_790 = vector.shape_cast %eq3A_788 : vector<2000x1xi1> to vector<2000x1xi1>
    %broadcast_in_dim3A_791 = vector.broadcast %broadcast_in_dim3A_790 : vector<2000x1xi1> to vector<2000x256xi1>
    %broadcast_in_dim3A_792 = vector.broadcast %jit3A_789 : f32 to vector<2000x256xf32>
    %select_n3A_793 = arith.select %broadcast_in_dim3A_791, %add3A_28, %broadcast_in_dim3A_792 : vector<2000x256xi1>, vector<2000x256xf32>
    %reduce_max3A_794 = arith.constant dense<0xFF800000> : vector<256xf32>
    %reduce_max3A_795 = vector.multi_reduction <maximumf>, %select_n3A_793, %reduce_max3A_794 [0] : vector<2000x256xf32> to vector<256xf32>
    %get3A_796 = arith.constant 42 : index
    %get3A_797 = arith.constant 0 : index
    %get3A_798 = vector.load %arg7[%get3A_796, %get3A_797] : memref<64x256xf32, #tpu.memory_space<vmem>>, vector<1x256xf32>
    %broadcast_in_dim3A_799 = vector.shape_cast %reduce_max3A_795 : vector<256xf32> to vector<1x256xf32>
    %max3A_800 = arith.maximumf %get3A_798, %broadcast_in_dim3A_799 : vector<1x256xf32>
    %swap3A_801 = arith.constant 42 : index
    %swap3A_802 = arith.constant 0 : index
    %swap3A_803 = vector.load %arg7[%swap3A_801, %swap3A_802] : memref<64x256xf32, #tpu.memory_space<vmem>>, vector<1x256xf32>
    tpu.vector_store %arg7[%swap3A_801, %swap3A_802], %max3A_800 {strides = array<i32>} : memref<64x256xf32, #tpu.memory_space<vmem>>, vector<1x256xf32>,
    %eq3A_804 = arith.constant 43 : i32
    %eq3A_805 = vector.broadcast %eq3A_804 : i32 to vector<2000x1xi32>
    %eq3A_806 = arith.cmpi eq, %get3A_33, %eq3A_805 : vector<2000x1xi32>
    %jit3A_807 = arith.constant 0xFF800000 : f32
    %broadcast_in_dim3A_808 = vector.shape_cast %eq3A_806 : vector<2000x1xi1> to vector<2000x1xi1>
    %broadcast_in_dim3A_809 = vector.broadcast %broadcast_in_dim3A_808 : vector<2000x1xi1> to vector<2000x256xi1>
    %broadcast_in_dim3A_810 = vector.broadcast %jit3A_807 : f32 to vector<2000x256xf32>
    %select_n3A_811 = arith.select %broadcast_in_dim3A_809, %add3A_28, %broadcast_in_dim3A_810 : vector<2000x256xi1>, vector<2000x256xf32>
    %reduce_max3A_812 = arith.constant dense<0xFF800000> : vector<256xf32>
    %reduce_max3A_813 = vector.multi_reduction <maximumf>, %select_n3A_811, %reduce_max3A_812 [0] : vector<2000x256xf32> to vector<256xf32>
    %get3A_814 = arith.constant 43 : index
    %get3A_815 = arith.constant 0 : index
    %get3A_816 = vector.load %arg7[%get3A_814, %get3A_815] : memref<64x256xf32, #tpu.memory_space<vmem>>, vector<1x256xf32>
    %broadcast_in_dim3A_817 = vector.shape_cast %reduce_max3A_813 : vector<256xf32> to vector<1x256xf32>
    %max3A_818 = arith.maximumf %get3A_816, %broadcast_in_dim3A_817 : vector<1x256xf32>
    %swap3A_819 = arith.constant 43 : index
    %swap3A_820 = arith.constant 0 : index
    %swap3A_821 = vector.load %arg7[%swap3A_819, %swap3A_820] : memref<64x256xf32, #tpu.memory_space<vmem>>, vector<1x256xf32>
    tpu.vector_store %arg7[%swap3A_819, %swap3A_820], %max3A_818 {strides = array<i32>} : memref<64x256xf32, #tpu.memory_space<vmem>>, vector<1x256xf32>,
    %eq3A_822 = arith.constant 44 : i32
    %eq3A_823 = vector.broadcast %eq3A_822 : i32 to vector<2000x1xi32>
    %eq3A_824 = arith.cmpi eq, %get3A_33, %eq3A_823 : vector<2000x1xi32>
    %jit3A_825 = arith.constant 0xFF800000 : f32
    %broadcast_in_dim3A_826 = vector.shape_cast %eq3A_824 : vector<2000x1xi1> to vector<2000x1xi1>
    %broadcast_in_dim3A_827 = vector.broadcast %broadcast_in_dim3A_826 : vector<2000x1xi1> to vector<2000x256xi1>
    %broadcast_in_dim3A_828 = vector.broadcast %jit3A_825 : f32 to vector<2000x256xf32>
    %select_n3A_829 = arith.select %broadcast_in_dim3A_827, %add3A_28, %broadcast_in_dim3A_828 : vector<2000x256xi1>, vector<2000x256xf32>
    %reduce_max3A_830 = arith.constant dense<0xFF800000> : vector<256xf32>
    %reduce_max3A_831 = vector.multi_reduction <maximumf>, %select_n3A_829, %reduce_max3A_830 [0] : vector<2000x256xf32> to vector<256xf32>
    %get3A_832 = arith.constant 44 : index
    %get3A_833 = arith.constant 0 : index
    %get3A_834 = vector.load %arg7[%get3A_832, %get3A_833] : memref<64x256xf32, #tpu.memory_space<vmem>>, vector<1x256xf32>
    %broadcast_in_dim3A_835 = vector.shape_cast %reduce_max3A_831 : vector<256xf32> to vector<1x256xf32>
    %max3A_836 = arith.maximumf %get3A_834, %broadcast_in_dim3A_835 : vector<1x256xf32>
    %swap3A_837 = arith.constant 44 : index
    %swap3A_838 = arith.constant 0 : index
    %swap3A_839 = vector.load %arg7[%swap3A_837, %swap3A_838] : memref<64x256xf32, #tpu.memory_space<vmem>>, vector<1x256xf32>
    tpu.vector_store %arg7[%swap3A_837, %swap3A_838], %max3A_836 {strides = array<i32>} : memref<64x256xf32, #tpu.memory_space<vmem>>, vector<1x256xf32>,
    %eq3A_840 = arith.constant 45 : i32
    %eq3A_841 = vector.broadcast %eq3A_840 : i32 to vector<2000x1xi32>
    %eq3A_842 = arith.cmpi eq, %get3A_33, %eq3A_841 : vector<2000x1xi32>
    %jit3A_843 = arith.constant 0xFF800000 : f32
    %broadcast_in_dim3A_844 = vector.shape_cast %eq3A_842 : vector<2000x1xi1> to vector<2000x1xi1>
    %broadcast_in_dim3A_845 = vector.broadcast %broadcast_in_dim3A_844 : vector<2000x1xi1> to vector<2000x256xi1>
    %broadcast_in_dim3A_846 = vector.broadcast %jit3A_843 : f32 to vector<2000x256xf32>
    %select_n3A_847 = arith.select %broadcast_in_dim3A_845, %add3A_28, %broadcast_in_dim3A_846 : vector<2000x256xi1>, vector<2000x256xf32>
    %reduce_max3A_848 = arith.constant dense<0xFF800000> : vector<256xf32>
    %reduce_max3A_849 = vector.multi_reduction <maximumf>, %select_n3A_847, %reduce_max3A_848 [0] : vector<2000x256xf32> to vector<256xf32>
    %get3A_850 = arith.constant 45 : index
    %get3A_851 = arith.constant 0 : index
    %get3A_852 = vector.load %arg7[%get3A_850, %get3A_851] : memref<64x256xf32, #tpu.memory_space<vmem>>, vector<1x256xf32>
    %broadcast_in_dim3A_853 = vector.shape_cast %reduce_max3A_849 : vector<256xf32> to vector<1x256xf32>
    %max3A_854 = arith.maximumf %get3A_852, %broadcast_in_dim3A_853 : vector<1x256xf32>
    %swap3A_855 = arith.constant 45 : index
    %swap3A_856 = arith.constant 0 : index
    %swap3A_857 = vector.load %arg7[%swap3A_855, %swap3A_856] : memref<64x256xf32, #tpu.memory_space<vmem>>, vector<1x256xf32>
    tpu.vector_store %arg7[%swap3A_855, %swap3A_856], %max3A_854 {strides = array<i32>} : memref<64x256xf32, #tpu.memory_space<vmem>>, vector<1x256xf32>,
    %eq3A_858 = arith.constant 46 : i32
    %eq3A_859 = vector.broadcast %eq3A_858 : i32 to vector<2000x1xi32>
    %eq3A_860 = arith.cmpi eq, %get3A_33, %eq3A_859 : vector<2000x1xi32>
    %jit3A_861 = arith.constant 0xFF800000 : f32
    %broadcast_in_dim3A_862 = vector.shape_cast %eq3A_860 : vector<2000x1xi1> to vector<2000x1xi1>
    %broadcast_in_dim3A_863 = vector.broadcast %broadcast_in_dim3A_862 : vector<2000x1xi1> to vector<2000x256xi1>
    %broadcast_in_dim3A_864 = vector.broadcast %jit3A_861 : f32 to vector<2000x256xf32>
    %select_n3A_865 = arith.select %broadcast_in_dim3A_863, %add3A_28, %broadcast_in_dim3A_864 : vector<2000x256xi1>, vector<2000x256xf32>
    %reduce_max3A_866 = arith.constant dense<0xFF800000> : vector<256xf32>
    %reduce_max3A_867 = vector.multi_reduction <maximumf>, %select_n3A_865, %reduce_max3A_866 [0] : vector<2000x256xf32> to vector<256xf32>
    %get3A_868 = arith.constant 46 : index
    %get3A_869 = arith.constant 0 : index
    %get3A_870 = vector.load %arg7[%get3A_868, %get3A_869] : memref<64x256xf32, #tpu.memory_space<vmem>>, vector<1x256xf32>
    %broadcast_in_dim3A_871 = vector.shape_cast %reduce_max3A_867 : vector<256xf32> to vector<1x256xf32>
    %max3A_872 = arith.maximumf %get3A_870, %broadcast_in_dim3A_871 : vector<1x256xf32>
    %swap3A_873 = arith.constant 46 : index
    %swap3A_874 = arith.constant 0 : index
    %swap3A_875 = vector.load %arg7[%swap3A_873, %swap3A_874] : memref<64x256xf32, #tpu.memory_space<vmem>>, vector<1x256xf32>
    tpu.vector_store %arg7[%swap3A_873, %swap3A_874], %max3A_872 {strides = array<i32>} : memref<64x256xf32, #tpu.memory_space<vmem>>, vector<1x256xf32>,
    %eq3A_876 = arith.constant 47 : i32
    %eq3A_877 = vector.broadcast %eq3A_876 : i32 to vector<2000x1xi32>
    %eq3A_878 = arith.cmpi eq, %get3A_33, %eq3A_877 : vector<2000x1xi32>
    %jit3A_879 = arith.constant 0xFF800000 : f32
    %broadcast_in_dim3A_880 = vector.shape_cast %eq3A_878 : vector<2000x1xi1> to vector<2000x1xi1>
    %broadcast_in_dim3A_881 = vector.broadcast %broadcast_in_dim3A_880 : vector<2000x1xi1> to vector<2000x256xi1>
    %broadcast_in_dim3A_882 = vector.broadcast %jit3A_879 : f32 to vector<2000x256xf32>
    %select_n3A_883 = arith.select %broadcast_in_dim3A_881, %add3A_28, %broadcast_in_dim3A_882 : vector<2000x256xi1>, vector<2000x256xf32>
    %reduce_max3A_884 = arith.constant dense<0xFF800000> : vector<256xf32>
    %reduce_max3A_885 = vector.multi_reduction <maximumf>, %select_n3A_883, %reduce_max3A_884 [0] : vector<2000x256xf32> to vector<256xf32>
    %get3A_886 = arith.constant 47 : index
    %get3A_887 = arith.constant 0 : index
    %get3A_888 = vector.load %arg7[%get3A_886, %get3A_887] : memref<64x256xf32, #tpu.memory_space<vmem>>, vector<1x256xf32>
    %broadcast_in_dim3A_889 = vector.shape_cast %reduce_max3A_885 : vector<256xf32> to vector<1x256xf32>
    %max3A_890 = arith.maximumf %get3A_888, %broadcast_in_dim3A_889 : vector<1x256xf32>
    %swap3A_891 = arith.constant 47 : index
    %swap3A_892 = arith.constant 0 : index
    %swap3A_893 = vector.load %arg7[%swap3A_891, %swap3A_892] : memref<64x256xf32, #tpu.memory_space<vmem>>, vector<1x256xf32>
    tpu.vector_store %arg7[%swap3A_891, %swap3A_892], %max3A_890 {strides = array<i32>} : memref<64x256xf32, #tpu.memory_space<vmem>>, vector<1x256xf32>,
    %eq3A_894 = arith.constant 48 : i32
    %eq3A_895 = vector.broadcast %eq3A_894 : i32 to vector<2000x1xi32>
    %eq3A_896 = arith.cmpi eq, %get3A_33, %eq3A_895 : vector<2000x1xi32>
    %jit3A_897 = arith.constant 0xFF800000 : f32
    %broadcast_in_dim3A_898 = vector.shape_cast %eq3A_896 : vector<2000x1xi1> to vector<2000x1xi1>
    %broadcast_in_dim3A_899 = vector.broadcast %broadcast_in_dim3A_898 : vector<2000x1xi1> to vector<2000x256xi1>
    %broadcast_in_dim3A_900 = vector.broadcast %jit3A_897 : f32 to vector<2000x256xf32>
    %select_n3A_901 = arith.select %broadcast_in_dim3A_899, %add3A_28, %broadcast_in_dim3A_900 : vector<2000x256xi1>, vector<2000x256xf32>
    %reduce_max3A_902 = arith.constant dense<0xFF800000> : vector<256xf32>
    %reduce_max3A_903 = vector.multi_reduction <maximumf>, %select_n3A_901, %reduce_max3A_902 [0] : vector<2000x256xf32> to vector<256xf32>
    %get3A_904 = arith.constant 48 : index
    %get3A_905 = arith.constant 0 : index
    %get3A_906 = vector.load %arg7[%get3A_904, %get3A_905] : memref<64x256xf32, #tpu.memory_space<vmem>>, vector<1x256xf32>
    %broadcast_in_dim3A_907 = vector.shape_cast %reduce_max3A_903 : vector<256xf32> to vector<1x256xf32>
    %max3A_908 = arith.maximumf %get3A_906, %broadcast_in_dim3A_907 : vector<1x256xf32>
    %swap3A_909 = arith.constant 48 : index
    %swap3A_910 = arith.constant 0 : index
    %swap3A_911 = vector.load %arg7[%swap3A_909, %swap3A_910] : memref<64x256xf32, #tpu.memory_space<vmem>>, vector<1x256xf32>
    tpu.vector_store %arg7[%swap3A_909, %swap3A_910], %max3A_908 {strides = array<i32>} : memref<64x256xf32, #tpu.memory_space<vmem>>, vector<1x256xf32>,
    %eq3A_912 = arith.constant 49 : i32
    %eq3A_913 = vector.broadcast %eq3A_912 : i32 to vector<2000x1xi32>
    %eq3A_914 = arith.cmpi eq, %get3A_33, %eq3A_913 : vector<2000x1xi32>
    %jit3A_915 = arith.constant 0xFF800000 : f32
    %broadcast_in_dim3A_916 = vector.shape_cast %eq3A_914 : vector<2000x1xi1> to vector<2000x1xi1>
    %broadcast_in_dim3A_917 = vector.broadcast %broadcast_in_dim3A_916 : vector<2000x1xi1> to vector<2000x256xi1>
    %broadcast_in_dim3A_918 = vector.broadcast %jit3A_915 : f32 to vector<2000x256xf32>
    %select_n3A_919 = arith.select %broadcast_in_dim3A_917, %add3A_28, %broadcast_in_dim3A_918 : vector<2000x256xi1>, vector<2000x256xf32>
    %reduce_max3A_920 = arith.constant dense<0xFF800000> : vector<256xf32>
    %reduce_max3A_921 = vector.multi_reduction <maximumf>, %select_n3A_919, %reduce_max3A_920 [0] : vector<2000x256xf32> to vector<256xf32>
    %get3A_922 = arith.constant 49 : index
    %get3A_923 = arith.constant 0 : index
    %get3A_924 = vector.load %arg7[%get3A_922, %get3A_923] : memref<64x256xf32, #tpu.memory_space<vmem>>, vector<1x256xf32>
    %broadcast_in_dim3A_925 = vector.shape_cast %reduce_max3A_921 : vector<256xf32> to vector<1x256xf32>
    %max3A_926 = arith.maximumf %get3A_924, %broadcast_in_dim3A_925 : vector<1x256xf32>
    %swap3A_927 = arith.constant 49 : index
    %swap3A_928 = arith.constant 0 : index
    %swap3A_929 = vector.load %arg7[%swap3A_927, %swap3A_928] : memref<64x256xf32, #tpu.memory_space<vmem>>, vector<1x256xf32>
    tpu.vector_store %arg7[%swap3A_927, %swap3A_928], %max3A_926 {strides = array<i32>} : memref<64x256xf32, #tpu.memory_space<vmem>>, vector<1x256xf32>,
    %eq3A_930 = arith.constant 50 : i32
    %eq3A_931 = vector.broadcast %eq3A_930 : i32 to vector<2000x1xi32>
    %eq3A_932 = arith.cmpi eq, %get3A_33, %eq3A_931 : vector<2000x1xi32>
    %jit3A_933 = arith.constant 0xFF800000 : f32
    %broadcast_in_dim3A_934 = vector.shape_cast %eq3A_932 : vector<2000x1xi1> to vector<2000x1xi1>
    %broadcast_in_dim3A_935 = vector.broadcast %broadcast_in_dim3A_934 : vector<2000x1xi1> to vector<2000x256xi1>
    %broadcast_in_dim3A_936 = vector.broadcast %jit3A_933 : f32 to vector<2000x256xf32>
    %select_n3A_937 = arith.select %broadcast_in_dim3A_935, %add3A_28, %broadcast_in_dim3A_936 : vector<2000x256xi1>, vector<2000x256xf32>
    %reduce_max3A_938 = arith.constant dense<0xFF800000> : vector<256xf32>
    %reduce_max3A_939 = vector.multi_reduction <maximumf>, %select_n3A_937, %reduce_max3A_938 [0] : vector<2000x256xf32> to vector<256xf32>
    %get3A_940 = arith.constant 50 : index
    %get3A_941 = arith.constant 0 : index
    %get3A_942 = vector.load %arg7[%get3A_940, %get3A_941] : memref<64x256xf32, #tpu.memory_space<vmem>>, vector<1x256xf32>
    %broadcast_in_dim3A_943 = vector.shape_cast %reduce_max3A_939 : vector<256xf32> to vector<1x256xf32>
    %max3A_944 = arith.maximumf %get3A_942, %broadcast_in_dim3A_943 : vector<1x256xf32>
    %swap3A_945 = arith.constant 50 : index
    %swap3A_946 = arith.constant 0 : index
    %swap3A_947 = vector.load %arg7[%swap3A_945, %swap3A_946] : memref<64x256xf32, #tpu.memory_space<vmem>>, vector<1x256xf32>
    tpu.vector_store %arg7[%swap3A_945, %swap3A_946], %max3A_944 {strides = array<i32>} : memref<64x256xf32, #tpu.memory_space<vmem>>, vector<1x256xf32>,
    %eq3A_948 = arith.constant 51 : i32
    %eq3A_949 = vector.broadcast %eq3A_948 : i32 to vector<2000x1xi32>
    %eq3A_950 = arith.cmpi eq, %get3A_33, %eq3A_949 : vector<2000x1xi32>
    %jit3A_951 = arith.constant 0xFF800000 : f32
    %broadcast_in_dim3A_952 = vector.shape_cast %eq3A_950 : vector<2000x1xi1> to vector<2000x1xi1>
    %broadcast_in_dim3A_953 = vector.broadcast %broadcast_in_dim3A_952 : vector<2000x1xi1> to vector<2000x256xi1>
    %broadcast_in_dim3A_954 = vector.broadcast %jit3A_951 : f32 to vector<2000x256xf32>
    %select_n3A_955 = arith.select %broadcast_in_dim3A_953, %add3A_28, %broadcast_in_dim3A_954 : vector<2000x256xi1>, vector<2000x256xf32>
    %reduce_max3A_956 = arith.constant dense<0xFF800000> : vector<256xf32>
    %reduce_max3A_957 = vector.multi_reduction <maximumf>, %select_n3A_955, %reduce_max3A_956 [0] : vector<2000x256xf32> to vector<256xf32>
    %get3A_958 = arith.constant 51 : index
    %get3A_959 = arith.constant 0 : index
    %get3A_960 = vector.load %arg7[%get3A_958, %get3A_959] : memref<64x256xf32, #tpu.memory_space<vmem>>, vector<1x256xf32>
    %broadcast_in_dim3A_961 = vector.shape_cast %reduce_max3A_957 : vector<256xf32> to vector<1x256xf32>
    %max3A_962 = arith.maximumf %get3A_960, %broadcast_in_dim3A_961 : vector<1x256xf32>
    %swap3A_963 = arith.constant 51 : index
    %swap3A_964 = arith.constant 0 : index
    %swap3A_965 = vector.load %arg7[%swap3A_963, %swap3A_964] : memref<64x256xf32, #tpu.memory_space<vmem>>, vector<1x256xf32>
    tpu.vector_store %arg7[%swap3A_963, %swap3A_964], %max3A_962 {strides = array<i32>} : memref<64x256xf32, #tpu.memory_space<vmem>>, vector<1x256xf32>,
    %eq3A_966 = arith.constant 52 : i32
    %eq3A_967 = vector.broadcast %eq3A_966 : i32 to vector<2000x1xi32>
    %eq3A_968 = arith.cmpi eq, %get3A_33, %eq3A_967 : vector<2000x1xi32>
    %jit3A_969 = arith.constant 0xFF800000 : f32
    %broadcast_in_dim3A_970 = vector.shape_cast %eq3A_968 : vector<2000x1xi1> to vector<2000x1xi1>
    %broadcast_in_dim3A_971 = vector.broadcast %broadcast_in_dim3A_970 : vector<2000x1xi1> to vector<2000x256xi1>
    %broadcast_in_dim3A_972 = vector.broadcast %jit3A_969 : f32 to vector<2000x256xf32>
    %select_n3A_973 = arith.select %broadcast_in_dim3A_971, %add3A_28, %broadcast_in_dim3A_972 : vector<2000x256xi1>, vector<2000x256xf32>
    %reduce_max3A_974 = arith.constant dense<0xFF800000> : vector<256xf32>
    %reduce_max3A_975 = vector.multi_reduction <maximumf>, %select_n3A_973, %reduce_max3A_974 [0] : vector<2000x256xf32> to vector<256xf32>
    %get3A_976 = arith.constant 52 : index
    %get3A_977 = arith.constant 0 : index
    %get3A_978 = vector.load %arg7[%get3A_976, %get3A_977] : memref<64x256xf32, #tpu.memory_space<vmem>>, vector<1x256xf32>
    %broadcast_in_dim3A_979 = vector.shape_cast %reduce_max3A_975 : vector<256xf32> to vector<1x256xf32>
    %max3A_980 = arith.maximumf %get3A_978, %broadcast_in_dim3A_979 : vector<1x256xf32>
    %swap3A_981 = arith.constant 52 : index
    %swap3A_982 = arith.constant 0 : index
    %swap3A_983 = vector.load %arg7[%swap3A_981, %swap3A_982] : memref<64x256xf32, #tpu.memory_space<vmem>>, vector<1x256xf32>
    tpu.vector_store %arg7[%swap3A_981, %swap3A_982], %max3A_980 {strides = array<i32>} : memref<64x256xf32, #tpu.memory_space<vmem>>, vector<1x256xf32>,
    %eq3A_984 = arith.constant 53 : i32
    %eq3A_985 = vector.broadcast %eq3A_984 : i32 to vector<2000x1xi32>
    %eq3A_986 = arith.cmpi eq, %get3A_33, %eq3A_985 : vector<2000x1xi32>
    %jit3A_987 = arith.constant 0xFF800000 : f32
    %broadcast_in_dim3A_988 = vector.shape_cast %eq3A_986 : vector<2000x1xi1> to vector<2000x1xi1>
    %broadcast_in_dim3A_989 = vector.broadcast %broadcast_in_dim3A_988 : vector<2000x1xi1> to vector<2000x256xi1>
    %broadcast_in_dim3A_990 = vector.broadcast %jit3A_987 : f32 to vector<2000x256xf32>
    %select_n3A_991 = arith.select %broadcast_in_dim3A_989, %add3A_28, %broadcast_in_dim3A_990 : vector<2000x256xi1>, vector<2000x256xf32>
    %reduce_max3A_992 = arith.constant dense<0xFF800000> : vector<256xf32>
    %reduce_max3A_993 = vector.multi_reduction <maximumf>, %select_n3A_991, %reduce_max3A_992 [0] : vector<2000x256xf32> to vector<256xf32>
    %get3A_994 = arith.constant 53 : index
    %get3A_995 = arith.constant 0 : index
    %get3A_996 = vector.load %arg7[%get3A_994, %get3A_995] : memref<64x256xf32, #tpu.memory_space<vmem>>, vector<1x256xf32>
    %broadcast_in_dim3A_997 = vector.shape_cast %reduce_max3A_993 : vector<256xf32> to vector<1x256xf32>
    %max3A_998 = arith.maximumf %get3A_996, %broadcast_in_dim3A_997 : vector<1x256xf32>
    %swap3A_999 = arith.constant 53 : index
    %swap3A_1000 = arith.constant 0 : index
    %swap3A_1001 = vector.load %arg7[%swap3A_999, %swap3A_1000] : memref<64x256xf32, #tpu.memory_space<vmem>>, vector<1x256xf32>
    tpu.vector_store %arg7[%swap3A_999, %swap3A_1000], %max3A_998 {strides = array<i32>} : memref<64x256xf32, #tpu.memory_space<vmem>>, vector<1x256xf32>,
    %eq3A_1002 = arith.constant 54 : i32
    %eq3A_1003 = vector.broadcast %eq3A_1002 : i32 to vector<2000x1xi32>
    %eq3A_1004 = arith.cmpi eq, %get3A_33, %eq3A_1003 : vector<2000x1xi32>
    %jit3A_1005 = arith.constant 0xFF800000 : f32
    %broadcast_in_dim3A_1006 = vector.shape_cast %eq3A_1004 : vector<2000x1xi1> to vector<2000x1xi1>
    %broadcast_in_dim3A_1007 = vector.broadcast %broadcast_in_dim3A_1006 : vector<2000x1xi1> to vector<2000x256xi1>
    %broadcast_in_dim3A_1008 = vector.broadcast %jit3A_1005 : f32 to vector<2000x256xf32>
    %select_n3A_1009 = arith.select %broadcast_in_dim3A_1007, %add3A_28, %broadcast_in_dim3A_1008 : vector<2000x256xi1>, vector<2000x256xf32>
    %reduce_max3A_1010 = arith.constant dense<0xFF800000> : vector<256xf32>
    %reduce_max3A_1011 = vector.multi_reduction <maximumf>, %select_n3A_1009, %reduce_max3A_1010 [0] : vector<2000x256xf32> to vector<256xf32>
    %get3A_1012 = arith.constant 54 : index
    %get3A_1013 = arith.constant 0 : index
    %get3A_1014 = vector.load %arg7[%get3A_1012, %get3A_1013] : memref<64x256xf32, #tpu.memory_space<vmem>>, vector<1x256xf32>
    %broadcast_in_dim3A_1015 = vector.shape_cast %reduce_max3A_1011 : vector<256xf32> to vector<1x256xf32>
    %max3A_1016 = arith.maximumf %get3A_1014, %broadcast_in_dim3A_1015 : vector<1x256xf32>
    %swap3A_1017 = arith.constant 54 : index
    %swap3A_1018 = arith.constant 0 : index
    %swap3A_1019 = vector.load %arg7[%swap3A_1017, %swap3A_1018] : memref<64x256xf32, #tpu.memory_space<vmem>>, vector<1x256xf32>
    tpu.vector_store %arg7[%swap3A_1017, %swap3A_1018], %max3A_1016 {strides = array<i32>} : memref<64x256xf32, #tpu.memory_space<vmem>>, vector<1x256xf32>,
    %eq3A_1020 = arith.constant 55 : i32
    %eq3A_1021 = vector.broadcast %eq3A_1020 : i32 to vector<2000x1xi32>
    %eq3A_1022 = arith.cmpi eq, %get3A_33, %eq3A_1021 : vector<2000x1xi32>
    %jit3A_1023 = arith.constant 0xFF800000 : f32
    %broadcast_in_dim3A_1024 = vector.shape_cast %eq3A_1022 : vector<2000x1xi1> to vector<2000x1xi1>
    %broadcast_in_dim3A_1025 = vector.broadcast %broadcast_in_dim3A_1024 : vector<2000x1xi1> to vector<2000x256xi1>
    %broadcast_in_dim3A_1026 = vector.broadcast %jit3A_1023 : f32 to vector<2000x256xf32>
    %select_n3A_1027 = arith.select %broadcast_in_dim3A_1025, %add3A_28, %broadcast_in_dim3A_1026 : vector<2000x256xi1>, vector<2000x256xf32>
    %reduce_max3A_1028 = arith.constant dense<0xFF800000> : vector<256xf32>
    %reduce_max3A_1029 = vector.multi_reduction <maximumf>, %select_n3A_1027, %reduce_max3A_1028 [0] : vector<2000x256xf32> to vector<256xf32>
    %get3A_1030 = arith.constant 55 : index
    %get3A_1031 = arith.constant 0 : index
    %get3A_1032 = vector.load %arg7[%get3A_1030, %get3A_1031] : memref<64x256xf32, #tpu.memory_space<vmem>>, vector<1x256xf32>
    %broadcast_in_dim3A_1033 = vector.shape_cast %reduce_max3A_1029 : vector<256xf32> to vector<1x256xf32>
    %max3A_1034 = arith.maximumf %get3A_1032, %broadcast_in_dim3A_1033 : vector<1x256xf32>
    %swap3A_1035 = arith.constant 55 : index
    %swap3A_1036 = arith.constant 0 : index
    %swap3A_1037 = vector.load %arg7[%swap3A_1035, %swap3A_1036] : memref<64x256xf32, #tpu.memory_space<vmem>>, vector<1x256xf32>
    tpu.vector_store %arg7[%swap3A_1035, %swap3A_1036], %max3A_1034 {strides = array<i32>} : memref<64x256xf32, #tpu.memory_space<vmem>>, vector<1x256xf32>,
    %eq3A_1038 = arith.constant 56 : i32
    %eq3A_1039 = vector.broadcast %eq3A_1038 : i32 to vector<2000x1xi32>
    %eq3A_1040 = arith.cmpi eq, %get3A_33, %eq3A_1039 : vector<2000x1xi32>
    %jit3A_1041 = arith.constant 0xFF800000 : f32
    %broadcast_in_dim3A_1042 = vector.shape_cast %eq3A_1040 : vector<2000x1xi1> to vector<2000x1xi1>
    %broadcast_in_dim3A_1043 = vector.broadcast %broadcast_in_dim3A_1042 : vector<2000x1xi1> to vector<2000x256xi1>
    %broadcast_in_dim3A_1044 = vector.broadcast %jit3A_1041 : f32 to vector<2000x256xf32>
    %select_n3A_1045 = arith.select %broadcast_in_dim3A_1043, %add3A_28, %broadcast_in_dim3A_1044 : vector<2000x256xi1>, vector<2000x256xf32>
    %reduce_max3A_1046 = arith.constant dense<0xFF800000> : vector<256xf32>
    %reduce_max3A_1047 = vector.multi_reduction <maximumf>, %select_n3A_1045, %reduce_max3A_1046 [0] : vector<2000x256xf32> to vector<256xf32>
    %get3A_1048 = arith.constant 56 : index
    %get3A_1049 = arith.constant 0 : index
    %get3A_1050 = vector.load %arg7[%get3A_1048, %get3A_1049] : memref<64x256xf32, #tpu.memory_space<vmem>>, vector<1x256xf32>
    %broadcast_in_dim3A_1051 = vector.shape_cast %reduce_max3A_1047 : vector<256xf32> to vector<1x256xf32>
    %max3A_1052 = arith.maximumf %get3A_1050, %broadcast_in_dim3A_1051 : vector<1x256xf32>
    %swap3A_1053 = arith.constant 56 : index
    %swap3A_1054 = arith.constant 0 : index
    %swap3A_1055 = vector.load %arg7[%swap3A_1053, %swap3A_1054] : memref<64x256xf32, #tpu.memory_space<vmem>>, vector<1x256xf32>
    tpu.vector_store %arg7[%swap3A_1053, %swap3A_1054], %max3A_1052 {strides = array<i32>} : memref<64x256xf32, #tpu.memory_space<vmem>>, vector<1x256xf32>,
    %eq3A_1056 = arith.constant 57 : i32
    %eq3A_1057 = vector.broadcast %eq3A_1056 : i32 to vector<2000x1xi32>
    %eq3A_1058 = arith.cmpi eq, %get3A_33, %eq3A_1057 : vector<2000x1xi32>
    %jit3A_1059 = arith.constant 0xFF800000 : f32
    %broadcast_in_dim3A_1060 = vector.shape_cast %eq3A_1058 : vector<2000x1xi1> to vector<2000x1xi1>
    %broadcast_in_dim3A_1061 = vector.broadcast %broadcast_in_dim3A_1060 : vector<2000x1xi1> to vector<2000x256xi1>
    %broadcast_in_dim3A_1062 = vector.broadcast %jit3A_1059 : f32 to vector<2000x256xf32>
    %select_n3A_1063 = arith.select %broadcast_in_dim3A_1061, %add3A_28, %broadcast_in_dim3A_1062 : vector<2000x256xi1>, vector<2000x256xf32>
    %reduce_max3A_1064 = arith.constant dense<0xFF800000> : vector<256xf32>
    %reduce_max3A_1065 = vector.multi_reduction <maximumf>, %select_n3A_1063, %reduce_max3A_1064 [0] : vector<2000x256xf32> to vector<256xf32>
    %get3A_1066 = arith.constant 57 : index
    %get3A_1067 = arith.constant 0 : index
    %get3A_1068 = vector.load %arg7[%get3A_1066, %get3A_1067] : memref<64x256xf32, #tpu.memory_space<vmem>>, vector<1x256xf32>
    %broadcast_in_dim3A_1069 = vector.shape_cast %reduce_max3A_1065 : vector<256xf32> to vector<1x256xf32>
    %max3A_1070 = arith.maximumf %get3A_1068, %broadcast_in_dim3A_1069 : vector<1x256xf32>
    %swap3A_1071 = arith.constant 57 : index
    %swap3A_1072 = arith.constant 0 : index
    %swap3A_1073 = vector.load %arg7[%swap3A_1071, %swap3A_1072] : memref<64x256xf32, #tpu.memory_space<vmem>>, vector<1x256xf32>
    tpu.vector_store %arg7[%swap3A_1071, %swap3A_1072], %max3A_1070 {strides = array<i32>} : memref<64x256xf32, #tpu.memory_space<vmem>>, vector<1x256xf32>,
    %eq3A_1074 = arith.constant 58 : i32
    %eq3A_1075 = vector.broadcast %eq3A_1074 : i32 to vector<2000x1xi32>
    %eq3A_1076 = arith.cmpi eq, %get3A_33, %eq3A_1075 : vector<2000x1xi32>
    %jit3A_1077 = arith.constant 0xFF800000 : f32
    %broadcast_in_dim3A_1078 = vector.shape_cast %eq3A_1076 : vector<2000x1xi1> to vector<2000x1xi1>
    %broadcast_in_dim3A_1079 = vector.broadcast %broadcast_in_dim3A_1078 : vector<2000x1xi1> to vector<2000x256xi1>
    %broadcast_in_dim3A_1080 = vector.broadcast %jit3A_1077 : f32 to vector<2000x256xf32>
    %select_n3A_1081 = arith.select %broadcast_in_dim3A_1079, %add3A_28, %broadcast_in_dim3A_1080 : vector<2000x256xi1>, vector<2000x256xf32>
    %reduce_max3A_1082 = arith.constant dense<0xFF800000> : vector<256xf32>
    %reduce_max3A_1083 = vector.multi_reduction <maximumf>, %select_n3A_1081, %reduce_max3A_1082 [0] : vector<2000x256xf32> to vector<256xf32>
    %get3A_1084 = arith.constant 58 : index
    %get3A_1085 = arith.constant 0 : index
    %get3A_1086 = vector.load %arg7[%get3A_1084, %get3A_1085] : memref<64x256xf32, #tpu.memory_space<vmem>>, vector<1x256xf32>
    %broadcast_in_dim3A_1087 = vector.shape_cast %reduce_max3A_1083 : vector<256xf32> to vector<1x256xf32>
    %max3A_1088 = arith.maximumf %get3A_1086, %broadcast_in_dim3A_1087 : vector<1x256xf32>
    %swap3A_1089 = arith.constant 58 : index
    %swap3A_1090 = arith.constant 0 : index
    %swap3A_1091 = vector.load %arg7[%swap3A_1089, %swap3A_1090] : memref<64x256xf32, #tpu.memory_space<vmem>>, vector<1x256xf32>
    tpu.vector_store %arg7[%swap3A_1089, %swap3A_1090], %max3A_1088 {strides = array<i32>} : memref<64x256xf32, #tpu.memory_space<vmem>>, vector<1x256xf32>,
    %eq3A_1092 = arith.constant 59 : i32
    %eq3A_1093 = vector.broadcast %eq3A_1092 : i32 to vector<2000x1xi32>
    %eq3A_1094 = arith.cmpi eq, %get3A_33, %eq3A_1093 : vector<2000x1xi32>
    %jit3A_1095 = arith.constant 0xFF800000 : f32
    %broadcast_in_dim3A_1096 = vector.shape_cast %eq3A_1094 : vector<2000x1xi1> to vector<2000x1xi1>
    %broadcast_in_dim3A_1097 = vector.broadcast %broadcast_in_dim3A_1096 : vector<2000x1xi1> to vector<2000x256xi1>
    %broadcast_in_dim3A_1098 = vector.broadcast %jit3A_1095 : f32 to vector<2000x256xf32>
    %select_n3A_1099 = arith.select %broadcast_in_dim3A_1097, %add3A_28, %broadcast_in_dim3A_1098 : vector<2000x256xi1>, vector<2000x256xf32>
    %reduce_max3A_1100 = arith.constant dense<0xFF800000> : vector<256xf32>
    %reduce_max3A_1101 = vector.multi_reduction <maximumf>, %select_n3A_1099, %reduce_max3A_1100 [0] : vector<2000x256xf32> to vector<256xf32>
    %get3A_1102 = arith.constant 59 : index
    %get3A_1103 = arith.constant 0 : index
    %get3A_1104 = vector.load %arg7[%get3A_1102, %get3A_1103] : memref<64x256xf32, #tpu.memory_space<vmem>>, vector<1x256xf32>
    %broadcast_in_dim3A_1105 = vector.shape_cast %reduce_max3A_1101 : vector<256xf32> to vector<1x256xf32>
    %max3A_1106 = arith.maximumf %get3A_1104, %broadcast_in_dim3A_1105 : vector<1x256xf32>
    %swap3A_1107 = arith.constant 59 : index
    %swap3A_1108 = arith.constant 0 : index
    %swap3A_1109 = vector.load %arg7[%swap3A_1107, %swap3A_1108] : memref<64x256xf32, #tpu.memory_space<vmem>>, vector<1x256xf32>
    tpu.vector_store %arg7[%swap3A_1107, %swap3A_1108], %max3A_1106 {strides = array<i32>} : memref<64x256xf32, #tpu.memory_space<vmem>>, vector<1x256xf32>,
    %eq3A_1110 = arith.constant 60 : i32
    %eq3A_1111 = vector.broadcast %eq3A_1110 : i32 to vector<2000x1xi32>
    %eq3A_1112 = arith.cmpi eq, %get3A_33, %eq3A_1111 : vector<2000x1xi32>
    %jit3A_1113 = arith.constant 0xFF800000 : f32
    %broadcast_in_dim3A_1114 = vector.shape_cast %eq3A_1112 : vector<2000x1xi1> to vector<2000x1xi1>
    %broadcast_in_dim3A_1115 = vector.broadcast %broadcast_in_dim3A_1114 : vector<2000x1xi1> to vector<2000x256xi1>
    %broadcast_in_dim3A_1116 = vector.broadcast %jit3A_1113 : f32 to vector<2000x256xf32>
    %select_n3A_1117 = arith.select %broadcast_in_dim3A_1115, %add3A_28, %broadcast_in_dim3A_1116 : vector<2000x256xi1>, vector<2000x256xf32>
    %reduce_max3A_1118 = arith.constant dense<0xFF800000> : vector<256xf32>
    %reduce_max3A_1119 = vector.multi_reduction <maximumf>, %select_n3A_1117, %reduce_max3A_1118 [0] : vector<2000x256xf32> to vector<256xf32>
    %get3A_1120 = arith.constant 60 : index
    %get3A_1121 = arith.constant 0 : index
    %get3A_1122 = vector.load %arg7[%get3A_1120, %get3A_1121] : memref<64x256xf32, #tpu.memory_space<vmem>>, vector<1x256xf32>
    %broadcast_in_dim3A_1123 = vector.shape_cast %reduce_max3A_1119 : vector<256xf32> to vector<1x256xf32>
    %max3A_1124 = arith.maximumf %get3A_1122, %broadcast_in_dim3A_1123 : vector<1x256xf32>
    %swap3A_1125 = arith.constant 60 : index
    %swap3A_1126 = arith.constant 0 : index
    %swap3A_1127 = vector.load %arg7[%swap3A_1125, %swap3A_1126] : memref<64x256xf32, #tpu.memory_space<vmem>>, vector<1x256xf32>
    tpu.vector_store %arg7[%swap3A_1125, %swap3A_1126], %max3A_1124 {strides = array<i32>} : memref<64x256xf32, #tpu.memory_space<vmem>>, vector<1x256xf32>,
    %eq3A_1128 = arith.constant 61 : i32
    %eq3A_1129 = vector.broadcast %eq3A_1128 : i32 to vector<2000x1xi32>
    %eq3A_1130 = arith.cmpi eq, %get3A_33, %eq3A_1129 : vector<2000x1xi32>
    %jit3A_1131 = arith.constant 0xFF800000 : f32
    %broadcast_in_dim3A_1132 = vector.shape_cast %eq3A_1130 : vector<2000x1xi1> to vector<2000x1xi1>
    %broadcast_in_dim3A_1133 = vector.broadcast %broadcast_in_dim3A_1132 : vector<2000x1xi1> to vector<2000x256xi1>
    %broadcast_in_dim3A_1134 = vector.broadcast %jit3A_1131 : f32 to vector<2000x256xf32>
    %select_n3A_1135 = arith.select %broadcast_in_dim3A_1133, %add3A_28, %broadcast_in_dim3A_1134 : vector<2000x256xi1>, vector<2000x256xf32>
    %reduce_max3A_1136 = arith.constant dense<0xFF800000> : vector<256xf32>
    %reduce_max3A_1137 = vector.multi_reduction <maximumf>, %select_n3A_1135, %reduce_max3A_1136 [0] : vector<2000x256xf32> to vector<256xf32>
    %get3A_1138 = arith.constant 61 : index
    %get3A_1139 = arith.constant 0 : index
    %get3A_1140 = vector.load %arg7[%get3A_1138, %get3A_1139] : memref<64x256xf32, #tpu.memory_space<vmem>>, vector<1x256xf32>
    %broadcast_in_dim3A_1141 = vector.shape_cast %reduce_max3A_1137 : vector<256xf32> to vector<1x256xf32>
    %max3A_1142 = arith.maximumf %get3A_1140, %broadcast_in_dim3A_1141 : vector<1x256xf32>
    %swap3A_1143 = arith.constant 61 : index
    %swap3A_1144 = arith.constant 0 : index
    %swap3A_1145 = vector.load %arg7[%swap3A_1143, %swap3A_1144] : memref<64x256xf32, #tpu.memory_space<vmem>>, vector<1x256xf32>
    tpu.vector_store %arg7[%swap3A_1143, %swap3A_1144], %max3A_1142 {strides = array<i32>} : memref<64x256xf32, #tpu.memory_space<vmem>>, vector<1x256xf32>,
    %eq3A_1146 = arith.constant 62 : i32
    %eq3A_1147 = vector.broadcast %eq3A_1146 : i32 to vector<2000x1xi32>
    %eq3A_1148 = arith.cmpi eq, %get3A_33, %eq3A_1147 : vector<2000x1xi32>
    %jit3A_1149 = arith.constant 0xFF800000 : f32
    %broadcast_in_dim3A_1150 = vector.shape_cast %eq3A_1148 : vector<2000x1xi1> to vector<2000x1xi1>
    %broadcast_in_dim3A_1151 = vector.broadcast %broadcast_in_dim3A_1150 : vector<2000x1xi1> to vector<2000x256xi1>
    %broadcast_in_dim3A_1152 = vector.broadcast %jit3A_1149 : f32 to vector<2000x256xf32>
    %select_n3A_1153 = arith.select %broadcast_in_dim3A_1151, %add3A_28, %broadcast_in_dim3A_1152 : vector<2000x256xi1>, vector<2000x256xf32>
    %reduce_max3A_1154 = arith.constant dense<0xFF800000> : vector<256xf32>
    %reduce_max3A_1155 = vector.multi_reduction <maximumf>, %select_n3A_1153, %reduce_max3A_1154 [0] : vector<2000x256xf32> to vector<256xf32>
    %get3A_1156 = arith.constant 62 : index
    %get3A_1157 = arith.constant 0 : index
    %get3A_1158 = vector.load %arg7[%get3A_1156, %get3A_1157] : memref<64x256xf32, #tpu.memory_space<vmem>>, vector<1x256xf32>
    %broadcast_in_dim3A_1159 = vector.shape_cast %reduce_max3A_1155 : vector<256xf32> to vector<1x256xf32>
    %max3A_1160 = arith.maximumf %get3A_1158, %broadcast_in_dim3A_1159 : vector<1x256xf32>
    %swap3A_1161 = arith.constant 62 : index
    %swap3A_1162 = arith.constant 0 : index
    %swap3A_1163 = vector.load %arg7[%swap3A_1161, %swap3A_1162] : memref<64x256xf32, #tpu.memory_space<vmem>>, vector<1x256xf32>
    tpu.vector_store %arg7[%swap3A_1161, %swap3A_1162], %max3A_1160 {strides = array<i32>} : memref<64x256xf32, #tpu.memory_space<vmem>>, vector<1x256xf32>,
    %eq3A_1164 = arith.constant 63 : i32
    %eq3A_1165 = vector.broadcast %eq3A_1164 : i32 to vector<2000x1xi32>
    %eq3A_1166 = arith.cmpi eq, %get3A_33, %eq3A_1165 : vector<2000x1xi32>
    %jit3A_1167 = arith.constant 0xFF800000 : f32
    %broadcast_in_dim3A_1168 = vector.shape_cast %eq3A_1166 : vector<2000x1xi1> to vector<2000x1xi1>
    %broadcast_in_dim3A_1169 = vector.broadcast %broadcast_in_dim3A_1168 : vector<2000x1xi1> to vector<2000x256xi1>
    %broadcast_in_dim3A_1170 = vector.broadcast %jit3A_1167 : f32 to vector<2000x256xf32>
    %select_n3A_1171 = arith.select %broadcast_in_dim3A_1169, %add3A_28, %broadcast_in_dim3A_1170 : vector<2000x256xi1>, vector<2000x256xf32>
    %reduce_max3A_1172 = arith.constant dense<0xFF800000> : vector<256xf32>
    %reduce_max3A_1173 = vector.multi_reduction <maximumf>, %select_n3A_1171, %reduce_max3A_1172 [0] : vector<2000x256xf32> to vector<256xf32>
    %get3A_1174 = arith.constant 63 : index
    %get3A_1175 = arith.constant 0 : index
    %get3A_1176 = vector.load %arg7[%get3A_1174, %get3A_1175] : memref<64x256xf32, #tpu.memory_space<vmem>>, vector<1x256xf32>
    %broadcast_in_dim3A_1177 = vector.shape_cast %reduce_max3A_1173 : vector<256xf32> to vector<1x256xf32>
    %max3A_1178 = arith.maximumf %get3A_1176, %broadcast_in_dim3A_1177 : vector<1x256xf32>
    %swap3A_1179 = arith.constant 63 : index
    %swap3A_1180 = arith.constant 0 : index
    %swap3A_1181 = vector.load %arg7[%swap3A_1179, %swap3A_1180] : memref<64x256xf32, #tpu.memory_space<vmem>>, vector<1x256xf32>
    tpu.vector_store %arg7[%swap3A_1179, %swap3A_1180], %max3A_1178 {strides = array<i32>} : memref<64x256xf32, #tpu.memory_space<vmem>>, vector<1x256xf32>,
    %get3A_1182 = arith.constant 0 : index
    %get3A_1183 = arith.constant 0 : index
    %get3A_1184 = vector.load %arg7[%get3A_1182, %get3A_1183] : memref<64x256xf32, #tpu.memory_space<vmem>>, vector<64x256xf32>
    %swap3A_1185 = arith.constant 0 : index
    %swap3A_1186 = arith.constant 0 : index
    %swap3A_1187 = vector.load %arg6[%swap3A_1185, %swap3A_1186] : memref<64x256xf32, #tpu.memory_space<vmem>>, vector<64x256xf32>
    tpu.vector_store %arg6[%swap3A_1185, %swap3A_1186], %get3A_1184 {strides = array<i32>} : memref<64x256xf32, #tpu.memory_space<vmem>>, vector<64x256xf32>,
    return
  }
  func.func @transform_0(%arg0: i32) -> (i32, i32) {
    %c0_i32 = arith.constant 0 : i32
    %c0_i32_0 = arith.constant 0 : i32
    return %arg0, %c0_i32 : i32, i32
  }
  func.func @transform_1(%arg0: i32) -> (i32, i32) {
    %c0_i32 = arith.constant 0 : i32
    %c0_i32_0 = arith.constant 0 : i32
    %c0_i32_1 = arith.constant 0 : i32
    return %c0_i32, %c0_i32_0 : i32, i32
  }
  func.func @transform_2(%arg0: i32) -> (i32, i32) {
    %c0_i32 = arith.constant 0 : i32
    %c0_i32_0 = arith.constant 0 : i32
    %c0_i32_1 = arith.constant 0 : i32
    return %c0_i32, %c0_i32_0 : i32, i32
  }
  func.func @transform_3(%arg0: i32) -> (i32, i32) {
    %c0_i32 = arith.constant 0 : i32
    %c0_i32_0 = arith.constant 0 : i32
    %c0_i32_1 = arith.constant 0 : i32
    return %c0_i32, %c0_i32_0 : i32, i32
  }
  func.func @transform_4(%arg0: i32) -> (i32, i32, i32) {
    %c0_i32 = arith.constant 0 : i32
    %c0_i32_0 = arith.constant 0 : i32
    %c0_i32_1 = arith.constant 0 : i32
    return %arg0, %c0_i32, %c0_i32_0 : i32, i32, i32
  }
  func.func @transform_5(%arg0: i32) -> (i32, i32) {
    %c0_i32 = arith.constant 0 : i32
    %c0_i32_0 = arith.constant 0 : i32
    %c0_i32_1 = arith.constant 0 : i32
    return %c0_i32, %c0_i32_0 : i32, i32
  }
}

module attributes {stable_mosaic.version = 14 : i64} {
  func.func @body(%arg0: memref<64x256xf32, #tpu.memory_space<vmem>>, %arg1: memref<256x256xf32, #tpu.memory_space<vmem>>, %arg2: memref<1x256xf32, #tpu.memory_space<vmem>>, %arg3: memref<1x256xf32, #tpu.memory_space<vmem>>, %arg4: memref<1x256xf32, #tpu.memory_space<vmem>>, %arg5: memref<256x128xf32, #tpu.memory_space<vmem>>, %arg6: memref<1x128xf32, #tpu.memory_space<vmem>>, %arg7: memref<1x128xf32, #tpu.memory_space<vmem>>, %arg8: memref<1x128xf32, #tpu.memory_space<vmem>>, %arg9: memref<128x40xf32, #tpu.memory_space<vmem>>, %arg10: memref<1x40xf32, #tpu.memory_space<vmem>>, %arg11: memref<64x40xf32, #tpu.memory_space<vmem>>) attributes {dimension_semantics = [], scalar_prefetch = 0 : i64, scratch_operands = 0 : i64, tpu.core_type = #tpu.core_type<tc>} {
    %get3A = arith.constant 0 : index
    %get3A_0 = arith.constant 0 : index
    %get3A_1 = vector.load %arg0[%get3A, %get3A_0] : memref<64x256xf32, #tpu.memory_space<vmem>>, vector<64x256xf32>
    %get3A_2 = arith.constant 0 : index
    %get3A_3 = arith.constant 0 : index
    %get3A_4 = vector.load %arg1[%get3A_2, %get3A_3] : memref<256x256xf32, #tpu.memory_space<vmem>>, vector<256x256xf32>
    %dot_general3A = arith.constant dense<0.000000e+00> : vector<64x256xf32>
    %dot_general3A_5 = tpu.matmul %get3A_1, %get3A_4, %dot_general3A {dimension_numbers = #tpu.dot_dimension_numbers<[1], [0], [0], [1], [0, 0, 1, 1], [], []>, transpose_lhs_hint = false} : vector<64x256xf32>, vector<256x256xf32>, vector<64x256xf32> -> vector<64x256xf32>
    %get3A_6 = arith.constant 0 : index
    %get3A_7 = arith.constant 0 : index
    %get3A_8 = vector.load %arg2[%get3A_6, %get3A_7] : memref<1x256xf32, #tpu.memory_space<vmem>>, vector<1x256xf32>
    %add3A = vector.broadcast %get3A_8 : vector<1x256xf32> to vector<64x256xf32>
    %add3A_9 = arith.addf %dot_general3A_5, %add3A : vector<64x256xf32>
    %max3A = arith.constant 0.000000e+00 : f32
    %max3A_10 = vector.broadcast %max3A : f32 to vector<64x256xf32>
    %max3A_11 = arith.maximumf %add3A_9, %max3A_10 : vector<64x256xf32>
    %get3A_12 = arith.constant 0 : index
    %get3A_13 = arith.constant 0 : index
    %get3A_14 = vector.load %arg3[%get3A_12, %get3A_13] : memref<1x256xf32, #tpu.memory_space<vmem>>, vector<1x256xf32>
    %get3A_15 = arith.constant 0 : index
    %get3A_16 = arith.constant 0 : index
    %get3A_17 = vector.load %arg4[%get3A_15, %get3A_16] : memref<1x256xf32, #tpu.memory_space<vmem>>, vector<1x256xf32>
    %reduce_sum3A = arith.constant dense<0.000000e+00> : vector<256xf32>
    %reduce_sum3A_18 = vector.multi_reduction <add>, %max3A_11, %reduce_sum3A [0] : vector<64x256xf32> to vector<256xf32>
    %broadcast_in_dim3A = vector.shape_cast %reduce_sum3A_18 : vector<256xf32> to vector<1x256xf32>
    %div3A = arith.constant 6.400000e+01 : f32
    %div3A_19 = vector.broadcast %div3A : f32 to vector<1x256xf32>
    %div3A_20 = arith.divf %broadcast_in_dim3A, %div3A_19 : vector<1x256xf32>
    %sub3A = vector.broadcast %div3A_20 : vector<1x256xf32> to vector<64x256xf32>
    %sub3A_21 = arith.subf %max3A_11, %sub3A : vector<64x256xf32>
    %sub3A_22 = vector.broadcast %div3A_20 : vector<1x256xf32> to vector<64x256xf32>
    %sub3A_23 = arith.subf %max3A_11, %sub3A_22 : vector<64x256xf32>
    %mul3A = arith.mulf %sub3A_21, %sub3A_23 : vector<64x256xf32>
    %reduce_sum3A_24 = arith.constant dense<0.000000e+00> : vector<256xf32>
    %reduce_sum3A_25 = vector.multi_reduction <add>, %mul3A, %reduce_sum3A_24 [0] : vector<64x256xf32> to vector<256xf32>
    %broadcast_in_dim3A_26 = vector.shape_cast %reduce_sum3A_25 : vector<256xf32> to vector<1x256xf32>
    %div3A_27 = arith.constant 6.400000e+01 : f32
    %div3A_28 = vector.broadcast %div3A_27 : f32 to vector<1x256xf32>
    %div3A_29 = arith.divf %broadcast_in_dim3A_26, %div3A_28 : vector<1x256xf32>
    %sub3A_30 = vector.broadcast %div3A_20 : vector<1x256xf32> to vector<64x256xf32>
    %sub3A_31 = arith.subf %max3A_11, %sub3A_30 : vector<64x256xf32>
    %add3A_32 = arith.constant 9.99999974E-6 : f32
    %add3A_33 = vector.broadcast %add3A_32 : f32 to vector<1x256xf32>
    %add3A_34 = arith.addf %div3A_29, %add3A_33 : vector<1x256xf32>
    %rsqrt3A = math.rsqrt %add3A_34 : vector<1x256xf32>
    %mul3A_35 = vector.broadcast %rsqrt3A : vector<1x256xf32> to vector<64x256xf32>
    %mul3A_36 = arith.mulf %sub3A_31, %mul3A_35 : vector<64x256xf32>
    %mul3A_37 = vector.broadcast %get3A_14 : vector<1x256xf32> to vector<64x256xf32>
    %mul3A_38 = arith.mulf %mul3A_36, %mul3A_37 : vector<64x256xf32>
    %add3A_39 = vector.broadcast %get3A_17 : vector<1x256xf32> to vector<64x256xf32>
    %add3A_40 = arith.addf %mul3A_38, %add3A_39 : vector<64x256xf32>
    %get3A_41 = arith.constant 0 : index
    %get3A_42 = arith.constant 0 : index
    %get3A_43 = vector.load %arg5[%get3A_41, %get3A_42] : memref<256x128xf32, #tpu.memory_space<vmem>>, vector<256x128xf32>
    %dot_general3A_44 = arith.constant dense<0.000000e+00> : vector<64x128xf32>
    %dot_general3A_45 = tpu.matmul %add3A_40, %get3A_43, %dot_general3A_44 {dimension_numbers = #tpu.dot_dimension_numbers<[1], [0], [0], [1], [0, 0, 1, 1], [], []>, transpose_lhs_hint = false} : vector<64x256xf32>, vector<256x128xf32>, vector<64x128xf32> -> vector<64x128xf32>
    %get3A_46 = arith.constant 0 : index
    %get3A_47 = arith.constant 0 : index
    %get3A_48 = vector.load %arg6[%get3A_46, %get3A_47] : memref<1x128xf32, #tpu.memory_space<vmem>>, vector<1x128xf32>
    %add3A_49 = vector.broadcast %get3A_48 : vector<1x128xf32> to vector<64x128xf32>
    %add3A_50 = arith.addf %dot_general3A_45, %add3A_49 : vector<64x128xf32>
    %max3A_51 = arith.constant 0.000000e+00 : f32
    %max3A_52 = vector.broadcast %max3A_51 : f32 to vector<64x128xf32>
    %max3A_53 = arith.maximumf %add3A_50, %max3A_52 : vector<64x128xf32>
    %get3A_54 = arith.constant 0 : index
    %get3A_55 = arith.constant 0 : index
    %get3A_56 = vector.load %arg7[%get3A_54, %get3A_55] : memref<1x128xf32, #tpu.memory_space<vmem>>, vector<1x128xf32>
    %get3A_57 = arith.constant 0 : index
    %get3A_58 = arith.constant 0 : index
    %get3A_59 = vector.load %arg8[%get3A_57, %get3A_58] : memref<1x128xf32, #tpu.memory_space<vmem>>, vector<1x128xf32>
    %reduce_sum3A_60 = arith.constant dense<0.000000e+00> : vector<128xf32>
    %reduce_sum3A_61 = vector.multi_reduction <add>, %max3A_53, %reduce_sum3A_60 [0] : vector<64x128xf32> to vector<128xf32>
    %broadcast_in_dim3A_62 = vector.shape_cast %reduce_sum3A_61 : vector<128xf32> to vector<1x128xf32>
    %div3A_63 = arith.constant 6.400000e+01 : f32
    %div3A_64 = vector.broadcast %div3A_63 : f32 to vector<1x128xf32>
    %div3A_65 = arith.divf %broadcast_in_dim3A_62, %div3A_64 : vector<1x128xf32>
    %sub3A_66 = vector.broadcast %div3A_65 : vector<1x128xf32> to vector<64x128xf32>
    %sub3A_67 = arith.subf %max3A_53, %sub3A_66 : vector<64x128xf32>
    %sub3A_68 = vector.broadcast %div3A_65 : vector<1x128xf32> to vector<64x128xf32>
    %sub3A_69 = arith.subf %max3A_53, %sub3A_68 : vector<64x128xf32>
    %mul3A_70 = arith.mulf %sub3A_67, %sub3A_69 : vector<64x128xf32>
    %reduce_sum3A_71 = arith.constant dense<0.000000e+00> : vector<128xf32>
    %reduce_sum3A_72 = vector.multi_reduction <add>, %mul3A_70, %reduce_sum3A_71 [0] : vector<64x128xf32> to vector<128xf32>
    %broadcast_in_dim3A_73 = vector.shape_cast %reduce_sum3A_72 : vector<128xf32> to vector<1x128xf32>
    %div3A_74 = arith.constant 6.400000e+01 : f32
    %div3A_75 = vector.broadcast %div3A_74 : f32 to vector<1x128xf32>
    %div3A_76 = arith.divf %broadcast_in_dim3A_73, %div3A_75 : vector<1x128xf32>
    %sub3A_77 = vector.broadcast %div3A_65 : vector<1x128xf32> to vector<64x128xf32>
    %sub3A_78 = arith.subf %max3A_53, %sub3A_77 : vector<64x128xf32>
    %add3A_79 = arith.constant 9.99999974E-6 : f32
    %add3A_80 = vector.broadcast %add3A_79 : f32 to vector<1x128xf32>
    %add3A_81 = arith.addf %div3A_76, %add3A_80 : vector<1x128xf32>
    %rsqrt3A_82 = math.rsqrt %add3A_81 : vector<1x128xf32>
    %mul3A_83 = vector.broadcast %rsqrt3A_82 : vector<1x128xf32> to vector<64x128xf32>
    %mul3A_84 = arith.mulf %sub3A_78, %mul3A_83 : vector<64x128xf32>
    %mul3A_85 = vector.broadcast %get3A_56 : vector<1x128xf32> to vector<64x128xf32>
    %mul3A_86 = arith.mulf %mul3A_84, %mul3A_85 : vector<64x128xf32>
    %add3A_87 = vector.broadcast %get3A_59 : vector<1x128xf32> to vector<64x128xf32>
    %add3A_88 = arith.addf %mul3A_86, %add3A_87 : vector<64x128xf32>
    %get3A_89 = arith.constant 0 : index
    %get3A_90 = arith.constant 0 : index
    %get3A_91 = vector.load %arg9[%get3A_89, %get3A_90] : memref<128x40xf32, #tpu.memory_space<vmem>>, vector<128x40xf32>
    %dot_general3A_92 = arith.constant dense<0.000000e+00> : vector<64x40xf32>
    %dot_general3A_93 = tpu.matmul %add3A_88, %get3A_91, %dot_general3A_92 {dimension_numbers = #tpu.dot_dimension_numbers<[1], [0], [0], [1], [0, 0, 1, 1], [], []>, transpose_lhs_hint = false} : vector<64x128xf32>, vector<128x40xf32>, vector<64x40xf32> -> vector<64x40xf32>
    %get3A_94 = arith.constant 0 : index
    %get3A_95 = arith.constant 0 : index
    %get3A_96 = vector.load %arg10[%get3A_94, %get3A_95] : memref<1x40xf32, #tpu.memory_space<vmem>>, vector<1x40xf32>
    %add3A_97 = vector.broadcast %get3A_96 : vector<1x40xf32> to vector<64x40xf32>
    %add3A_98 = arith.addf %dot_general3A_93, %add3A_97 : vector<64x40xf32>
    %reduce_max3A = arith.constant dense<0xFF800000> : vector<64xf32>
    %reduce_max3A_99 = vector.multi_reduction <maximumf>, %add3A_98, %reduce_max3A [1] : vector<64x40xf32> to vector<64xf32>
    %broadcast_in_dim3A_100 = vector.shape_cast %reduce_max3A_99 : vector<64xf32> to vector<64x1xf32>
    %sub3A_101 = vector.broadcast %broadcast_in_dim3A_100 : vector<64x1xf32> to vector<64x40xf32>
    %sub3A_102 = arith.subf %add3A_98, %sub3A_101 : vector<64x40xf32>
    %exp3A = math.exp %sub3A_102 : vector<64x40xf32>
    %reduce_sum3A_103 = arith.constant dense<0.000000e+00> : vector<64xf32>
    %reduce_sum3A_104 = vector.multi_reduction <add>, %exp3A, %reduce_sum3A_103 [1] : vector<64x40xf32> to vector<64xf32>
    %broadcast_in_dim3A_105 = vector.shape_cast %reduce_sum3A_104 : vector<64xf32> to vector<64x1xf32>
    %log3A = math.log %broadcast_in_dim3A_105 : vector<64x1xf32>
    %add3A_106 = arith.addf %broadcast_in_dim3A_100, %log3A : vector<64x1xf32>
    %sub3A_107 = vector.broadcast %add3A_106 : vector<64x1xf32> to vector<64x40xf32>
    %sub3A_108 = arith.subf %add3A_98, %sub3A_107 : vector<64x40xf32>
    %swap3A = arith.constant 0 : index
    %swap3A_109 = arith.constant 0 : index
    %swap3A_110 = vector.load %arg11[%swap3A, %swap3A_109] : memref<64x40xf32, #tpu.memory_space<vmem>>, vector<64x40xf32>
    tpu.vector_store %arg11[%swap3A, %swap3A_109], %sub3A_108 {strides = array<i32>} : memref<64x40xf32, #tpu.memory_space<vmem>>, vector<64x40xf32>,
    return
  }
}

</mosaic_0001>

<sc_bundles>
// kernel: kernel.22.cloned.1.call-start
scs
__scs_entry_jumppad:
0x0: {  	(pc) =	sbr.rel $0x88, $3  }
0x1: {  	(tag) =	ssettag $0x0;
	lr =	simm.s32 $0x1  }
0x2: {  	[smem:$0x3F87] =	sst lr;
	_ =	strace $0xD0000000  }
0x3: {  	_ = 	snop  }
0x4: {  	_ = 	snop  }
0x5: {  	_ = 	snop  }
0x6: {  	_ = 	snop  }
0x7: {  	_ = 	snop  }
__scs_overlays_trampoline_lowered:
0x8: {  	[smem:$0x3F96] =	sst s0  }
0x9: {  	[smem:$0x3F97] =	sst s1  }
0xa: {  	[smem:$0x3F98] =	sst s2  }
0xb: {  	[smem:$0x3F99] =	sst s3  }
0xc: {  	[smem:$0x3F9A] =	sst s4  }
0xd: {  	[smem:$0x3F9B] =	sst s5  }
0xe: {  	[smem:$0x3F9C] =	sst s6  }
0xf: {  	[smem:$0x3F9D] =	sst s7  }
0x10: {  	[smem:$0x3F9E] =	sst s8  }
0x11: {  	[smem:$0x3F9F] =	sst s9;
	s0 =	simm.s32 @!p0 $0x0  }
0x12: {  	s1 =	sld [smem:$0x3F85];
	s0 =	simm.s32 @p0 $0x1  }
0x13: {  	[smem:$0x3FA0] =	sst s0;
	s0 =	simm.s32 @!p1 $0x0  }
0x14: {  	s2 =	sld [smem:$0x3F84];
	s0 =	simm.s32 @p1 $0x1  }
0x15: {  	[smem:$0x3FA1] =	sst s0;
	s0 =	simm.s32 @!p2 $0x0  }
0x16: {  	s3 =	sld [smem:$0x3FDB];
	s0 =	simm.s32 @p2 $0x1  }
0x17: {  	s4 =	simm.s32 $0x1BF5;
	[smem:$0x3FA3] =	sst s0  }
0x18: {  	s0 =	sld [smem:$0x3F86];
	_ =	swait.ge [sflag:s4], $0x0  }
0x19: {  	s7 =	sld [smem:$0x3F87]  }
0x1a: {  	s8 =	sadd.s32 $0xFFFFE003, lr  }
0x1b: {  	s9 =	sadd.s32 $0xFFFFFEF7, lr;
	s5 =	simm.s32 $0xFFFFFFFF;
	p2 =	slt.u32 s8, $0xFFFFF086  }
0x1c: {  	p1 =	slt.u32 s9, $0xF7A;
	s5 =	simm.s32 @!p2 $0x0  }
0x1d: {  	s5 =	simm.s32 @p1 $0x1;
	p0 =	seq.s32 s7, s2  }
0x1e: {  	s7 =	smul.u32 @!p0 $0xF7A, s2;
	p2 =	seq.s32 @!p0 s5, $0x0  }
0x1f: {  	s9 =	smul.u32 $0xF7A, s1;
	s8 =	simm.s32 @!p0 $0x1BF5;
	p2 =	por !p2, p0  }
0x20: {  	[sflag:s8] =	ssyncset.s32 @!p0 $0xFFFFF086;
	s6 =	sadd.s32 @!p0 s3, s7;
	s7 =	simm.s32 @!p0 $0x108  }
0x21: {  	s3 =	sadd.s32 s3, s9;
	s6 =	sadd.s32 @!p0 $0x88, s6;
	s7 =	simm.s32 @p2 $0x1082  }
0x22: {  	[simem:s7], [sflag:s8] =	dma.local @!p0 [hbm:s6], $0xF7A  }
0x23: {  	s9 =	sor.u32 $0xD0000000, s2;
	s6 =	simm.s32 $0x108;
	_ =	swait.ge @!p0 [sflag:s8], $0x0  }
0x24: {  	s3 =	sadd.s32 $0x88, s3;
	s6 =	simm.s32 @!p1 $0x1082;
	[sflag:s4] =	ssyncset.s32 $0xFFFFF086  }
0x25: {  	[simem:s6], [sflag:s4] =	dma.local [hbm:s3], $0xF7A  }
0x26: {  	[smem:$0x3F87] =	sst s1;
	(tag) =	ssettag s2;
	_ =	strace s9  }
0x27: {  	s1 =	sld [smem:$0x3F97]  }
0x28: {  	s2 =	sld [smem:$0x3F98]  }
0x29: {  	s4 =	sld [smem:$0x3F9A]  }
0x2a: {  	p0 =	seq.s32 s5, $0x0;
	s5 =	sld [smem:$0x3F9B]  }
0x2b: {  	s6 =	sld [smem:$0x3F9C]  }
0x2c: {  	s7 =	sld [smem:$0x3F9D]  }
0x2d: {  	s3 =	simm.s32 $0x108;
	s8 =	sld [smem:$0x3F9E]  }
0x2e: {  	s3 =	simm.s32 @!p0 $0x1082;
	s9 =	sld [smem:$0x3F9F]  }
0x2f: {  	lr =	sadd.s32 s0, s3;
	s0 =	sld [smem:$0x3F96]  }
0x30: {  	s3 =	sld [smem:$0x3F99]  }
0x31: {  	[smem:$0x3FA2] =	sst s10  }
0x32: {  	s10 =	sld [smem:$0x3FA0];
	_ =	sdelay $0x3  }
0x33: {  	p0 =	seq.s32 s10, $0x1;
	s10 =	sld [smem:$0x3FA2];
	_ =	sdelay $0x3  }
0x34: {  	[smem:$0x3FA2] =	sst s10  }
0x35: {  	s10 =	sld [smem:$0x3FA1];
	_ =	sdelay $0x3  }
0x36: {  	p1 =	seq.s32 s10, $0x1;
	s10 =	sld [smem:$0x3FA2];
	_ =	sdelay $0x3  }
0x37: {  	[smem:$0x3FA2] =	sst s10  }
0x38: {  	s10 =	sld [smem:$0x3FA3]  }
0x39: {  	_ = 	snop;
	(pc) =	sbr.ind lr, $3  }
0x3a: {  	_ = 	snop  }
0x3b: {  	_ = 	snop  }
0x3c: {  	p2 =	seq.s32 s10, $0x1;
	s10 =	sld [smem:$0x3FA2]  }
0x3d: {  	_ =	shalt  }
0x3e: {  	_ =	shalt  }
0x3f: {  	_ =	shalt  }
0x40: {  	_ =	shalt  }
0x41: {  	_ =	shalt  }
0x42: {  	_ =	shalt  }
0x43: {  	_ =	shalt  }
0x44: {  	_ =	shalt  }
0x45: {  	_ =	shalt  }
0x46: {  	_ =	shalt  }
0x47: {  	_ =	shalt  }
0x48: {  	_ =	shalt  }
0x49: {  	_ =	shalt  }
0x4a: {  	_ =	shalt  }
0x4b: {  	_ =	shalt  }
0x4c: {  	_ =	shalt  }
0x4d: {  	_ =	shalt  }
0x4e: {  	_ =	shalt  }
0x4f: {  	_ =	shalt  }
0x50: {  	_ =	shalt  }
0x51: {  	_ =	shalt  }
0x52: {  	_ =	shalt  }
0x53: {  	_ =	shalt  }
0x54: {  	_ =	shalt  }
0x55: {  	_ =	shalt  }
0x56: {  	_ =	shalt  }
0x57: {  	_ =	shalt  }
0x58: {  	_ =	shalt  }
0x59: {  	_ =	shalt  }
0x5a: {  	_ =	shalt  }
0x5b: {  	_ =	shalt  }
0x5c: {  	_ =	shalt  }
0x5d: {  	_ =	shalt  }
0x5e: {  	_ =	shalt  }
0x5f: {  	_ =	shalt  }
0x60: {  	_ =	shalt  }
0x61: {  	_ =	shalt  }
0x62: {  	_ =	shalt  }
0x63: {  	_ =	shalt  }
0x64: {  	_ =	shalt  }
0x65: {  	_ =	shalt  }
0x66: {  	_ =	shalt  }
0x67: {  	_ =	shalt  }
0x68: {  	_ =	shalt  }
0x69: {  	_ =	shalt  }
0x6a: {  	_ =	shalt  }
0x6b: {  	_ =	shalt  }
0x6c: {  	_ =	shalt  }
0x6d: {  	_ =	shalt  }
0x6e: {  	_ =	shalt  }
0x6f: {  	_ =	shalt  }
0x70: {  	_ =	shalt  }
0x71: {  	_ =	shalt  }
0x72: {  	_ =	shalt  }
0x73: {  	_ =	shalt  }
0x74: {  	_ =	shalt  }
0x75: {  	_ =	shalt  }
0x76: {  	_ =	shalt  }
0x77: {  	_ =	shalt  }
0x78: {  	_ =	shalt  }
0x79: {  	_ =	shalt  }
0x7a: {  	_ =	shalt  }
0x7b: {  	_ =	shalt  }
0x7c: {  	_ =	shalt  }
0x7d: {  	_ =	shalt  }
0x7e: {  	_ =	shalt  }
0x7f: {  	_ =	shalt  }
0x80: {  	_ =	shalt  }
0x81: {  	_ =	shalt  }
0x82: {  	_ =	shalt  }
0x83: {  	_ =	shalt  }
0x84: {  	_ =	shalt  }
0x85: {  	_ =	shalt  }
0x86: {  	_ =	shalt  }
0x87: {  	_ =	shalt  }
.Lfunc_end0:
.L_simem_size_0:
called_computation_lowered:
.L_overlay_start_0:
0x88: {  	s2 =	sld [smem:$0x3FD9]  }
0x89: {  	s3 =	sld [smem:$0x3FFE];
	_ =	sdelay $0x1  }
0x8a: {  	s1 =	srdreg.scid  }
0x8b: {  	s0 =	sand.u32 $0x1, s1  }
0x8c: {  	s17 =	sshll.u32 s0, $0xA;
	s2 =	sadd.s32 s3, s2  }
0x8d: {  	s2 =	sadd.s32 s2, s17  }
0x8e: {  	[smem:$0x3FAE] =	sst s2  }
0x8f: {  	_ = 	snop  }
0x90: {  	s2 =	sld [smem:$0x3FC6];
	(tm) =	ssettm $0x1  }
0x91: {  	s18 =	sld [smem:$0x3FFB];
	_ =	sdelay $0x3  }
0x92: {  	_ =	strace s18  }
0x93: {  	s3 =	sld [smem:$0x3FFC];
	_ =	sdelay $0x3  }
0x94: {  	_ =	strace s3  }
0x95: {  	s3 =	sld [smem:$0x3FFD];
	_ =	sdelay $0x3  }
0x96: {  	_ =	strace s3  }
0x97: {  	_ =	strace $0x8FFFFFFF  }
0x98: {  	s19 =	sld [smem:$0x3FDB];
	_ =	sdelay $0x1  }
0x99: {  	s4 =	simm.s32 $_scs_section_size  }
0x9a: {  	s5 =	simm.s32 $_size__tile_overlayer_lowered;
	s6 =	simm.s32 $_tile_overlayer_lowered  }
0x9b: {  	s22 =	simm.s32 $0x1BFF;
	s21 =	sshll.u32 s6, $0x1;
	s3 =	sadd.s32 s4, s19  }
0x9c: {  	s7 =	simm.s32 $0x0;
	s20 =	sshll.u32 s5, $0x1;
	s5 =	sadd.s32 s21, s3  }
0x9d: {  	[timem:s7], [sflag:s22] =	dma.local [hbm:s5], s20  }
0x9e: {  	_ =	swait.ge [sflag:s22], s20  }
0x9f: {  	s4 =	ssub.s32 $0x0, s20;
	[sflag:s22] =	ssyncset.done $0x0  }
0xa0: {  	[sflag:s22] =	ssyncadd.s32 s4;
	_ =	sdelay $0x1  }
0xa1: {  	s23 =	simm.s32 $0x1B8B  }
0xa2: {  	_ =	swait.ge [sflag:s23], $0x1  }
0xa3: {  	[sflag:s23] =	ssyncset.done $0x0  }
0xa4: {  	s25 =	simm.s32 $0x1B8E;
	s24 =	sld [smem:$0x3FFE];
	[sflag:s23] =	ssyncadd.s32 $0xFFFFFFFF  }
0xa5: {  	s26 =	simm.s32 $execute0_lowered;
	[smem:$0x3FD2] =	sst s25  }
0xa6: {  	s5 =	sshll.u32 s26, $0x1;
	_ =	strace $0x80000046;
	[dreg:$0x1] =	wrdreg $0xFFFFFFFF  }
0xa7: {  	s28 =	simm.s32 $_size_execute0_lowered;
	s3 =	sadd.s32 s3, s5;
	[dreg:$0x0] =	wrdreg $0x0  }
0xa8: {  	s5 =	sshll.u32 s28, $0x1;
	[dreg:$0x2] =	wrdreg s3  }
0xa9: {  	[dreg:$0x3] =	wrdreg s5  }
0xaa: {  	[dreg:$0x4] =	wrdreg $0xC0  }
0xab: {  	_ =	task [dreg:s7], $0x5FFFF  }
0xac: {  	[dreg:$0x1] =	wrdreg $0xFFFFFFFF  }
0xad: {  	[dreg:$0x0] =	wrdreg $0x60  }
0xae: {  	[dreg:$0x2] =	wrdreg s24  }
0xaf: {  	[dreg:$0x3] =	wrdreg s2  }
0xb0: {  	[dreg:$0x4] =	wrdreg $0x9  }
0xb1: {  	_ =	task.clear_ibuf [dreg:s7], $0x5FFFF;
	_ =	strace $0x90000046  }
0xb2: {  	s29 =	simm.s32 $0x9;
	_ =	strace $0x80000048  }
0xb3: {  	_ =	swait.ge [sflag:s29], $0x1  }
0xb4: {  	[sflag:s29] =	ssyncadd.s32 $0xFFFFFFFF  }
0xb5: {  	_ =	strace $0x90000048  }
0xb6: {  	_ =	sfence  }
0xb7: {  	s30 =	sld [smem:$0x0];
	_ =	sdelay $0x2  }
0xb8: {  	s31 =	sshll.u32 s1, $0xD;
	s1 =	sshrl.u32 s1, $0x2  }
0xb9: {  	s3 =	sand.u32 $0x4000, s31;
	s1 =	sadd.s32 s1, s30  }
0xba: {  	s0 =	sor.u32 s3, s0;
	s1 =	sshll.u32 s1, $0x11  }
0xbb: {  	s0 =	sor.u32 s1, s0  }
0xbc: {  	s0 =	sadd.s32 $0x8F2B, s0  }
0xbd: {  	[sflag:s0] =	ssyncadd.remote.s32 $0x1  }
0xbe: {  	_ =	sfence.sel $0xFFFF  }
0xbf: {  	[dreg:$0x0] =	wrdreg $0xFFFFFFFF;
	(pc) =	sbr.abs _section_cstart, $3  }
0xc0: {  	[dreg:$0x1] =	wrdreg $0xFFFFFFFF  }
0xc1: {  	_ =	task.clear_ibuf [dreg:s7], $0x2FFFF;
	_ =	strace $0x9FFFFFFF  }
0xc2: {  	(tm) =	ssettm $0x7FFFFFFF  }
0xc3: {  	_ =	shalt  }
tec
execute0_lowered:
.L_overlay_start_1:
0x0: {  	(tag) =	ssettag $0x1  }
0x1: {  	s1 =	srdreg.scid;
	s5 =	rddreg [dreg:$0x0]  }
0x2: {  	s0 =	stileid.u32;
	s2 =	rddreg [dreg:$0x1]  }
0x3: {  	s3 =	simm.s32 $0x0;
	s9 =	simm.s32 $0x800;
	s10 =	simm.s32 $0x1000  }
0x4: {  	s11 =	simm.s32 $0x80;
	s4 =	sand.u32 $0x1, s1;
	s28 =	sshll.u32 s0, $0x1  }
0x5: {  	s12 =	simm.s32 $0x400;
	s29 =	sshrl.u32 s0, $0x2;
	s6 =	sor.u32 s4, s28  }
0x6: {  	s1 =	rddreg [dreg:$0x2];
	s7 =	smul.u32 $0x13C00, s29;
	s8 =	sshll.u32 s6, $0x7  }
0x7: {  	s16 =	simm.s32 $0x0;
	[smem:$0x7FF] =	sst s3;
	s8 =	sand.u32 $0x380, s8  }
0x8: {  	_ =	strace $0x80000047;
	s30 =	ssub.s32 $0x2, s4;
	s7 =	sor.u32 s7, s8  }
0x9: {  	s4 =	sadd.s32 $0x9600, s5;
	s31 =	sshrl.u32 s30, $0x1;
	s7 =	sshrl.u32 s7, $0x3  }
0xa: {  	s8 =	ssub.s32 s30, s31;
	s7 =	sadd.s32 s7, s5;
	s5 =	smul.u32 $0x2710, s6  }
0xb: {  	s6 =	sadd.s32 $0x1D200, s7;
	s7 =	smax.u32 s8, $0x1;
	s8 =	simm.s32 $0x1  }
.LBB2_1:
0xc: {  	s13 =	simm.s32 $0x0  }
.LBB2_2:
0xd: {  	s14 =	smul.u32 $0x7D0, s13;
	_ =	sdelay $0x1  }
0xe: {  	s14 =	sadd.s32 s5, s14  }
0xf: {  	s14 =	sshrl.u32 s14, $0x3  }
0x10: {  	s15 =	sadd.s32 s4, s14  }
0x11: {  	[tilespmem:s16], [sflag:$0x1] =	stream.linear.gather [hbm4b:s15+s16], $0x7D0, $0x38;
	[tilespmem:$0x3780] =	vst v63  }
0x12: {  	_ =	swait.ge [sflag:s8], $0x7D0  }
0x13: {  	[sflag:s8] =	ssyncset.done $0x0  }
0x14: {  	s14 =	sadd.s32 s2, s14;
	[sflag:s8] =	ssyncadd.s32 $0xFFFFF830  }
0x15: {  	[tilespmem:s9], [sflag:$0x1] =	stream.linear.gather [hbm4b:s14+s16], $0x7D0, $0x38;
	[tilespmem:$0x3780] =	vst v63  }
0x16: {  	_ =	swait.ge [sflag:s8], $0x7D0  }
0x17: {  	[sflag:s8] =	ssyncset.done $0x0  }
0x18: {  	s15 =	simm.s32 $0x0;
	s14 =	simm.s32 $0x40;
	[sflag:s8] =	ssyncadd.s32 $0xFFFFF830  }
.LBB2_3:
0x19: {  	p0 =	sne.s32 s14, $0x1F00;
	v0 =	vld [tilespmem:s15+$0x0];
	_ =	sdelay $0x2  }
0x1a: {  	v1 =	vld [tilespmem:s15+$0x800]  }
.Ltmp0:
0x1b: {  	(pc) =	sbr.rel @p0 .LBB2_3-.Ltmp0, $2  }
0x1c: {  	_ =	sdelay $0x2  }
0x1d: {  	s15 =	sshra.s32 s14, $0x2;
	s14 =	sadd.s32 $0x40, s14;
	[tilespmem:v0+s10+$0x0] =	vst.idx.add.f32.msk $0xffff, v1  }
0x1e: {  	v0 =	vld [tilespmem:s15+$0x0];
	_ =	sdelay $0x1  }
0x1f: {  	s13 =	sadd.s32 $0x1, s13  }
0x20: {  	v1 =	vld [tilespmem:s15+$0x800];
	p0 =	sne.s32 s13, $0x5  }
.Ltmp1:
0x21: {  	_ = 	snop;
	(pc) =	sbr.rel @p0 .LBB2_2-.Ltmp1, $2  }
0x22: {  	_ =	sdelay $0x2  }
0x23: {  	[tilespmem:v0+s10+$0x0] =	vst.idx.add.f32.msk $0xffff, v1  }
0x24: {  	s3 =	sadd.s32 $0x1, s3  }
0x25: {  	p0 =	sne.s32 s3, s7  }
.Ltmp2:
0x26: {  	_ = 	snop;
	(pc) =	sbr.rel @p0 .LBB2_1-.Ltmp2, $4  }
0x27: {  	[hbm4b:s6+s11] =	stream.strided.scatter [tilespmem:s10], [sflag:$0x1], $0x2780, s12, s11, $0x38;
	[tilespmem:$0x3780] =	vst v63  }
0x28: {  	_ =	swait.ge [sflag:s8], $0x2780  }
0x29: {  	[sflag:s8] =	ssyncset.done $0x0  }
0x2a: {  	[sflag:s8] =	ssyncadd.s32 $0xFFFFD880  }
0x2b: {  	_ =	sfence.sel $0x180000  }
0x2c: {  	[bflag:$0x0] =	sbarrier.arrive $0xFFFF  }
0x2d: {  	p0 =	sne.s32 s0, $0x0;
	_ =	strace $0x90000047  }
0x2e: {  	s0 =	sadd.s32 @!p0 $0x100000, s1;
	[bflag:$0x2] =	sbarrier.arrive $0xFFFF  }
0x2f: {  	[sflag:s0] =	ssyncadd.tile.s32 @!p0 $0x1;
	_ =	shalt  }
.Lfunc_end2:
_tile_overlayer_lowered:
.L_overlay_start_2:
0x30: {  	(tag) =	ssettag $0x2  }
0x31: {  	s0 =	rddreg [dreg:$0x0];
	s2 =	stileid.u32  }
0x32: {  	s1 =	rddreg [dreg:$0x1];
	p0 =	sne.s32 s2, $0x0  }
0x33: {  	s3 =	rddreg [dreg:$0x2];
	[bflag:$0x3] =	sbarrier.arrive $0xFFFF;
	s2 =	simm.s32 @!p0 $0x1C01  }
0x34: {  	[timem:s3], [sflag:s2] =	dma.local @!p0 [hbm:s0], s1  }
0x35: {  	s0 =	simm.s32 @!p0 $0x1  }
0x36: {  	_ =	swait.ge @!p0 [sflag:s0], s1  }
0x37: {  	s1 =	ssub.s32 @!p0 $0x0, s1;
	[sflag:s0] =	ssyncset.done @!p0 $0x0  }
0x38: {  	[sflag:s0] =	ssyncadd.s32 @!p0 s1  }
0x39: {  	[bflag:$0x3] =	sbarrier.arrive $0xFFFF  }
0x3a: {  	_ =	shalt  }

// kernel: kernel.25.cloned.1.call-start
scs
__scs_entry_jumppad:
0x0: {  	(pc) =	sbr.rel $0x88, $3  }
0x1: {  	(tag) =	ssettag $0x0;
	lr =	simm.s32 $0x1  }
0x2: {  	[smem:$0x3F87] =	sst lr;
	_ =	strace $0xD0000000  }
0x3: {  	_ = 	snop  }
0x4: {  	_ = 	snop  }
0x5: {  	_ = 	snop  }
0x6: {  	_ = 	snop  }
0x7: {  	_ = 	snop  }
__scs_overlays_trampoline_lowered:
0x8: {  	[smem:$0x3F96] =	sst s0  }
0x9: {  	[smem:$0x3F97] =	sst s1  }
0xa: {  	[smem:$0x3F98] =	sst s2  }
0xb: {  	[smem:$0x3F99] =	sst s3  }
0xc: {  	[smem:$0x3F9A] =	sst s4  }
0xd: {  	[smem:$0x3F9B] =	sst s5  }
0xe: {  	[smem:$0x3F9C] =	sst s6  }
0xf: {  	[smem:$0x3F9D] =	sst s7  }
0x10: {  	[smem:$0x3F9E] =	sst s8  }
0x11: {  	[smem:$0x3F9F] =	sst s9;
	s0 =	simm.s32 @!p0 $0x0  }
0x12: {  	s1 =	sld [smem:$0x3F85];
	s0 =	simm.s32 @p0 $0x1  }
0x13: {  	[smem:$0x3FA0] =	sst s0;
	s0 =	simm.s32 @!p1 $0x0  }
0x14: {  	s2 =	sld [smem:$0x3F84];
	s0 =	simm.s32 @p1 $0x1  }
0x15: {  	[smem:$0x3FA1] =	sst s0;
	s0 =	simm.s32 @!p2 $0x0  }
0x16: {  	s3 =	sld [smem:$0x3FDB];
	s0 =	simm.s32 @p2 $0x1  }
0x17: {  	s4 =	simm.s32 $0x1BF5;
	[smem:$0x3FA3] =	sst s0  }
0x18: {  	s0 =	sld [smem:$0x3F86];
	_ =	swait.ge [sflag:s4], $0x0  }
0x19: {  	s7 =	sld [smem:$0x3F87]  }
0x1a: {  	s8 =	sadd.s32 $0xFFFFE003, lr  }
0x1b: {  	s9 =	sadd.s32 $0xFFFFFEF7, lr;
	s5 =	simm.s32 $0xFFFFFFFF;
	p2 =	slt.u32 s8, $0xFFFFF086  }
0x1c: {  	p1 =	slt.u32 s9, $0xF7A;
	s5 =	simm.s32 @!p2 $0x0  }
0x1d: {  	s5 =	simm.s32 @p1 $0x1;
	p0 =	seq.s32 s7, s2  }
0x1e: {  	s7 =	smul.u32 @!p0 $0xF7A, s2;
	p2 =	seq.s32 @!p0 s5, $0x0  }
0x1f: {  	s9 =	smul.u32 $0xF7A, s1;
	s8 =	simm.s32 @!p0 $0x1BF5;
	p2 =	por !p2, p0  }
0x20: {  	[sflag:s8] =	ssyncset.s32 @!p0 $0xFFFFF086;
	s6 =	sadd.s32 @!p0 s3, s7;
	s7 =	simm.s32 @!p0 $0x108  }
0x21: {  	s3 =	sadd.s32 s3, s9;
	s6 =	sadd.s32 @!p0 $0x88, s6;
	s7 =	simm.s32 @p2 $0x1082  }
0x22: {  	[simem:s7], [sflag:s8] =	dma.local @!p0 [hbm:s6], $0xF7A  }
0x23: {  	s9 =	sor.u32 $0xD0000000, s2;
	s6 =	simm.s32 $0x108;
	_ =	swait.ge @!p0 [sflag:s8], $0x0  }
0x24: {  	s3 =	sadd.s32 $0x88, s3;
	s6 =	simm.s32 @!p1 $0x1082;
	[sflag:s4] =	ssyncset.s32 $0xFFFFF086  }
0x25: {  	[simem:s6], [sflag:s4] =	dma.local [hbm:s3], $0xF7A  }
0x26: {  	[smem:$0x3F87] =	sst s1;
	(tag) =	ssettag s2;
	_ =	strace s9  }
0x27: {  	s1 =	sld [smem:$0x3F97]  }
0x28: {  	s2 =	sld [smem:$0x3F98]  }
0x29: {  	s4 =	sld [smem:$0x3F9A]  }
0x2a: {  	p0 =	seq.s32 s5, $0x0;
	s5 =	sld [smem:$0x3F9B]  }
0x2b: {  	s6 =	sld [smem:$0x3F9C]  }
0x2c: {  	s7 =	sld [smem:$0x3F9D]  }
0x2d: {  	s3 =	simm.s32 $0x108;
	s8 =	sld [smem:$0x3F9E]  }
0x2e: {  	s3 =	simm.s32 @!p0 $0x1082;
	s9 =	sld [smem:$0x3F9F]  }
0x2f: {  	lr =	sadd.s32 s0, s3;
	s0 =	sld [smem:$0x3F96]  }
0x30: {  	s3 =	sld [smem:$0x3F99]  }
0x31: {  	[smem:$0x3FA2] =	sst s10  }
0x32: {  	s10 =	sld [smem:$0x3FA0];
	_ =	sdelay $0x3  }
0x33: {  	p0 =	seq.s32 s10, $0x1;
	s10 =	sld [smem:$0x3FA2];
	_ =	sdelay $0x3  }
0x34: {  	[smem:$0x3FA2] =	sst s10  }
0x35: {  	s10 =	sld [smem:$0x3FA1];
	_ =	sdelay $0x3  }
0x36: {  	p1 =	seq.s32 s10, $0x1;
	s10 =	sld [smem:$0x3FA2];
	_ =	sdelay $0x3  }
0x37: {  	[smem:$0x3FA2] =	sst s10  }
0x38: {  	s10 =	sld [smem:$0x3FA3]  }
0x39: {  	_ = 	snop;
	(pc) =	sbr.ind lr, $3  }
0x3a: {  	_ = 	snop  }
0x3b: {  	_ = 	snop  }
0x3c: {  	p2 =	seq.s32 s10, $0x1;
	s10 =	sld [smem:$0x3FA2]  }
0x3d: {  	_ =	shalt  }
0x3e: {  	_ =	shalt  }
0x3f: {  	_ =	shalt  }
0x40: {  	_ =	shalt  }
0x41: {  	_ =	shalt  }
0x42: {  	_ =	shalt  }
0x43: {  	_ =	shalt  }
0x44: {  	_ =	shalt  }
0x45: {  	_ =	shalt  }
0x46: {  	_ =	shalt  }
0x47: {  	_ =	shalt  }
0x48: {  	_ =	shalt  }
0x49: {  	_ =	shalt  }
0x4a: {  	_ =	shalt  }
0x4b: {  	_ =	shalt  }
0x4c: {  	_ =	shalt  }
0x4d: {  	_ =	shalt  }
0x4e: {  	_ =	shalt  }
0x4f: {  	_ =	shalt  }
0x50: {  	_ =	shalt  }
0x51: {  	_ =	shalt  }
0x52: {  	_ =	shalt  }
0x53: {  	_ =	shalt  }
0x54: {  	_ =	shalt  }
0x55: {  	_ =	shalt  }
0x56: {  	_ =	shalt  }
0x57: {  	_ =	shalt  }
0x58: {  	_ =	shalt  }
0x59: {  	_ =	shalt  }
0x5a: {  	_ =	shalt  }
0x5b: {  	_ =	shalt  }
0x5c: {  	_ =	shalt  }
0x5d: {  	_ =	shalt  }
0x5e: {  	_ =	shalt  }
0x5f: {  	_ =	shalt  }
0x60: {  	_ =	shalt  }
0x61: {  	_ =	shalt  }
0x62: {  	_ =	shalt  }
0x63: {  	_ =	shalt  }
0x64: {  	_ =	shalt  }
0x65: {  	_ =	shalt  }
0x66: {  	_ =	shalt  }
0x67: {  	_ =	shalt  }
0x68: {  	_ =	shalt  }
0x69: {  	_ =	shalt  }
0x6a: {  	_ =	shalt  }
0x6b: {  	_ =	shalt  }
0x6c: {  	_ =	shalt  }
0x6d: {  	_ =	shalt  }
0x6e: {  	_ =	shalt  }
0x6f: {  	_ =	shalt  }
0x70: {  	_ =	shalt  }
0x71: {  	_ =	shalt  }
0x72: {  	_ =	shalt  }
0x73: {  	_ =	shalt  }
0x74: {  	_ =	shalt  }
0x75: {  	_ =	shalt  }
0x76: {  	_ =	shalt  }
0x77: {  	_ =	shalt  }
0x78: {  	_ =	shalt  }
0x79: {  	_ =	shalt  }
0x7a: {  	_ =	shalt  }
0x7b: {  	_ =	shalt  }
0x7c: {  	_ =	shalt  }
0x7d: {  	_ =	shalt  }
0x7e: {  	_ =	shalt  }
0x7f: {  	_ =	shalt  }
0x80: {  	_ =	shalt  }
0x81: {  	_ =	shalt  }
0x82: {  	_ =	shalt  }
0x83: {  	_ =	shalt  }
0x84: {  	_ =	shalt  }
0x85: {  	_ =	shalt  }
0x86: {  	_ =	shalt  }
0x87: {  	_ =	shalt  }
.Lfunc_end0:
.L_simem_size_0:
called_computation.1_lowered:
.L_overlay_start_0:
0x88: {  	s2 =	sld [smem:$0x3FD9]  }
0x89: {  	s3 =	sld [smem:$0x3FFE];
	_ =	sdelay $0x1  }
0x8a: {  	s1 =	srdreg.scid  }
0x8b: {  	s0 =	sand.u32 $0x1, s1  }
0x8c: {  	s17 =	sshll.u32 s0, $0xA;
	s2 =	sadd.s32 s3, s2  }
0x8d: {  	s2 =	sadd.s32 s2, s17  }
0x8e: {  	[smem:$0x3FAE] =	sst s2  }
0x8f: {  	_ = 	snop  }
0x90: {  	s2 =	sld [smem:$0x3FC6];
	(tm) =	ssettm $0x1  }
0x91: {  	s18 =	sld [smem:$0x3FFB];
	_ =	sdelay $0x3  }
0x92: {  	_ =	strace s18  }
0x93: {  	s3 =	sld [smem:$0x3FFC];
	_ =	sdelay $0x3  }
0x94: {  	_ =	strace s3  }
0x95: {  	s3 =	sld [smem:$0x3FFD];
	_ =	sdelay $0x3  }
0x96: {  	_ =	strace s3  }
0x97: {  	_ =	strace $0x8FFFFFFF  }
0x98: {  	s19 =	sld [smem:$0x3FDB];
	_ =	sdelay $0x1  }
0x99: {  	s4 =	simm.s32 $_scs_section_size  }
0x9a: {  	s5 =	simm.s32 $_size__tile_overlayer_lowered;
	s6 =	simm.s32 $_tile_overlayer_lowered  }
0x9b: {  	s22 =	simm.s32 $0x1BFF;
	s21 =	sshll.u32 s6, $0x1;
	s3 =	sadd.s32 s4, s19  }
0x9c: {  	s7 =	simm.s32 $0x0;
	s20 =	sshll.u32 s5, $0x1;
	s5 =	sadd.s32 s21, s3  }
0x9d: {  	[timem:s7], [sflag:s22] =	dma.local [hbm:s5], s20  }
0x9e: {  	_ =	swait.ge [sflag:s22], s20  }
0x9f: {  	s4 =	ssub.s32 $0x0, s20;
	[sflag:s22] =	ssyncset.done $0x0  }
0xa0: {  	[sflag:s22] =	ssyncadd.s32 s4;
	_ =	sdelay $0x1  }
0xa1: {  	s23 =	simm.s32 $0x1B8B  }
0xa2: {  	_ =	swait.ge [sflag:s23], $0x1  }
0xa3: {  	[sflag:s23] =	ssyncset.done $0x0  }
0xa4: {  	s25 =	simm.s32 $0x1B8E;
	s24 =	sld [smem:$0x3FFE];
	[sflag:s23] =	ssyncadd.s32 $0xFFFFFFFF  }
0xa5: {  	s26 =	simm.s32 $execute0_lowered;
	[smem:$0x3FD2] =	sst s25  }
0xa6: {  	s5 =	sshll.u32 s26, $0x1;
	_ =	strace $0x80000049;
	[dreg:$0x1] =	wrdreg $0xFFFFFFFF  }
0xa7: {  	s28 =	simm.s32 $_size_execute0_lowered;
	s3 =	sadd.s32 s3, s5;
	[dreg:$0x0] =	wrdreg $0x0  }
0xa8: {  	s5 =	sshll.u32 s28, $0x1;
	[dreg:$0x2] =	wrdreg s3  }
0xa9: {  	[dreg:$0x3] =	wrdreg s5  }
0xaa: {  	[dreg:$0x4] =	wrdreg $0xC0  }
0xab: {  	_ =	task [dreg:s7], $0x5FFFF  }
0xac: {  	[dreg:$0x1] =	wrdreg $0xFFFFFFFF  }
0xad: {  	[dreg:$0x0] =	wrdreg $0x60  }
0xae: {  	[dreg:$0x2] =	wrdreg s24  }
0xaf: {  	[dreg:$0x3] =	wrdreg s2  }
0xb0: {  	[dreg:$0x4] =	wrdreg $0x9  }
0xb1: {  	_ =	task.clear_ibuf [dreg:s7], $0x5FFFF;
	_ =	strace $0x90000049  }
0xb2: {  	s29 =	simm.s32 $0x9;
	_ =	strace $0x8000004B  }
0xb3: {  	_ =	swait.ge [sflag:s29], $0x1  }
0xb4: {  	[sflag:s29] =	ssyncadd.s32 $0xFFFFFFFF  }
0xb5: {  	_ =	strace $0x9000004B  }
0xb6: {  	_ =	sfence  }
0xb7: {  	s30 =	sld [smem:$0x0];
	_ =	sdelay $0x2  }
0xb8: {  	s31 =	sshll.u32 s1, $0xD;
	s1 =	sshrl.u32 s1, $0x2  }
0xb9: {  	s3 =	sand.u32 $0x4000, s31;
	s1 =	sadd.s32 s1, s30  }
0xba: {  	s0 =	sor.u32 s3, s0;
	s1 =	sshll.u32 s1, $0x11  }
0xbb: {  	s0 =	sor.u32 s1, s0  }
0xbc: {  	s0 =	sadd.s32 $0x8F2B, s0  }
0xbd: {  	[sflag:s0] =	ssyncadd.remote.s32 $0x1  }
0xbe: {  	_ =	sfence.sel $0xFFFF  }
0xbf: {  	[dreg:$0x0] =	wrdreg $0xFFFFFFFF;
	(pc) =	sbr.abs _section_cstart, $3  }
0xc0: {  	[dreg:$0x1] =	wrdreg $0xFFFFFFFF  }
0xc1: {  	_ =	task.clear_ibuf [dreg:s7], $0x2FFFF;
	_ =	strace $0x9FFFFFFF  }
0xc2: {  	(tm) =	ssettm $0x7FFFFFFF  }
0xc3: {  	_ =	shalt  }
tec
execute0_lowered:
.L_overlay_start_1:
0x0: {  	(tag) =	ssettag $0x1  }
0x1: {  	s1 =	srdreg.scid;
	s3 =	rddreg [dreg:$0x0]  }
0x2: {  	s0 =	stileid.u32;
	s6 =	rddreg [dreg:$0x1];
	s2 =	simm.s32 $0x0  }
0x3: {  	s9 =	simm.s32 $0x1;
	s10 =	simm.s32 $0x2780;
	s11 =	simm.s32 $0x2F80  }
0x4: {  	s12 =	simm.s32 $0x3780;
	s4 =	sand.u32 $0x1, s1;
	s5 =	smul.u32 $0x4E20, s0  }
0x5: {  	s13 =	simm.s32 $0x3F80;
	s7 =	smul.u32 $0x2710, s4;
	s4 =	ssub.s32 $0x2, s4  }
0x6: {  	s14 =	simm.s32 $0x0;
	s1 =	rddreg [dreg:$0x2];
	s31 =	sshrl.u32 s4, $0x1  }
0x7: {  	[smem:$0x7FF] =	sst s2;
	s5 =	sadd.s32 s7, s5;
	s4 =	ssub.s32 s4, s31  }
0x8: {  	_ =	strace $0x8000004A;
	s7 =	sshrl.u32 s5, $0x3;
	s4 =	smax.u32 s4, $0x1  }
0x9: {  	s8 =	sadd.s32 s7, s3;
	s3 =	sadd.s32 $0x1D200, s3;
	s6 =	sadd.s32 s7, s6  }
0xa: {  	s5 =	sadd.s32 $0x1D800, s8;
	s7 =	sadd.s32 $0x9600, s8;
	s8 =	sadd.s32 $0x13400, s8  }
.LBB2_1:
0xb: {  	[tilespmem:s2], [sflag:$0x1] =	stream.linear.gather [hbm4b:s3+s2], $0x2780, $0x38;
	[tilespmem:$0x4780] =	vst v63  }
0xc: {  	_ =	swait.ge [sflag:s9], $0x2780  }
0xd: {  	[sflag:s9] =	ssyncset.done $0x0  }
0xe: {  	s15 =	sadd.s32 $0x0, s8;
	[sflag:s9] =	ssyncadd.s32 $0xFFFFD880  }
0xf: {  	[tilespmem:s10], [sflag:$0x1] =	stream.linear.gather [hbm4b:s15+s2], $0x7D0, $0x38;
	[tilespmem:$0x4780] =	vst v63  }
0x10: {  	_ =	swait.ge [sflag:s9], $0x7D0  }
0x11: {  	[sflag:s9] =	ssyncset.done $0x0  }
0x12: {  	s29 =	sadd.s32 $0x0, s7;
	[sflag:s9] =	ssyncadd.s32 $0xFFFFF830  }
0x13: {  	[tilespmem:s11], [sflag:$0x1] =	stream.linear.gather [hbm4b:s29+s2], $0x7D0, $0x38;
	[tilespmem:$0x4780] =	vst v63  }
0x14: {  	_ =	swait.ge [sflag:s9], $0x7D0  }
0x15: {  	[sflag:s9] =	ssyncset.done $0x0  }
0x16: {  	s30 =	sadd.s32 $0x0, s6;
	[sflag:s9] =	ssyncadd.s32 $0xFFFFF830  }
0x17: {  	[tilespmem:s12], [sflag:$0x1] =	stream.linear.gather [hbm4b:s30+s2], $0x7D0, $0x38;
	[tilespmem:$0x4780] =	vst v63  }
0x18: {  	_ =	swait.ge [sflag:s9], $0x7D0  }
0x19: {  	[sflag:s9] =	ssyncset.done $0x0  }
0x1a: {  	s31 =	sadd.s32 $0x0, s5;
	[sflag:s9] =	ssyncadd.s32 $0xFFFFF830  }
0x1b: {  	[hbm4b:s31+s2] =	stream.linear.scatter [tilespmem:s13], [sflag:$0x1], $0x7D0, $0x38;
	[tilespmem:$0x4780] =	vst v63  }
0x1c: {  	_ =	swait.ge [sflag:s9], $0x7D0  }
0x1d: {  	s16 =	simm.s32 $0x1F4;
	s15 =	simm.s32 $0xFA;
	[sflag:s9] =	ssyncset.done $0x0  }
.LBB2_2:
0x1e: {  	s17 =	sadd.s32 s15, s8  }
0x1f: {  	[sflag:s9] =	ssyncadd.s32 $0xFFFFF830;
	s18 =	smov.u32 s16;
	s19 =	sadd.s32 $0xFA, s16  }
0x20: {  	[tilespmem:s10], [sflag:$0x1] =	stream.linear.gather [hbm4b:s17+s2], $0x7D0, $0x38;
	[tilespmem:$0x4780] =	vst v63  }
0x21: {  	p0 =	sne.s32 s16, $0x3E8;
	_ =	swait.ge [sflag:s9], $0x7D0  }
0x22: {  	[sflag:s9] =	ssyncset.done $0x0  }
0x23: {  	s16 =	sadd.s32 s15, s7;
	[sflag:s9] =	ssyncadd.s32 $0xFFFFF830  }
0x24: {  	[tilespmem:s11], [sflag:$0x1] =	stream.linear.gather [hbm4b:s16+s2], $0x7D0, $0x38;
	[tilespmem:$0x4780] =	vst v63  }
0x25: {  	_ =	swait.ge [sflag:s9], $0x7D0  }
0x26: {  	[sflag:s9] =	ssyncset.done $0x0  }
0x27: {  	s16 =	sadd.s32 s15, s6;
	[sflag:s9] =	ssyncadd.s32 $0xFFFFF830  }
0x28: {  	[tilespmem:s12], [sflag:$0x1] =	stream.linear.gather [hbm4b:s16+s2], $0x7D0, $0x38;
	[tilespmem:$0x4780] =	vst v63  }
0x29: {  	_ =	swait.ge [sflag:s9], $0x7D0  }
.Ltmp0:
0x2a: {  	[sflag:s9] =	ssyncset.done $0x0;
	(pc) =	sbr.rel @p0 .LBB2_2-.Ltmp0, $4  }
0x2b: {  	s16 =	sadd.s32 s15, s5;
	s15 =	smov.u32 s18;
	[sflag:s9] =	ssyncadd.s32 $0xFFFFF830  }
0x2c: {  	[hbm4b:s16+s2] =	stream.linear.scatter [tilespmem:s13], [sflag:$0x1], $0x7D0, $0x38;
	[tilespmem:$0x4780] =	vst v63  }
0x2d: {  	_ =	swait.ge [sflag:s9], $0x7D0  }
0x2e: {  	s16 =	smov.u32 s19;
	[sflag:s9] =	ssyncset.done $0x0  }
0x2f: {  	s16 =	sadd.s32 s15, s8;
	[sflag:s9] =	ssyncadd.s32 $0xFFFFF830  }
0x30: {  	[tilespmem:s10], [sflag:$0x1] =	stream.linear.gather [hbm4b:s16+s2], $0x7D0, $0x38;
	[tilespmem:$0x4780] =	vst v63  }
0x31: {  	_ =	swait.ge [sflag:s9], $0x7D0  }
0x32: {  	[sflag:s9] =	ssyncset.done $0x0  }
0x33: {  	s29 =	sadd.s32 s15, s7;
	[sflag:s9] =	ssyncadd.s32 $0xFFFFF830  }
0x34: {  	[tilespmem:s11], [sflag:$0x1] =	stream.linear.gather [hbm4b:s29+s2], $0x7D0, $0x38;
	[tilespmem:$0x4780] =	vst v63  }
0x35: {  	_ =	swait.ge [sflag:s9], $0x7D0  }
0x36: {  	[sflag:s9] =	ssyncset.done $0x0  }
0x37: {  	s30 =	sadd.s32 s15, s6;
	[sflag:s9] =	ssyncadd.s32 $0xFFFFF830  }
0x38: {  	[tilespmem:s12], [sflag:$0x1] =	stream.linear.gather [hbm4b:s30+s2], $0x7D0, $0x38;
	[tilespmem:$0x4780] =	vst v63  }
0x39: {  	s14 =	sadd.s32 $0x1, s14;
	_ =	swait.ge [sflag:s9], $0x7D0  }
0x3a: {  	p0 =	sne.s32 s14, s4;
	[sflag:s9] =	ssyncset.done $0x0  }
.Ltmp1:
0x3b: {  	s31 =	sadd.s32 s15, s5;
	[sflag:s9] =	ssyncadd.s32 $0xFFFFF830;
	(pc) =	sbr.rel @p0 .LBB2_1-.Ltmp1, $4  }
0x3c: {  	[hbm4b:s31+s2] =	stream.linear.scatter [tilespmem:s13], [sflag:$0x1], $0x7D0, $0x38;
	[tilespmem:$0x4780] =	vst v63  }
0x3d: {  	_ =	swait.ge [sflag:s9], $0x7D0  }
0x3e: {  	[sflag:s9] =	ssyncset.done $0x0  }
0x3f: {  	[sflag:s9] =	ssyncadd.s32 $0xFFFFF830  }
0x40: {  	_ =	sfence.sel $0x180000  }
0x41: {  	[bflag:$0x0] =	sbarrier.arrive $0xFFFF  }
0x42: {  	p0 =	sne.s32 s0, $0x0;
	_ =	strace $0x9000004A  }
0x43: {  	s0 =	sadd.s32 @!p0 $0x100000, s1;
	[bflag:$0x2] =	sbarrier.arrive $0xFFFF  }
0x44: {  	[sflag:s0] =	ssyncadd.tile.s32 @!p0 $0x1;
	_ =	shalt  }
.Lfunc_end2:
_tile_overlayer_lowered:
.L_overlay_start_2:
0x45: {  	(tag) =	ssettag $0x2  }
0x46: {  	s0 =	rddreg [dreg:$0x0];
	s2 =	stileid.u32  }
0x47: {  	s1 =	rddreg [dreg:$0x1];
	p0 =	sne.s32 s2, $0x0  }
0x48: {  	s3 =	rddreg [dreg:$0x2];
	[bflag:$0x3] =	sbarrier.arrive $0xFFFF;
	s2 =	simm.s32 @!p0 $0x1C01  }
0x49: {  	[timem:s3], [sflag:s2] =	dma.local @!p0 [hbm:s0], s1  }
0x4a: {  	s0 =	simm.s32 @!p0 $0x1  }
0x4b: {  	_ =	swait.ge @!p0 [sflag:s0], s1  }
0x4c: {  	s1 =	ssub.s32 @!p0 $0x0, s1;
	[sflag:s0] =	ssyncset.done @!p0 $0x0  }
0x4d: {  	[sflag:s0] =	ssyncadd.s32 @!p0 s1  }
0x4e: {  	[bflag:$0x3] =	sbarrier.arrive $0xFFFF  }
0x4f: {  	_ =	shalt  }

// kernel: kernel.28.cloned.1.call-start
scs
__scs_entry_jumppad:
0x0: {  	(pc) =	sbr.rel $0x88, $3  }
0x1: {  	(tag) =	ssettag $0x0;
	lr =	simm.s32 $0x1  }
0x2: {  	[smem:$0x3F87] =	sst lr;
	_ =	strace $0xD0000000  }
0x3: {  	_ = 	snop  }
0x4: {  	_ = 	snop  }
0x5: {  	_ = 	snop  }
0x6: {  	_ = 	snop  }
0x7: {  	_ = 	snop  }
__scs_overlays_trampoline_lowered:
0x8: {  	[smem:$0x3F96] =	sst s0  }
0x9: {  	[smem:$0x3F97] =	sst s1  }
0xa: {  	[smem:$0x3F98] =	sst s2  }
0xb: {  	[smem:$0x3F99] =	sst s3  }
0xc: {  	[smem:$0x3F9A] =	sst s4  }
0xd: {  	[smem:$0x3F9B] =	sst s5  }
0xe: {  	[smem:$0x3F9C] =	sst s6  }
0xf: {  	[smem:$0x3F9D] =	sst s7  }
0x10: {  	[smem:$0x3F9E] =	sst s8  }
0x11: {  	[smem:$0x3F9F] =	sst s9;
	s0 =	simm.s32 @!p0 $0x0  }
0x12: {  	s1 =	sld [smem:$0x3F85];
	s0 =	simm.s32 @p0 $0x1  }
0x13: {  	[smem:$0x3FA0] =	sst s0;
	s0 =	simm.s32 @!p1 $0x0  }
0x14: {  	s2 =	sld [smem:$0x3F84];
	s0 =	simm.s32 @p1 $0x1  }
0x15: {  	[smem:$0x3FA1] =	sst s0;
	s0 =	simm.s32 @!p2 $0x0  }
0x16: {  	s3 =	sld [smem:$0x3FDB];
	s0 =	simm.s32 @p2 $0x1  }
0x17: {  	s4 =	simm.s32 $0x1BF5;
	[smem:$0x3FA3] =	sst s0  }
0x18: {  	s0 =	sld [smem:$0x3F86];
	_ =	swait.ge [sflag:s4], $0x0  }
0x19: {  	s7 =	sld [smem:$0x3F87]  }
0x1a: {  	s8 =	sadd.s32 $0xFFFFE003, lr  }
0x1b: {  	s9 =	sadd.s32 $0xFFFFFEF7, lr;
	s5 =	simm.s32 $0xFFFFFFFF;
	p2 =	slt.u32 s8, $0xFFFFF086  }
0x1c: {  	p1 =	slt.u32 s9, $0xF7A;
	s5 =	simm.s32 @!p2 $0x0  }
0x1d: {  	s5 =	simm.s32 @p1 $0x1;
	p0 =	seq.s32 s7, s2  }
0x1e: {  	s7 =	smul.u32 @!p0 $0xF7A, s2;
	p2 =	seq.s32 @!p0 s5, $0x0  }
0x1f: {  	s9 =	smul.u32 $0xF7A, s1;
	s8 =	simm.s32 @!p0 $0x1BF5;
	p2 =	por !p2, p0  }
0x20: {  	[sflag:s8] =	ssyncset.s32 @!p0 $0xFFFFF086;
	s6 =	sadd.s32 @!p0 s3, s7;
	s7 =	simm.s32 @!p0 $0x108  }
0x21: {  	s3 =	sadd.s32 s3, s9;
	s6 =	sadd.s32 @!p0 $0x88, s6;
	s7 =	simm.s32 @p2 $0x1082  }
0x22: {  	[simem:s7], [sflag:s8] =	dma.local @!p0 [hbm:s6], $0xF7A  }
0x23: {  	s9 =	sor.u32 $0xD0000000, s2;
	s6 =	simm.s32 $0x108;
	_ =	swait.ge @!p0 [sflag:s8], $0x0  }
0x24: {  	s3 =	sadd.s32 $0x88, s3;
	s6 =	simm.s32 @!p1 $0x1082;
	[sflag:s4] =	ssyncset.s32 $0xFFFFF086  }
0x25: {  	[simem:s6], [sflag:s4] =	dma.local [hbm:s3], $0xF7A  }
0x26: {  	[smem:$0x3F87] =	sst s1;
	(tag) =	ssettag s2;
	_ =	strace s9  }
0x27: {  	s1 =	sld [smem:$0x3F97]  }
0x28: {  	s2 =	sld [smem:$0x3F98]  }
0x29: {  	s4 =	sld [smem:$0x3F9A]  }
0x2a: {  	p0 =	seq.s32 s5, $0x0;
	s5 =	sld [smem:$0x3F9B]  }
0x2b: {  	s6 =	sld [smem:$0x3F9C]  }
0x2c: {  	s7 =	sld [smem:$0x3F9D]  }
0x2d: {  	s3 =	simm.s32 $0x108;
	s8 =	sld [smem:$0x3F9E]  }
0x2e: {  	s3 =	simm.s32 @!p0 $0x1082;
	s9 =	sld [smem:$0x3F9F]  }
0x2f: {  	lr =	sadd.s32 s0, s3;
	s0 =	sld [smem:$0x3F96]  }
0x30: {  	s3 =	sld [smem:$0x3F99]  }
0x31: {  	[smem:$0x3FA2] =	sst s10  }
0x32: {  	s10 =	sld [smem:$0x3FA0];
	_ =	sdelay $0x3  }
0x33: {  	p0 =	seq.s32 s10, $0x1;
	s10 =	sld [smem:$0x3FA2];
	_ =	sdelay $0x3  }
0x34: {  	[smem:$0x3FA2] =	sst s10  }
0x35: {  	s10 =	sld [smem:$0x3FA1];
	_ =	sdelay $0x3  }
0x36: {  	p1 =	seq.s32 s10, $0x1;
	s10 =	sld [smem:$0x3FA2];
	_ =	sdelay $0x3  }
0x37: {  	[smem:$0x3FA2] =	sst s10  }
0x38: {  	s10 =	sld [smem:$0x3FA3]  }
0x39: {  	_ = 	snop;
	(pc) =	sbr.ind lr, $3  }
0x3a: {  	_ = 	snop  }
0x3b: {  	_ = 	snop  }
0x3c: {  	p2 =	seq.s32 s10, $0x1;
	s10 =	sld [smem:$0x3FA2]  }
0x3d: {  	_ =	shalt  }
0x3e: {  	_ =	shalt  }
0x3f: {  	_ =	shalt  }
0x40: {  	_ =	shalt  }
0x41: {  	_ =	shalt  }
0x42: {  	_ =	shalt  }
0x43: {  	_ =	shalt  }
0x44: {  	_ =	shalt  }
0x45: {  	_ =	shalt  }
0x46: {  	_ =	shalt  }
0x47: {  	_ =	shalt  }
0x48: {  	_ =	shalt  }
0x49: {  	_ =	shalt  }
0x4a: {  	_ =	shalt  }
0x4b: {  	_ =	shalt  }
0x4c: {  	_ =	shalt  }
0x4d: {  	_ =	shalt  }
0x4e: {  	_ =	shalt  }
0x4f: {  	_ =	shalt  }
0x50: {  	_ =	shalt  }
0x51: {  	_ =	shalt  }
0x52: {  	_ =	shalt  }
0x53: {  	_ =	shalt  }
0x54: {  	_ =	shalt  }
0x55: {  	_ =	shalt  }
0x56: {  	_ =	shalt  }
0x57: {  	_ =	shalt  }
0x58: {  	_ =	shalt  }
0x59: {  	_ =	shalt  }
0x5a: {  	_ =	shalt  }
0x5b: {  	_ =	shalt  }
0x5c: {  	_ =	shalt  }
0x5d: {  	_ =	shalt  }
0x5e: {  	_ =	shalt  }
0x5f: {  	_ =	shalt  }
0x60: {  	_ =	shalt  }
0x61: {  	_ =	shalt  }
0x62: {  	_ =	shalt  }
0x63: {  	_ =	shalt  }
0x64: {  	_ =	shalt  }
0x65: {  	_ =	shalt  }
0x66: {  	_ =	shalt  }
0x67: {  	_ =	shalt  }
0x68: {  	_ =	shalt  }
0x69: {  	_ =	shalt  }
0x6a: {  	_ =	shalt  }
0x6b: {  	_ =	shalt  }
0x6c: {  	_ =	shalt  }
0x6d: {  	_ =	shalt  }
0x6e: {  	_ =	shalt  }
0x6f: {  	_ =	shalt  }
0x70: {  	_ =	shalt  }
0x71: {  	_ =	shalt  }
0x72: {  	_ =	shalt  }
0x73: {  	_ =	shalt  }
0x74: {  	_ =	shalt  }
0x75: {  	_ =	shalt  }
0x76: {  	_ =	shalt  }
0x77: {  	_ =	shalt  }
0x78: {  	_ =	shalt  }
0x79: {  	_ =	shalt  }
0x7a: {  	_ =	shalt  }
0x7b: {  	_ =	shalt  }
0x7c: {  	_ =	shalt  }
0x7d: {  	_ =	shalt  }
0x7e: {  	_ =	shalt  }
0x7f: {  	_ =	shalt  }
0x80: {  	_ =	shalt  }
0x81: {  	_ =	shalt  }
0x82: {  	_ =	shalt  }
0x83: {  	_ =	shalt  }
0x84: {  	_ =	shalt  }
0x85: {  	_ =	shalt  }
0x86: {  	_ =	shalt  }
0x87: {  	_ =	shalt  }
.Lfunc_end0:
.L_simem_size_0:
called_computation.2_lowered:
.L_overlay_start_0:
0x88: {  	s2 =	sld [smem:$0x3FD9]  }
0x89: {  	s3 =	sld [smem:$0x3FFE];
	_ =	sdelay $0x1  }
0x8a: {  	s1 =	srdreg.scid  }
0x8b: {  	s0 =	sand.u32 $0x1, s1  }
0x8c: {  	s17 =	sshll.u32 s0, $0xA;
	s2 =	sadd.s32 s3, s2  }
0x8d: {  	s2 =	sadd.s32 s2, s17  }
0x8e: {  	[smem:$0x3FAE] =	sst s2  }
0x8f: {  	_ = 	snop  }
0x90: {  	s2 =	sld [smem:$0x3FC9];
	(tm) =	ssettm $0x1  }
0x91: {  	s18 =	sld [smem:$0x3FFB];
	_ =	sdelay $0x3  }
0x92: {  	_ =	strace s18  }
0x93: {  	s3 =	sld [smem:$0x3FFC];
	_ =	sdelay $0x3  }
0x94: {  	_ =	strace s3  }
0x95: {  	s3 =	sld [smem:$0x3FFD];
	_ =	sdelay $0x3  }
0x96: {  	_ =	strace s3  }
0x97: {  	_ =	strace $0x8FFFFFFF  }
0x98: {  	s19 =	sld [smem:$0x3FDB];
	_ =	sdelay $0x1  }
0x99: {  	s4 =	simm.s32 $_scs_section_size  }
0x9a: {  	s5 =	simm.s32 $_size__tile_overlayer_lowered;
	s6 =	simm.s32 $_tile_overlayer_lowered  }
0x9b: {  	s22 =	simm.s32 $0x1BFF;
	s21 =	sshll.u32 s6, $0x1;
	s3 =	sadd.s32 s4, s19  }
0x9c: {  	s7 =	simm.s32 $0x0;
	s20 =	sshll.u32 s5, $0x1;
	s5 =	sadd.s32 s21, s3  }
0x9d: {  	[timem:s7], [sflag:s22] =	dma.local [hbm:s5], s20  }
0x9e: {  	_ =	swait.ge [sflag:s22], s20  }
0x9f: {  	s4 =	ssub.s32 $0x0, s20;
	[sflag:s22] =	ssyncset.done $0x0  }
0xa0: {  	[sflag:s22] =	ssyncadd.s32 s4;
	_ =	sdelay $0x1  }
0xa1: {  	s23 =	simm.s32 $0x1B8B  }
0xa2: {  	_ =	swait.ge [sflag:s23], $0x1  }
0xa3: {  	[sflag:s23] =	ssyncset.done $0x0  }
0xa4: {  	s25 =	simm.s32 $0x1B8E;
	s24 =	sld [smem:$0x3FFE];
	[sflag:s23] =	ssyncadd.s32 $0xFFFFFFFF  }
0xa5: {  	s26 =	simm.s32 $execute0_lowered;
	[smem:$0x3FD2] =	sst s25  }
0xa6: {  	s5 =	sshll.u32 s26, $0x1;
	_ =	strace $0x8000004C;
	[dreg:$0x1] =	wrdreg $0xFFFFFFFF  }
0xa7: {  	s28 =	simm.s32 $_size_execute0_lowered;
	s3 =	sadd.s32 s3, s5;
	[dreg:$0x0] =	wrdreg $0x0  }
0xa8: {  	s5 =	sshll.u32 s28, $0x1;
	[dreg:$0x2] =	wrdreg s3  }
0xa9: {  	[dreg:$0x3] =	wrdreg s5  }
0xaa: {  	[dreg:$0x4] =	wrdreg $0xC0  }
0xab: {  	_ =	task [dreg:s7], $0x5FFFF  }
0xac: {  	[dreg:$0x1] =	wrdreg $0xFFFFFFFF  }
0xad: {  	[dreg:$0x0] =	wrdreg $0x60  }
0xae: {  	[dreg:$0x2] =	wrdreg s2  }
0xaf: {  	[dreg:$0x3] =	wrdreg s24  }
0xb0: {  	[dreg:$0x4] =	wrdreg $0x8D800  }
0xb1: {  	[dreg:$0x5] =	wrdreg $0x9  }
0xb2: {  	_ =	task.clear_ibuf [dreg:s7], $0x6FFFF;
	_ =	strace $0x9000004C  }
0xb3: {  	s29 =	simm.s32 $0x9;
	_ =	strace $0x8000004E  }
0xb4: {  	_ =	swait.ge [sflag:s29], $0x1  }
0xb5: {  	[sflag:s29] =	ssyncadd.s32 $0xFFFFFFFF  }
0xb6: {  	_ =	strace $0x9000004E  }
0xb7: {  	_ =	sfence  }
0xb8: {  	s30 =	sld [smem:$0x0];
	_ =	sdelay $0x2  }
0xb9: {  	s31 =	sshll.u32 s1, $0xD;
	s1 =	sshrl.u32 s1, $0x2  }
0xba: {  	s3 =	sand.u32 $0x4000, s31;
	s1 =	sadd.s32 s1, s30  }
0xbb: {  	s0 =	sor.u32 s3, s0;
	s1 =	sshll.u32 s1, $0x11  }
0xbc: {  	s0 =	sor.u32 s1, s0  }
0xbd: {  	s0 =	sadd.s32 $0x8F2B, s0  }
0xbe: {  	[sflag:s0] =	ssyncadd.remote.s32 $0x1  }
0xbf: {  	_ =	sfence.sel $0xFFFF  }
0xc0: {  	[dreg:$0x0] =	wrdreg $0xFFFFFFFF;
	(pc) =	sbr.abs _section_cstart, $3  }
0xc1: {  	[dreg:$0x1] =	wrdreg $0xFFFFFFFF  }
0xc2: {  	_ =	task.clear_ibuf [dreg:s7], $0x2FFFF;
	_ =	strace $0x9FFFFFFF  }
0xc3: {  	(tm) =	ssettm $0x7FFFFFFF  }
tec
execute0_lowered:
.L_overlay_start_1:
0x0: {  	(tag) =	ssettag $0x1  }
0x1: {  	s0 =	stileid.u32  }
0x2: {  	s7 =	smul.u32 $0x4E20, s0  }
0x3: {  	s2 =	srdreg.scid;
	s18 =	smul.u32 $0x19000, s0  }
0x4: {  	s6 =	sand.u32 $0x1, s2;
	s24 =	smul.u32 $0x6400, s0  }
0x5: {  	s9 =	sor.u32 $0x10, s0;
	s8 =	smul.u32 $0x2710, s6  }
0x6: {  	s1 =	rddreg [dreg:$0x0];
	s10 =	sor.u32 $0x20, s0;
	s19 =	smul.u32 $0x19000, s9  }
0x7: {  	s5 =	rddreg [dreg:$0x1];
	s13 =	sor.u32 $0x30, s0;
	s12 =	smul.u32 $0x19000, s10  }
0x8: {  	s3 =	rddreg [dreg:$0x2];
	s15 =	smul.u32 $0x19000, s13  }
0x9: {  	s4 =	simm.s32 $0x0;
	s2 =	rddreg [dreg:$0x3];
	s22 =	smul.u32 $0x138800, s6  }
0xa: {  	[smem:$0x7FF] =	sst s4;
	s14 =	sadd.s32 $0x27600, s5;
	s26 =	smul.u32 $0x6400, s9  }
0xb: {  	p0 =	sgt.u32 s0, $0x1;
	s11 =	ssub.s32 $0x2, s6;
	s10 =	smul.u32 $0x6400, s10  }
0xc: {  	_ =	strace $0x8000004D;
	s13 =	smul.u32 $0x6400, s13;
	s20 =	sshrl.u32 s11, $0x1  }
0xd: {  	s21 =	sshrl.u32 s18, $0x2;
	s18 =	simm.s32 $0x2;
	s7 =	sadd.s32 s8, s7  }
0xe: {  	s17 =	ssub.s32 s11, s20;
	s23 =	sshrl.u32 s19, $0x2;
	s25 =	sshrl.u32 s12, $0x2  }
0xf: {  	s8 =	sadd.s32 s24, s22;
	s28 =	sshrl.u32 s15, $0x2;
	s12 =	sadd.s32 s22, s26  }
0x10: {  	s30 =	sadd.s32 s22, s10;
	s11 =	sadd.s32 s22, s13;
	s19 =	simm.s32 $0x80  }
0x11: {  	s20 =	simm.s32 $0x100;
	s22 =	simm.s32 $0x180;
	s24 =	simm.s32 $0x0  }
0x12: {  	s7 =	sshrl.u32 s7, $0x3;
	s6 =	sadd.s32 s23, s3;
	s29 =	sshrl.u32 s8, $0x3  }
0x13: {  	s8 =	sadd.s32 s28, s3;
	s12 =	sshrl.u32 s12, $0x3;
	s31 =	sshrl.u32 s30, $0x3  }
0x14: {  	s13 =	sshrl.u32 s11, $0x3;
	s23 =	simm.s32 $0x1;
	s16 =	sadd.s32 s7, s5  }
0x15: {  	s5 =	sadd.s32 s21, s3;
	s7 =	sadd.s32 s25, s3;
	s9 =	sadd.s32 s14, s29  }
0x16: {  	s10 =	sadd.s32 s14, s12;
	s11 =	sadd.s32 s14, s31;
	s12 =	sadd.s32 s14, s13  }
0x17: {  	s13 =	smax.u32 s17, $0x1;
	s17 =	simm.s32 $0x2980;
	s21 =	simm.s32 $0x50  }
0x18: {  	s14 =	sadd.s32 $0x1D800, s16;
	s15 =	sadd.s32 $0x9600, s16;
	s16 =	sadd.s32 $0x13400, s16  }
.LBB2_1:
0x19: {  	[spmem:s5] =	stream.linear.scatter [tilespmem:s17], [sflag:$0x2], $0x6400, $0x38;
	[tilespmem:$0x1C600] =	vst v63  }
0x1a: {  	_ =	swait.ge [sflag:s18], $0x6400  }
0x1b: {  	[sflag:s18] =	ssyncset.done $0x0  }
0x1c: {  	[sflag:s18] =	ssyncadd.s32 $0xFFFF9C00  }
0x1d: {  	[spmem:s6] =	stream.linear.scatter [tilespmem:s17], [sflag:$0x2], $0x6400, $0x38;
	[tilespmem:$0x1C600] =	vst v63  }
0x1e: {  	_ =	swait.ge [sflag:s18], $0x6400  }
0x1f: {  	[sflag:s18] =	ssyncset.done $0x0  }
0x20: {  	[sflag:s18] =	ssyncadd.s32 $0xFFFF9C00  }
0x21: {  	[spmem:s7] =	stream.linear.scatter [tilespmem:s17], [sflag:$0x2], $0x6400, $0x38;
	[tilespmem:$0x1C600] =	vst v63  }
0x22: {  	_ =	swait.ge [sflag:s18], $0x6400  }
0x23: {  	[sflag:s18] =	ssyncset.done $0x0  }
0x24: {  	s25 =	simm.s32 @!p0 $0x2980;
	[sflag:s18] =	ssyncadd.s32 $0xFFFF9C00  }
0x25: {  	[spmem:s8] =	stream.linear.scatter @!p0 [tilespmem:s25], [sflag:$0x2], $0x6400, $0x38;
	[tilespmem:$0x1C600] =	vst v63  }
0x26: {  	s25 =	simm.s32 @!p0 $0x2  }
0x27: {  	_ =	swait.ge @!p0 [sflag:s25], $0x6400  }
0x28: {  	[sflag:s25] =	ssyncset.done @!p0 $0x0  }
0x29: {  	[sflag:s25] =	ssyncadd.s32 @!p0 $0xFFFF9C00  }
0x2a: {  	s29 =	sadd.s32 $0x0, s16;
	[bflag:$0x0] =	sbarrier.arrive $0xFFFF  }
0x2b: {  	[tilespmem:s4], [sflag:$0x2] =	stream.linear.gather [hbm4b:s29+s4], $0x50, $0x38;
	[tilespmem:$0x1C600] =	vst v63  }
0x2c: {  	_ =	swait.ge [sflag:s18], $0x50  }
0x2d: {  	[sflag:s18] =	ssyncset.done $0x0  }
0x2e: {  	s30 =	sadd.s32 $0x0, s15;
	[sflag:s18] =	ssyncadd.s32 $0xFFFFFFB0  }
0x2f: {  	[tilespmem:s19], [sflag:$0x2] =	stream.linear.gather [hbm4b:s30+s4], $0x50, $0x38;
	[tilespmem:$0x1C600] =	vst v63  }
0x30: {  	_ =	swait.ge [sflag:s18], $0x50  }
0x31: {  	[sflag:s18] =	ssyncset.done $0x0  }
0x32: {  	s31 =	sadd.s32 $0x0, s14;
	[sflag:s18] =	ssyncadd.s32 $0xFFFFFFB0  }
0x33: {  	[tilespmem:s20], [sflag:$0x2] =	stream.linear.gather [hbm4b:s31+s4], $0x50, $0x38;
	[tilespmem:$0x1C600] =	vst v63  }
0x34: {  	_ =	swait.ge [sflag:s18], $0x50  }
0x35: {  	[sflag:s18] =	ssyncset.done $0x0  }
0x36: {  	[sflag:s18] =	ssyncadd.s32 $0xFFFFFFB0  }
0x37: {  	[tilespmem:s22], [sflag:$0x1] =	stream.indirect.gather [hbm4b:s1+s21], $0x80, s4, s21, $0xb8;
	[tilespmem:$0x1C600] =	vst v63  }
0x38: {  	_ =	swait.ge [sflag:s23], $0x2800  }
0x39: {  	[sflag:s23] =	ssyncset.done $0x0  }
0x3a: {  	[sflag:s23] =	ssyncadd.s32 $0xFFFFD800  }
0x3b: {  	[spmem:s3] =	stream.indirect.scatter.add.f32 [tilespmem:s22], [sflag:$0x2], $0x80, s19, s21, $0xb8;
	[tilespmem:$0x1C600] =	vst v63  }
0x3c: {  	_ =	swait.ge [sflag:s18], $0x2800  }
0x3d: {  	s26 =	simm.s32 $0x14;
	s25 =	simm.s32 $0xA;
	[sflag:s18] =	ssyncset.done $0x0  }
.LBB2_2:
0x3e: {  	s28 =	sadd.s32 s25, s16  }
0x3f: {  	[sflag:s18] =	ssyncadd.s32 $0xFFFFD800;
	s29 =	smov.u32 s26;
	s30 =	sadd.s32 $0xA, s26  }
0x40: {  	[tilespmem:s4], [sflag:$0x2] =	stream.linear.gather [hbm4b:s28+s4], $0x50, $0x38;
	[tilespmem:$0x1C600] =	vst v63  }
0x41: {  	p1 =	sne.s32 s26, $0x4D8;
	_ =	swait.ge [sflag:s18], $0x50  }
0x42: {  	[sflag:s18] =	ssyncset.done $0x0  }
0x43: {  	s26 =	sadd.s32 s25, s15;
	[sflag:s18] =	ssyncadd.s32 $0xFFFFFFB0  }
0x44: {  	[tilespmem:s19], [sflag:$0x2] =	stream.linear.gather [hbm4b:s26+s4], $0x50, $0x38;
	[tilespmem:$0x1C600] =	vst v63  }
0x45: {  	_ =	swait.ge [sflag:s18], $0x50  }
0x46: {  	[sflag:s18] =	ssyncset.done $0x0  }
0x47: {  	s26 =	sadd.s32 s25, s14;
	s25 =	smov.u32 s29;
	[sflag:s18] =	ssyncadd.s32 $0xFFFFFFB0  }
0x48: {  	[tilespmem:s20], [sflag:$0x2] =	stream.linear.gather [hbm4b:s26+s4], $0x50, $0x38;
	[tilespmem:$0x1C600] =	vst v63  }
0x49: {  	_ =	swait.ge [sflag:s18], $0x50  }
0x4a: {  	[sflag:s18] =	ssyncset.done $0x0  }
0x4b: {  	[sflag:s18] =	ssyncadd.s32 $0xFFFFFFB0  }
0x4c: {  	[tilespmem:s22], [sflag:$0x1] =	stream.indirect.gather [hbm4b:s1+s21], $0x80, s4, s21, $0xb8;
	[tilespmem:$0x1C600] =	vst v63  }
0x4d: {  	_ =	swait.ge [sflag:s23], $0x2800  }
.Ltmp0:
0x4e: {  	[sflag:s23] =	ssyncset.done $0x0;
	(pc) =	sbr.rel @p1 .LBB2_2-.Ltmp0, $4  }
0x4f: {  	[sflag:s23] =	ssyncadd.s32 $0xFFFFD800  }
0x50: {  	[spmem:s3] =	stream.indirect.scatter.add.f32 [tilespmem:s22], [sflag:$0x2], $0x80, s19, s21, $0xb8;
	[tilespmem:$0x1C600] =	vst v63  }
0x51: {  	_ =	swait.ge [sflag:s18], $0x2800  }
0x52: {  	s26 =	smov.u32 s30;
	[sflag:s18] =	ssyncset.done $0x0  }
0x53: {  	s26 =	sadd.s32 s25, s16;
	[sflag:s18] =	ssyncadd.s32 $0xFFFFD800  }
0x54: {  	[tilespmem:s4], [sflag:$0x2] =	stream.linear.gather [hbm4b:s26+s4], $0x50, $0x38;
	[tilespmem:$0x1C600] =	vst v63  }
0x55: {  	_ =	swait.ge [sflag:s18], $0x50  }
0x56: {  	[sflag:s18] =	ssyncset.done $0x0  }
0x57: {  	s31 =	sadd.s32 s25, s15;
	[sflag:s18] =	ssyncadd.s32 $0xFFFFFFB0  }
0x58: {  	[tilespmem:s19], [sflag:$0x2] =	stream.linear.gather [hbm4b:s31+s4], $0x50, $0x38;
	[tilespmem:$0x1C600] =	vst v63  }
0x59: {  	_ =	swait.ge [sflag:s18], $0x50  }
0x5a: {  	[sflag:s18] =	ssyncset.done $0x0  }
0x5b: {  	s26 =	sadd.s32 s25, s14;
	[sflag:s18] =	ssyncadd.s32 $0xFFFFFFB0  }
0x5c: {  	[tilespmem:s20], [sflag:$0x2] =	stream.linear.gather [hbm4b:s26+s4], $0x50, $0x38;
	[tilespmem:$0x1C600] =	vst v63  }
0x5d: {  	_ =	swait.ge [sflag:s18], $0x50  }
0x5e: {  	[sflag:s18] =	ssyncset.done $0x0  }
0x5f: {  	[sflag:s18] =	ssyncadd.s32 $0xFFFFFFB0  }
0x60: {  	[tilespmem:s22], [sflag:$0x1] =	stream.indirect.gather [hbm4b:s1+s21], $0x80, s4, s21, $0xb8;
	[tilespmem:$0x1C600] =	vst v63  }
0x61: {  	_ =	swait.ge [sflag:s23], $0x2800  }
0x62: {  	[sflag:s23] =	ssyncset.done $0x0  }
0x63: {  	[sflag:s23] =	ssyncadd.s32 $0xFFFFD800  }
0x64: {  	[spmem:s3] =	stream.indirect.scatter.add.f32 [tilespmem:s22], [sflag:$0x2], $0x80, s19, s21, $0xb8;
	[tilespmem:$0x1C600] =	vst v63  }
0x65: {  	_ =	swait.ge [sflag:s18], $0x2800  }
0x66: {  	[sflag:s18] =	ssyncset.done $0x0  }
0x67: {  	s28 =	sshll.u32 s0, $0x6;
	[sflag:s18] =	ssyncadd.s32 $0xFFFFD800  }
0x68: {  	s29 =	sshrl.u32 s5, $0x3;
	s25 =	sor.u32 $0x1C02, s28;
	[bflag:$0x0] =	sbarrier.arrive $0xFFFF  }
0x69: {  	[hbm:s9], [sflag:s25] =	dma.local [spmem:s29], $0xC80  }
0x6a: {  	_ =	swait.ge [sflag:s18], $0xC80  }
0x6b: {  	[sflag:s18] =	ssyncset.done $0x0  }
0x6c: {  	s30 =	sshrl.u32 s6, $0x3;
	[sflag:s18] =	ssyncadd.s32 $0xFFFFF380  }
0x6d: {  	[hbm:s10], [sflag:s25] =	dma.local [spmem:s30], $0xC80  }
0x6e: {  	_ =	swait.ge [sflag:s18], $0xC80  }
0x6f: {  	[sflag:s18] =	ssyncset.done $0x0  }
0x70: {  	s31 =	sshrl.u32 s7, $0x3;
	[sflag:s18] =	ssyncadd.s32 $0xFFFFF380  }
0x71: {  	[hbm:s11], [sflag:s25] =	dma.local [spmem:s31], $0xC80  }
0x72: {  	_ =	swait.ge [sflag:s18], $0xC80  }
0x73: {  	s24 =	sadd.s32 $0x1, s24;
	[sflag:s18] =	ssyncset.done $0x0  }
0x74: {  	p1 =	sne.s32 s24, s13;
	s26 =	sshrl.u32 @!p0 s8, $0x3;
	[sflag:s18] =	ssyncadd.s32 $0xFFFFF380  }
0x75: {  	[hbm:s12], [sflag:s25] =	dma.local @!p0 [spmem:s26], $0xC80  }
.Ltmp1:
0x76: {  	_ = 	snop;
	(pc) =	sbr.rel @p1 .LBB2_1-.Ltmp1, $4  }
0x77: {  	s25 =	simm.s32 @!p0 $0x2  }
0x78: {  	_ =	swait.ge @!p0 [sflag:s25], $0xC80  }
0x79: {  	[sflag:s25] =	ssyncset.done @!p0 $0x0  }
0x7a: {  	[sflag:s25] =	ssyncadd.s32 @!p0 $0xFFFFF380  }
0x7b: {  	_ =	sfence.sel $0x180000  }
0x7c: {  	[bflag:$0x0] =	sbarrier.arrive $0xFFFF  }
0x7d: {  	p0 =	sne.s32 s0, $0x0;
	_ =	strace $0x9000004D  }
0x7e: {  	s0 =	sadd.s32 @!p0 $0x100000, s2;
	[bflag:$0x2] =	sbarrier.arrive $0xFFFF  }
0x7f: {  	[sflag:s0] =	ssyncadd.tile.s32 @!p0 $0x1;
	_ =	shalt  }
.Lfunc_end2:
_tile_overlayer_lowered:
.L_overlay_start_2:
0x80: {  	(tag) =	ssettag $0x2  }
0x81: {  	s0 =	rddreg [dreg:$0x0];
	s2 =	stileid.u32  }
0x82: {  	s1 =	rddreg [dreg:$0x1];
	p0 =	sne.s32 s2, $0x0  }
0x83: {  	s3 =	rddreg [dreg:$0x2];
	[bflag:$0x3] =	sbarrier.arrive $0xFFFF;
	s2 =	simm.s32 @!p0 $0x1C02  }
0x84: {  	[timem:s3], [sflag:s2] =	dma.local @!p0 [hbm:s0], s1  }
0x85: {  	s0 =	simm.s32 @!p0 $0x2  }
0x86: {  	_ =	swait.ge @!p0 [sflag:s0], s1  }
0x87: {  	s1 =	ssub.s32 @!p0 $0x0, s1;
	[sflag:s0] =	ssyncset.done @!p0 $0x0  }
0x88: {  	[sflag:s0] =	ssyncadd.s32 @!p0 s1  }
0x89: {  	[bflag:$0x3] =	sbarrier.arrive $0xFFFF  }
0x8a: {  	_ =	shalt  }

// kernel: kernel.31.cloned.1.call-start
scs
__scs_entry_jumppad:
0x0: {  	(pc) =	sbr.rel $0x88, $3  }
0x1: {  	(tag) =	ssettag $0x0;
	lr =	simm.s32 $0x1  }
0x2: {  	[smem:$0x3F87] =	sst lr;
	_ =	strace $0xD0000000  }
0x3: {  	_ = 	snop  }
0x4: {  	_ = 	snop  }
0x5: {  	_ = 	snop  }
0x6: {  	_ = 	snop  }
0x7: {  	_ = 	snop  }
__scs_overlays_trampoline_lowered:
0x8: {  	[smem:$0x3F96] =	sst s0  }
0x9: {  	[smem:$0x3F97] =	sst s1  }
0xa: {  	[smem:$0x3F98] =	sst s2  }
0xb: {  	[smem:$0x3F99] =	sst s3  }
0xc: {  	[smem:$0x3F9A] =	sst s4  }
0xd: {  	[smem:$0x3F9B] =	sst s5  }
0xe: {  	[smem:$0x3F9C] =	sst s6  }
0xf: {  	[smem:$0x3F9D] =	sst s7  }
0x10: {  	[smem:$0x3F9E] =	sst s8  }
0x11: {  	[smem:$0x3F9F] =	sst s9;
	s0 =	simm.s32 @!p0 $0x0  }
0x12: {  	s1 =	sld [smem:$0x3F85];
	s0 =	simm.s32 @p0 $0x1  }
0x13: {  	[smem:$0x3FA0] =	sst s0;
	s0 =	simm.s32 @!p1 $0x0  }
0x14: {  	s2 =	sld [smem:$0x3F84];
	s0 =	simm.s32 @p1 $0x1  }
0x15: {  	[smem:$0x3FA1] =	sst s0;
	s0 =	simm.s32 @!p2 $0x0  }
0x16: {  	s3 =	sld [smem:$0x3FDB];
	s0 =	simm.s32 @p2 $0x1  }
0x17: {  	s4 =	simm.s32 $0x1BF5;
	[smem:$0x3FA3] =	sst s0  }
0x18: {  	s0 =	sld [smem:$0x3F86];
	_ =	swait.ge [sflag:s4], $0x0  }
0x19: {  	s7 =	sld [smem:$0x3F87]  }
0x1a: {  	s8 =	sadd.s32 $0xFFFFE003, lr  }
0x1b: {  	s9 =	sadd.s32 $0xFFFFFEF7, lr;
	s5 =	simm.s32 $0xFFFFFFFF;
	p2 =	slt.u32 s8, $0xFFFFF086  }
0x1c: {  	p1 =	slt.u32 s9, $0xF7A;
	s5 =	simm.s32 @!p2 $0x0  }
0x1d: {  	s5 =	simm.s32 @p1 $0x1;
	p0 =	seq.s32 s7, s2  }
0x1e: {  	s7 =	smul.u32 @!p0 $0xF7A, s2;
	p2 =	seq.s32 @!p0 s5, $0x0  }
0x1f: {  	s9 =	smul.u32 $0xF7A, s1;
	s8 =	simm.s32 @!p0 $0x1BF5;
	p2 =	por !p2, p0  }
0x20: {  	[sflag:s8] =	ssyncset.s32 @!p0 $0xFFFFF086;
	s6 =	sadd.s32 @!p0 s3, s7;
	s7 =	simm.s32 @!p0 $0x108  }
0x21: {  	s3 =	sadd.s32 s3, s9;
	s6 =	sadd.s32 @!p0 $0x88, s6;
	s7 =	simm.s32 @p2 $0x1082  }
0x22: {  	[simem:s7], [sflag:s8] =	dma.local @!p0 [hbm:s6], $0xF7A  }
0x23: {  	s9 =	sor.u32 $0xD0000000, s2;
	s6 =	simm.s32 $0x108;
	_ =	swait.ge @!p0 [sflag:s8], $0x0  }
0x24: {  	s3 =	sadd.s32 $0x88, s3;
	s6 =	simm.s32 @!p1 $0x1082;
	[sflag:s4] =	ssyncset.s32 $0xFFFFF086  }
0x25: {  	[simem:s6], [sflag:s4] =	dma.local [hbm:s3], $0xF7A  }
0x26: {  	[smem:$0x3F87] =	sst s1;
	(tag) =	ssettag s2;
	_ =	strace s9  }
0x27: {  	s1 =	sld [smem:$0x3F97]  }
0x28: {  	s2 =	sld [smem:$0x3F98]  }
0x29: {  	s4 =	sld [smem:$0x3F9A]  }
0x2a: {  	p0 =	seq.s32 s5, $0x0;
	s5 =	sld [smem:$0x3F9B]  }
0x2b: {  	s6 =	sld [smem:$0x3F9C]  }
0x2c: {  	s7 =	sld [smem:$0x3F9D]  }
0x2d: {  	s3 =	simm.s32 $0x108;
	s8 =	sld [smem:$0x3F9E]  }
0x2e: {  	s3 =	simm.s32 @!p0 $0x1082;
	s9 =	sld [smem:$0x3F9F]  }
0x2f: {  	lr =	sadd.s32 s0, s3;
	s0 =	sld [smem:$0x3F96]  }
0x30: {  	s3 =	sld [smem:$0x3F99]  }
0x31: {  	[smem:$0x3FA2] =	sst s10  }
0x32: {  	s10 =	sld [smem:$0x3FA0];
	_ =	sdelay $0x3  }
0x33: {  	p0 =	seq.s32 s10, $0x1;
	s10 =	sld [smem:$0x3FA2];
	_ =	sdelay $0x3  }
0x34: {  	[smem:$0x3FA2] =	sst s10  }
0x35: {  	s10 =	sld [smem:$0x3FA1];
	_ =	sdelay $0x3  }
0x36: {  	p1 =	seq.s32 s10, $0x1;
	s10 =	sld [smem:$0x3FA2];
	_ =	sdelay $0x3  }
0x37: {  	[smem:$0x3FA2] =	sst s10  }
0x38: {  	s10 =	sld [smem:$0x3FA3]  }
0x39: {  	_ = 	snop;
	(pc) =	sbr.ind lr, $3  }
0x3a: {  	_ = 	snop  }
0x3b: {  	_ = 	snop  }
0x3c: {  	p2 =	seq.s32 s10, $0x1;
	s10 =	sld [smem:$0x3FA2]  }
0x3d: {  	_ =	shalt  }
0x3e: {  	_ =	shalt  }
0x3f: {  	_ =	shalt  }
0x40: {  	_ =	shalt  }
0x41: {  	_ =	shalt  }
0x42: {  	_ =	shalt  }
0x43: {  	_ =	shalt  }
0x44: {  	_ =	shalt  }
0x45: {  	_ =	shalt  }
0x46: {  	_ =	shalt  }
0x47: {  	_ =	shalt  }
0x48: {  	_ =	shalt  }
0x49: {  	_ =	shalt  }
0x4a: {  	_ =	shalt  }
0x4b: {  	_ =	shalt  }
0x4c: {  	_ =	shalt  }
0x4d: {  	_ =	shalt  }
0x4e: {  	_ =	shalt  }
0x4f: {  	_ =	shalt  }
0x50: {  	_ =	shalt  }
0x51: {  	_ =	shalt  }
0x52: {  	_ =	shalt  }
0x53: {  	_ =	shalt  }
0x54: {  	_ =	shalt  }
0x55: {  	_ =	shalt  }
0x56: {  	_ =	shalt  }
0x57: {  	_ =	shalt  }
0x58: {  	_ =	shalt  }
0x59: {  	_ =	shalt  }
0x5a: {  	_ =	shalt  }
0x5b: {  	_ =	shalt  }
0x5c: {  	_ =	shalt  }
0x5d: {  	_ =	shalt  }
0x5e: {  	_ =	shalt  }
0x5f: {  	_ =	shalt  }
0x60: {  	_ =	shalt  }
0x61: {  	_ =	shalt  }
0x62: {  	_ =	shalt  }
0x63: {  	_ =	shalt  }
0x64: {  	_ =	shalt  }
0x65: {  	_ =	shalt  }
0x66: {  	_ =	shalt  }
0x67: {  	_ =	shalt  }
0x68: {  	_ =	shalt  }
0x69: {  	_ =	shalt  }
0x6a: {  	_ =	shalt  }
0x6b: {  	_ =	shalt  }
0x6c: {  	_ =	shalt  }
0x6d: {  	_ =	shalt  }
0x6e: {  	_ =	shalt  }
0x6f: {  	_ =	shalt  }
0x70: {  	_ =	shalt  }
0x71: {  	_ =	shalt  }
0x72: {  	_ =	shalt  }
0x73: {  	_ =	shalt  }
0x74: {  	_ =	shalt  }
0x75: {  	_ =	shalt  }
0x76: {  	_ =	shalt  }
0x77: {  	_ =	shalt  }
0x78: {  	_ =	shalt  }
0x79: {  	_ =	shalt  }
0x7a: {  	_ =	shalt  }
0x7b: {  	_ =	shalt  }
0x7c: {  	_ =	shalt  }
0x7d: {  	_ =	shalt  }
0x7e: {  	_ =	shalt  }
0x7f: {  	_ =	shalt  }
0x80: {  	_ =	shalt  }
0x81: {  	_ =	shalt  }
0x82: {  	_ =	shalt  }
0x83: {  	_ =	shalt  }
0x84: {  	_ =	shalt  }
0x85: {  	_ =	shalt  }
0x86: {  	_ =	shalt  }
0x87: {  	_ =	shalt  }
.Lfunc_end0:
.L_simem_size_0:
called_computation.3_lowered:
.L_overlay_start_0:
0x88: {  	s2 =	sld [smem:$0x3FD9]  }
0x89: {  	s3 =	sld [smem:$0x3FFE];
	_ =	sdelay $0x1  }
0x8a: {  	s1 =	srdreg.scid  }
0x8b: {  	s0 =	sand.u32 $0x1, s1  }
0x8c: {  	s16 =	sshll.u32 s0, $0xA;
	s2 =	sadd.s32 s3, s2  }
0x8d: {  	s2 =	sadd.s32 s2, s16  }
0x8e: {  	[smem:$0x3FAE] =	sst s2  }
0x8f: {  	_ = 	snop  }
0x90: {  	(tm) =	ssettm $0x1  }
0x91: {  	s17 =	sld [smem:$0x3FFB];
	_ =	sdelay $0x3  }
0x92: {  	_ =	strace s17  }
0x93: {  	s2 =	sld [smem:$0x3FFC];
	_ =	sdelay $0x3  }
0x94: {  	_ =	strace s2  }
0x95: {  	s2 =	sld [smem:$0x3FFD];
	_ =	sdelay $0x3  }
0x96: {  	_ =	strace s2  }
0x97: {  	_ =	strace $0x8FFFFFFF  }
0x98: {  	s18 =	sld [smem:$0x3FDB];
	_ =	sdelay $0x1  }
0x99: {  	s19 =	simm.s32 $_scs_section_size  }
0x9a: {  	s4 =	simm.s32 $_size__tile_overlayer_lowered;
	s5 =	simm.s32 $_tile_overlayer_lowered  }
0x9b: {  	s22 =	simm.s32 $0x1BFF;
	s21 =	sshll.u32 s5, $0x1;
	s2 =	sadd.s32 s19, s18  }
0x9c: {  	s6 =	simm.s32 $0x0;
	s20 =	sshll.u32 s4, $0x1;
	s4 =	sadd.s32 s21, s2  }
0x9d: {  	[timem:s6], [sflag:s22] =	dma.local [hbm:s4], s20  }
0x9e: {  	_ =	swait.ge [sflag:s22], s20  }
0x9f: {  	s3 =	ssub.s32 $0x0, s20;
	[sflag:s22] =	ssyncset.done $0x0  }
0xa0: {  	[sflag:s22] =	ssyncadd.s32 s3;
	_ =	sdelay $0x1  }
0xa1: {  	s23 =	simm.s32 $0x1B8B  }
0xa2: {  	_ =	swait.ge [sflag:s23], $0x1  }
0xa3: {  	[sflag:s23] =	ssyncset.done $0x0  }
0xa4: {  	s25 =	simm.s32 $0x1B8E;
	s24 =	sld [smem:$0x3FFE];
	[sflag:s23] =	ssyncadd.s32 $0xFFFFFFFF  }
0xa5: {  	s26 =	simm.s32 $execute0_lowered;
	[smem:$0x3FD2] =	sst s25  }
0xa6: {  	s4 =	sshll.u32 s26, $0x1;
	_ =	strace $0x8000004F;
	[dreg:$0x1] =	wrdreg $0xFFFFFFFF  }
0xa7: {  	s28 =	simm.s32 $_size_execute0_lowered;
	s2 =	sadd.s32 s2, s4;
	[dreg:$0x0] =	wrdreg $0x0  }
0xa8: {  	s4 =	sshll.u32 s28, $0x1;
	[dreg:$0x2] =	wrdreg s2  }
0xa9: {  	[dreg:$0x3] =	wrdreg s4  }
0xaa: {  	[dreg:$0x4] =	wrdreg $0xC0  }
0xab: {  	_ =	task [dreg:s6], $0x5FFFF  }
0xac: {  	[dreg:$0x1] =	wrdreg $0xFFFFFFFF  }
0xad: {  	[dreg:$0x0] =	wrdreg $0x60  }
0xae: {  	[dreg:$0x2] =	wrdreg s24  }
0xaf: {  	[dreg:$0x3] =	wrdreg $0x8D800  }
0xb0: {  	[dreg:$0x4] =	wrdreg $0x9  }
0xb1: {  	_ =	task.clear_ibuf [dreg:s6], $0x5FFFF;
	_ =	strace $0x9000004F  }
0xb2: {  	s29 =	simm.s32 $0x9;
	_ =	strace $0x80000051  }
0xb3: {  	_ =	swait.ge [sflag:s29], $0x1  }
0xb4: {  	[sflag:s29] =	ssyncadd.s32 $0xFFFFFFFF  }
0xb5: {  	_ =	strace $0x90000051  }
0xb6: {  	_ =	sfence  }
0xb7: {  	s30 =	sld [smem:$0x0];
	_ =	sdelay $0x2  }
0xb8: {  	s31 =	sshll.u32 s1, $0xD;
	s1 =	sshrl.u32 s1, $0x2  }
0xb9: {  	s3 =	sand.u32 $0x4000, s31;
	s1 =	sadd.s32 s1, s30  }
0xba: {  	s0 =	sor.u32 s3, s0;
	s1 =	sshll.u32 s1, $0x11  }
0xbb: {  	s0 =	sor.u32 s1, s0  }
0xbc: {  	s0 =	sadd.s32 $0x8F2B, s0  }
0xbd: {  	[sflag:s0] =	ssyncadd.remote.s32 $0x1  }
0xbe: {  	_ =	sfence.sel $0xFFFF  }
0xbf: {  	[dreg:$0x0] =	wrdreg $0xFFFFFFFF;
	(pc) =	sbr.abs _section_cstart, $3  }
0xc0: {  	[dreg:$0x1] =	wrdreg $0xFFFFFFFF  }
0xc1: {  	_ =	task.clear_ibuf [dreg:s6], $0x2FFFF;
	_ =	strace $0x9FFFFFFF  }
0xc2: {  	(tm) =	ssettm $0x7FFFFFFF  }
0xc3: {  	_ =	shalt  }
tec
execute0_lowered:
.L_overlay_start_1:
0x0: {  	(tag) =	ssettag $0x1  }
0x1: {  	s0 =	stileid.u32  }
0x2: {  	s7 =	smul.u32 $0x4E20, s0  }
0x3: {  	s1 =	srdreg.scid;
	s18 =	smul.u32 $0x19000, s0  }
0x4: {  	s6 =	sand.u32 $0x1, s1;
	s24 =	smul.u32 $0x6400, s0  }
0x5: {  	s9 =	sor.u32 $0x10, s0;
	s8 =	smul.u32 $0x2710, s6  }
0x6: {  	s5 =	rddreg [dreg:$0x0];
	s10 =	sor.u32 $0x20, s0;
	s19 =	smul.u32 $0x19000, s9  }
0x7: {  	s2 =	rddreg [dreg:$0x1];
	s13 =	sor.u32 $0x30, s0;
	s12 =	smul.u32 $0x19000, s10  }
0x8: {  	s3 =	simm.s32 $0x0;
	s1 =	rddreg [dreg:$0x2];
	s15 =	smul.u32 $0x19000, s13  }
0x9: {  	[smem:$0x7FF] =	sst s3;
	s22 =	smul.u32 $0x138800, s6  }
0xa: {  	s4 =	sadd.s32 $0x27600, s5;
	s14 =	sadd.s32 $0x4E800, s5;
	s26 =	smul.u32 $0x6400, s9  }
0xb: {  	p0 =	sgt.u32 s0, $0x1;
	s11 =	ssub.s32 $0x2, s6;
	s10 =	smul.u32 $0x6400, s10  }
0xc: {  	_ =	strace $0x80000050;
	s13 =	smul.u32 $0x6400, s13;
	s20 =	sshrl.u32 s11, $0x1  }
0xd: {  	s21 =	sshrl.u32 s18, $0x2;
	s18 =	simm.s32 $0x2;
	s7 =	sadd.s32 s8, s7  }
0xe: {  	s17 =	ssub.s32 s11, s20;
	s23 =	sshrl.u32 s19, $0x2;
	s25 =	sshrl.u32 s12, $0x2  }
0xf: {  	s8 =	sadd.s32 s24, s22;
	s28 =	sshrl.u32 s15, $0x2;
	s12 =	sadd.s32 s22, s26  }
0x10: {  	s30 =	sadd.s32 s22, s10;
	s11 =	sadd.s32 s22, s13;
	s19 =	simm.s32 $0x80  }
0x11: {  	s20 =	simm.s32 $0x100;
	s22 =	simm.s32 $0x180;
	s24 =	simm.s32 $0x0  }
0x12: {  	s7 =	sshrl.u32 s7, $0x3;
	s6 =	sadd.s32 s23, s2;
	s29 =	sshrl.u32 s8, $0x3  }
0x13: {  	s8 =	sadd.s32 s28, s2;
	s12 =	sshrl.u32 s12, $0x3;
	s31 =	sshrl.u32 s30, $0x3  }
0x14: {  	s13 =	sshrl.u32 s11, $0x3;
	s23 =	simm.s32 $0x1;
	s16 =	sadd.s32 s7, s5  }
0x15: {  	s5 =	sadd.s32 s21, s2;
	s7 =	sadd.s32 s25, s2;
	s9 =	sadd.s32 s14, s29  }
0x16: {  	s10 =	sadd.s32 s14, s12;
	s11 =	sadd.s32 s14, s31;
	s12 =	sadd.s32 s14, s13  }
0x17: {  	s13 =	smax.u32 s17, $0x1;
	s17 =	simm.s32 $0x2980;
	s21 =	simm.s32 $0x50  }
0x18: {  	s14 =	sadd.s32 $0x1D800, s16;
	s15 =	sadd.s32 $0x9600, s16;
	s16 =	sadd.s32 $0x13400, s16  }
.LBB2_1:
0x19: {  	[spmem:s5] =	stream.linear.scatter [tilespmem:s17], [sflag:$0x2], $0x6400, $0x38;
	[tilespmem:$0x1C600] =	vst v63  }
0x1a: {  	_ =	swait.ge [sflag:s18], $0x6400  }
0x1b: {  	[sflag:s18] =	ssyncset.done $0x0  }
0x1c: {  	[sflag:s18] =	ssyncadd.s32 $0xFFFF9C00  }
0x1d: {  	[spmem:s6] =	stream.linear.scatter [tilespmem:s17], [sflag:$0x2], $0x6400, $0x38;
	[tilespmem:$0x1C600] =	vst v63  }
0x1e: {  	_ =	swait.ge [sflag:s18], $0x6400  }
0x1f: {  	[sflag:s18] =	ssyncset.done $0x0  }
0x20: {  	[sflag:s18] =	ssyncadd.s32 $0xFFFF9C00  }
0x21: {  	[spmem:s7] =	stream.linear.scatter [tilespmem:s17], [sflag:$0x2], $0x6400, $0x38;
	[tilespmem:$0x1C600] =	vst v63  }
0x22: {  	_ =	swait.ge [sflag:s18], $0x6400  }
0x23: {  	[sflag:s18] =	ssyncset.done $0x0  }
0x24: {  	s25 =	simm.s32 @!p0 $0x2980;
	[sflag:s18] =	ssyncadd.s32 $0xFFFF9C00  }
0x25: {  	[spmem:s8] =	stream.linear.scatter @!p0 [tilespmem:s25], [sflag:$0x2], $0x6400, $0x38;
	[tilespmem:$0x1C600] =	vst v63  }
0x26: {  	s25 =	simm.s32 @!p0 $0x2  }
0x27: {  	_ =	swait.ge @!p0 [sflag:s25], $0x6400  }
0x28: {  	[sflag:s25] =	ssyncset.done @!p0 $0x0  }
0x29: {  	[sflag:s25] =	ssyncadd.s32 @!p0 $0xFFFF9C00  }
0x2a: {  	s29 =	sadd.s32 $0x0, s16;
	[bflag:$0x0] =	sbarrier.arrive $0xFFFF  }
0x2b: {  	[tilespmem:s3], [sflag:$0x2] =	stream.linear.gather [hbm4b:s29+s3], $0x50, $0x38;
	[tilespmem:$0x1C600] =	vst v63  }
0x2c: {  	_ =	swait.ge [sflag:s18], $0x50  }
0x2d: {  	[sflag:s18] =	ssyncset.done $0x0  }
0x2e: {  	s30 =	sadd.s32 $0x0, s15;
	[sflag:s18] =	ssyncadd.s32 $0xFFFFFFB0  }
0x2f: {  	[tilespmem:s19], [sflag:$0x2] =	stream.linear.gather [hbm4b:s30+s3], $0x50, $0x38;
	[tilespmem:$0x1C600] =	vst v63  }
0x30: {  	_ =	swait.ge [sflag:s18], $0x50  }
0x31: {  	[sflag:s18] =	ssyncset.done $0x0  }
0x32: {  	s31 =	sadd.s32 $0x0, s14;
	[sflag:s18] =	ssyncadd.s32 $0xFFFFFFB0  }
0x33: {  	[tilespmem:s20], [sflag:$0x2] =	stream.linear.gather [hbm4b:s31+s3], $0x50, $0x38;
	[tilespmem:$0x1C600] =	vst v63  }
0x34: {  	_ =	swait.ge [sflag:s18], $0x50  }
0x35: {  	[sflag:s18] =	ssyncset.done $0x0  }
0x36: {  	[sflag:s18] =	ssyncadd.s32 $0xFFFFFFB0  }
0x37: {  	[tilespmem:s22], [sflag:$0x1] =	stream.indirect.gather [hbm4b:s4+s21], $0x80, s3, s21, $0xb8;
	[tilespmem:$0x1C600] =	vst v63  }
0x38: {  	_ =	swait.ge [sflag:s23], $0x2800  }
0x39: {  	[sflag:s23] =	ssyncset.done $0x0  }
0x3a: {  	[sflag:s23] =	ssyncadd.s32 $0xFFFFD800  }
0x3b: {  	[spmem:s2] =	stream.indirect.scatter.add.f32 [tilespmem:s22], [sflag:$0x2], $0x80, s19, s21, $0xb8;
	[tilespmem:$0x1C600] =	vst v63  }
0x3c: {  	_ =	swait.ge [sflag:s18], $0x2800  }
0x3d: {  	s26 =	simm.s32 $0x14;
	s25 =	simm.s32 $0xA;
	[sflag:s18] =	ssyncset.done $0x0  }
.LBB2_2:
0x3e: {  	s28 =	sadd.s32 s25, s16  }
0x3f: {  	[sflag:s18] =	ssyncadd.s32 $0xFFFFD800;
	s29 =	smov.u32 s26;
	s30 =	sadd.s32 $0xA, s26  }
0x40: {  	[tilespmem:s3], [sflag:$0x2] =	stream.linear.gather [hbm4b:s28+s3], $0x50, $0x38;
	[tilespmem:$0x1C600] =	vst v63  }
0x41: {  	p1 =	sne.s32 s26, $0x4D8;
	_ =	swait.ge [sflag:s18], $0x50  }
0x42: {  	[sflag:s18] =	ssyncset.done $0x0  }
0x43: {  	s26 =	sadd.s32 s25, s15;
	[sflag:s18] =	ssyncadd.s32 $0xFFFFFFB0  }
0x44: {  	[tilespmem:s19], [sflag:$0x2] =	stream.linear.gather [hbm4b:s26+s3], $0x50, $0x38;
	[tilespmem:$0x1C600] =	vst v63  }
0x45: {  	_ =	swait.ge [sflag:s18], $0x50  }
0x46: {  	[sflag:s18] =	ssyncset.done $0x0  }
0x47: {  	s26 =	sadd.s32 s25, s14;
	s25 =	smov.u32 s29;
	[sflag:s18] =	ssyncadd.s32 $0xFFFFFFB0  }
0x48: {  	[tilespmem:s20], [sflag:$0x2] =	stream.linear.gather [hbm4b:s26+s3], $0x50, $0x38;
	[tilespmem:$0x1C600] =	vst v63  }
0x49: {  	_ =	swait.ge [sflag:s18], $0x50  }
0x4a: {  	[sflag:s18] =	ssyncset.done $0x0  }
0x4b: {  	[sflag:s18] =	ssyncadd.s32 $0xFFFFFFB0  }
0x4c: {  	[tilespmem:s22], [sflag:$0x1] =	stream.indirect.gather [hbm4b:s4+s21], $0x80, s3, s21, $0xb8;
	[tilespmem:$0x1C600] =	vst v63  }
0x4d: {  	_ =	swait.ge [sflag:s23], $0x2800  }
.Ltmp0:
0x4e: {  	[sflag:s23] =	ssyncset.done $0x0;
	(pc) =	sbr.rel @p1 .LBB2_2-.Ltmp0, $4  }
0x4f: {  	[sflag:s23] =	ssyncadd.s32 $0xFFFFD800  }
0x50: {  	[spmem:s2] =	stream.indirect.scatter.add.f32 [tilespmem:s22], [sflag:$0x2], $0x80, s19, s21, $0xb8;
	[tilespmem:$0x1C600] =	vst v63  }
0x51: {  	_ =	swait.ge [sflag:s18], $0x2800  }
0x52: {  	s26 =	smov.u32 s30;
	[sflag:s18] =	ssyncset.done $0x0  }
0x53: {  	s26 =	sadd.s32 s25, s16;
	[sflag:s18] =	ssyncadd.s32 $0xFFFFD800  }
0x54: {  	[tilespmem:s3], [sflag:$0x2] =	stream.linear.gather [hbm4b:s26+s3], $0x50, $0x38;
	[tilespmem:$0x1C600] =	vst v63  }
0x55: {  	_ =	swait.ge [sflag:s18], $0x50  }
0x56: {  	[sflag:s18] =	ssyncset.done $0x0  }
0x57: {  	s31 =	sadd.s32 s25, s15;
	[sflag:s18] =	ssyncadd.s32 $0xFFFFFFB0  }
0x58: {  	[tilespmem:s19], [sflag:$0x2] =	stream.linear.gather [hbm4b:s31+s3], $0x50, $0x38;
	[tilespmem:$0x1C600] =	vst v63  }
0x59: {  	_ =	swait.ge [sflag:s18], $0x50  }
0x5a: {  	[sflag:s18] =	ssyncset.done $0x0  }
0x5b: {  	s26 =	sadd.s32 s25, s14;
	[sflag:s18] =	ssyncadd.s32 $0xFFFFFFB0  }
0x5c: {  	[tilespmem:s20], [sflag:$0x2] =	stream.linear.gather [hbm4b:s26+s3], $0x50, $0x38;
	[tilespmem:$0x1C600] =	vst v63  }
0x5d: {  	_ =	swait.ge [sflag:s18], $0x50  }
0x5e: {  	[sflag:s18] =	ssyncset.done $0x0  }
0x5f: {  	[sflag:s18] =	ssyncadd.s32 $0xFFFFFFB0  }
0x60: {  	[tilespmem:s22], [sflag:$0x1] =	stream.indirect.gather [hbm4b:s4+s21], $0x80, s3, s21, $0xb8;
	[tilespmem:$0x1C600] =	vst v63  }
0x61: {  	_ =	swait.ge [sflag:s23], $0x2800  }
0x62: {  	[sflag:s23] =	ssyncset.done $0x0  }
0x63: {  	[sflag:s23] =	ssyncadd.s32 $0xFFFFD800  }
0x64: {  	[spmem:s2] =	stream.indirect.scatter.add.f32 [tilespmem:s22], [sflag:$0x2], $0x80, s19, s21, $0xb8;
	[tilespmem:$0x1C600] =	vst v63  }
0x65: {  	_ =	swait.ge [sflag:s18], $0x2800  }
0x66: {  	[sflag:s18] =	ssyncset.done $0x0  }
0x67: {  	s28 =	sshll.u32 s0, $0x6;
	[sflag:s18] =	ssyncadd.s32 $0xFFFFD800  }
0x68: {  	s29 =	sshrl.u32 s5, $0x3;
	s25 =	sor.u32 $0x1C02, s28;
	[bflag:$0x0] =	sbarrier.arrive $0xFFFF  }
0x69: {  	[hbm:s9], [sflag:s25] =	dma.local [spmem:s29], $0xC80  }
0x6a: {  	_ =	swait.ge [sflag:s18], $0xC80  }
0x6b: {  	[sflag:s18] =	ssyncset.done $0x0  }
0x6c: {  	s30 =	sshrl.u32 s6, $0x3;
	[sflag:s18] =	ssyncadd.s32 $0xFFFFF380  }
0x6d: {  	[hbm:s10], [sflag:s25] =	dma.local [spmem:s30], $0xC80  }
0x6e: {  	_ =	swait.ge [sflag:s18], $0xC80  }
0x6f: {  	[sflag:s18] =	ssyncset.done $0x0  }
0x70: {  	s31 =	sshrl.u32 s7, $0x3;
	[sflag:s18] =	ssyncadd.s32 $0xFFFFF380  }
0x71: {  	[hbm:s11], [sflag:s25] =	dma.local [spmem:s31], $0xC80  }
0x72: {  	_ =	swait.ge [sflag:s18], $0xC80  }
0x73: {  	s24 =	sadd.s32 $0x1, s24;
	[sflag:s18] =	ssyncset.done $0x0  }
0x74: {  	p1 =	sne.s32 s24, s13;
	s26 =	sshrl.u32 @!p0 s8, $0x3;
	[sflag:s18] =	ssyncadd.s32 $0xFFFFF380  }
0x75: {  	[hbm:s12], [sflag:s25] =	dma.local @!p0 [spmem:s26], $0xC80  }
.Ltmp1:
0x76: {  	_ = 	snop;
	(pc) =	sbr.rel @p1 .LBB2_1-.Ltmp1, $4  }
0x77: {  	s25 =	simm.s32 @!p0 $0x2  }
0x78: {  	_ =	swait.ge @!p0 [sflag:s25], $0xC80  }
0x79: {  	[sflag:s25] =	ssyncset.done @!p0 $0x0  }
0x7a: {  	[sflag:s25] =	ssyncadd.s32 @!p0 $0xFFFFF380  }
0x7b: {  	_ =	sfence.sel $0x180000  }
0x7c: {  	[bflag:$0x0] =	sbarrier.arrive $0xFFFF  }
0x7d: {  	p0 =	sne.s32 s0, $0x0;
	_ =	strace $0x90000050  }
0x7e: {  	s0 =	sadd.s32 @!p0 $0x100000, s1;
	[bflag:$0x2] =	sbarrier.arrive $0xFFFF  }
0x7f: {  	[sflag:s0] =	ssyncadd.tile.s32 @!p0 $0x1;
	_ =	shalt  }
.Lfunc_end2:
_tile_overlayer_lowered:
.L_overlay_start_2:
0x80: {  	(tag) =	ssettag $0x2  }
0x81: {  	s0 =	rddreg [dreg:$0x0];
	s2 =	stileid.u32  }
0x82: {  	s1 =	rddreg [dreg:$0x1];
	p0 =	sne.s32 s2, $0x0  }
0x83: {  	s3 =	rddreg [dreg:$0x2];
	[bflag:$0x3] =	sbarrier.arrive $0xFFFF;
	s2 =	simm.s32 @!p0 $0x1C02  }
0x84: {  	[timem:s3], [sflag:s2] =	dma.local @!p0 [hbm:s0], s1  }
0x85: {  	s0 =	simm.s32 @!p0 $0x2  }
0x86: {  	_ =	swait.ge @!p0 [sflag:s0], s1  }
0x87: {  	s1 =	ssub.s32 @!p0 $0x0, s1;
	[sflag:s0] =	ssyncset.done @!p0 $0x0  }
0x88: {  	[sflag:s0] =	ssyncadd.s32 @!p0 s1  }
0x89: {  	[bflag:$0x3] =	sbarrier.arrive $0xFFFF  }
0x8a: {  	_ =	shalt  }

// kernel: kernel.34.cloned.1.call-start
scs
__scs_entry_jumppad:
0x0: {  	(pc) =	sbr.rel $0x88, $3  }
0x1: {  	(tag) =	ssettag $0x0;
	lr =	simm.s32 $0x1  }
0x2: {  	[smem:$0x3F87] =	sst lr;
	_ =	strace $0xD0000000  }
0x3: {  	_ = 	snop  }
0x4: {  	_ = 	snop  }
0x5: {  	_ = 	snop  }
0x6: {  	_ = 	snop  }
0x7: {  	_ = 	snop  }
__scs_overlays_trampoline_lowered:
0x8: {  	[smem:$0x3F96] =	sst s0  }
0x9: {  	[smem:$0x3F97] =	sst s1  }
0xa: {  	[smem:$0x3F98] =	sst s2  }
0xb: {  	[smem:$0x3F99] =	sst s3  }
0xc: {  	[smem:$0x3F9A] =	sst s4  }
0xd: {  	[smem:$0x3F9B] =	sst s5  }
0xe: {  	[smem:$0x3F9C] =	sst s6  }
0xf: {  	[smem:$0x3F9D] =	sst s7  }
0x10: {  	[smem:$0x3F9E] =	sst s8  }
0x11: {  	[smem:$0x3F9F] =	sst s9;
	s0 =	simm.s32 @!p0 $0x0  }
0x12: {  	s1 =	sld [smem:$0x3F85];
	s0 =	simm.s32 @p0 $0x1  }
0x13: {  	[smem:$0x3FA0] =	sst s0;
	s0 =	simm.s32 @!p1 $0x0  }
0x14: {  	s2 =	sld [smem:$0x3F84];
	s0 =	simm.s32 @p1 $0x1  }
0x15: {  	[smem:$0x3FA1] =	sst s0;
	s0 =	simm.s32 @!p2 $0x0  }
0x16: {  	s3 =	sld [smem:$0x3FDB];
	s0 =	simm.s32 @p2 $0x1  }
0x17: {  	s4 =	simm.s32 $0x1BF5;
	[smem:$0x3FA3] =	sst s0  }
0x18: {  	s0 =	sld [smem:$0x3F86];
	_ =	swait.ge [sflag:s4], $0x0  }
0x19: {  	s7 =	sld [smem:$0x3F87]  }
0x1a: {  	s8 =	sadd.s32 $0xFFFFE003, lr  }
0x1b: {  	s9 =	sadd.s32 $0xFFFFFEF7, lr;
	s5 =	simm.s32 $0xFFFFFFFF;
	p2 =	slt.u32 s8, $0xFFFFF086  }
0x1c: {  	p1 =	slt.u32 s9, $0xF7A;
	s5 =	simm.s32 @!p2 $0x0  }
0x1d: {  	s5 =	simm.s32 @p1 $0x1;
	p0 =	seq.s32 s7, s2  }
0x1e: {  	s7 =	smul.u32 @!p0 $0xF7A, s2;
	p2 =	seq.s32 @!p0 s5, $0x0  }
0x1f: {  	s9 =	smul.u32 $0xF7A, s1;
	s8 =	simm.s32 @!p0 $0x1BF5;
	p2 =	por !p2, p0  }
0x20: {  	[sflag:s8] =	ssyncset.s32 @!p0 $0xFFFFF086;
	s6 =	sadd.s32 @!p0 s3, s7;
	s7 =	simm.s32 @!p0 $0x108  }
0x21: {  	s3 =	sadd.s32 s3, s9;
	s6 =	sadd.s32 @!p0 $0x88, s6;
	s7 =	simm.s32 @p2 $0x1082  }
0x22: {  	[simem:s7], [sflag:s8] =	dma.local @!p0 [hbm:s6], $0xF7A  }
0x23: {  	s9 =	sor.u32 $0xD0000000, s2;
	s6 =	simm.s32 $0x108;
	_ =	swait.ge @!p0 [sflag:s8], $0x0  }
0x24: {  	s3 =	sadd.s32 $0x88, s3;
	s6 =	simm.s32 @!p1 $0x1082;
	[sflag:s4] =	ssyncset.s32 $0xFFFFF086  }
0x25: {  	[simem:s6], [sflag:s4] =	dma.local [hbm:s3], $0xF7A  }
0x26: {  	[smem:$0x3F87] =	sst s1;
	(tag) =	ssettag s2;
	_ =	strace s9  }
0x27: {  	s1 =	sld [smem:$0x3F97]  }
0x28: {  	s2 =	sld [smem:$0x3F98]  }
0x29: {  	s4 =	sld [smem:$0x3F9A]  }
0x2a: {  	p0 =	seq.s32 s5, $0x0;
	s5 =	sld [smem:$0x3F9B]  }
0x2b: {  	s6 =	sld [smem:$0x3F9C]  }
0x2c: {  	s7 =	sld [smem:$0x3F9D]  }
0x2d: {  	s3 =	simm.s32 $0x108;
	s8 =	sld [smem:$0x3F9E]  }
0x2e: {  	s3 =	simm.s32 @!p0 $0x1082;
	s9 =	sld [smem:$0x3F9F]  }
0x2f: {  	lr =	sadd.s32 s0, s3;
	s0 =	sld [smem:$0x3F96]  }
0x30: {  	s3 =	sld [smem:$0x3F99]  }
0x31: {  	[smem:$0x3FA2] =	sst s10  }
0x32: {  	s10 =	sld [smem:$0x3FA0];
	_ =	sdelay $0x3  }
0x33: {  	p0 =	seq.s32 s10, $0x1;
	s10 =	sld [smem:$0x3FA2];
	_ =	sdelay $0x3  }
0x34: {  	[smem:$0x3FA2] =	sst s10  }
0x35: {  	s10 =	sld [smem:$0x3FA1];
	_ =	sdelay $0x3  }
0x36: {  	p1 =	seq.s32 s10, $0x1;
	s10 =	sld [smem:$0x3FA2];
	_ =	sdelay $0x3  }
0x37: {  	[smem:$0x3FA2] =	sst s10  }
0x38: {  	s10 =	sld [smem:$0x3FA3]  }
0x39: {  	_ = 	snop;
	(pc) =	sbr.ind lr, $3  }
0x3a: {  	_ = 	snop  }
0x3b: {  	_ = 	snop  }
0x3c: {  	p2 =	seq.s32 s10, $0x1;
	s10 =	sld [smem:$0x3FA2]  }
0x3d: {  	_ =	shalt  }
0x3e: {  	_ =	shalt  }
0x3f: {  	_ =	shalt  }
0x40: {  	_ =	shalt  }
0x41: {  	_ =	shalt  }
0x42: {  	_ =	shalt  }
0x43: {  	_ =	shalt  }
0x44: {  	_ =	shalt  }
0x45: {  	_ =	shalt  }
0x46: {  	_ =	shalt  }
0x47: {  	_ =	shalt  }
0x48: {  	_ =	shalt  }
0x49: {  	_ =	shalt  }
0x4a: {  	_ =	shalt  }
0x4b: {  	_ =	shalt  }
0x4c: {  	_ =	shalt  }
0x4d: {  	_ =	shalt  }
0x4e: {  	_ =	shalt  }
0x4f: {  	_ =	shalt  }
0x50: {  	_ =	shalt  }
0x51: {  	_ =	shalt  }
0x52: {  	_ =	shalt  }
0x53: {  	_ =	shalt  }
0x54: {  	_ =	shalt  }
0x55: {  	_ =	shalt  }
0x56: {  	_ =	shalt  }
0x57: {  	_ =	shalt  }
0x58: {  	_ =	shalt  }
0x59: {  	_ =	shalt  }
0x5a: {  	_ =	shalt  }
0x5b: {  	_ =	shalt  }
0x5c: {  	_ =	shalt  }
0x5d: {  	_ =	shalt  }
0x5e: {  	_ =	shalt  }
0x5f: {  	_ =	shalt  }
0x60: {  	_ =	shalt  }
0x61: {  	_ =	shalt  }
0x62: {  	_ =	shalt  }
0x63: {  	_ =	shalt  }
0x64: {  	_ =	shalt  }
0x65: {  	_ =	shalt  }
0x66: {  	_ =	shalt  }
0x67: {  	_ =	shalt  }
0x68: {  	_ =	shalt  }
0x69: {  	_ =	shalt  }
0x6a: {  	_ =	shalt  }
0x6b: {  	_ =	shalt  }
0x6c: {  	_ =	shalt  }
0x6d: {  	_ =	shalt  }
0x6e: {  	_ =	shalt  }
0x6f: {  	_ =	shalt  }
0x70: {  	_ =	shalt  }
0x71: {  	_ =	shalt  }
0x72: {  	_ =	shalt  }
0x73: {  	_ =	shalt  }
0x74: {  	_ =	shalt  }
0x75: {  	_ =	shalt  }
0x76: {  	_ =	shalt  }
0x77: {  	_ =	shalt  }
0x78: {  	_ =	shalt  }
0x79: {  	_ =	shalt  }
0x7a: {  	_ =	shalt  }
0x7b: {  	_ =	shalt  }
0x7c: {  	_ =	shalt  }
0x7d: {  	_ =	shalt  }
0x7e: {  	_ =	shalt  }
0x7f: {  	_ =	shalt  }
0x80: {  	_ =	shalt  }
0x81: {  	_ =	shalt  }
0x82: {  	_ =	shalt  }
0x83: {  	_ =	shalt  }
0x84: {  	_ =	shalt  }
0x85: {  	_ =	shalt  }
0x86: {  	_ =	shalt  }
0x87: {  	_ =	shalt  }
.Lfunc_end0:
.L_simem_size_0:
called_computation.4_lowered:
.L_overlay_start_0:
0x88: {  	s2 =	sld [smem:$0x3FD9]  }
0x89: {  	s3 =	sld [smem:$0x3FFE];
	_ =	sdelay $0x1  }
0x8a: {  	s1 =	srdreg.scid  }
0x8b: {  	s0 =	sand.u32 $0x1, s1  }
0x8c: {  	s16 =	sshll.u32 s0, $0xA;
	s2 =	sadd.s32 s3, s2  }
0x8d: {  	s2 =	sadd.s32 s2, s16  }
0x8e: {  	[smem:$0x3FAE] =	sst s2  }
0x8f: {  	_ = 	snop  }
0x90: {  	(tm) =	ssettm $0x1  }
0x91: {  	s17 =	sld [smem:$0x3FFB];
	_ =	sdelay $0x3  }
0x92: {  	_ =	strace s17  }
0x93: {  	s2 =	sld [smem:$0x3FFC];
	_ =	sdelay $0x3  }
0x94: {  	_ =	strace s2  }
0x95: {  	s2 =	sld [smem:$0x3FFD];
	_ =	sdelay $0x3  }
0x96: {  	_ =	strace s2  }
0x97: {  	_ =	strace $0x8FFFFFFF  }
0x98: {  	s18 =	sld [smem:$0x3FDB];
	_ =	sdelay $0x1  }
0x99: {  	s19 =	simm.s32 $_scs_section_size  }
0x9a: {  	s4 =	simm.s32 $_size__tile_overlayer_lowered;
	s5 =	simm.s32 $_tile_overlayer_lowered  }
0x9b: {  	s22 =	simm.s32 $0x1BFF;
	s21 =	sshll.u32 s5, $0x1;
	s2 =	sadd.s32 s19, s18  }
0x9c: {  	s6 =	simm.s32 $0x0;
	s20 =	sshll.u32 s4, $0x1;
	s4 =	sadd.s32 s21, s2  }
0x9d: {  	[timem:s6], [sflag:s22] =	dma.local [hbm:s4], s20  }
0x9e: {  	_ =	swait.ge [sflag:s22], s20  }
0x9f: {  	s3 =	ssub.s32 $0x0, s20;
	[sflag:s22] =	ssyncset.done $0x0  }
0xa0: {  	[sflag:s22] =	ssyncadd.s32 s3;
	_ =	sdelay $0x1  }
0xa1: {  	s23 =	simm.s32 $0x1B8B  }
0xa2: {  	_ =	swait.ge [sflag:s23], $0x1  }
0xa3: {  	[sflag:s23] =	ssyncset.done $0x0  }
0xa4: {  	s25 =	simm.s32 $0x1B8E;
	s24 =	sld [smem:$0x3FFE];
	[sflag:s23] =	ssyncadd.s32 $0xFFFFFFFF  }
0xa5: {  	s26 =	simm.s32 $execute0_lowered;
	[smem:$0x3FD2] =	sst s25  }
0xa6: {  	s4 =	sshll.u32 s26, $0x1;
	_ =	strace $0x80000052;
	[dreg:$0x1] =	wrdreg $0xFFFFFFFF  }
0xa7: {  	s28 =	simm.s32 $_size_execute0_lowered;
	s2 =	sadd.s32 s2, s4;
	[dreg:$0x0] =	wrdreg $0x0  }
0xa8: {  	s4 =	sshll.u32 s28, $0x1;
	[dreg:$0x2] =	wrdreg s2  }
0xa9: {  	[dreg:$0x3] =	wrdreg s4  }
0xaa: {  	[dreg:$0x4] =	wrdreg $0xC0  }
0xab: {  	_ =	task [dreg:s6], $0x5FFFF  }
0xac: {  	[dreg:$0x1] =	wrdreg $0xFFFFFFFF  }
0xad: {  	[dreg:$0x0] =	wrdreg $0x60  }
0xae: {  	[dreg:$0x2] =	wrdreg s24  }
0xaf: {  	[dreg:$0x3] =	wrdreg $0x8D800  }
0xb0: {  	[dreg:$0x4] =	wrdreg $0x9  }
0xb1: {  	_ =	task.clear_ibuf [dreg:s6], $0x5FFFF;
	_ =	strace $0x90000052  }
0xb2: {  	s29 =	simm.s32 $0x9;
	_ =	strace $0x80000054  }
0xb3: {  	_ =	swait.ge [sflag:s29], $0x1  }
0xb4: {  	[sflag:s29] =	ssyncadd.s32 $0xFFFFFFFF  }
0xb5: {  	_ =	strace $0x90000054  }
0xb6: {  	_ =	sfence  }
0xb7: {  	s30 =	sld [smem:$0x0];
	_ =	sdelay $0x2  }
0xb8: {  	s31 =	sshll.u32 s1, $0xD;
	s1 =	sshrl.u32 s1, $0x2  }
0xb9: {  	s3 =	sand.u32 $0x4000, s31;
	s1 =	sadd.s32 s1, s30  }
0xba: {  	s0 =	sor.u32 s3, s0;
	s1 =	sshll.u32 s1, $0x11  }
0xbb: {  	s0 =	sor.u32 s1, s0  }
0xbc: {  	s0 =	sadd.s32 $0x8F2B, s0  }
0xbd: {  	[sflag:s0] =	ssyncadd.remote.s32 $0x1  }
0xbe: {  	_ =	sfence.sel $0xFFFF  }
0xbf: {  	[dreg:$0x0] =	wrdreg $0xFFFFFFFF;
	(pc) =	sbr.abs _section_cstart, $3  }
0xc0: {  	[dreg:$0x1] =	wrdreg $0xFFFFFFFF  }
0xc1: {  	_ =	task.clear_ibuf [dreg:s6], $0x2FFFF;
	_ =	strace $0x9FFFFFFF  }
0xc2: {  	(tm) =	ssettm $0x7FFFFFFF  }
0xc3: {  	_ =	shalt  }
tec
execute0_lowered:
.L_overlay_start_1:
0x0: {  	(tag) =	ssettag $0x1  }
0x1: {  	s0 =	stileid.u32  }
0x2: {  	s7 =	smul.u32 $0x4E20, s0  }
0x3: {  	s1 =	srdreg.scid;
	s18 =	smul.u32 $0x19000, s0  }
0x4: {  	s6 =	sand.u32 $0x1, s1;
	s24 =	smul.u32 $0x6400, s0  }
0x5: {  	s9 =	sor.u32 $0x10, s0;
	s8 =	smul.u32 $0x2710, s6  }
0x6: {  	s5 =	rddreg [dreg:$0x0];
	s10 =	sor.u32 $0x20, s0;
	s19 =	smul.u32 $0x19000, s9  }
0x7: {  	s2 =	rddreg [dreg:$0x1];
	s13 =	sor.u32 $0x30, s0;
	s12 =	smul.u32 $0x19000, s10  }
0x8: {  	s3 =	simm.s32 $0x0;
	s1 =	rddreg [dreg:$0x2];
	s15 =	smul.u32 $0x19000, s13  }
0x9: {  	[smem:$0x7FF] =	sst s3;
	s22 =	smul.u32 $0x138800, s6  }
0xa: {  	s4 =	sadd.s32 $0x4E800, s5;
	s14 =	sadd.s32 $0x75A00, s5;
	s26 =	smul.u32 $0x6400, s9  }
0xb: {  	p0 =	sgt.u32 s0, $0x1;
	s11 =	ssub.s32 $0x2, s6;
	s10 =	smul.u32 $0x6400, s10  }
0xc: {  	_ =	strace $0x80000053;
	s13 =	smul.u32 $0x6400, s13;
	s20 =	sshrl.u32 s11, $0x1  }
0xd: {  	s21 =	sshrl.u32 s18, $0x2;
	s18 =	simm.s32 $0x2;
	s7 =	sadd.s32 s8, s7  }
0xe: {  	s17 =	ssub.s32 s11, s20;
	s23 =	sshrl.u32 s19, $0x2;
	s25 =	sshrl.u32 s12, $0x2  }
0xf: {  	s8 =	sadd.s32 s24, s22;
	s28 =	sshrl.u32 s15, $0x2;
	s12 =	sadd.s32 s22, s26  }
0x10: {  	s30 =	sadd.s32 s22, s10;
	s11 =	sadd.s32 s22, s13;
	s19 =	simm.s32 $0x80  }
0x11: {  	s20 =	simm.s32 $0x100;
	s22 =	simm.s32 $0x180;
	s24 =	simm.s32 $0x0  }
0x12: {  	s7 =	sshrl.u32 s7, $0x3;
	s6 =	sadd.s32 s23, s2;
	s29 =	sshrl.u32 s8, $0x3  }
0x13: {  	s8 =	sadd.s32 s28, s2;
	s12 =	sshrl.u32 s12, $0x3;
	s31 =	sshrl.u32 s30, $0x3  }
0x14: {  	s13 =	sshrl.u32 s11, $0x3;
	s23 =	simm.s32 $0x1;
	s16 =	sadd.s32 s7, s5  }
0x15: {  	s5 =	sadd.s32 s21, s2;
	s7 =	sadd.s32 s25, s2;
	s9 =	sadd.s32 s14, s29  }
0x16: {  	s10 =	sadd.s32 s14, s12;
	s11 =	sadd.s32 s14, s31;
	s12 =	sadd.s32 s14, s13  }
0x17: {  	s13 =	smax.u32 s17, $0x1;
	s17 =	simm.s32 $0x2980;
	s21 =	simm.s32 $0x50  }
0x18: {  	s14 =	sadd.s32 $0x1D800, s16;
	s15 =	sadd.s32 $0x9600, s16;
	s16 =	sadd.s32 $0x13400, s16  }
.LBB2_1:
0x19: {  	[spmem:s5] =	stream.linear.scatter [tilespmem:s17], [sflag:$0x2], $0x6400, $0x38;
	[tilespmem:$0x1C600] =	vst v63  }
0x1a: {  	_ =	swait.ge [sflag:s18], $0x6400  }
0x1b: {  	[sflag:s18] =	ssyncset.done $0x0  }
0x1c: {  	[sflag:s18] =	ssyncadd.s32 $0xFFFF9C00  }
0x1d: {  	[spmem:s6] =	stream.linear.scatter [tilespmem:s17], [sflag:$0x2], $0x6400, $0x38;
	[tilespmem:$0x1C600] =	vst v63  }
0x1e: {  	_ =	swait.ge [sflag:s18], $0x6400  }
0x1f: {  	[sflag:s18] =	ssyncset.done $0x0  }
0x20: {  	[sflag:s18] =	ssyncadd.s32 $0xFFFF9C00  }
0x21: {  	[spmem:s7] =	stream.linear.scatter [tilespmem:s17], [sflag:$0x2], $0x6400, $0x38;
	[tilespmem:$0x1C600] =	vst v63  }
0x22: {  	_ =	swait.ge [sflag:s18], $0x6400  }
0x23: {  	[sflag:s18] =	ssyncset.done $0x0  }
0x24: {  	s25 =	simm.s32 @!p0 $0x2980;
	[sflag:s18] =	ssyncadd.s32 $0xFFFF9C00  }
0x25: {  	[spmem:s8] =	stream.linear.scatter @!p0 [tilespmem:s25], [sflag:$0x2], $0x6400, $0x38;
	[tilespmem:$0x1C600] =	vst v63  }
0x26: {  	s25 =	simm.s32 @!p0 $0x2  }
0x27: {  	_ =	swait.ge @!p0 [sflag:s25], $0x6400  }
0x28: {  	[sflag:s25] =	ssyncset.done @!p0 $0x0  }
0x29: {  	[sflag:s25] =	ssyncadd.s32 @!p0 $0xFFFF9C00  }
0x2a: {  	s29 =	sadd.s32 $0x0, s16;
	[bflag:$0x0] =	sbarrier.arrive $0xFFFF  }
0x2b: {  	[tilespmem:s3], [sflag:$0x2] =	stream.linear.gather [hbm4b:s29+s3], $0x50, $0x38;
	[tilespmem:$0x1C600] =	vst v63  }
0x2c: {  	_ =	swait.ge [sflag:s18], $0x50  }
0x2d: {  	[sflag:s18] =	ssyncset.done $0x0  }
0x2e: {  	s30 =	sadd.s32 $0x0, s15;
	[sflag:s18] =	ssyncadd.s32 $0xFFFFFFB0  }
0x2f: {  	[tilespmem:s19], [sflag:$0x2] =	stream.linear.gather [hbm4b:s30+s3], $0x50, $0x38;
	[tilespmem:$0x1C600] =	vst v63  }
0x30: {  	_ =	swait.ge [sflag:s18], $0x50  }
0x31: {  	[sflag:s18] =	ssyncset.done $0x0  }
0x32: {  	s31 =	sadd.s32 $0x0, s14;
	[sflag:s18] =	ssyncadd.s32 $0xFFFFFFB0  }
0x33: {  	[tilespmem:s20], [sflag:$0x2] =	stream.linear.gather [hbm4b:s31+s3], $0x50, $0x38;
	[tilespmem:$0x1C600] =	vst v63  }
0x34: {  	_ =	swait.ge [sflag:s18], $0x50  }
0x35: {  	[sflag:s18] =	ssyncset.done $0x0  }
0x36: {  	[sflag:s18] =	ssyncadd.s32 $0xFFFFFFB0  }
0x37: {  	[tilespmem:s22], [sflag:$0x1] =	stream.indirect.gather [hbm4b:s4+s21], $0x80, s3, s21, $0xb8;
	[tilespmem:$0x1C600] =	vst v63  }
0x38: {  	_ =	swait.ge [sflag:s23], $0x2800  }
0x39: {  	[sflag:s23] =	ssyncset.done $0x0  }
0x3a: {  	[sflag:s23] =	ssyncadd.s32 $0xFFFFD800  }
0x3b: {  	[spmem:s2] =	stream.indirect.scatter.add.f32 [tilespmem:s22], [sflag:$0x2], $0x80, s19, s21, $0xb8;
	[tilespmem:$0x1C600] =	vst v63  }
0x3c: {  	_ =	swait.ge [sflag:s18], $0x2800  }
0x3d: {  	s26 =	simm.s32 $0x14;
	s25 =	simm.s32 $0xA;
	[sflag:s18] =	ssyncset.done $0x0  }
.LBB2_2:
0x3e: {  	s28 =	sadd.s32 s25, s16  }
0x3f: {  	[sflag:s18] =	ssyncadd.s32 $0xFFFFD800;
	s29 =	smov.u32 s26;
	s30 =	sadd.s32 $0xA, s26  }
0x40: {  	[tilespmem:s3], [sflag:$0x2] =	stream.linear.gather [hbm4b:s28+s3], $0x50, $0x38;
	[tilespmem:$0x1C600] =	vst v63  }
0x41: {  	p1 =	sne.s32 s26, $0x4D8;
	_ =	swait.ge [sflag:s18], $0x50  }
0x42: {  	[sflag:s18] =	ssyncset.done $0x0  }
0x43: {  	s26 =	sadd.s32 s25, s15;
	[sflag:s18] =	ssyncadd.s32 $0xFFFFFFB0  }
0x44: {  	[tilespmem:s19], [sflag:$0x2] =	stream.linear.gather [hbm4b:s26+s3], $0x50, $0x38;
	[tilespmem:$0x1C600] =	vst v63  }
0x45: {  	_ =	swait.ge [sflag:s18], $0x50  }
0x46: {  	[sflag:s18] =	ssyncset.done $0x0  }
0x47: {  	s26 =	sadd.s32 s25, s14;
	s25 =	smov.u32 s29;
	[sflag:s18] =	ssyncadd.s32 $0xFFFFFFB0  }
0x48: {  	[tilespmem:s20], [sflag:$0x2] =	stream.linear.gather [hbm4b:s26+s3], $0x50, $0x38;
	[tilespmem:$0x1C600] =	vst v63  }
0x49: {  	_ =	swait.ge [sflag:s18], $0x50  }
0x4a: {  	[sflag:s18] =	ssyncset.done $0x0  }
0x4b: {  	[sflag:s18] =	ssyncadd.s32 $0xFFFFFFB0  }
0x4c: {  	[tilespmem:s22], [sflag:$0x1] =	stream.indirect.gather [hbm4b:s4+s21], $0x80, s3, s21, $0xb8;
	[tilespmem:$0x1C600] =	vst v63  }
0x4d: {  	_ =	swait.ge [sflag:s23], $0x2800  }
.Ltmp0:
0x4e: {  	[sflag:s23] =	ssyncset.done $0x0;
	(pc) =	sbr.rel @p1 .LBB2_2-.Ltmp0, $4  }
0x4f: {  	[sflag:s23] =	ssyncadd.s32 $0xFFFFD800  }
0x50: {  	[spmem:s2] =	stream.indirect.scatter.add.f32 [tilespmem:s22], [sflag:$0x2], $0x80, s19, s21, $0xb8;
	[tilespmem:$0x1C600] =	vst v63  }
0x51: {  	_ =	swait.ge [sflag:s18], $0x2800  }
0x52: {  	s26 =	smov.u32 s30;
	[sflag:s18] =	ssyncset.done $0x0  }
0x53: {  	s26 =	sadd.s32 s25, s16;
	[sflag:s18] =	ssyncadd.s32 $0xFFFFD800  }
0x54: {  	[tilespmem:s3], [sflag:$0x2] =	stream.linear.gather [hbm4b:s26+s3], $0x50, $0x38;
	[tilespmem:$0x1C600] =	vst v63  }
0x55: {  	_ =	swait.ge [sflag:s18], $0x50  }
0x56: {  	[sflag:s18] =	ssyncset.done $0x0  }
0x57: {  	s31 =	sadd.s32 s25, s15;
	[sflag:s18] =	ssyncadd.s32 $0xFFFFFFB0  }
0x58: {  	[tilespmem:s19], [sflag:$0x2] =	stream.linear.gather [hbm4b:s31+s3], $0x50, $0x38;
	[tilespmem:$0x1C600] =	vst v63  }
0x59: {  	_ =	swait.ge [sflag:s18], $0x50  }
0x5a: {  	[sflag:s18] =	ssyncset.done $0x0  }
0x5b: {  	s26 =	sadd.s32 s25, s14;
	[sflag:s18] =	ssyncadd.s32 $0xFFFFFFB0  }
0x5c: {  	[tilespmem:s20], [sflag:$0x2] =	stream.linear.gather [hbm4b:s26+s3], $0x50, $0x38;
	[tilespmem:$0x1C600] =	vst v63  }
0x5d: {  	_ =	swait.ge [sflag:s18], $0x50  }
0x5e: {  	[sflag:s18] =	ssyncset.done $0x0  }
0x5f: {  	[sflag:s18] =	ssyncadd.s32 $0xFFFFFFB0  }
0x60: {  	[tilespmem:s22], [sflag:$0x1] =	stream.indirect.gather [hbm4b:s4+s21], $0x80, s3, s21, $0xb8;
	[tilespmem:$0x1C600] =	vst v63  }
0x61: {  	_ =	swait.ge [sflag:s23], $0x2800  }
0x62: {  	[sflag:s23] =	ssyncset.done $0x0  }
0x63: {  	[sflag:s23] =	ssyncadd.s32 $0xFFFFD800  }
0x64: {  	[spmem:s2] =	stream.indirect.scatter.add.f32 [tilespmem:s22], [sflag:$0x2], $0x80, s19, s21, $0xb8;
	[tilespmem:$0x1C600] =	vst v63  }
0x65: {  	_ =	swait.ge [sflag:s18], $0x2800  }
0x66: {  	[sflag:s18] =	ssyncset.done $0x0  }
0x67: {  	s28 =	sshll.u32 s0, $0x6;
	[sflag:s18] =	ssyncadd.s32 $0xFFFFD800  }
0x68: {  	s29 =	sshrl.u32 s5, $0x3;
	s25 =	sor.u32 $0x1C02, s28;
	[bflag:$0x0] =	sbarrier.arrive $0xFFFF  }
0x69: {  	[hbm:s9], [sflag:s25] =	dma.local [spmem:s29], $0xC80  }
0x6a: {  	_ =	swait.ge [sflag:s18], $0xC80  }
0x6b: {  	[sflag:s18] =	ssyncset.done $0x0  }
0x6c: {  	s30 =	sshrl.u32 s6, $0x3;
	[sflag:s18] =	ssyncadd.s32 $0xFFFFF380  }
0x6d: {  	[hbm:s10], [sflag:s25] =	dma.local [spmem:s30], $0xC80  }
0x6e: {  	_ =	swait.ge [sflag:s18], $0xC80  }
0x6f: {  	[sflag:s18] =	ssyncset.done $0x0  }
0x70: {  	s31 =	sshrl.u32 s7, $0x3;
	[sflag:s18] =	ssyncadd.s32 $0xFFFFF380  }
0x71: {  	[hbm:s11], [sflag:s25] =	dma.local [spmem:s31], $0xC80  }
0x72: {  	_ =	swait.ge [sflag:s18], $0xC80  }
0x73: {  	s24 =	sadd.s32 $0x1, s24;
	[sflag:s18] =	ssyncset.done $0x0  }
0x74: {  	p1 =	sne.s32 s24, s13;
	s26 =	sshrl.u32 @!p0 s8, $0x3;
	[sflag:s18] =	ssyncadd.s32 $0xFFFFF380  }
0x75: {  	[hbm:s12], [sflag:s25] =	dma.local @!p0 [spmem:s26], $0xC80  }
.Ltmp1:
0x76: {  	_ = 	snop;
	(pc) =	sbr.rel @p1 .LBB2_1-.Ltmp1, $4  }
0x77: {  	s25 =	simm.s32 @!p0 $0x2  }
0x78: {  	_ =	swait.ge @!p0 [sflag:s25], $0xC80  }
0x79: {  	[sflag:s25] =	ssyncset.done @!p0 $0x0  }
0x7a: {  	[sflag:s25] =	ssyncadd.s32 @!p0 $0xFFFFF380  }
0x7b: {  	_ =	sfence.sel $0x180000  }
0x7c: {  	[bflag:$0x0] =	sbarrier.arrive $0xFFFF  }
0x7d: {  	p0 =	sne.s32 s0, $0x0;
	_ =	strace $0x90000053  }
0x7e: {  	s0 =	sadd.s32 @!p0 $0x100000, s1;
	[bflag:$0x2] =	sbarrier.arrive $0xFFFF  }
0x7f: {  	[sflag:s0] =	ssyncadd.tile.s32 @!p0 $0x1;
	_ =	shalt  }
.Lfunc_end2:
_tile_overlayer_lowered:
.L_overlay_start_2:
0x80: {  	(tag) =	ssettag $0x2  }
0x81: {  	s0 =	rddreg [dreg:$0x0];
	s2 =	stileid.u32  }
0x82: {  	s1 =	rddreg [dreg:$0x1];
	p0 =	sne.s32 s2, $0x0  }
0x83: {  	s3 =	rddreg [dreg:$0x2];
	[bflag:$0x3] =	sbarrier.arrive $0xFFFF;
	s2 =	simm.s32 @!p0 $0x1C02  }
0x84: {  	[timem:s3], [sflag:s2] =	dma.local @!p0 [hbm:s0], s1  }
0x85: {  	s0 =	simm.s32 @!p0 $0x2  }
0x86: {  	_ =	swait.ge @!p0 [sflag:s0], s1  }
0x87: {  	s1 =	ssub.s32 @!p0 $0x0, s1;
	[sflag:s0] =	ssyncset.done @!p0 $0x0  }
0x88: {  	[sflag:s0] =	ssyncadd.s32 @!p0 s1  }
0x89: {  	[bflag:$0x3] =	sbarrier.arrive $0xFFFF  }
0x8a: {  	_ =	shalt  }

// kernel: kernel.37.cloned.1.call-start
scs
__scs_entry_jumppad:
0x0: {  	(pc) =	sbr.rel $0x88, $3  }
0x1: {  	(tag) =	ssettag $0x0;
	lr =	simm.s32 $0x1  }
0x2: {  	[smem:$0x3F87] =	sst lr;
	_ =	strace $0xD0000000  }
0x3: {  	_ = 	snop  }
0x4: {  	_ = 	snop  }
0x5: {  	_ = 	snop  }
0x6: {  	_ = 	snop  }
0x7: {  	_ = 	snop  }
__scs_overlays_trampoline_lowered:
0x8: {  	[smem:$0x3F96] =	sst s0  }
0x9: {  	[smem:$0x3F97] =	sst s1  }
0xa: {  	[smem:$0x3F98] =	sst s2  }
0xb: {  	[smem:$0x3F99] =	sst s3  }
0xc: {  	[smem:$0x3F9A] =	sst s4  }
0xd: {  	[smem:$0x3F9B] =	sst s5  }
0xe: {  	[smem:$0x3F9C] =	sst s6  }
0xf: {  	[smem:$0x3F9D] =	sst s7  }
0x10: {  	[smem:$0x3F9E] =	sst s8  }
0x11: {  	[smem:$0x3F9F] =	sst s9;
	s0 =	simm.s32 @!p0 $0x0  }
0x12: {  	s1 =	sld [smem:$0x3F85];
	s0 =	simm.s32 @p0 $0x1  }
0x13: {  	[smem:$0x3FA0] =	sst s0;
	s0 =	simm.s32 @!p1 $0x0  }
0x14: {  	s2 =	sld [smem:$0x3F84];
	s0 =	simm.s32 @p1 $0x1  }
0x15: {  	[smem:$0x3FA1] =	sst s0;
	s0 =	simm.s32 @!p2 $0x0  }
0x16: {  	s3 =	sld [smem:$0x3FDB];
	s0 =	simm.s32 @p2 $0x1  }
0x17: {  	s4 =	simm.s32 $0x1BF5;
	[smem:$0x3FA3] =	sst s0  }
0x18: {  	s0 =	sld [smem:$0x3F86];
	_ =	swait.ge [sflag:s4], $0x0  }
0x19: {  	s7 =	sld [smem:$0x3F87]  }
0x1a: {  	s8 =	sadd.s32 $0xFFFFE003, lr  }
0x1b: {  	s9 =	sadd.s32 $0xFFFFFEF7, lr;
	s5 =	simm.s32 $0xFFFFFFFF;
	p2 =	slt.u32 s8, $0xFFFFF086  }
0x1c: {  	p1 =	slt.u32 s9, $0xF7A;
	s5 =	simm.s32 @!p2 $0x0  }
0x1d: {  	s5 =	simm.s32 @p1 $0x1;
	p0 =	seq.s32 s7, s2  }
0x1e: {  	s7 =	smul.u32 @!p0 $0xF7A, s2;
	p2 =	seq.s32 @!p0 s5, $0x0  }
0x1f: {  	s9 =	smul.u32 $0xF7A, s1;
	s8 =	simm.s32 @!p0 $0x1BF5;
	p2 =	por !p2, p0  }
0x20: {  	[sflag:s8] =	ssyncset.s32 @!p0 $0xFFFFF086;
	s6 =	sadd.s32 @!p0 s3, s7;
	s7 =	simm.s32 @!p0 $0x108  }
0x21: {  	s3 =	sadd.s32 s3, s9;
	s6 =	sadd.s32 @!p0 $0x88, s6;
	s7 =	simm.s32 @p2 $0x1082  }
0x22: {  	[simem:s7], [sflag:s8] =	dma.local @!p0 [hbm:s6], $0xF7A  }
0x23: {  	s9 =	sor.u32 $0xD0000000, s2;
	s6 =	simm.s32 $0x108;
	_ =	swait.ge @!p0 [sflag:s8], $0x0  }
0x24: {  	s3 =	sadd.s32 $0x88, s3;
	s6 =	simm.s32 @!p1 $0x1082;
	[sflag:s4] =	ssyncset.s32 $0xFFFFF086  }
0x25: {  	[simem:s6], [sflag:s4] =	dma.local [hbm:s3], $0xF7A  }
0x26: {  	[smem:$0x3F87] =	sst s1;
	(tag) =	ssettag s2;
	_ =	strace s9  }
0x27: {  	s1 =	sld [smem:$0x3F97]  }
0x28: {  	s2 =	sld [smem:$0x3F98]  }
0x29: {  	s4 =	sld [smem:$0x3F9A]  }
0x2a: {  	p0 =	seq.s32 s5, $0x0;
	s5 =	sld [smem:$0x3F9B]  }
0x2b: {  	s6 =	sld [smem:$0x3F9C]  }
0x2c: {  	s7 =	sld [smem:$0x3F9D]  }
0x2d: {  	s3 =	simm.s32 $0x108;
	s8 =	sld [smem:$0x3F9E]  }
0x2e: {  	s3 =	simm.s32 @!p0 $0x1082;
	s9 =	sld [smem:$0x3F9F]  }
0x2f: {  	lr =	sadd.s32 s0, s3;
	s0 =	sld [smem:$0x3F96]  }
0x30: {  	s3 =	sld [smem:$0x3F99]  }
0x31: {  	[smem:$0x3FA2] =	sst s10  }
0x32: {  	s10 =	sld [smem:$0x3FA0];
	_ =	sdelay $0x3  }
0x33: {  	p0 =	seq.s32 s10, $0x1;
	s10 =	sld [smem:$0x3FA2];
	_ =	sdelay $0x3  }
0x34: {  	[smem:$0x3FA2] =	sst s10  }
0x35: {  	s10 =	sld [smem:$0x3FA1];
	_ =	sdelay $0x3  }
0x36: {  	p1 =	seq.s32 s10, $0x1;
	s10 =	sld [smem:$0x3FA2];
	_ =	sdelay $0x3  }
0x37: {  	[smem:$0x3FA2] =	sst s10  }
0x38: {  	s10 =	sld [smem:$0x3FA3]  }
0x39: {  	_ = 	snop;
	(pc) =	sbr.ind lr, $3  }
0x3a: {  	_ = 	snop  }
0x3b: {  	_ = 	snop  }
0x3c: {  	p2 =	seq.s32 s10, $0x1;
	s10 =	sld [smem:$0x3FA2]  }
0x3d: {  	_ =	shalt  }
0x3e: {  	_ =	shalt  }
0x3f: {  	_ =	shalt  }
0x40: {  	_ =	shalt  }
0x41: {  	_ =	shalt  }
0x42: {  	_ =	shalt  }
0x43: {  	_ =	shalt  }
0x44: {  	_ =	shalt  }
0x45: {  	_ =	shalt  }
0x46: {  	_ =	shalt  }
0x47: {  	_ =	shalt  }
0x48: {  	_ =	shalt  }
0x49: {  	_ =	shalt  }
0x4a: {  	_ =	shalt  }
0x4b: {  	_ =	shalt  }
0x4c: {  	_ =	shalt  }
0x4d: {  	_ =	shalt  }
0x4e: {  	_ =	shalt  }
0x4f: {  	_ =	shalt  }
0x50: {  	_ =	shalt  }
0x51: {  	_ =	shalt  }
0x52: {  	_ =	shalt  }
0x53: {  	_ =	shalt  }
0x54: {  	_ =	shalt  }
0x55: {  	_ =	shalt  }
0x56: {  	_ =	shalt  }
0x57: {  	_ =	shalt  }
0x58: {  	_ =	shalt  }
0x59: {  	_ =	shalt  }
0x5a: {  	_ =	shalt  }
0x5b: {  	_ =	shalt  }
0x5c: {  	_ =	shalt  }
0x5d: {  	_ =	shalt  }
0x5e: {  	_ =	shalt  }
0x5f: {  	_ =	shalt  }
0x60: {  	_ =	shalt  }
0x61: {  	_ =	shalt  }
0x62: {  	_ =	shalt  }
0x63: {  	_ =	shalt  }
0x64: {  	_ =	shalt  }
0x65: {  	_ =	shalt  }
0x66: {  	_ =	shalt  }
0x67: {  	_ =	shalt  }
0x68: {  	_ =	shalt  }
0x69: {  	_ =	shalt  }
0x6a: {  	_ =	shalt  }
0x6b: {  	_ =	shalt  }
0x6c: {  	_ =	shalt  }
0x6d: {  	_ =	shalt  }
0x6e: {  	_ =	shalt  }
0x6f: {  	_ =	shalt  }
0x70: {  	_ =	shalt  }
0x71: {  	_ =	shalt  }
0x72: {  	_ =	shalt  }
0x73: {  	_ =	shalt  }
0x74: {  	_ =	shalt  }
0x75: {  	_ =	shalt  }
0x76: {  	_ =	shalt  }
0x77: {  	_ =	shalt  }
0x78: {  	_ =	shalt  }
0x79: {  	_ =	shalt  }
0x7a: {  	_ =	shalt  }
0x7b: {  	_ =	shalt  }
0x7c: {  	_ =	shalt  }
0x7d: {  	_ =	shalt  }
0x7e: {  	_ =	shalt  }
0x7f: {  	_ =	shalt  }
0x80: {  	_ =	shalt  }
0x81: {  	_ =	shalt  }
0x82: {  	_ =	shalt  }
0x83: {  	_ =	shalt  }
0x84: {  	_ =	shalt  }
0x85: {  	_ =	shalt  }
0x86: {  	_ =	shalt  }
0x87: {  	_ =	shalt  }
.Lfunc_end0:
.L_simem_size_0:
called_computation.5_lowered:
.L_overlay_start_0:
0x88: {  	s2 =	sld [smem:$0x3FD9]  }
0x89: {  	s3 =	sld [smem:$0x3FFE];
	_ =	sdelay $0x1  }
0x8a: {  	s1 =	srdreg.scid  }
0x8b: {  	s0 =	sand.u32 $0x1, s1  }
0x8c: {  	s16 =	sshll.u32 s0, $0xA;
	s2 =	sadd.s32 s3, s2  }
0x8d: {  	s2 =	sadd.s32 s2, s16  }
0x8e: {  	[smem:$0x3FAE] =	sst s2  }
0x8f: {  	_ = 	snop  }
0x90: {  	(tm) =	ssettm $0x1  }
0x91: {  	s17 =	sld [smem:$0x3FFB];
	_ =	sdelay $0x3  }
0x92: {  	_ =	strace s17  }
0x93: {  	s2 =	sld [smem:$0x3FFC];
	_ =	sdelay $0x3  }
0x94: {  	_ =	strace s2  }
0x95: {  	s2 =	sld [smem:$0x3FFD];
	_ =	sdelay $0x3  }
0x96: {  	_ =	strace s2  }
0x97: {  	_ =	strace $0x8FFFFFFF  }
0x98: {  	s18 =	sld [smem:$0x3FDB];
	_ =	sdelay $0x1  }
0x99: {  	s19 =	simm.s32 $_scs_section_size  }
0x9a: {  	s4 =	simm.s32 $_size__tile_overlayer_lowered;
	s5 =	simm.s32 $_tile_overlayer_lowered  }
0x9b: {  	s22 =	simm.s32 $0x1BFF;
	s21 =	sshll.u32 s5, $0x1;
	s2 =	sadd.s32 s19, s18  }
0x9c: {  	s6 =	simm.s32 $0x0;
	s20 =	sshll.u32 s4, $0x1;
	s4 =	sadd.s32 s21, s2  }
0x9d: {  	[timem:s6], [sflag:s22] =	dma.local [hbm:s4], s20  }
0x9e: {  	_ =	swait.ge [sflag:s22], s20  }
0x9f: {  	s3 =	ssub.s32 $0x0, s20;
	[sflag:s22] =	ssyncset.done $0x0  }
0xa0: {  	[sflag:s22] =	ssyncadd.s32 s3;
	_ =	sdelay $0x1  }
0xa1: {  	s23 =	simm.s32 $0x1B8B  }
0xa2: {  	_ =	swait.ge [sflag:s23], $0x1  }
0xa3: {  	[sflag:s23] =	ssyncset.done $0x0  }
0xa4: {  	s25 =	simm.s32 $0x1B8E;
	s24 =	sld [smem:$0x3FFE];
	[sflag:s23] =	ssyncadd.s32 $0xFFFFFFFF  }
0xa5: {  	s26 =	simm.s32 $execute0_lowered;
	[smem:$0x3FD2] =	sst s25  }
0xa6: {  	s4 =	sshll.u32 s26, $0x1;
	_ =	strace $0x80000055;
	[dreg:$0x1] =	wrdreg $0xFFFFFFFF  }
0xa7: {  	s28 =	simm.s32 $_size_execute0_lowered;
	s2 =	sadd.s32 s2, s4;
	[dreg:$0x0] =	wrdreg $0x0  }
0xa8: {  	s4 =	sshll.u32 s28, $0x1;
	[dreg:$0x2] =	wrdreg s2  }
0xa9: {  	[dreg:$0x3] =	wrdreg s4  }
0xaa: {  	[dreg:$0x4] =	wrdreg $0xC0  }
0xab: {  	_ =	task [dreg:s6], $0x5FFFF  }
0xac: {  	[dreg:$0x1] =	wrdreg $0xFFFFFFFF  }
0xad: {  	[dreg:$0x0] =	wrdreg $0x60  }
0xae: {  	[dreg:$0x2] =	wrdreg s24  }
0xaf: {  	[dreg:$0x3] =	wrdreg $0x8D800  }
0xb0: {  	[dreg:$0x4] =	wrdreg $0x9  }
0xb1: {  	_ =	task.clear_ibuf [dreg:s6], $0x5FFFF;
	_ =	strace $0x90000055  }
0xb2: {  	s29 =	simm.s32 $0x9;
	_ =	strace $0x80000057  }
0xb3: {  	_ =	swait.ge [sflag:s29], $0x1  }
0xb4: {  	[sflag:s29] =	ssyncadd.s32 $0xFFFFFFFF  }
0xb5: {  	_ =	strace $0x90000057  }
0xb6: {  	_ =	sfence  }
0xb7: {  	s30 =	sld [smem:$0x0];
	_ =	sdelay $0x2  }
0xb8: {  	s31 =	sshll.u32 s1, $0xD;
	s1 =	sshrl.u32 s1, $0x2  }
0xb9: {  	s3 =	sand.u32 $0x4000, s31;
	s1 =	sadd.s32 s1, s30  }
0xba: {  	s0 =	sor.u32 s3, s0;
	s1 =	sshll.u32 s1, $0x11  }
0xbb: {  	s0 =	sor.u32 s1, s0  }
0xbc: {  	s0 =	sadd.s32 $0x8F2B, s0  }
0xbd: {  	[sflag:s0] =	ssyncadd.remote.s32 $0x1  }
0xbe: {  	_ =	sfence.sel $0xFFFF  }
0xbf: {  	[dreg:$0x0] =	wrdreg $0xFFFFFFFF;
	(pc) =	sbr.abs _section_cstart, $3  }
0xc0: {  	[dreg:$0x1] =	wrdreg $0xFFFFFFFF  }
0xc1: {  	_ =	task.clear_ibuf [dreg:s6], $0x2FFFF;
	_ =	strace $0x9FFFFFFF  }
0xc2: {  	(tm) =	ssettm $0x7FFFFFFF  }
0xc3: {  	_ =	shalt  }
tec
execute0_lowered:
.L_overlay_start_1:
0x0: {  	(tag) =	ssettag $0x1  }
0x1: {  	s0 =	stileid.u32  }
0x2: {  	s7 =	smul.u32 $0x4E20, s0  }
0x3: {  	s1 =	srdreg.scid;
	s18 =	smul.u32 $0x19000, s0  }
0x4: {  	s6 =	sand.u32 $0x1, s1;
	s24 =	smul.u32 $0x6400, s0  }
0x5: {  	s9 =	sor.u32 $0x10, s0;
	s8 =	smul.u32 $0x2710, s6  }
0x6: {  	s5 =	rddreg [dreg:$0x0];
	s10 =	sor.u32 $0x20, s0;
	s19 =	smul.u32 $0x19000, s9  }
0x7: {  	s2 =	rddreg [dreg:$0x1];
	s13 =	sor.u32 $0x30, s0;
	s12 =	smul.u32 $0x19000, s10  }
0x8: {  	s3 =	simm.s32 $0x0;
	s1 =	rddreg [dreg:$0x2];
	s15 =	smul.u32 $0x19000, s13  }
0x9: {  	[smem:$0x7FF] =	sst s3;
	s22 =	smul.u32 $0x138800, s6  }
0xa: {  	s4 =	sadd.s32 $0x27600, s5;
	s14 =	sadd.s32 $0x4E800, s5;
	s26 =	smul.u32 $0x6400, s9  }
0xb: {  	p0 =	sgt.u32 s0, $0x1;
	s11 =	ssub.s32 $0x2, s6;
	s10 =	smul.u32 $0x6400, s10  }
0xc: {  	_ =	strace $0x80000056;
	s13 =	smul.u32 $0x6400, s13;
	s20 =	sshrl.u32 s11, $0x1  }
0xd: {  	s21 =	sshrl.u32 s18, $0x2;
	s18 =	simm.s32 $0x2;
	s7 =	sadd.s32 s8, s7  }
0xe: {  	s17 =	ssub.s32 s11, s20;
	s23 =	sshrl.u32 s19, $0x2;
	s25 =	sshrl.u32 s12, $0x2  }
0xf: {  	s8 =	sadd.s32 s24, s22;
	s28 =	sshrl.u32 s15, $0x2;
	s12 =	sadd.s32 s22, s26  }
0x10: {  	s30 =	sadd.s32 s22, s10;
	s11 =	sadd.s32 s22, s13;
	s19 =	simm.s32 $0x80  }
0x11: {  	s20 =	simm.s32 $0x100;
	s22 =	simm.s32 $0x180;
	s24 =	simm.s32 $0x0  }
0x12: {  	s7 =	sshrl.u32 s7, $0x3;
	s6 =	sadd.s32 s23, s2;
	s29 =	sshrl.u32 s8, $0x3  }
0x13: {  	s8 =	sadd.s32 s28, s2;
	s12 =	sshrl.u32 s12, $0x3;
	s31 =	sshrl.u32 s30, $0x3  }
0x14: {  	s13 =	sshrl.u32 s11, $0x3;
	s23 =	simm.s32 $0x1;
	s16 =	sadd.s32 s7, s5  }
0x15: {  	s5 =	sadd.s32 s21, s2;
	s7 =	sadd.s32 s25, s2;
	s9 =	sadd.s32 s14, s29  }
0x16: {  	s10 =	sadd.s32 s14, s12;
	s11 =	sadd.s32 s14, s31;
	s12 =	sadd.s32 s14, s13  }
0x17: {  	s13 =	smax.u32 s17, $0x1;
	s17 =	simm.s32 $0x2980;
	s21 =	simm.s32 $0x50  }
0x18: {  	s14 =	sadd.s32 $0x1D800, s16;
	s15 =	sadd.s32 $0x9600, s16;
	s16 =	sadd.s32 $0x13400, s16  }
.LBB2_1:
0x19: {  	[spmem:s5] =	stream.linear.scatter [tilespmem:s17], [sflag:$0x2], $0x6400, $0x38;
	[tilespmem:$0x1C600] =	vst v63  }
0x1a: {  	_ =	swait.ge [sflag:s18], $0x6400  }
0x1b: {  	[sflag:s18] =	ssyncset.done $0x0  }
0x1c: {  	[sflag:s18] =	ssyncadd.s32 $0xFFFF9C00  }
0x1d: {  	[spmem:s6] =	stream.linear.scatter [tilespmem:s17], [sflag:$0x2], $0x6400, $0x38;
	[tilespmem:$0x1C600] =	vst v63  }
0x1e: {  	_ =	swait.ge [sflag:s18], $0x6400  }
0x1f: {  	[sflag:s18] =	ssyncset.done $0x0  }
0x20: {  	[sflag:s18] =	ssyncadd.s32 $0xFFFF9C00  }
0x21: {  	[spmem:s7] =	stream.linear.scatter [tilespmem:s17], [sflag:$0x2], $0x6400, $0x38;
	[tilespmem:$0x1C600] =	vst v63  }
0x22: {  	_ =	swait.ge [sflag:s18], $0x6400  }
0x23: {  	[sflag:s18] =	ssyncset.done $0x0  }
0x24: {  	s25 =	simm.s32 @!p0 $0x2980;
	[sflag:s18] =	ssyncadd.s32 $0xFFFF9C00  }
0x25: {  	[spmem:s8] =	stream.linear.scatter @!p0 [tilespmem:s25], [sflag:$0x2], $0x6400, $0x38;
	[tilespmem:$0x1C600] =	vst v63  }
0x26: {  	s25 =	simm.s32 @!p0 $0x2  }
0x27: {  	_ =	swait.ge @!p0 [sflag:s25], $0x6400  }
0x28: {  	[sflag:s25] =	ssyncset.done @!p0 $0x0  }
0x29: {  	[sflag:s25] =	ssyncadd.s32 @!p0 $0xFFFF9C00  }
0x2a: {  	s29 =	sadd.s32 $0x0, s16;
	[bflag:$0x0] =	sbarrier.arrive $0xFFFF  }
0x2b: {  	[tilespmem:s3], [sflag:$0x2] =	stream.linear.gather [hbm4b:s29+s3], $0x50, $0x38;
	[tilespmem:$0x1C600] =	vst v63  }
0x2c: {  	_ =	swait.ge [sflag:s18], $0x50  }
0x2d: {  	[sflag:s18] =	ssyncset.done $0x0  }
0x2e: {  	s30 =	sadd.s32 $0x0, s15;
	[sflag:s18] =	ssyncadd.s32 $0xFFFFFFB0  }
0x2f: {  	[tilespmem:s19], [sflag:$0x2] =	stream.linear.gather [hbm4b:s30+s3], $0x50, $0x38;
	[tilespmem:$0x1C600] =	vst v63  }
0x30: {  	_ =	swait.ge [sflag:s18], $0x50  }
0x31: {  	[sflag:s18] =	ssyncset.done $0x0  }
0x32: {  	s31 =	sadd.s32 $0x0, s14;
	[sflag:s18] =	ssyncadd.s32 $0xFFFFFFB0  }
0x33: {  	[tilespmem:s20], [sflag:$0x2] =	stream.linear.gather [hbm4b:s31+s3], $0x50, $0x38;
	[tilespmem:$0x1C600] =	vst v63  }
0x34: {  	_ =	swait.ge [sflag:s18], $0x50  }
0x35: {  	[sflag:s18] =	ssyncset.done $0x0  }
0x36: {  	[sflag:s18] =	ssyncadd.s32 $0xFFFFFFB0  }
0x37: {  	[tilespmem:s22], [sflag:$0x1] =	stream.indirect.gather [hbm4b:s4+s21], $0x80, s3, s21, $0xb8;
	[tilespmem:$0x1C600] =	vst v63  }
0x38: {  	_ =	swait.ge [sflag:s23], $0x2800  }
0x39: {  	[sflag:s23] =	ssyncset.done $0x0  }
0x3a: {  	[sflag:s23] =	ssyncadd.s32 $0xFFFFD800  }
0x3b: {  	[spmem:s2] =	stream.indirect.scatter.add.f32 [tilespmem:s22], [sflag:$0x2], $0x80, s19, s21, $0xb8;
	[tilespmem:$0x1C600] =	vst v63  }
0x3c: {  	_ =	swait.ge [sflag:s18], $0x2800  }
0x3d: {  	s26 =	simm.s32 $0x14;
	s25 =	simm.s32 $0xA;
	[sflag:s18] =	ssyncset.done $0x0  }
.LBB2_2:
0x3e: {  	s28 =	sadd.s32 s25, s16  }
0x3f: {  	[sflag:s18] =	ssyncadd.s32 $0xFFFFD800;
	s29 =	smov.u32 s26;
	s30 =	sadd.s32 $0xA, s26  }
0x40: {  	[tilespmem:s3], [sflag:$0x2] =	stream.linear.gather [hbm4b:s28+s3], $0x50, $0x38;
	[tilespmem:$0x1C600] =	vst v63  }
0x41: {  	p1 =	sne.s32 s26, $0x4D8;
	_ =	swait.ge [sflag:s18], $0x50  }
0x42: {  	[sflag:s18] =	ssyncset.done $0x0  }
0x43: {  	s26 =	sadd.s32 s25, s15;
	[sflag:s18] =	ssyncadd.s32 $0xFFFFFFB0  }
0x44: {  	[tilespmem:s19], [sflag:$0x2] =	stream.linear.gather [hbm4b:s26+s3], $0x50, $0x38;
	[tilespmem:$0x1C600] =	vst v63  }
0x45: {  	_ =	swait.ge [sflag:s18], $0x50  }
0x46: {  	[sflag:s18] =	ssyncset.done $0x0  }
0x47: {  	s26 =	sadd.s32 s25, s14;
	s25 =	smov.u32 s29;
	[sflag:s18] =	ssyncadd.s32 $0xFFFFFFB0  }
0x48: {  	[tilespmem:s20], [sflag:$0x2] =	stream.linear.gather [hbm4b:s26+s3], $0x50, $0x38;
	[tilespmem:$0x1C600] =	vst v63  }
0x49: {  	_ =	swait.ge [sflag:s18], $0x50  }
0x4a: {  	[sflag:s18] =	ssyncset.done $0x0  }
0x4b: {  	[sflag:s18] =	ssyncadd.s32 $0xFFFFFFB0  }
0x4c: {  	[tilespmem:s22], [sflag:$0x1] =	stream.indirect.gather [hbm4b:s4+s21], $0x80, s3, s21, $0xb8;
	[tilespmem:$0x1C600] =	vst v63  }
0x4d: {  	_ =	swait.ge [sflag:s23], $0x2800  }
.Ltmp0:
0x4e: {  	[sflag:s23] =	ssyncset.done $0x0;
	(pc) =	sbr.rel @p1 .LBB2_2-.Ltmp0, $4  }
0x4f: {  	[sflag:s23] =	ssyncadd.s32 $0xFFFFD800  }
0x50: {  	[spmem:s2] =	stream.indirect.scatter.add.f32 [tilespmem:s22], [sflag:$0x2], $0x80, s19, s21, $0xb8;
	[tilespmem:$0x1C600] =	vst v63  }
0x51: {  	_ =	swait.ge [sflag:s18], $0x2800  }
0x52: {  	s26 =	smov.u32 s30;
	[sflag:s18] =	ssyncset.done $0x0  }
0x53: {  	s26 =	sadd.s32 s25, s16;
	[sflag:s18] =	ssyncadd.s32 $0xFFFFD800  }
0x54: {  	[tilespmem:s3], [sflag:$0x2] =	stream.linear.gather [hbm4b:s26+s3], $0x50, $0x38;
	[tilespmem:$0x1C600] =	vst v63  }
0x55: {  	_ =	swait.ge [sflag:s18], $0x50  }
0x56: {  	[sflag:s18] =	ssyncset.done $0x0  }
0x57: {  	s31 =	sadd.s32 s25, s15;
	[sflag:s18] =	ssyncadd.s32 $0xFFFFFFB0  }
0x58: {  	[tilespmem:s19], [sflag:$0x2] =	stream.linear.gather [hbm4b:s31+s3], $0x50, $0x38;
	[tilespmem:$0x1C600] =	vst v63  }
0x59: {  	_ =	swait.ge [sflag:s18], $0x50  }
0x5a: {  	[sflag:s18] =	ssyncset.done $0x0  }
0x5b: {  	s26 =	sadd.s32 s25, s14;
	[sflag:s18] =	ssyncadd.s32 $0xFFFFFFB0  }
0x5c: {  	[tilespmem:s20], [sflag:$0x2] =	stream.linear.gather [hbm4b:s26+s3], $0x50, $0x38;
	[tilespmem:$0x1C600] =	vst v63  }
0x5d: {  	_ =	swait.ge [sflag:s18], $0x50  }
0x5e: {  	[sflag:s18] =	ssyncset.done $0x0  }
0x5f: {  	[sflag:s18] =	ssyncadd.s32 $0xFFFFFFB0  }
0x60: {  	[tilespmem:s22], [sflag:$0x1] =	stream.indirect.gather [hbm4b:s4+s21], $0x80, s3, s21, $0xb8;
	[tilespmem:$0x1C600] =	vst v63  }
0x61: {  	_ =	swait.ge [sflag:s23], $0x2800  }
0x62: {  	[sflag:s23] =	ssyncset.done $0x0  }
0x63: {  	[sflag:s23] =	ssyncadd.s32 $0xFFFFD800  }
0x64: {  	[spmem:s2] =	stream.indirect.scatter.add.f32 [tilespmem:s22], [sflag:$0x2], $0x80, s19, s21, $0xb8;
	[tilespmem:$0x1C600] =	vst v63  }
0x65: {  	_ =	swait.ge [sflag:s18], $0x2800  }
0x66: {  	[sflag:s18] =	ssyncset.done $0x0  }
0x67: {  	s28 =	sshll.u32 s0, $0x6;
	[sflag:s18] =	ssyncadd.s32 $0xFFFFD800  }
0x68: {  	s29 =	sshrl.u32 s5, $0x3;
	s25 =	sor.u32 $0x1C02, s28;
	[bflag:$0x0] =	sbarrier.arrive $0xFFFF  }
0x69: {  	[hbm:s9], [sflag:s25] =	dma.local [spmem:s29], $0xC80  }
0x6a: {  	_ =	swait.ge [sflag:s18], $0xC80  }
0x6b: {  	[sflag:s18] =	ssyncset.done $0x0  }
0x6c: {  	s30 =	sshrl.u32 s6, $0x3;
	[sflag:s18] =	ssyncadd.s32 $0xFFFFF380  }
0x6d: {  	[hbm:s10], [sflag:s25] =	dma.local [spmem:s30], $0xC80  }
0x6e: {  	_ =	swait.ge [sflag:s18], $0xC80  }
0x6f: {  	[sflag:s18] =	ssyncset.done $0x0  }
0x70: {  	s31 =	sshrl.u32 s7, $0x3;
	[sflag:s18] =	ssyncadd.s32 $0xFFFFF380  }
0x71: {  	[hbm:s11], [sflag:s25] =	dma.local [spmem:s31], $0xC80  }
0x72: {  	_ =	swait.ge [sflag:s18], $0xC80  }
0x73: {  	s24 =	sadd.s32 $0x1, s24;
	[sflag:s18] =	ssyncset.done $0x0  }
0x74: {  	p1 =	sne.s32 s24, s13;
	s26 =	sshrl.u32 @!p0 s8, $0x3;
	[sflag:s18] =	ssyncadd.s32 $0xFFFFF380  }
0x75: {  	[hbm:s12], [sflag:s25] =	dma.local @!p0 [spmem:s26], $0xC80  }
.Ltmp1:
0x76: {  	_ = 	snop;
	(pc) =	sbr.rel @p1 .LBB2_1-.Ltmp1, $4  }
0x77: {  	s25 =	simm.s32 @!p0 $0x2  }
0x78: {  	_ =	swait.ge @!p0 [sflag:s25], $0xC80  }
0x79: {  	[sflag:s25] =	ssyncset.done @!p0 $0x0  }
0x7a: {  	[sflag:s25] =	ssyncadd.s32 @!p0 $0xFFFFF380  }
0x7b: {  	_ =	sfence.sel $0x180000  }
0x7c: {  	[bflag:$0x0] =	sbarrier.arrive $0xFFFF  }
0x7d: {  	p0 =	sne.s32 s0, $0x0;
	_ =	strace $0x90000056  }
0x7e: {  	s0 =	sadd.s32 @!p0 $0x100000, s1;
	[bflag:$0x2] =	sbarrier.arrive $0xFFFF  }
0x7f: {  	[sflag:s0] =	ssyncadd.tile.s32 @!p0 $0x1;
	_ =	shalt  }
.Lfunc_end2:
_tile_overlayer_lowered:
.L_overlay_start_2:
0x80: {  	(tag) =	ssettag $0x2  }
0x81: {  	s0 =	rddreg [dreg:$0x0];
	s2 =	stileid.u32  }
0x82: {  	s1 =	rddreg [dreg:$0x1];
	p0 =	sne.s32 s2, $0x0  }
0x83: {  	s3 =	rddreg [dreg:$0x2];
	[bflag:$0x3] =	sbarrier.arrive $0xFFFF;
	s2 =	simm.s32 @!p0 $0x1C02  }
0x84: {  	[timem:s3], [sflag:s2] =	dma.local @!p0 [hbm:s0], s1  }
0x85: {  	s0 =	simm.s32 @!p0 $0x2  }
0x86: {  	_ =	swait.ge @!p0 [sflag:s0], s1  }
0x87: {  	s1 =	ssub.s32 @!p0 $0x0, s1;
	[sflag:s0] =	ssyncset.done @!p0 $0x0  }
0x88: {  	[sflag:s0] =	ssyncadd.s32 @!p0 s1  }
0x89: {  	[bflag:$0x3] =	sbarrier.arrive $0xFFFF  }
0x8a: {  	_ =	shalt  }

// kernel: kernel.40.cloned.1.call-start
scs
__scs_entry_jumppad:
0x0: {  	(pc) =	sbr.rel $0x88, $3  }
0x1: {  	(tag) =	ssettag $0x0;
	lr =	simm.s32 $0x1  }
0x2: {  	[smem:$0x3F87] =	sst lr;
	_ =	strace $0xD0000000  }
0x3: {  	_ = 	snop  }
0x4: {  	_ = 	snop  }
0x5: {  	_ = 	snop  }
0x6: {  	_ = 	snop  }
0x7: {  	_ = 	snop  }
__scs_overlays_trampoline_lowered:
0x8: {  	[smem:$0x3F96] =	sst s0  }
0x9: {  	[smem:$0x3F97] =	sst s1  }
0xa: {  	[smem:$0x3F98] =	sst s2  }
0xb: {  	[smem:$0x3F99] =	sst s3  }
0xc: {  	[smem:$0x3F9A] =	sst s4  }
0xd: {  	[smem:$0x3F9B] =	sst s5  }
0xe: {  	[smem:$0x3F9C] =	sst s6  }
0xf: {  	[smem:$0x3F9D] =	sst s7  }
0x10: {  	[smem:$0x3F9E] =	sst s8  }
0x11: {  	[smem:$0x3F9F] =	sst s9;
	s0 =	simm.s32 @!p0 $0x0  }
0x12: {  	s1 =	sld [smem:$0x3F85];
	s0 =	simm.s32 @p0 $0x1  }
0x13: {  	[smem:$0x3FA0] =	sst s0;
	s0 =	simm.s32 @!p1 $0x0  }
0x14: {  	s2 =	sld [smem:$0x3F84];
	s0 =	simm.s32 @p1 $0x1  }
0x15: {  	[smem:$0x3FA1] =	sst s0;
	s0 =	simm.s32 @!p2 $0x0  }
0x16: {  	s3 =	sld [smem:$0x3FDB];
	s0 =	simm.s32 @p2 $0x1  }
0x17: {  	s4 =	simm.s32 $0x1BF5;
	[smem:$0x3FA3] =	sst s0  }
0x18: {  	s0 =	sld [smem:$0x3F86];
	_ =	swait.ge [sflag:s4], $0x0  }
0x19: {  	s7 =	sld [smem:$0x3F87]  }
0x1a: {  	s8 =	sadd.s32 $0xFFFFE003, lr  }
0x1b: {  	s9 =	sadd.s32 $0xFFFFFEF7, lr;
	s5 =	simm.s32 $0xFFFFFFFF;
	p2 =	slt.u32 s8, $0xFFFFF086  }
0x1c: {  	p1 =	slt.u32 s9, $0xF7A;
	s5 =	simm.s32 @!p2 $0x0  }
0x1d: {  	s5 =	simm.s32 @p1 $0x1;
	p0 =	seq.s32 s7, s2  }
0x1e: {  	s7 =	smul.u32 @!p0 $0xF7A, s2;
	p2 =	seq.s32 @!p0 s5, $0x0  }
0x1f: {  	s9 =	smul.u32 $0xF7A, s1;
	s8 =	simm.s32 @!p0 $0x1BF5;
	p2 =	por !p2, p0  }
0x20: {  	[sflag:s8] =	ssyncset.s32 @!p0 $0xFFFFF086;
	s6 =	sadd.s32 @!p0 s3, s7;
	s7 =	simm.s32 @!p0 $0x108  }
0x21: {  	s3 =	sadd.s32 s3, s9;
	s6 =	sadd.s32 @!p0 $0x88, s6;
	s7 =	simm.s32 @p2 $0x1082  }
0x22: {  	[simem:s7], [sflag:s8] =	dma.local @!p0 [hbm:s6], $0xF7A  }
0x23: {  	s9 =	sor.u32 $0xD0000000, s2;
	s6 =	simm.s32 $0x108;
	_ =	swait.ge @!p0 [sflag:s8], $0x0  }
0x24: {  	s3 =	sadd.s32 $0x88, s3;
	s6 =	simm.s32 @!p1 $0x1082;
	[sflag:s4] =	ssyncset.s32 $0xFFFFF086  }
0x25: {  	[simem:s6], [sflag:s4] =	dma.local [hbm:s3], $0xF7A  }
0x26: {  	[smem:$0x3F87] =	sst s1;
	(tag) =	ssettag s2;
	_ =	strace s9  }
0x27: {  	s1 =	sld [smem:$0x3F97]  }
0x28: {  	s2 =	sld [smem:$0x3F98]  }
0x29: {  	s4 =	sld [smem:$0x3F9A]  }
0x2a: {  	p0 =	seq.s32 s5, $0x0;
	s5 =	sld [smem:$0x3F9B]  }
0x2b: {  	s6 =	sld [smem:$0x3F9C]  }
0x2c: {  	s7 =	sld [smem:$0x3F9D]  }
0x2d: {  	s3 =	simm.s32 $0x108;
	s8 =	sld [smem:$0x3F9E]  }
0x2e: {  	s3 =	simm.s32 @!p0 $0x1082;
	s9 =	sld [smem:$0x3F9F]  }
0x2f: {  	lr =	sadd.s32 s0, s3;
	s0 =	sld [smem:$0x3F96]  }
0x30: {  	s3 =	sld [smem:$0x3F99]  }
0x31: {  	[smem:$0x3FA2] =	sst s10  }
0x32: {  	s10 =	sld [smem:$0x3FA0];
	_ =	sdelay $0x3  }
0x33: {  	p0 =	seq.s32 s10, $0x1;
	s10 =	sld [smem:$0x3FA2];
	_ =	sdelay $0x3  }
0x34: {  	[smem:$0x3FA2] =	sst s10  }
0x35: {  	s10 =	sld [smem:$0x3FA1];
	_ =	sdelay $0x3  }
0x36: {  	p1 =	seq.s32 s10, $0x1;
	s10 =	sld [smem:$0x3FA2];
	_ =	sdelay $0x3  }
0x37: {  	[smem:$0x3FA2] =	sst s10  }
0x38: {  	s10 =	sld [smem:$0x3FA3]  }
0x39: {  	_ = 	snop;
	(pc) =	sbr.ind lr, $3  }
0x3a: {  	_ = 	snop  }
0x3b: {  	_ = 	snop  }
0x3c: {  	p2 =	seq.s32 s10, $0x1;
	s10 =	sld [smem:$0x3FA2]  }
0x3d: {  	_ =	shalt  }
0x3e: {  	_ =	shalt  }
0x3f: {  	_ =	shalt  }
0x40: {  	_ =	shalt  }
0x41: {  	_ =	shalt  }
0x42: {  	_ =	shalt  }
0x43: {  	_ =	shalt  }
0x44: {  	_ =	shalt  }
0x45: {  	_ =	shalt  }
0x46: {  	_ =	shalt  }
0x47: {  	_ =	shalt  }
0x48: {  	_ =	shalt  }
0x49: {  	_ =	shalt  }
0x4a: {  	_ =	shalt  }
0x4b: {  	_ =	shalt  }
0x4c: {  	_ =	shalt  }
0x4d: {  	_ =	shalt  }
0x4e: {  	_ =	shalt  }
0x4f: {  	_ =	shalt  }
0x50: {  	_ =	shalt  }
0x51: {  	_ =	shalt  }
0x52: {  	_ =	shalt  }
0x53: {  	_ =	shalt  }
0x54: {  	_ =	shalt  }
0x55: {  	_ =	shalt  }
0x56: {  	_ =	shalt  }
0x57: {  	_ =	shalt  }
0x58: {  	_ =	shalt  }
0x59: {  	_ =	shalt  }
0x5a: {  	_ =	shalt  }
0x5b: {  	_ =	shalt  }
0x5c: {  	_ =	shalt  }
0x5d: {  	_ =	shalt  }
0x5e: {  	_ =	shalt  }
0x5f: {  	_ =	shalt  }
0x60: {  	_ =	shalt  }
0x61: {  	_ =	shalt  }
0x62: {  	_ =	shalt  }
0x63: {  	_ =	shalt  }
0x64: {  	_ =	shalt  }
0x65: {  	_ =	shalt  }
0x66: {  	_ =	shalt  }
0x67: {  	_ =	shalt  }
0x68: {  	_ =	shalt  }
0x69: {  	_ =	shalt  }
0x6a: {  	_ =	shalt  }
0x6b: {  	_ =	shalt  }
0x6c: {  	_ =	shalt  }
0x6d: {  	_ =	shalt  }
0x6e: {  	_ =	shalt  }
0x6f: {  	_ =	shalt  }
0x70: {  	_ =	shalt  }
0x71: {  	_ =	shalt  }
0x72: {  	_ =	shalt  }
0x73: {  	_ =	shalt  }
0x74: {  	_ =	shalt  }
0x75: {  	_ =	shalt  }
0x76: {  	_ =	shalt  }
0x77: {  	_ =	shalt  }
0x78: {  	_ =	shalt  }
0x79: {  	_ =	shalt  }
0x7a: {  	_ =	shalt  }
0x7b: {  	_ =	shalt  }
0x7c: {  	_ =	shalt  }
0x7d: {  	_ =	shalt  }
0x7e: {  	_ =	shalt  }
0x7f: {  	_ =	shalt  }
0x80: {  	_ =	shalt  }
0x81: {  	_ =	shalt  }
0x82: {  	_ =	shalt  }
0x83: {  	_ =	shalt  }
0x84: {  	_ =	shalt  }
0x85: {  	_ =	shalt  }
0x86: {  	_ =	shalt  }
0x87: {  	_ =	shalt  }
.Lfunc_end0:
.L_simem_size_0:
called_computation.6_lowered:
.L_overlay_start_0:
0x88: {  	s2 =	sld [smem:$0x3FD9]  }
0x89: {  	s3 =	sld [smem:$0x3FFE];
	_ =	sdelay $0x1  }
0x8a: {  	s1 =	srdreg.scid  }
0x8b: {  	s0 =	sand.u32 $0x1, s1  }
0x8c: {  	s16 =	sshll.u32 s0, $0xA;
	s2 =	sadd.s32 s3, s2  }
0x8d: {  	s2 =	sadd.s32 s2, s16  }
0x8e: {  	[smem:$0x3FAE] =	sst s2  }
0x8f: {  	_ = 	snop  }
0x90: {  	(tm) =	ssettm $0x1  }
0x91: {  	s17 =	sld [smem:$0x3FFB];
	_ =	sdelay $0x3  }
0x92: {  	_ =	strace s17  }
0x93: {  	s2 =	sld [smem:$0x3FFC];
	_ =	sdelay $0x3  }
0x94: {  	_ =	strace s2  }
0x95: {  	s2 =	sld [smem:$0x3FFD];
	_ =	sdelay $0x3  }
0x96: {  	_ =	strace s2  }
0x97: {  	_ =	strace $0x8FFFFFFF  }
0x98: {  	s18 =	sld [smem:$0x3FDB];
	_ =	sdelay $0x1  }
0x99: {  	s19 =	simm.s32 $_scs_section_size  }
0x9a: {  	s4 =	simm.s32 $_size__tile_overlayer_lowered;
	s5 =	simm.s32 $_tile_overlayer_lowered  }
0x9b: {  	s22 =	simm.s32 $0x1BFF;
	s21 =	sshll.u32 s5, $0x1;
	s2 =	sadd.s32 s19, s18  }
0x9c: {  	s6 =	simm.s32 $0x0;
	s20 =	sshll.u32 s4, $0x1;
	s4 =	sadd.s32 s21, s2  }
0x9d: {  	[timem:s6], [sflag:s22] =	dma.local [hbm:s4], s20  }
0x9e: {  	_ =	swait.ge [sflag:s22], s20  }
0x9f: {  	s3 =	ssub.s32 $0x0, s20;
	[sflag:s22] =	ssyncset.done $0x0  }
0xa0: {  	[sflag:s22] =	ssyncadd.s32 s3;
	_ =	sdelay $0x1  }
0xa1: {  	s23 =	simm.s32 $0x1B8B  }
0xa2: {  	_ =	swait.ge [sflag:s23], $0x1  }
0xa3: {  	[sflag:s23] =	ssyncset.done $0x0  }
0xa4: {  	s25 =	simm.s32 $0x1B8E;
	s24 =	sld [smem:$0x3FFE];
	[sflag:s23] =	ssyncadd.s32 $0xFFFFFFFF  }
0xa5: {  	s26 =	simm.s32 $execute0_lowered;
	[smem:$0x3FD2] =	sst s25  }
0xa6: {  	s4 =	sshll.u32 s26, $0x1;
	_ =	strace $0x80000058;
	[dreg:$0x1] =	wrdreg $0xFFFFFFFF  }
0xa7: {  	s28 =	simm.s32 $_size_execute0_lowered;
	s2 =	sadd.s32 s2, s4;
	[dreg:$0x0] =	wrdreg $0x0  }
0xa8: {  	s4 =	sshll.u32 s28, $0x1;
	[dreg:$0x2] =	wrdreg s2  }
0xa9: {  	[dreg:$0x3] =	wrdreg s4  }
0xaa: {  	[dreg:$0x4] =	wrdreg $0xC0  }
0xab: {  	_ =	task [dreg:s6], $0x5FFFF  }
0xac: {  	[dreg:$0x1] =	wrdreg $0xFFFFFFFF  }
0xad: {  	[dreg:$0x0] =	wrdreg $0x60  }
0xae: {  	[dreg:$0x2] =	wrdreg s24  }
0xaf: {  	[dreg:$0x3] =	wrdreg $0x8D800  }
0xb0: {  	[dreg:$0x4] =	wrdreg $0x9  }
0xb1: {  	_ =	task.clear_ibuf [dreg:s6], $0x5FFFF;
	_ =	strace $0x90000058  }
0xb2: {  	s29 =	simm.s32 $0x9;
	_ =	strace $0x8000005A  }
0xb3: {  	_ =	swait.ge [sflag:s29], $0x1  }
0xb4: {  	[sflag:s29] =	ssyncadd.s32 $0xFFFFFFFF  }
0xb5: {  	_ =	strace $0x9000005A  }
0xb6: {  	_ =	sfence  }
0xb7: {  	s30 =	sld [smem:$0x0];
	_ =	sdelay $0x2  }
0xb8: {  	s31 =	sshll.u32 s1, $0xD;
	s1 =	sshrl.u32 s1, $0x2  }
0xb9: {  	s3 =	sand.u32 $0x4000, s31;
	s1 =	sadd.s32 s1, s30  }
0xba: {  	s0 =	sor.u32 s3, s0;
	s1 =	sshll.u32 s1, $0x11  }
0xbb: {  	s0 =	sor.u32 s1, s0  }
0xbc: {  	s0 =	sadd.s32 $0x8F2B, s0  }
0xbd: {  	[sflag:s0] =	ssyncadd.remote.s32 $0x1  }
0xbe: {  	_ =	sfence.sel $0xFFFF  }
0xbf: {  	[dreg:$0x0] =	wrdreg $0xFFFFFFFF;
	(pc) =	sbr.abs _section_cstart, $3  }
0xc0: {  	[dreg:$0x1] =	wrdreg $0xFFFFFFFF  }
0xc1: {  	_ =	task.clear_ibuf [dreg:s6], $0x2FFFF;
	_ =	strace $0x9FFFFFFF  }
0xc2: {  	(tm) =	ssettm $0x7FFFFFFF  }
0xc3: {  	_ =	shalt  }
tec
execute0_lowered:
.L_overlay_start_1:
0x0: {  	(tag) =	ssettag $0x1  }
0x1: {  	s0 =	stileid.u32  }
0x2: {  	s7 =	smul.u32 $0x4E20, s0  }
0x3: {  	s1 =	srdreg.scid;
	s18 =	smul.u32 $0x19000, s0  }
0x4: {  	s6 =	sand.u32 $0x1, s1;
	s24 =	smul.u32 $0x6400, s0  }
0x5: {  	s9 =	sor.u32 $0x10, s0;
	s8 =	smul.u32 $0x2710, s6  }
0x6: {  	s5 =	rddreg [dreg:$0x0];
	s10 =	sor.u32 $0x20, s0;
	s19 =	smul.u32 $0x19000, s9  }
0x7: {  	s2 =	rddreg [dreg:$0x1];
	s13 =	sor.u32 $0x30, s0;
	s12 =	smul.u32 $0x19000, s10  }
0x8: {  	s3 =	simm.s32 $0x0;
	s1 =	rddreg [dreg:$0x2];
	s15 =	smul.u32 $0x19000, s13  }
0x9: {  	[smem:$0x7FF] =	sst s3;
	s22 =	smul.u32 $0x138800, s6  }
0xa: {  	s4 =	sadd.s32 $0x4E800, s5;
	s14 =	sadd.s32 $0x75A00, s5;
	s26 =	smul.u32 $0x6400, s9  }
0xb: {  	p0 =	sgt.u32 s0, $0x1;
	s11 =	ssub.s32 $0x2, s6;
	s10 =	smul.u32 $0x6400, s10  }
0xc: {  	_ =	strace $0x80000059;
	s13 =	smul.u32 $0x6400, s13;
	s20 =	sshrl.u32 s11, $0x1  }
0xd: {  	s21 =	sshrl.u32 s18, $0x2;
	s18 =	simm.s32 $0x2;
	s7 =	sadd.s32 s8, s7  }
0xe: {  	s17 =	ssub.s32 s11, s20;
	s23 =	sshrl.u32 s19, $0x2;
	s25 =	sshrl.u32 s12, $0x2  }
0xf: {  	s8 =	sadd.s32 s24, s22;
	s28 =	sshrl.u32 s15, $0x2;
	s12 =	sadd.s32 s22, s26  }
0x10: {  	s30 =	sadd.s32 s22, s10;
	s11 =	sadd.s32 s22, s13;
	s19 =	simm.s32 $0x80  }
0x11: {  	s20 =	simm.s32 $0x100;
	s22 =	simm.s32 $0x180;
	s24 =	simm.s32 $0x0  }
0x12: {  	s7 =	sshrl.u32 s7, $0x3;
	s6 =	sadd.s32 s23, s2;
	s29 =	sshrl.u32 s8, $0x3  }
0x13: {  	s8 =	sadd.s32 s28, s2;
	s12 =	sshrl.u32 s12, $0x3;
	s31 =	sshrl.u32 s30, $0x3  }
0x14: {  	s13 =	sshrl.u32 s11, $0x3;
	s23 =	simm.s32 $0x1;
	s16 =	sadd.s32 s7, s5  }
0x15: {  	s5 =	sadd.s32 s21, s2;
	s7 =	sadd.s32 s25, s2;
	s9 =	sadd.s32 s14, s29  }
0x16: {  	s10 =	sadd.s32 s14, s12;
	s11 =	sadd.s32 s14, s31;
	s12 =	sadd.s32 s14, s13  }
0x17: {  	s13 =	smax.u32 s17, $0x1;
	s17 =	simm.s32 $0x2980;
	s21 =	simm.s32 $0x50  }
0x18: {  	s14 =	sadd.s32 $0x1D800, s16;
	s15 =	sadd.s32 $0x9600, s16;
	s16 =	sadd.s32 $0x13400, s16  }
.LBB2_1:
0x19: {  	[spmem:s5] =	stream.linear.scatter [tilespmem:s17], [sflag:$0x2], $0x6400, $0x38;
	[tilespmem:$0x1C600] =	vst v63  }
0x1a: {  	_ =	swait.ge [sflag:s18], $0x6400  }
0x1b: {  	[sflag:s18] =	ssyncset.done $0x0  }
0x1c: {  	[sflag:s18] =	ssyncadd.s32 $0xFFFF9C00  }
0x1d: {  	[spmem:s6] =	stream.linear.scatter [tilespmem:s17], [sflag:$0x2], $0x6400, $0x38;
	[tilespmem:$0x1C600] =	vst v63  }
0x1e: {  	_ =	swait.ge [sflag:s18], $0x6400  }
0x1f: {  	[sflag:s18] =	ssyncset.done $0x0  }
0x20: {  	[sflag:s18] =	ssyncadd.s32 $0xFFFF9C00  }
0x21: {  	[spmem:s7] =	stream.linear.scatter [tilespmem:s17], [sflag:$0x2], $0x6400, $0x38;
	[tilespmem:$0x1C600] =	vst v63  }
0x22: {  	_ =	swait.ge [sflag:s18], $0x6400  }
0x23: {  	[sflag:s18] =	ssyncset.done $0x0  }
0x24: {  	s25 =	simm.s32 @!p0 $0x2980;
	[sflag:s18] =	ssyncadd.s32 $0xFFFF9C00  }
0x25: {  	[spmem:s8] =	stream.linear.scatter @!p0 [tilespmem:s25], [sflag:$0x2], $0x6400, $0x38;
	[tilespmem:$0x1C600] =	vst v63  }
0x26: {  	s25 =	simm.s32 @!p0 $0x2  }
0x27: {  	_ =	swait.ge @!p0 [sflag:s25], $0x6400  }
0x28: {  	[sflag:s25] =	ssyncset.done @!p0 $0x0  }
0x29: {  	[sflag:s25] =	ssyncadd.s32 @!p0 $0xFFFF9C00  }
0x2a: {  	s29 =	sadd.s32 $0x0, s16;
	[bflag:$0x0] =	sbarrier.arrive $0xFFFF  }
0x2b: {  	[tilespmem:s3], [sflag:$0x2] =	stream.linear.gather [hbm4b:s29+s3], $0x50, $0x38;
	[tilespmem:$0x1C600] =	vst v63  }
0x2c: {  	_ =	swait.ge [sflag:s18], $0x50  }
0x2d: {  	[sflag:s18] =	ssyncset.done $0x0  }
0x2e: {  	s30 =	sadd.s32 $0x0, s15;
	[sflag:s18] =	ssyncadd.s32 $0xFFFFFFB0  }
0x2f: {  	[tilespmem:s19], [sflag:$0x2] =	stream.linear.gather [hbm4b:s30+s3], $0x50, $0x38;
	[tilespmem:$0x1C600] =	vst v63  }
0x30: {  	_ =	swait.ge [sflag:s18], $0x50  }
0x31: {  	[sflag:s18] =	ssyncset.done $0x0  }
0x32: {  	s31 =	sadd.s32 $0x0, s14;
	[sflag:s18] =	ssyncadd.s32 $0xFFFFFFB0  }
0x33: {  	[tilespmem:s20], [sflag:$0x2] =	stream.linear.gather [hbm4b:s31+s3], $0x50, $0x38;
	[tilespmem:$0x1C600] =	vst v63  }
0x34: {  	_ =	swait.ge [sflag:s18], $0x50  }
0x35: {  	[sflag:s18] =	ssyncset.done $0x0  }
0x36: {  	[sflag:s18] =	ssyncadd.s32 $0xFFFFFFB0  }
0x37: {  	[tilespmem:s22], [sflag:$0x1] =	stream.indirect.gather [hbm4b:s4+s21], $0x80, s3, s21, $0xb8;
	[tilespmem:$0x1C600] =	vst v63  }
0x38: {  	_ =	swait.ge [sflag:s23], $0x2800  }
0x39: {  	[sflag:s23] =	ssyncset.done $0x0  }
0x3a: {  	[sflag:s23] =	ssyncadd.s32 $0xFFFFD800  }
0x3b: {  	[spmem:s2] =	stream.indirect.scatter.add.f32 [tilespmem:s22], [sflag:$0x2], $0x80, s19, s21, $0xb8;
	[tilespmem:$0x1C600] =	vst v63  }
0x3c: {  	_ =	swait.ge [sflag:s18], $0x2800  }
0x3d: {  	s26 =	simm.s32 $0x14;
	s25 =	simm.s32 $0xA;
	[sflag:s18] =	ssyncset.done $0x0  }
.LBB2_2:
0x3e: {  	s28 =	sadd.s32 s25, s16  }
0x3f: {  	[sflag:s18] =	ssyncadd.s32 $0xFFFFD800;
	s29 =	smov.u32 s26;
	s30 =	sadd.s32 $0xA, s26  }
0x40: {  	[tilespmem:s3], [sflag:$0x2] =	stream.linear.gather [hbm4b:s28+s3], $0x50, $0x38;
	[tilespmem:$0x1C600] =	vst v63  }
0x41: {  	p1 =	sne.s32 s26, $0x4D8;
	_ =	swait.ge [sflag:s18], $0x50  }
0x42: {  	[sflag:s18] =	ssyncset.done $0x0  }
0x43: {  	s26 =	sadd.s32 s25, s15;
	[sflag:s18] =	ssyncadd.s32 $0xFFFFFFB0  }
0x44: {  	[tilespmem:s19], [sflag:$0x2] =	stream.linear.gather [hbm4b:s26+s3], $0x50, $0x38;
	[tilespmem:$0x1C600] =	vst v63  }
0x45: {  	_ =	swait.ge [sflag:s18], $0x50  }
0x46: {  	[sflag:s18] =	ssyncset.done $0x0  }
0x47: {  	s26 =	sadd.s32 s25, s14;
	s25 =	smov.u32 s29;
	[sflag:s18] =	ssyncadd.s32 $0xFFFFFFB0  }
0x48: {  	[tilespmem:s20], [sflag:$0x2] =	stream.linear.gather [hbm4b:s26+s3], $0x50, $0x38;
	[tilespmem:$0x1C600] =	vst v63  }
0x49: {  	_ =	swait.ge [sflag:s18], $0x50  }
0x4a: {  	[sflag:s18] =	ssyncset.done $0x0  }
0x4b: {  	[sflag:s18] =	ssyncadd.s32 $0xFFFFFFB0  }
0x4c: {  	[tilespmem:s22], [sflag:$0x1] =	stream.indirect.gather [hbm4b:s4+s21], $0x80, s3, s21, $0xb8;
	[tilespmem:$0x1C600] =	vst v63  }
0x4d: {  	_ =	swait.ge [sflag:s23], $0x2800  }
.Ltmp0:
0x4e: {  	[sflag:s23] =	ssyncset.done $0x0;
	(pc) =	sbr.rel @p1 .LBB2_2-.Ltmp0, $4  }
0x4f: {  	[sflag:s23] =	ssyncadd.s32 $0xFFFFD800  }
0x50: {  	[spmem:s2] =	stream.indirect.scatter.add.f32 [tilespmem:s22], [sflag:$0x2], $0x80, s19, s21, $0xb8;
	[tilespmem:$0x1C600] =	vst v63  }
0x51: {  	_ =	swait.ge [sflag:s18], $0x2800  }
0x52: {  	s26 =	smov.u32 s30;
	[sflag:s18] =	ssyncset.done $0x0  }
0x53: {  	s26 =	sadd.s32 s25, s16;
	[sflag:s18] =	ssyncadd.s32 $0xFFFFD800  }
0x54: {  	[tilespmem:s3], [sflag:$0x2] =	stream.linear.gather [hbm4b:s26+s3], $0x50, $0x38;
	[tilespmem:$0x1C600] =	vst v63  }
0x55: {  	_ =	swait.ge [sflag:s18], $0x50  }
0x56: {  	[sflag:s18] =	ssyncset.done $0x0  }
0x57: {  	s31 =	sadd.s32 s25, s15;
	[sflag:s18] =	ssyncadd.s32 $0xFFFFFFB0  }
0x58: {  	[tilespmem:s19], [sflag:$0x2] =	stream.linear.gather [hbm4b:s31+s3], $0x50, $0x38;
	[tilespmem:$0x1C600] =	vst v63  }
0x59: {  	_ =	swait.ge [sflag:s18], $0x50  }
0x5a: {  	[sflag:s18] =	ssyncset.done $0x0  }
0x5b: {  	s26 =	sadd.s32 s25, s14;
	[sflag:s18] =	ssyncadd.s32 $0xFFFFFFB0  }
0x5c: {  	[tilespmem:s20], [sflag:$0x2] =	stream.linear.gather [hbm4b:s26+s3], $0x50, $0x38;
	[tilespmem:$0x1C600] =	vst v63  }
0x5d: {  	_ =	swait.ge [sflag:s18], $0x50  }
0x5e: {  	[sflag:s18] =	ssyncset.done $0x0  }
0x5f: {  	[sflag:s18] =	ssyncadd.s32 $0xFFFFFFB0  }
0x60: {  	[tilespmem:s22], [sflag:$0x1] =	stream.indirect.gather [hbm4b:s4+s21], $0x80, s3, s21, $0xb8;
	[tilespmem:$0x1C600] =	vst v63  }
0x61: {  	_ =	swait.ge [sflag:s23], $0x2800  }
0x62: {  	[sflag:s23] =	ssyncset.done $0x0  }
0x63: {  	[sflag:s23] =	ssyncadd.s32 $0xFFFFD800  }
0x64: {  	[spmem:s2] =	stream.indirect.scatter.add.f32 [tilespmem:s22], [sflag:$0x2], $0x80, s19, s21, $0xb8;
	[tilespmem:$0x1C600] =	vst v63  }
0x65: {  	_ =	swait.ge [sflag:s18], $0x2800  }
0x66: {  	[sflag:s18] =	ssyncset.done $0x0  }
0x67: {  	s28 =	sshll.u32 s0, $0x6;
	[sflag:s18] =	ssyncadd.s32 $0xFFFFD800  }
0x68: {  	s29 =	sshrl.u32 s5, $0x3;
	s25 =	sor.u32 $0x1C02, s28;
	[bflag:$0x0] =	sbarrier.arrive $0xFFFF  }
0x69: {  	[hbm:s9], [sflag:s25] =	dma.local [spmem:s29], $0xC80  }
0x6a: {  	_ =	swait.ge [sflag:s18], $0xC80  }
0x6b: {  	[sflag:s18] =	ssyncset.done $0x0  }
0x6c: {  	s30 =	sshrl.u32 s6, $0x3;
	[sflag:s18] =	ssyncadd.s32 $0xFFFFF380  }
0x6d: {  	[hbm:s10], [sflag:s25] =	dma.local [spmem:s30], $0xC80  }
0x6e: {  	_ =	swait.ge [sflag:s18], $0xC80  }
0x6f: {  	[sflag:s18] =	ssyncset.done $0x0  }
0x70: {  	s31 =	sshrl.u32 s7, $0x3;
	[sflag:s18] =	ssyncadd.s32 $0xFFFFF380  }
0x71: {  	[hbm:s11], [sflag:s25] =	dma.local [spmem:s31], $0xC80  }
0x72: {  	_ =	swait.ge [sflag:s18], $0xC80  }
0x73: {  	s24 =	sadd.s32 $0x1, s24;
	[sflag:s18] =	ssyncset.done $0x0  }
0x74: {  	p1 =	sne.s32 s24, s13;
	s26 =	sshrl.u32 @!p0 s8, $0x3;
	[sflag:s18] =	ssyncadd.s32 $0xFFFFF380  }
0x75: {  	[hbm:s12], [sflag:s25] =	dma.local @!p0 [spmem:s26], $0xC80  }
.Ltmp1:
0x76: {  	_ = 	snop;
	(pc) =	sbr.rel @p1 .LBB2_1-.Ltmp1, $4  }
0x77: {  	s25 =	simm.s32 @!p0 $0x2  }
0x78: {  	_ =	swait.ge @!p0 [sflag:s25], $0xC80  }
0x79: {  	[sflag:s25] =	ssyncset.done @!p0 $0x0  }
0x7a: {  	[sflag:s25] =	ssyncadd.s32 @!p0 $0xFFFFF380  }
0x7b: {  	_ =	sfence.sel $0x180000  }
0x7c: {  	[bflag:$0x0] =	sbarrier.arrive $0xFFFF  }
0x7d: {  	p0 =	sne.s32 s0, $0x0;
	_ =	strace $0x90000059  }
0x7e: {  	s0 =	sadd.s32 @!p0 $0x100000, s1;
	[bflag:$0x2] =	sbarrier.arrive $0xFFFF  }
0x7f: {  	[sflag:s0] =	ssyncadd.tile.s32 @!p0 $0x1;
	_ =	shalt  }
.Lfunc_end2:
_tile_overlayer_lowered:
.L_overlay_start_2:
0x80: {  	(tag) =	ssettag $0x2  }
0x81: {  	s0 =	rddreg [dreg:$0x0];
	s2 =	stileid.u32  }
0x82: {  	s1 =	rddreg [dreg:$0x1];
	p0 =	sne.s32 s2, $0x0  }
0x83: {  	s3 =	rddreg [dreg:$0x2];
	[bflag:$0x3] =	sbarrier.arrive $0xFFFF;
	s2 =	simm.s32 @!p0 $0x1C02  }
0x84: {  	[timem:s3], [sflag:s2] =	dma.local @!p0 [hbm:s0], s1  }
0x85: {  	s0 =	simm.s32 @!p0 $0x2  }
0x86: {  	_ =	swait.ge @!p0 [sflag:s0], s1  }
0x87: {  	s1 =	ssub.s32 @!p0 $0x0, s1;
	[sflag:s0] =	ssyncset.done @!p0 $0x0  }
0x88: {  	[sflag:s0] =	ssyncadd.s32 @!p0 s1  }
0x89: {  	[bflag:$0x3] =	sbarrier.arrive $0xFFFF  }
0x8a: {  	_ =	shalt  }

// kernel: kernel.43.cloned.1.call-start
scs
__scs_entry_jumppad:
0x0: {  	(pc) =	sbr.rel $0x88, $3  }
0x1: {  	(tag) =	ssettag $0x0;
	lr =	simm.s32 $0x1  }
0x2: {  	[smem:$0x3F87] =	sst lr;
	_ =	strace $0xD0000000  }
0x3: {  	_ = 	snop  }
0x4: {  	_ = 	snop  }
0x5: {  	_ = 	snop  }
0x6: {  	_ = 	snop  }
0x7: {  	_ = 	snop  }
__scs_overlays_trampoline_lowered:
0x8: {  	[smem:$0x3F96] =	sst s0  }
0x9: {  	[smem:$0x3F97] =	sst s1  }
0xa: {  	[smem:$0x3F98] =	sst s2  }
0xb: {  	[smem:$0x3F99] =	sst s3  }
0xc: {  	[smem:$0x3F9A] =	sst s4  }
0xd: {  	[smem:$0x3F9B] =	sst s5  }
0xe: {  	[smem:$0x3F9C] =	sst s6  }
0xf: {  	[smem:$0x3F9D] =	sst s7  }
0x10: {  	[smem:$0x3F9E] =	sst s8  }
0x11: {  	[smem:$0x3F9F] =	sst s9;
	s0 =	simm.s32 @!p0 $0x0  }
0x12: {  	s1 =	sld [smem:$0x3F85];
	s0 =	simm.s32 @p0 $0x1  }
0x13: {  	[smem:$0x3FA0] =	sst s0;
	s0 =	simm.s32 @!p1 $0x0  }
0x14: {  	s2 =	sld [smem:$0x3F84];
	s0 =	simm.s32 @p1 $0x1  }
0x15: {  	[smem:$0x3FA1] =	sst s0;
	s0 =	simm.s32 @!p2 $0x0  }
0x16: {  	s3 =	sld [smem:$0x3FDB];
	s0 =	simm.s32 @p2 $0x1  }
0x17: {  	s4 =	simm.s32 $0x1BF5;
	[smem:$0x3FA3] =	sst s0  }
0x18: {  	s0 =	sld [smem:$0x3F86];
	_ =	swait.ge [sflag:s4], $0x0  }
0x19: {  	s7 =	sld [smem:$0x3F87]  }
0x1a: {  	s8 =	sadd.s32 $0xFFFFE003, lr  }
0x1b: {  	s9 =	sadd.s32 $0xFFFFFEF7, lr;
	s5 =	simm.s32 $0xFFFFFFFF;
	p2 =	slt.u32 s8, $0xFFFFF086  }
0x1c: {  	p1 =	slt.u32 s9, $0xF7A;
	s5 =	simm.s32 @!p2 $0x0  }
0x1d: {  	s5 =	simm.s32 @p1 $0x1;
	p0 =	seq.s32 s7, s2  }
0x1e: {  	s7 =	smul.u32 @!p0 $0xF7A, s2;
	p2 =	seq.s32 @!p0 s5, $0x0  }
0x1f: {  	s9 =	smul.u32 $0xF7A, s1;
	s8 =	simm.s32 @!p0 $0x1BF5;
	p2 =	por !p2, p0  }
0x20: {  	[sflag:s8] =	ssyncset.s32 @!p0 $0xFFFFF086;
	s6 =	sadd.s32 @!p0 s3, s7;
	s7 =	simm.s32 @!p0 $0x108  }
0x21: {  	s3 =	sadd.s32 s3, s9;
	s6 =	sadd.s32 @!p0 $0x88, s6;
	s7 =	simm.s32 @p2 $0x1082  }
0x22: {  	[simem:s7], [sflag:s8] =	dma.local @!p0 [hbm:s6], $0xF7A  }
0x23: {  	s9 =	sor.u32 $0xD0000000, s2;
	s6 =	simm.s32 $0x108;
	_ =	swait.ge @!p0 [sflag:s8], $0x0  }
0x24: {  	s3 =	sadd.s32 $0x88, s3;
	s6 =	simm.s32 @!p1 $0x1082;
	[sflag:s4] =	ssyncset.s32 $0xFFFFF086  }
0x25: {  	[simem:s6], [sflag:s4] =	dma.local [hbm:s3], $0xF7A  }
0x26: {  	[smem:$0x3F87] =	sst s1;
	(tag) =	ssettag s2;
	_ =	strace s9  }
0x27: {  	s1 =	sld [smem:$0x3F97]  }
0x28: {  	s2 =	sld [smem:$0x3F98]  }
0x29: {  	s4 =	sld [smem:$0x3F9A]  }
0x2a: {  	p0 =	seq.s32 s5, $0x0;
	s5 =	sld [smem:$0x3F9B]  }
0x2b: {  	s6 =	sld [smem:$0x3F9C]  }
0x2c: {  	s7 =	sld [smem:$0x3F9D]  }
0x2d: {  	s3 =	simm.s32 $0x108;
	s8 =	sld [smem:$0x3F9E]  }
0x2e: {  	s3 =	simm.s32 @!p0 $0x1082;
	s9 =	sld [smem:$0x3F9F]  }
0x2f: {  	lr =	sadd.s32 s0, s3;
	s0 =	sld [smem:$0x3F96]  }
0x30: {  	s3 =	sld [smem:$0x3F99]  }
0x31: {  	[smem:$0x3FA2] =	sst s10  }
0x32: {  	s10 =	sld [smem:$0x3FA0];
	_ =	sdelay $0x3  }
0x33: {  	p0 =	seq.s32 s10, $0x1;
	s10 =	sld [smem:$0x3FA2];
	_ =	sdelay $0x3  }
0x34: {  	[smem:$0x3FA2] =	sst s10  }
0x35: {  	s10 =	sld [smem:$0x3FA1];
	_ =	sdelay $0x3  }
0x36: {  	p1 =	seq.s32 s10, $0x1;
	s10 =	sld [smem:$0x3FA2];
	_ =	sdelay $0x3  }
0x37: {  	[smem:$0x3FA2] =	sst s10  }
0x38: {  	s10 =	sld [smem:$0x3FA3]  }
0x39: {  	_ = 	snop;
	(pc) =	sbr.ind lr, $3  }
0x3a: {  	_ = 	snop  }
0x3b: {  	_ = 	snop  }
0x3c: {  	p2 =	seq.s32 s10, $0x1;
	s10 =	sld [smem:$0x3FA2]  }
0x3d: {  	_ =	shalt  }
0x3e: {  	_ =	shalt  }
0x3f: {  	_ =	shalt  }
0x40: {  	_ =	shalt  }
0x41: {  	_ =	shalt  }
0x42: {  	_ =	shalt  }
0x43: {  	_ =	shalt  }
0x44: {  	_ =	shalt  }
0x45: {  	_ =	shalt  }
0x46: {  	_ =	shalt  }
0x47: {  	_ =	shalt  }
0x48: {  	_ =	shalt  }
0x49: {  	_ =	shalt  }
0x4a: {  	_ =	shalt  }
0x4b: {  	_ =	shalt  }
0x4c: {  	_ =	shalt  }
0x4d: {  	_ =	shalt  }
0x4e: {  	_ =	shalt  }
0x4f: {  	_ =	shalt  }
0x50: {  	_ =	shalt  }
0x51: {  	_ =	shalt  }
0x52: {  	_ =	shalt  }
0x53: {  	_ =	shalt  }
0x54: {  	_ =	shalt  }
0x55: {  	_ =	shalt  }
0x56: {  	_ =	shalt  }
0x57: {  	_ =	shalt  }
0x58: {  	_ =	shalt  }
0x59: {  	_ =	shalt  }
0x5a: {  	_ =	shalt  }
0x5b: {  	_ =	shalt  }
0x5c: {  	_ =	shalt  }
0x5d: {  	_ =	shalt  }
0x5e: {  	_ =	shalt  }
0x5f: {  	_ =	shalt  }
0x60: {  	_ =	shalt  }
0x61: {  	_ =	shalt  }
0x62: {  	_ =	shalt  }
0x63: {  	_ =	shalt  }
0x64: {  	_ =	shalt  }
0x65: {  	_ =	shalt  }
0x66: {  	_ =	shalt  }
0x67: {  	_ =	shalt  }
0x68: {  	_ =	shalt  }
0x69: {  	_ =	shalt  }
0x6a: {  	_ =	shalt  }
0x6b: {  	_ =	shalt  }
0x6c: {  	_ =	shalt  }
0x6d: {  	_ =	shalt  }
0x6e: {  	_ =	shalt  }
0x6f: {  	_ =	shalt  }
0x70: {  	_ =	shalt  }
0x71: {  	_ =	shalt  }
0x72: {  	_ =	shalt  }
0x73: {  	_ =	shalt  }
0x74: {  	_ =	shalt  }
0x75: {  	_ =	shalt  }
0x76: {  	_ =	shalt  }
0x77: {  	_ =	shalt  }
0x78: {  	_ =	shalt  }
0x79: {  	_ =	shalt  }
0x7a: {  	_ =	shalt  }
0x7b: {  	_ =	shalt  }
0x7c: {  	_ =	shalt  }
0x7d: {  	_ =	shalt  }
0x7e: {  	_ =	shalt  }
0x7f: {  	_ =	shalt  }
0x80: {  	_ =	shalt  }
0x81: {  	_ =	shalt  }
0x82: {  	_ =	shalt  }
0x83: {  	_ =	shalt  }
0x84: {  	_ =	shalt  }
0x85: {  	_ =	shalt  }
0x86: {  	_ =	shalt  }
0x87: {  	_ =	shalt  }
.Lfunc_end0:
.L_simem_size_0:
called_computation.7_lowered:
.L_overlay_start_0:
0x88: {  	s2 =	sld [smem:$0x3FD9]  }
0x89: {  	s3 =	sld [smem:$0x3FFE];
	_ =	sdelay $0x1  }
0x8a: {  	s1 =	srdreg.scid  }
0x8b: {  	s0 =	sand.u32 $0x1, s1  }
0x8c: {  	s16 =	sshll.u32 s0, $0xA;
	s2 =	sadd.s32 s3, s2  }
0x8d: {  	s2 =	sadd.s32 s2, s16  }
0x8e: {  	[smem:$0x3FAE] =	sst s2  }
0x8f: {  	_ = 	snop  }
0x90: {  	(tm) =	ssettm $0x1  }
0x91: {  	s17 =	sld [smem:$0x3FFB];
	_ =	sdelay $0x3  }
0x92: {  	_ =	strace s17  }
0x93: {  	s2 =	sld [smem:$0x3FFC];
	_ =	sdelay $0x3  }
0x94: {  	_ =	strace s2  }
0x95: {  	s2 =	sld [smem:$0x3FFD];
	_ =	sdelay $0x3  }
0x96: {  	_ =	strace s2  }
0x97: {  	_ =	strace $0x8FFFFFFF  }
0x98: {  	s18 =	sld [smem:$0x3FDB];
	_ =	sdelay $0x1  }
0x99: {  	s19 =	simm.s32 $_scs_section_size  }
0x9a: {  	s4 =	simm.s32 $_size__tile_overlayer_lowered;
	s5 =	simm.s32 $_tile_overlayer_lowered  }
0x9b: {  	s22 =	simm.s32 $0x1BFF;
	s21 =	sshll.u32 s5, $0x1;
	s2 =	sadd.s32 s19, s18  }
0x9c: {  	s6 =	simm.s32 $0x0;
	s20 =	sshll.u32 s4, $0x1;
	s4 =	sadd.s32 s21, s2  }
0x9d: {  	[timem:s6], [sflag:s22] =	dma.local [hbm:s4], s20  }
0x9e: {  	_ =	swait.ge [sflag:s22], s20  }
0x9f: {  	s3 =	ssub.s32 $0x0, s20;
	[sflag:s22] =	ssyncset.done $0x0  }
0xa0: {  	[sflag:s22] =	ssyncadd.s32 s3;
	_ =	sdelay $0x1  }
0xa1: {  	s23 =	simm.s32 $0x1B8B  }
0xa2: {  	_ =	swait.ge [sflag:s23], $0x1  }
0xa3: {  	[sflag:s23] =	ssyncset.done $0x0  }
0xa4: {  	s25 =	simm.s32 $0x1B8E;
	s24 =	sld [smem:$0x3FFE];
	[sflag:s23] =	ssyncadd.s32 $0xFFFFFFFF  }
0xa5: {  	s26 =	simm.s32 $execute0_lowered;
	[smem:$0x3FD2] =	sst s25  }
0xa6: {  	s4 =	sshll.u32 s26, $0x1;
	_ =	strace $0x8000005B;
	[dreg:$0x1] =	wrdreg $0xFFFFFFFF  }
0xa7: {  	s28 =	simm.s32 $_size_execute0_lowered;
	s2 =	sadd.s32 s2, s4;
	[dreg:$0x0] =	wrdreg $0x0  }
0xa8: {  	s4 =	sshll.u32 s28, $0x1;
	[dreg:$0x2] =	wrdreg s2  }
0xa9: {  	[dreg:$0x3] =	wrdreg s4  }
0xaa: {  	[dreg:$0x4] =	wrdreg $0xC0  }
0xab: {  	_ =	task [dreg:s6], $0x5FFFF  }
0xac: {  	[dreg:$0x1] =	wrdreg $0xFFFFFFFF  }
0xad: {  	[dreg:$0x0] =	wrdreg $0x60  }
0xae: {  	[dreg:$0x2] =	wrdreg s24  }
0xaf: {  	[dreg:$0x3] =	wrdreg $0x8D800  }
0xb0: {  	[dreg:$0x4] =	wrdreg $0x9  }
0xb1: {  	_ =	task.clear_ibuf [dreg:s6], $0x5FFFF;
	_ =	strace $0x9000005B  }
0xb2: {  	s29 =	simm.s32 $0x9;
	_ =	strace $0x8000005D  }
0xb3: {  	_ =	swait.ge [sflag:s29], $0x1  }
0xb4: {  	[sflag:s29] =	ssyncadd.s32 $0xFFFFFFFF  }
0xb5: {  	_ =	strace $0x9000005D  }
0xb6: {  	_ =	sfence  }
0xb7: {  	s30 =	sld [smem:$0x0];
	_ =	sdelay $0x2  }
0xb8: {  	s31 =	sshll.u32 s1, $0xD;
	s1 =	sshrl.u32 s1, $0x2  }
0xb9: {  	s3 =	sand.u32 $0x4000, s31;
	s1 =	sadd.s32 s1, s30  }
0xba: {  	s0 =	sor.u32 s3, s0;
	s1 =	sshll.u32 s1, $0x11  }
0xbb: {  	s0 =	sor.u32 s1, s0  }
0xbc: {  	s0 =	sadd.s32 $0x8F2B, s0  }
0xbd: {  	[sflag:s0] =	ssyncadd.remote.s32 $0x1  }
0xbe: {  	_ =	sfence.sel $0xFFFF  }
0xbf: {  	[dreg:$0x0] =	wrdreg $0xFFFFFFFF;
	(pc) =	sbr.abs _section_cstart, $3  }
0xc0: {  	[dreg:$0x1] =	wrdreg $0xFFFFFFFF  }
0xc1: {  	_ =	task.clear_ibuf [dreg:s6], $0x2FFFF;
	_ =	strace $0x9FFFFFFF  }
0xc2: {  	(tm) =	ssettm $0x7FFFFFFF  }
0xc3: {  	_ =	shalt  }
tec
execute0_lowered:
.L_overlay_start_1:
0x0: {  	(tag) =	ssettag $0x1  }
0x1: {  	s0 =	stileid.u32  }
0x2: {  	s7 =	smul.u32 $0x4E20, s0  }
0x3: {  	s1 =	srdreg.scid;
	s18 =	smul.u32 $0x19000, s0  }
0x4: {  	s6 =	sand.u32 $0x1, s1;
	s24 =	smul.u32 $0x6400, s0  }
0x5: {  	s9 =	sor.u32 $0x10, s0;
	s8 =	smul.u32 $0x2710, s6  }
0x6: {  	s5 =	rddreg [dreg:$0x0];
	s10 =	sor.u32 $0x20, s0;
	s19 =	smul.u32 $0x19000, s9  }
0x7: {  	s2 =	rddreg [dreg:$0x1];
	s13 =	sor.u32 $0x30, s0;
	s12 =	smul.u32 $0x19000, s10  }
0x8: {  	s3 =	simm.s32 $0x0;
	s1 =	rddreg [dreg:$0x2];
	s15 =	smul.u32 $0x19000, s13  }
0x9: {  	[smem:$0x7FF] =	sst s3;
	s22 =	smul.u32 $0x138800, s6  }
0xa: {  	s4 =	sadd.s32 $0x75A00, s5;
	s14 =	sadd.s32 $0x9CC00, s5;
	s26 =	smul.u32 $0x6400, s9  }
0xb: {  	p0 =	sgt.u32 s0, $0x1;
	s11 =	ssub.s32 $0x2, s6;
	s10 =	smul.u32 $0x6400, s10  }
0xc: {  	_ =	strace $0x8000005C;
	s13 =	smul.u32 $0x6400, s13;
	s20 =	sshrl.u32 s11, $0x1  }
0xd: {  	s21 =	sshrl.u32 s18, $0x2;
	s18 =	simm.s32 $0x2;
	s7 =	sadd.s32 s8, s7  }
0xe: {  	s17 =	ssub.s32 s11, s20;
	s23 =	sshrl.u32 s19, $0x2;
	s25 =	sshrl.u32 s12, $0x2  }
0xf: {  	s8 =	sadd.s32 s24, s22;
	s28 =	sshrl.u32 s15, $0x2;
	s12 =	sadd.s32 s22, s26  }
0x10: {  	s30 =	sadd.s32 s22, s10;
	s11 =	sadd.s32 s22, s13;
	s19 =	simm.s32 $0x80  }
0x11: {  	s20 =	simm.s32 $0x100;
	s22 =	simm.s32 $0x180;
	s24 =	simm.s32 $0x0  }
0x12: {  	s7 =	sshrl.u32 s7, $0x3;
	s6 =	sadd.s32 s23, s2;
	s29 =	sshrl.u32 s8, $0x3  }
0x13: {  	s8 =	sadd.s32 s28, s2;
	s12 =	sshrl.u32 s12, $0x3;
	s31 =	sshrl.u32 s30, $0x3  }
0x14: {  	s13 =	sshrl.u32 s11, $0x3;
	s23 =	simm.s32 $0x1;
	s16 =	sadd.s32 s7, s5  }
0x15: {  	s5 =	sadd.s32 s21, s2;
	s7 =	sadd.s32 s25, s2;
	s9 =	sadd.s32 s14, s29  }
0x16: {  	s10 =	sadd.s32 s14, s12;
	s11 =	sadd.s32 s14, s31;
	s12 =	sadd.s32 s14, s13  }
0x17: {  	s13 =	smax.u32 s17, $0x1;
	s17 =	simm.s32 $0x2980;
	s21 =	simm.s32 $0x50  }
0x18: {  	s14 =	sadd.s32 $0x1D800, s16;
	s15 =	sadd.s32 $0x9600, s16;
	s16 =	sadd.s32 $0x13400, s16  }
.LBB2_1:
0x19: {  	[spmem:s5] =	stream.linear.scatter [tilespmem:s17], [sflag:$0x2], $0x6400, $0x38;
	[tilespmem:$0x1C600] =	vst v63  }
0x1a: {  	_ =	swait.ge [sflag:s18], $0x6400  }
0x1b: {  	[sflag:s18] =	ssyncset.done $0x0  }
0x1c: {  	[sflag:s18] =	ssyncadd.s32 $0xFFFF9C00  }
0x1d: {  	[spmem:s6] =	stream.linear.scatter [tilespmem:s17], [sflag:$0x2], $0x6400, $0x38;
	[tilespmem:$0x1C600] =	vst v63  }
0x1e: {  	_ =	swait.ge [sflag:s18], $0x6400  }
0x1f: {  	[sflag:s18] =	ssyncset.done $0x0  }
0x20: {  	[sflag:s18] =	ssyncadd.s32 $0xFFFF9C00  }
0x21: {  	[spmem:s7] =	stream.linear.scatter [tilespmem:s17], [sflag:$0x2], $0x6400, $0x38;
	[tilespmem:$0x1C600] =	vst v63  }
0x22: {  	_ =	swait.ge [sflag:s18], $0x6400  }
0x23: {  	[sflag:s18] =	ssyncset.done $0x0  }
0x24: {  	s25 =	simm.s32 @!p0 $0x2980;
	[sflag:s18] =	ssyncadd.s32 $0xFFFF9C00  }
0x25: {  	[spmem:s8] =	stream.linear.scatter @!p0 [tilespmem:s25], [sflag:$0x2], $0x6400, $0x38;
	[tilespmem:$0x1C600] =	vst v63  }
0x26: {  	s25 =	simm.s32 @!p0 $0x2  }
0x27: {  	_ =	swait.ge @!p0 [sflag:s25], $0x6400  }
0x28: {  	[sflag:s25] =	ssyncset.done @!p0 $0x0  }
0x29: {  	[sflag:s25] =	ssyncadd.s32 @!p0 $0xFFFF9C00  }
0x2a: {  	s29 =	sadd.s32 $0x0, s16;
	[bflag:$0x0] =	sbarrier.arrive $0xFFFF  }
0x2b: {  	[tilespmem:s3], [sflag:$0x2] =	stream.linear.gather [hbm4b:s29+s3], $0x50, $0x38;
	[tilespmem:$0x1C600] =	vst v63  }
0x2c: {  	_ =	swait.ge [sflag:s18], $0x50  }
0x2d: {  	[sflag:s18] =	ssyncset.done $0x0  }
0x2e: {  	s30 =	sadd.s32 $0x0, s15;
	[sflag:s18] =	ssyncadd.s32 $0xFFFFFFB0  }
0x2f: {  	[tilespmem:s19], [sflag:$0x2] =	stream.linear.gather [hbm4b:s30+s3], $0x50, $0x38;
	[tilespmem:$0x1C600] =	vst v63  }
0x30: {  	_ =	swait.ge [sflag:s18], $0x50  }
0x31: {  	[sflag:s18] =	ssyncset.done $0x0  }
0x32: {  	s31 =	sadd.s32 $0x0, s14;
	[sflag:s18] =	ssyncadd.s32 $0xFFFFFFB0  }
0x33: {  	[tilespmem:s20], [sflag:$0x2] =	stream.linear.gather [hbm4b:s31+s3], $0x50, $0x38;
	[tilespmem:$0x1C600] =	vst v63  }
0x34: {  	_ =	swait.ge [sflag:s18], $0x50  }
0x35: {  	[sflag:s18] =	ssyncset.done $0x0  }
0x36: {  	[sflag:s18] =	ssyncadd.s32 $0xFFFFFFB0  }
0x37: {  	[tilespmem:s22], [sflag:$0x1] =	stream.indirect.gather [hbm4b:s4+s21], $0x80, s3, s21, $0xb8;
	[tilespmem:$0x1C600] =	vst v63  }
0x38: {  	_ =	swait.ge [sflag:s23], $0x2800  }
0x39: {  	[sflag:s23] =	ssyncset.done $0x0  }
0x3a: {  	[sflag:s23] =	ssyncadd.s32 $0xFFFFD800  }
0x3b: {  	[spmem:s2] =	stream.indirect.scatter.add.f32 [tilespmem:s22], [sflag:$0x2], $0x80, s19, s21, $0xb8;
	[tilespmem:$0x1C600] =	vst v63  }
0x3c: {  	_ =	swait.ge [sflag:s18], $0x2800  }
0x3d: {  	s26 =	simm.s32 $0x14;
	s25 =	simm.s32 $0xA;
	[sflag:s18] =	ssyncset.done $0x0  }
.LBB2_2:
0x3e: {  	s28 =	sadd.s32 s25, s16  }
0x3f: {  	[sflag:s18] =	ssyncadd.s32 $0xFFFFD800;
	s29 =	smov.u32 s26;
	s30 =	sadd.s32 $0xA, s26  }
0x40: {  	[tilespmem:s3], [sflag:$0x2] =	stream.linear.gather [hbm4b:s28+s3], $0x50, $0x38;
	[tilespmem:$0x1C600] =	vst v63  }
0x41: {  	p1 =	sne.s32 s26, $0x4D8;
	_ =	swait.ge [sflag:s18], $0x50  }
0x42: {  	[sflag:s18] =	ssyncset.done $0x0  }
0x43: {  	s26 =	sadd.s32 s25, s15;
	[sflag:s18] =	ssyncadd.s32 $0xFFFFFFB0  }
0x44: {  	[tilespmem:s19], [sflag:$0x2] =	stream.linear.gather [hbm4b:s26+s3], $0x50, $0x38;
	[tilespmem:$0x1C600] =	vst v63  }
0x45: {  	_ =	swait.ge [sflag:s18], $0x50  }
0x46: {  	[sflag:s18] =	ssyncset.done $0x0  }
0x47: {  	s26 =	sadd.s32 s25, s14;
	s25 =	smov.u32 s29;
	[sflag:s18] =	ssyncadd.s32 $0xFFFFFFB0  }
0x48: {  	[tilespmem:s20], [sflag:$0x2] =	stream.linear.gather [hbm4b:s26+s3], $0x50, $0x38;
	[tilespmem:$0x1C600] =	vst v63  }
0x49: {  	_ =	swait.ge [sflag:s18], $0x50  }
0x4a: {  	[sflag:s18] =	ssyncset.done $0x0  }
0x4b: {  	[sflag:s18] =	ssyncadd.s32 $0xFFFFFFB0  }
0x4c: {  	[tilespmem:s22], [sflag:$0x1] =	stream.indirect.gather [hbm4b:s4+s21], $0x80, s3, s21, $0xb8;
	[tilespmem:$0x1C600] =	vst v63  }
0x4d: {  	_ =	swait.ge [sflag:s23], $0x2800  }
.Ltmp0:
0x4e: {  	[sflag:s23] =	ssyncset.done $0x0;
	(pc) =	sbr.rel @p1 .LBB2_2-.Ltmp0, $4  }
0x4f: {  	[sflag:s23] =	ssyncadd.s32 $0xFFFFD800  }
0x50: {  	[spmem:s2] =	stream.indirect.scatter.add.f32 [tilespmem:s22], [sflag:$0x2], $0x80, s19, s21, $0xb8;
	[tilespmem:$0x1C600] =	vst v63  }
0x51: {  	_ =	swait.ge [sflag:s18], $0x2800  }
0x52: {  	s26 =	smov.u32 s30;
	[sflag:s18] =	ssyncset.done $0x0  }
0x53: {  	s26 =	sadd.s32 s25, s16;
	[sflag:s18] =	ssyncadd.s32 $0xFFFFD800  }
0x54: {  	[tilespmem:s3], [sflag:$0x2] =	stream.linear.gather [hbm4b:s26+s3], $0x50, $0x38;
	[tilespmem:$0x1C600] =	vst v63  }
0x55: {  	_ =	swait.ge [sflag:s18], $0x50  }
0x56: {  	[sflag:s18] =	ssyncset.done $0x0  }
0x57: {  	s31 =	sadd.s32 s25, s15;
	[sflag:s18] =	ssyncadd.s32 $0xFFFFFFB0  }
0x58: {  	[tilespmem:s19], [sflag:$0x2] =	stream.linear.gather [hbm4b:s31+s3], $0x50, $0x38;
	[tilespmem:$0x1C600] =	vst v63  }
0x59: {  	_ =	swait.ge [sflag:s18], $0x50  }
0x5a: {  	[sflag:s18] =	ssyncset.done $0x0  }
0x5b: {  	s26 =	sadd.s32 s25, s14;
	[sflag:s18] =	ssyncadd.s32 $0xFFFFFFB0  }
0x5c: {  	[tilespmem:s20], [sflag:$0x2] =	stream.linear.gather [hbm4b:s26+s3], $0x50, $0x38;
	[tilespmem:$0x1C600] =	vst v63  }
0x5d: {  	_ =	swait.ge [sflag:s18], $0x50  }
0x5e: {  	[sflag:s18] =	ssyncset.done $0x0  }
0x5f: {  	[sflag:s18] =	ssyncadd.s32 $0xFFFFFFB0  }
0x60: {  	[tilespmem:s22], [sflag:$0x1] =	stream.indirect.gather [hbm4b:s4+s21], $0x80, s3, s21, $0xb8;
	[tilespmem:$0x1C600] =	vst v63  }
0x61: {  	_ =	swait.ge [sflag:s23], $0x2800  }
0x62: {  	[sflag:s23] =	ssyncset.done $0x0  }
0x63: {  	[sflag:s23] =	ssyncadd.s32 $0xFFFFD800  }
0x64: {  	[spmem:s2] =	stream.indirect.scatter.add.f32 [tilespmem:s22], [sflag:$0x2], $0x80, s19, s21, $0xb8;
	[tilespmem:$0x1C600] =	vst v63  }
0x65: {  	_ =	swait.ge [sflag:s18], $0x2800  }
0x66: {  	[sflag:s18] =	ssyncset.done $0x0  }
0x67: {  	s28 =	sshll.u32 s0, $0x6;
	[sflag:s18] =	ssyncadd.s32 $0xFFFFD800  }
0x68: {  	s29 =	sshrl.u32 s5, $0x3;
	s25 =	sor.u32 $0x1C02, s28;
	[bflag:$0x0] =	sbarrier.arrive $0xFFFF  }
0x69: {  	[hbm:s9], [sflag:s25] =	dma.local [spmem:s29], $0xC80  }
0x6a: {  	_ =	swait.ge [sflag:s18], $0xC80  }
0x6b: {  	[sflag:s18] =	ssyncset.done $0x0  }
0x6c: {  	s30 =	sshrl.u32 s6, $0x3;
	[sflag:s18] =	ssyncadd.s32 $0xFFFFF380  }
0x6d: {  	[hbm:s10], [sflag:s25] =	dma.local [spmem:s30], $0xC80  }
0x6e: {  	_ =	swait.ge [sflag:s18], $0xC80  }
0x6f: {  	[sflag:s18] =	ssyncset.done $0x0  }
0x70: {  	s31 =	sshrl.u32 s7, $0x3;
	[sflag:s18] =	ssyncadd.s32 $0xFFFFF380  }
0x71: {  	[hbm:s11], [sflag:s25] =	dma.local [spmem:s31], $0xC80  }
0x72: {  	_ =	swait.ge [sflag:s18], $0xC80  }
0x73: {  	s24 =	sadd.s32 $0x1, s24;
	[sflag:s18] =	ssyncset.done $0x0  }
0x74: {  	p1 =	sne.s32 s24, s13;
	s26 =	sshrl.u32 @!p0 s8, $0x3;
	[sflag:s18] =	ssyncadd.s32 $0xFFFFF380  }
0x75: {  	[hbm:s12], [sflag:s25] =	dma.local @!p0 [spmem:s26], $0xC80  }
.Ltmp1:
0x76: {  	_ = 	snop;
	(pc) =	sbr.rel @p1 .LBB2_1-.Ltmp1, $4  }
0x77: {  	s25 =	simm.s32 @!p0 $0x2  }
0x78: {  	_ =	swait.ge @!p0 [sflag:s25], $0xC80  }
0x79: {  	[sflag:s25] =	ssyncset.done @!p0 $0x0  }
0x7a: {  	[sflag:s25] =	ssyncadd.s32 @!p0 $0xFFFFF380  }
0x7b: {  	_ =	sfence.sel $0x180000  }
0x7c: {  	[bflag:$0x0] =	sbarrier.arrive $0xFFFF  }
0x7d: {  	p0 =	sne.s32 s0, $0x0;
	_ =	strace $0x9000005C  }
0x7e: {  	s0 =	sadd.s32 @!p0 $0x100000, s1;
	[bflag:$0x2] =	sbarrier.arrive $0xFFFF  }
0x7f: {  	[sflag:s0] =	ssyncadd.tile.s32 @!p0 $0x1;
	_ =	shalt  }
.Lfunc_end2:
_tile_overlayer_lowered:
.L_overlay_start_2:
0x80: {  	(tag) =	ssettag $0x2  }
0x81: {  	s0 =	rddreg [dreg:$0x0];
	s2 =	stileid.u32  }
0x82: {  	s1 =	rddreg [dreg:$0x1];
	p0 =	sne.s32 s2, $0x0  }
0x83: {  	s3 =	rddreg [dreg:$0x2];
	[bflag:$0x3] =	sbarrier.arrive $0xFFFF;
	s2 =	simm.s32 @!p0 $0x1C02  }
0x84: {  	[timem:s3], [sflag:s2] =	dma.local @!p0 [hbm:s0], s1  }
0x85: {  	s0 =	simm.s32 @!p0 $0x2  }
0x86: {  	_ =	swait.ge @!p0 [sflag:s0], s1  }
0x87: {  	s1 =	ssub.s32 @!p0 $0x0, s1;
	[sflag:s0] =	ssyncset.done @!p0 $0x0  }
0x88: {  	[sflag:s0] =	ssyncadd.s32 @!p0 s1  }
0x89: {  	[bflag:$0x3] =	sbarrier.arrive $0xFFFF  }
0x8a: {  	_ =	shalt  }

</sc_bundles>
